<compile_context>
chip_gen: v7x
topology: tpu7x:2x2x1
jax: 0.10.2.dev20260603
libtpu: 0.0.44.dev20260713+nightly
codegen_flags: <defaults>
</compile_context>

<pallas_src>
import functools

import jax
import jax.numpy as jnp
from jax import lax
from jax.experimental import pallas as pl
from jax.experimental.pallas import tpu as pltpu
from jax.experimental.pallas import tpu_sc as plsc

NC = 2
NS = 16
NW = NC * NS
CHUNK = 128
NB = 3
DW = 16
NUM_GRAPHS = 64


def _fill_rows(ref, idx, width, value):
    vec = jnp.full((16,), value, jnp.float32)
    for j in range(width // 16):
        ref[idx, pl.ds(j * 16, 16)] = vec


def _sc_degree(n_pad, nch, g0, g1):
    rpt = n_pad // NS
    full, rem = rpt // CHUNK, rpt % CHUNK
    mesh = plsc.VectorSubcoreMesh(core_axis_name="c", subcore_axis_name="s")

    def body(dst3d, deg_out, didx, ones_v, zero_v, degsp, ssem):
        c = lax.axis_index("c")
        s = lax.axis_index("s")
        wid = c * NS + s

        def fill(i, _):
            _fill_rows(ones_v, i, DW, 1.0)
            _fill_rows(zero_v, i, DW, 0.0)
            return 0

        lax.fori_loop(0, CHUNK, fill, 0)
        pltpu.sync_copy(dst3d.at[wid], didx)
        base = s * rpt
        for k in range(full):
            pltpu.sync_copy(zero_v, degsp.at[pl.ds(base + k * CHUNK, CHUNK)])
        if rem:
            pltpu.sync_copy(zero_v.at[pl.ds(0, rem)],
                            degsp.at[pl.ds(base + full * CHUNK, rem)])
        plsc.subcore_barrier()

        def group(g, _):
            descs = []
            for b in range(NB):
                descs.append(pltpu.async_copy(
                    ones_v, degsp.at[didx.at[g * NB + b]], ssem, add=True))
            for d in descs:
                d.wait()
            return 0

        lax.fori_loop(0, jnp.where(c == 0, g0, g1), group, 0)
        plsc.subcore_barrier()
        pltpu.sync_copy(degsp.at[pl.ds(base, rpt)],
                        deg_out.at[c, pl.ds(base, rpt)])

    return pl.kernel(
        body,
        out_type=jax.ShapeDtypeStruct((NC, n_pad, DW), jnp.float32),
        mesh=mesh,
        scratch_types=[
            pltpu.VMEM((nch, CHUNK), jnp.int32),
            pltpu.VMEM((CHUNK, DW), jnp.float32),
            pltpu.VMEM((CHUNK, DW), jnp.float32),
            pltpu.VMEM_SHARED((n_pad, DW), jnp.float32),
            pltpu.SemaphoreType.DMA,
        ],
        compiler_params=pltpu.CompilerParams(use_tc_tiling_on_sc=False),
        name="sc_degree",
    )


def _sc_aggregate(n, n_pad, nch, feat, g0, g1, chunk=CHUNK, nb=NB):
    rpt = n_pad // NS
    full, rem = rpt // chunk, rpt % chunk
    mesh = plsc.VectorSubcoreMesh(core_axis_name="c", subcore_axis_name="s")

    def body(g_hbm, src3d, dst3d, acc_out, sidx, didx, rows, accsp,
             gsem, ssem):
        c = lax.axis_index("c")
        s = lax.axis_index("s")
        wid = c * NS + s
        sld = pltpu.async_copy(src3d.at[wid], sidx, gsem)
        dld = pltpu.async_copy(dst3d.at[wid], didx, ssem)

        def fill(i, _):
            _fill_rows(rows.at[0], i, feat, 0.0)
            return 0

        lax.fori_loop(0, chunk, fill, 0)
        base = s * rpt
        for k in range(full):
            pltpu.sync_copy(rows.at[0], accsp.at[pl.ds(base + k * chunk, chunk)])
        if rem:
            pltpu.sync_copy(rows.at[0, pl.ds(0, rem)],
                            accsp.at[pl.ds(base + full * chunk, rem)])
        sld.wait()
        dld.wait()
        plsc.subcore_barrier()

        def group(g, _):
            gd = []
            for b in range(nb):
                gd.append(pltpu.async_copy(
                    g_hbm.at[sidx.at[g * nb + b]], rows.at[b], gsem))
            sd = []
            for b in range(nb):
                gd[b].wait()
                sd.append(pltpu.async_copy(
                    rows.at[b], accsp.at[didx.at[g * nb + b]], ssem,
                    add=True))
            for d in sd:
                d.wait()
            return 0

        lax.fori_loop(0, jnp.where(c == 0, g0, g1), group, 0)
        plsc.subcore_barrier()
        pltpu.sync_copy(accsp.at[pl.ds(base, rpt)],
                        acc_out.at[c, pl.ds(base, rpt)])

    return pl.kernel(
        body,
        out_type=jax.ShapeDtypeStruct((NC, n_pad, feat), jnp.float32),
        mesh=mesh,
        scratch_types=[
            pltpu.VMEM((nch, chunk), jnp.int32),
            pltpu.VMEM((nch, chunk), jnp.int32),
            pltpu.VMEM((nb, chunk, feat), jnp.float32),
            pltpu.VMEM_SHARED((n_pad, feat), jnp.float32),
            pltpu.SemaphoreType.DMA,
            pltpu.SemaphoreType.DMA,
        ],
        compiler_params=pltpu.CompilerParams(use_tc_tiling_on_sc=False),
        name=f"sc_aggregate_{feat}",
    )


def _tc_pre(n, n_pad, f_in, f_out):

    def body(deg_ref, x_ref, w_ref, g_ref, dis_ref):
        deg = deg_ref[0, :n, 0:1] + deg_ref[1, :n, 0:1]
        dis = lax.rsqrt(jnp.maximum(deg, 1.0))
        dis_ref[...] = dis
        g_ref[...] = jnp.dot(dis * x_ref[...], w_ref[...],
                             precision=lax.Precision.HIGHEST)

    return pl.pallas_call(
        body,
        out_shape=(jax.ShapeDtypeStruct((n, f_out), jnp.float32),
                   jax.ShapeDtypeStruct((n, 1), jnp.float32)),
    )


def _tc_mid(n, n_pad, f_in, f_out):

    def body(acc_ref, dis_ref, b_ref, w_ref, out_ref):
        a = acc_ref[0, :n, :] + acc_ref[1, :n, :]
        dis = dis_ref[...]
        y = jnp.maximum(dis * a + b_ref[...], 0.0)
        out_ref[...] = jnp.dot(dis * y, w_ref[...],
                               precision=lax.Precision.HIGHEST)

    return pl.pallas_call(
        body,
        out_shape=jax.ShapeDtypeStruct((n, f_out), jnp.float32),
    )


def _tc_mid2(n, n_pad, f_half, f_out):

    def body(acc_a, acc_b, dis_ref, b_ref, w_ref, out_ref):
        a = jnp.concatenate(
            [acc_a[0, :n, :] + acc_a[1, :n, :],
             acc_b[0, :n, :] + acc_b[1, :n, :]], axis=1)
        dis = dis_ref[...]
        y = jnp.maximum(dis * a + b_ref[...], 0.0)
        out_ref[...] = jnp.dot(dis * y, w_ref[...],
                               precision=lax.Precision.HIGHEST)

    return pl.pallas_call(
        body,
        out_shape=jax.ShapeDtypeStruct((n, f_out), jnp.float32),
    )


def _tc_final(n, n_pad, feat, ncls):

    def body(acc_ref, dis_ref, b_ref, batch_ref, wfc_ref, bfc_ref, out_ref):
        a = acc_ref[0, :n, :] + acc_ref[1, :n, :]
        y = jnp.maximum(dis_ref[...] * a + b_ref[...], 0.0)
        gids = batch_ref[...]
        onehot = (gids == lax.broadcasted_iota(
            jnp.int32, (n, NUM_GRAPHS), 1)).astype(jnp.float32)
        sums = lax.dot_general(onehot, y, (((0,), (0,)), ((), ())),
                               precision=lax.Precision.HIGHEST)
        counts = lax.dot_general(onehot, jnp.ones((n, 1), jnp.float32),
                                 (((0,), (0,)), ((), ())),
                                 precision=lax.Precision.HIGHEST)
        pooled = sums / jnp.maximum(counts, 1.0)
        logits = jnp.dot(pooled, wfc_ref[...],
                         precision=lax.Precision.HIGHEST) + bfc_ref[...]
        m = jnp.max(logits, axis=1, keepdims=True)
        lse = jnp.log(jnp.sum(jnp.exp(logits - m), axis=1, keepdims=True)) + m
        out_ref[...] = logits - lse

    return pl.pallas_call(
        body,
        out_shape=jax.ShapeDtypeStruct((NUM_GRAPHS, ncls), jnp.float32),
    )


def kernel(x, edge_index, batch, W1, b1, W2, b2, W3, b3, Wfc, bfc):
    n, f_in = x.shape
    e = edge_index.shape[1]

    loop = jnp.arange(n, dtype=jnp.int32)
    src = jnp.concatenate([edge_index[0], loop])
    dst = jnp.concatenate([edge_index[1], loop])
    etot = e + n
    nb64 = 3
    G0, G1 = 33, 21
    nch = max(G0, G1) * nb64
    e0 = G0 * nb64 * CHUNK
    e1 = G1 * nb64 * CHUNK
    pad = NS * (e0 + e1) - etot
    n_pad = -(-(n + 1) // (NS * 8)) * (NS * 8)
    pad_dst = n + jnp.arange(pad, dtype=jnp.int32) % (n_pad - n)
    src_p = jnp.concatenate([src, jnp.zeros((pad,), jnp.int32)])
    dst_p = jnp.concatenate([dst, pad_dst])

    def split3d(a, fill):
        a0 = a[:NS * e0].reshape(NS, G0 * nb64, CHUNK)
        a1 = a[NS * e0:].reshape(NS, G1 * nb64, CHUNK)
        f0 = jnp.full((NS, nch - G0 * nb64, CHUNK), fill, jnp.int32)
        f1 = jnp.full((NS, nch - G1 * nb64, CHUNK), fill, jnp.int32)
        return jnp.concatenate([jnp.concatenate([a0, f0], axis=1),
                                jnp.concatenate([a1, f1], axis=1)], axis=0)

    src3d = split3d(src_p, 0)
    dst3d = split3d(dst_p, n)
    nch64 = 2 * nch
    src3d_64 = src3d.reshape(NW, nch64, 64)
    dst3d_64 = dst3d.reshape(NW, nch64, 64)

    deg2 = _sc_degree(n_pad, nch, G0, G1)(dst3d)
    g1, dis = _tc_pre(n, n_pad, f_in, W1.shape[1])(deg2, x, W1)
    a1 = _sc_aggregate(n, n_pad, nch, W1.shape[1], G0, G1, nb=nb64)(
        g1, src3d, dst3d)
    g2 = _tc_mid(n, n_pad, W1.shape[1], W2.shape[1])(a1, dis, b1, W2)
    a2 = _sc_aggregate(n, n_pad, nch64, W2.shape[1], 2 * G0, 2 * G1,
                       chunk=64)(g2, src3d_64, dst3d_64)
    g3 = _tc_mid(n, n_pad, W2.shape[1], W3.shape[1])(a2, dis, b2, W3)
    a3 = _sc_aggregate(n, n_pad, nch, W3.shape[1], G0, G1, nb=nb64)(
        g3, src3d, dst3d)
    out = _tc_final(n, n_pad, W3.shape[1], Wfc.shape[1])(
        a3, dis, b3, batch.reshape(n, 1).astype(jnp.int32), Wfc, bfc)
    return out

# --- scband reference (transcript-rebuilt; emitter-appended) ---
"""Pipeline reference for scband-gnnclassifier-89575837926021 (READ-ONLY COPY).

The authoritative reference and input builder live on the scoring server;
editing this copy changes nothing except your own understanding.
"""

import jax, jax.numpy as jnp
import numpy as np

N = 10000
E = 320000
F_IN = 128
NUM_CLASSES = 10
NUM_GRAPHS = 64


def gcn_conv(x, src, dst, W, b):
    n = x.shape[0]
    deg = jnp.zeros((n,), x.dtype).at[dst].add(1.0)
    dis = jax.lax.rsqrt(jnp.maximum(deg, 1.0))
    norm = dis[src] * dis[dst]
    h = x @ W
    msg = h[src] * norm[:, None]
    out = jnp.zeros((n, W.shape[1]), x.dtype).at[dst].add(msg)
    return out + b


def setup_inputs(seed: int = 0) -> dict:
    key = jax.random.key(seed)
    ks = jax.random.split(key, 12)
    x = jax.random.normal(ks[0], (N, F_IN), dtype=jnp.float32)
    edge_index = jax.random.randint(ks[1], (2, E), 0, N, dtype=jnp.int32)
    batch = jnp.sort(jax.random.randint(ks[2], (N,), 0, NUM_GRAPHS, dtype=jnp.int32))
    W1 = jax.random.normal(ks[3], (F_IN, 64), dtype=jnp.float32) * 0.08
    b1 = jnp.zeros((64,), dtype=jnp.float32)
    W2 = jax.random.normal(ks[4], (64, 128), dtype=jnp.float32) * 0.1
    b2 = jnp.zeros((128,), dtype=jnp.float32)
    W3 = jax.random.normal(ks[5], (128, 64), dtype=jnp.float32) * 0.08
    b3 = jnp.zeros((64,), dtype=jnp.float32)
    Wfc = jax.random.normal(ks[6], (64, NUM_CLASSES), dtype=jnp.float32) * 0.1
    bfc = jnp.zeros((NUM_CLASSES,), dtype=jnp.float32)
    return {"x": x, "edge_index": edge_index, "batch": batch, "W1": W1, "b1": b1, "W2": W2, "b2": b2, "W3": W3, "b3": b3, "Wfc": Wfc, "bfc": bfc}


def reference(x, edge_index, batch, W1, b1, W2, b2, W3, b3, Wfc, bfc):
    n = x.shape[0]
    loop = jnp.arange(n, dtype=edge_index.dtype)
    src = jnp.concatenate([edge_index[0], loop])
    dst = jnp.concatenate([edge_index[1], loop])
    h = jax.nn.relu(gcn_conv(x, src, dst, W1, b1))
    h = jax.nn.relu(gcn_conv(h, src, dst, W2, b2))
    h = jax.nn.relu(gcn_conv(h, src, dst, W3, b3))
    sums = jax.ops.segment_sum(h, batch, num_segments=NUM_GRAPHS)
    counts = jax.ops.segment_sum(jnp.ones((n, 1), h.dtype), batch, num_segments=NUM_GRAPHS)
    pooled = sums / jnp.maximum(counts, 1.0)
    # dropout is identity in eval mode
    logits = pooled @ Wfc + bfc
    return jax.nn.log_softmax(logits, axis=1)

if __name__ == "__main__":
    import jax
    _d = setup_inputs()
    print(jax.jit(kernel)(*tuple(_d.values())))

</pallas_src>

<mosaic_0001>
#map = affine_map<(d0, d1) -> (0, 0)>
#map1 = affine_map<(d0, d1) -> (0, 0, 0)>
module attributes {stable_mosaic.version = 14 : i64} {
  func.func @sc_aggregate_64(%arg0: i32, %arg1: i32, %arg2: memref<10000x64xf32, #tpu.memory_space<hbm>>, %arg3: memref<32x99x128xi32, #tpu.memory_space<hbm>>, %arg4: memref<32x99x128xi32, #tpu.memory_space<hbm>>, %arg5: memref<2x10112x64xf32, #tpu.memory_space<hbm>>, %arg6: memref<99x128xi32, #tpu.memory_space<vmem>>, %arg7: memref<99x128xi32, #tpu.memory_space<vmem>>, %arg8: memref<3x128x64xf32, #tpu.memory_space<vmem>>, %arg9: memref<10112x64xf32, #tpu.memory_space<vmem_shared>>, %arg10: memref<!tpu.dma_semaphore, #tpu.memory_space<semaphore_mem>>, %arg11: memref<!tpu.dma_semaphore, #tpu.memory_space<semaphore_mem>>) attributes {dimension_semantics = [#tpu.dimension_semantics<core_parallel>, #tpu.dimension_semantics<subcore_parallel>], iteration_bounds = array<i64: 2, 16>, scalar_prefetch = 0 : i64, scratch_operands = 6 : i64, tpu.core_type = #tpu.core_type<sc_vector_subcore>, window_params = [{transform_indices = #map}, {transform_indices = #map1}, {transform_indices = #map1}, {transform_indices = #map1}]} {
    %mul3A = arith.constant 16 : i32
    %mul3A_0 = arith.muli %arg0, %mul3A : i32
    %add3A = arith.addi %mul3A_0, %arg1 : i32
    %dma_start3A = arith.constant 0 : i32
    %dma_start3A_1 = arith.constant 0 : i32
    %dma_start3A_2 = tpu.memref_slice %arg3[%add3A, %dma_start3A, %dma_start3A_1] : memref<32x99x128xi32, #tpu.memory_space<hbm>> -> memref<1x99x128xi32, #tpu.memory_space<hbm>>
    %dma_start3A_3 = tpu.memref_squeeze %dma_start3A_2 : memref<1x99x128xi32, #tpu.memory_space<hbm>> -> memref<99x128xi32, #tpu.memory_space<hbm>>
    %dma_start3A_4 = arith.constant 0 : i32
    %dma_start3A_5 = arith.constant 0 : i32
    %dma_start3A_6 = tpu.memref_slice %arg3[%add3A, %dma_start3A_4, %dma_start3A_5] : memref<32x99x128xi32, #tpu.memory_space<hbm>> -> memref<1x99x128xi32, #tpu.memory_space<hbm>>
    %dma_start3A_7 = tpu.memref_squeeze %dma_start3A_6 : memref<1x99x128xi32, #tpu.memory_space<hbm>> -> memref<99x128xi32, #tpu.memory_space<hbm>>
    tpu.enqueue_dma source(%dma_start3A_7 : memref<99x128xi32, #tpu.memory_space<hbm>>) target(%arg6 : memref<99x128xi32, #tpu.memory_space<vmem>>) target_semaphore(%arg10 : memref<!tpu.dma_semaphore, #tpu.memory_space<semaphore_mem>>)
    %dma_start3A_8 = arith.constant 0 : i32
    %dma_start3A_9 = arith.constant 0 : i32
    %dma_start3A_10 = tpu.memref_slice %arg4[%add3A, %dma_start3A_8, %dma_start3A_9] : memref<32x99x128xi32, #tpu.memory_space<hbm>> -> memref<1x99x128xi32, #tpu.memory_space<hbm>>
    %dma_start3A_11 = tpu.memref_squeeze %dma_start3A_10 : memref<1x99x128xi32, #tpu.memory_space<hbm>> -> memref<99x128xi32, #tpu.memory_space<hbm>>
    %dma_start3A_12 = arith.constant 0 : i32
    %dma_start3A_13 = arith.constant 0 : i32
    %dma_start3A_14 = tpu.memref_slice %arg4[%add3A, %dma_start3A_12, %dma_start3A_13] : memref<32x99x128xi32, #tpu.memory_space<hbm>> -> memref<1x99x128xi32, #tpu.memory_space<hbm>>
    %dma_start3A_15 = tpu.memref_squeeze %dma_start3A_14 : memref<1x99x128xi32, #tpu.memory_space<hbm>> -> memref<99x128xi32, #tpu.memory_space<hbm>>
    tpu.enqueue_dma source(%dma_start3A_15 : memref<99x128xi32, #tpu.memory_space<hbm>>) target(%arg7 : memref<99x128xi32, #tpu.memory_space<vmem>>) target_semaphore(%arg11 : memref<!tpu.dma_semaphore, #tpu.memory_space<semaphore_mem>>)
    %scan3A = arith.constant 0 : i32
    %scan3A_16 = arith.constant 0 : i32
    %scan3A_17 = arith.constant 128 : i32
    %scan3A_18 = arith.addi %scan3A_16, %scan3A_17 : i32
    %scan3A_19 = arith.constant 1 : i32
    %scan3A_20 = scf.for %scan3A_67 = %scan3A_16 to %scan3A_18 step %scan3A_19 iter_args(%scan3A_68 = %scan3A) -> (i32)  : i32 {
      %broadcast_in_dim3A = arith.constant 0.000000e+00 : f32
      %broadcast_in_dim3A_69 = vector.broadcast %broadcast_in_dim3A : f32 to vector<16xf32>
      %swap3A = arith.constant 0 : i32
      %swap3A_70 = arith.constant 0 : i32
      %swap3A_71 = arith.constant 0 : i32
      %swap3A_72 = tpu.memref_slice %arg8[%swap3A, %swap3A_70, %swap3A_71] : memref<3x128x64xf32, #tpu.memory_space<vmem>> -> memref<1x128x64xf32, #tpu.memory_space<vmem>>
      %swap3A_73 = tpu.memref_squeeze %swap3A_72 : memref<1x128x64xf32, #tpu.memory_space<vmem>> -> memref<128x64xf32, #tpu.memory_space<vmem>>
      %swap3A_74 = arith.index_cast %scan3A_67 : i32 to index
      %swap3A_75 = arith.constant 0 : index
      %swap3A_76 = tpu.vector_load %swap3A_73[%swap3A_74, %swap3A_75] {strides = array<i32>} : memref<128x64xf32, #tpu.memory_space<vmem>>, vector<1x16xf32>,
      %swap3A_77 = vector.shape_cast %swap3A_76 : vector<1x16xf32> to vector<16xf32>
      %swap3A_78 = vector.shape_cast %broadcast_in_dim3A_69 : vector<16xf32> to vector<1x16xf32>
      tpu.vector_store %swap3A_73[%swap3A_74, %swap3A_75], %swap3A_78 {strides = array<i32>} : memref<128x64xf32, #tpu.memory_space<vmem>>, vector<1x16xf32>,
      %swap3A_79 = arith.constant 0 : i32
      %swap3A_80 = arith.constant 0 : i32
      %swap3A_81 = arith.constant 0 : i32
      %swap3A_82 = tpu.memref_slice %arg8[%swap3A_79, %swap3A_80, %swap3A_81] : memref<3x128x64xf32, #tpu.memory_space<vmem>> -> memref<1x128x64xf32, #tpu.memory_space<vmem>>
      %swap3A_83 = tpu.memref_squeeze %swap3A_82 : memref<1x128x64xf32, #tpu.memory_space<vmem>> -> memref<128x64xf32, #tpu.memory_space<vmem>>
      %swap3A_84 = arith.index_cast %scan3A_67 : i32 to index
      %swap3A_85 = arith.constant 16 : index
      %swap3A_86 = tpu.vector_load %swap3A_83[%swap3A_84, %swap3A_85] {strides = array<i32>} : memref<128x64xf32, #tpu.memory_space<vmem>>, vector<1x16xf32>,
      %swap3A_87 = vector.shape_cast %swap3A_86 : vector<1x16xf32> to vector<16xf32>
      %swap3A_88 = vector.shape_cast %broadcast_in_dim3A_69 : vector<16xf32> to vector<1x16xf32>
      tpu.vector_store %swap3A_83[%swap3A_84, %swap3A_85], %swap3A_88 {strides = array<i32>} : memref<128x64xf32, #tpu.memory_space<vmem>>, vector<1x16xf32>,
      %swap3A_89 = arith.constant 0 : i32
      %swap3A_90 = arith.constant 0 : i32
      %swap3A_91 = arith.constant 0 : i32
      %swap3A_92 = tpu.memref_slice %arg8[%swap3A_89, %swap3A_90, %swap3A_91] : memref<3x128x64xf32, #tpu.memory_space<vmem>> -> memref<1x128x64xf32, #tpu.memory_space<vmem>>
      %swap3A_93 = tpu.memref_squeeze %swap3A_92 : memref<1x128x64xf32, #tpu.memory_space<vmem>> -> memref<128x64xf32, #tpu.memory_space<vmem>>
      %swap3A_94 = arith.index_cast %scan3A_67 : i32 to index
      %swap3A_95 = arith.constant 32 : index
      %swap3A_96 = tpu.vector_load %swap3A_93[%swap3A_94, %swap3A_95] {strides = array<i32>} : memref<128x64xf32, #tpu.memory_space<vmem>>, vector<1x16xf32>,
      %swap3A_97 = vector.shape_cast %swap3A_96 : vector<1x16xf32> to vector<16xf32>
      %swap3A_98 = vector.shape_cast %broadcast_in_dim3A_69 : vector<16xf32> to vector<1x16xf32>
      tpu.vector_store %swap3A_93[%swap3A_94, %swap3A_95], %swap3A_98 {strides = array<i32>} : memref<128x64xf32, #tpu.memory_space<vmem>>, vector<1x16xf32>,
      %swap3A_99 = arith.constant 0 : i32
      %swap3A_100 = arith.constant 0 : i32
      %swap3A_101 = arith.constant 0 : i32
      %swap3A_102 = tpu.memref_slice %arg8[%swap3A_99, %swap3A_100, %swap3A_101] : memref<3x128x64xf32, #tpu.memory_space<vmem>> -> memref<1x128x64xf32, #tpu.memory_space<vmem>>
      %swap3A_103 = tpu.memref_squeeze %swap3A_102 : memref<1x128x64xf32, #tpu.memory_space<vmem>> -> memref<128x64xf32, #tpu.memory_space<vmem>>
      %swap3A_104 = arith.index_cast %scan3A_67 : i32 to index
      %swap3A_105 = arith.constant 48 : index
      %swap3A_106 = tpu.vector_load %swap3A_103[%swap3A_104, %swap3A_105] {strides = array<i32>} : memref<128x64xf32, #tpu.memory_space<vmem>>, vector<1x16xf32>,
      %swap3A_107 = vector.shape_cast %swap3A_106 : vector<1x16xf32> to vector<16xf32>
      %swap3A_108 = vector.shape_cast %broadcast_in_dim3A_69 : vector<16xf32> to vector<1x16xf32>
      tpu.vector_store %swap3A_103[%swap3A_104, %swap3A_105], %swap3A_108 {strides = array<i32>} : memref<128x64xf32, #tpu.memory_space<vmem>>, vector<1x16xf32>,
      %scan3A_109 = arith.constant 0 : i32
      scf.yield %scan3A_109 : i32
    }
    %scan3A_21 = arith.constant 128 : i32
    %mul3A_22 = arith.constant 632 : i32
    %mul3A_23 = arith.muli %arg1, %mul3A_22 : i32
    %add3A_24 = arith.constant 0 : i32
    %add3A_25 = arith.addi %mul3A_23, %add3A_24 : i32
    %run_scoped3A = arith.constant 0 : i32
    "tpu.region"() ({
      %run_scoped3A_67 = tpu.sem_alloc : memref<!tpu.dma_semaphore, #tpu.memory_space<semaphore_mem>>
      %dma_start3A_68 = arith.constant 0 : i32
      %dma_start3A_69 = arith.constant 0 : i32
      %dma_start3A_70 = tpu.memref_slice %arg8[%run_scoped3A, %dma_start3A_68, %dma_start3A_69] : memref<3x128x64xf32, #tpu.memory_space<vmem>> -> memref<1x128x64xf32, #tpu.memory_space<vmem>>
      %dma_start3A_71 = tpu.memref_squeeze %dma_start3A_70 : memref<1x128x64xf32, #tpu.memory_space<vmem>> -> memref<128x64xf32, #tpu.memory_space<vmem>>
      %dma_start3A_72 = arith.constant 0 : i32
      %dma_start3A_73 = tpu.memref_slice %arg9[%add3A_25, %dma_start3A_72] : memref<10112x64xf32, #tpu.memory_space<vmem_shared>> -> memref<128x64xf32, #tpu.memory_space<vmem_shared>>
      %dma_start3A_74 = arith.constant 0 : i32
      %dma_start3A_75 = tpu.memref_slice %arg9[%add3A_25, %dma_start3A_74] : memref<10112x64xf32, #tpu.memory_space<vmem_shared>> -> memref<128x64xf32, #tpu.memory_space<vmem_shared>>
      %dma_start3A_76 = arith.constant 0 : i32
      %dma_start3A_77 = arith.constant 0 : i32
      %dma_start3A_78 = tpu.memref_slice %arg8[%run_scoped3A, %dma_start3A_76, %dma_start3A_77] : memref<3x128x64xf32, #tpu.memory_space<vmem>> -> memref<1x128x64xf32, #tpu.memory_space<vmem>>
      %dma_start3A_79 = tpu.memref_squeeze %dma_start3A_78 : memref<1x128x64xf32, #tpu.memory_space<vmem>> -> memref<128x64xf32, #tpu.memory_space<vmem>>
      tpu.enqueue_dma source(%dma_start3A_79 : memref<128x64xf32, #tpu.memory_space<vmem>>) target(%dma_start3A_75 : memref<128x64xf32, #tpu.memory_space<vmem_shared>>) target_semaphore(%run_scoped3A_67 : memref<!tpu.dma_semaphore, #tpu.memory_space<semaphore_mem>>)
      %dma_wait3A_80 = arith.constant 0 : i32
      %dma_wait3A_81 = arith.constant 0 : i32
      %dma_wait3A_82 = tpu.memref_slice %arg8[%run_scoped3A, %dma_wait3A_80, %dma_wait3A_81] : memref<3x128x64xf32, #tpu.memory_space<vmem>> -> memref<1x128x64xf32, #tpu.memory_space<vmem>>
      %dma_wait3A_83 = tpu.memref_squeeze %dma_wait3A_82 : memref<1x128x64xf32, #tpu.memory_space<vmem>> -> memref<128x64xf32, #tpu.memory_space<vmem>>
      %dma_wait3A_84 = arith.constant 0 : i32
      %dma_wait3A_85 = tpu.memref_slice %arg9[%add3A_25, %dma_wait3A_84] : memref<10112x64xf32, #tpu.memory_space<vmem_shared>> -> memref<128x64xf32, #tpu.memory_space<vmem_shared>>
      %dma_wait3A_86 = arith.constant 0 : i32
      %dma_wait3A_87 = tpu.memref_slice %arg9[%add3A_25, %dma_wait3A_86] : memref<10112x64xf32, #tpu.memory_space<vmem_shared>> -> memref<128x64xf32, #tpu.memory_space<vmem_shared>>
      %dma_wait3A_88 = arith.constant 0 : i32
      %dma_wait3A_89 = arith.constant 0 : i32
      %dma_wait3A_90 = tpu.memref_slice %arg8[%run_scoped3A, %dma_wait3A_88, %dma_wait3A_89] : memref<3x128x64xf32, #tpu.memory_space<vmem>> -> memref<1x128x64xf32, #tpu.memory_space<vmem>>
      %dma_wait3A_91 = tpu.memref_squeeze %dma_wait3A_90 : memref<1x128x64xf32, #tpu.memory_space<vmem>> -> memref<128x64xf32, #tpu.memory_space<vmem>>
      tpu.wait_dma2 semaphore(%run_scoped3A_67 : memref<!tpu.dma_semaphore, #tpu.memory_space<semaphore_mem>>) src(%dma_wait3A_91 : memref<128x64xf32, #tpu.memory_space<vmem>>) dst(%dma_wait3A_87 : memref<128x64xf32, #tpu.memory_space<vmem_shared>>)
      tpu.yield
    }) : () -> ()
    %add3A_26 = arith.constant 128 : i32
    %add3A_27 = arith.addi %mul3A_23, %add3A_26 : i32
    %run_scoped3A_28 = arith.constant 0 : i32
    "tpu.region"() ({
      %run_scoped3A_67 = tpu.sem_alloc : memref<!tpu.dma_semaphore, #tpu.memory_space<semaphore_mem>>
      %dma_start3A_68 = arith.constant 0 : i32
      %dma_start3A_69 = arith.constant 0 : i32
      %dma_start3A_70 = tpu.memref_slice %arg8[%run_scoped3A_28, %dma_start3A_68, %dma_start3A_69] : memref<3x128x64xf32, #tpu.memory_space<vmem>> -> memref<1x128x64xf32, #tpu.memory_space<vmem>>
      %dma_start3A_71 = tpu.memref_squeeze %dma_start3A_70 : memref<1x128x64xf32, #tpu.memory_space<vmem>> -> memref<128x64xf32, #tpu.memory_space<vmem>>
      %dma_start3A_72 = arith.constant 0 : i32
      %dma_start3A_73 = tpu.memref_slice %arg9[%add3A_27, %dma_start3A_72] : memref<10112x64xf32, #tpu.memory_space<vmem_shared>> -> memref<128x64xf32, #tpu.memory_space<vmem_shared>>
      %dma_start3A_74 = arith.constant 0 : i32
      %dma_start3A_75 = tpu.memref_slice %arg9[%add3A_27, %dma_start3A_74] : memref<10112x64xf32, #tpu.memory_space<vmem_shared>> -> memref<128x64xf32, #tpu.memory_space<vmem_shared>>
      %dma_start3A_76 = arith.constant 0 : i32
      %dma_start3A_77 = arith.constant 0 : i32
      %dma_start3A_78 = tpu.memref_slice %arg8[%run_scoped3A_28, %dma_start3A_76, %dma_start3A_77] : memref<3x128x64xf32, #tpu.memory_space<vmem>> -> memref<1x128x64xf32, #tpu.memory_space<vmem>>
      %dma_start3A_79 = tpu.memref_squeeze %dma_start3A_78 : memref<1x128x64xf32, #tpu.memory_space<vmem>> -> memref<128x64xf32, #tpu.memory_space<vmem>>
      tpu.enqueue_dma source(%dma_start3A_79 : memref<128x64xf32, #tpu.memory_space<vmem>>) target(%dma_start3A_75 : memref<128x64xf32, #tpu.memory_space<vmem_shared>>) target_semaphore(%run_scoped3A_67 : memref<!tpu.dma_semaphore, #tpu.memory_space<semaphore_mem>>)
      %dma_wait3A_80 = arith.constant 0 : i32
      %dma_wait3A_81 = arith.constant 0 : i32
      %dma_wait3A_82 = tpu.memref_slice %arg8[%run_scoped3A_28, %dma_wait3A_80, %dma_wait3A_81] : memref<3x128x64xf32, #tpu.memory_space<vmem>> -> memref<1x128x64xf32, #tpu.memory_space<vmem>>
      %dma_wait3A_83 = tpu.memref_squeeze %dma_wait3A_82 : memref<1x128x64xf32, #tpu.memory_space<vmem>> -> memref<128x64xf32, #tpu.memory_space<vmem>>
      %dma_wait3A_84 = arith.constant 0 : i32
      %dma_wait3A_85 = tpu.memref_slice %arg9[%add3A_27, %dma_wait3A_84] : memref<10112x64xf32, #tpu.memory_space<vmem_shared>> -> memref<128x64xf32, #tpu.memory_space<vmem_shared>>
      %dma_wait3A_86 = arith.constant 0 : i32
      %dma_wait3A_87 = tpu.memref_slice %arg9[%add3A_27, %dma_wait3A_86] : memref<10112x64xf32, #tpu.memory_space<vmem_shared>> -> memref<128x64xf32, #tpu.memory_space<vmem_shared>>
      %dma_wait3A_88 = arith.constant 0 : i32
      %dma_wait3A_89 = arith.constant 0 : i32
      %dma_wait3A_90 = tpu.memref_slice %arg8[%run_scoped3A_28, %dma_wait3A_88, %dma_wait3A_89] : memref<3x128x64xf32, #tpu.memory_space<vmem>> -> memref<1x128x64xf32, #tpu.memory_space<vmem>>
      %dma_wait3A_91 = tpu.memref_squeeze %dma_wait3A_90 : memref<1x128x64xf32, #tpu.memory_space<vmem>> -> memref<128x64xf32, #tpu.memory_space<vmem>>
      tpu.wait_dma2 semaphore(%run_scoped3A_67 : memref<!tpu.dma_semaphore, #tpu.memory_space<semaphore_mem>>) src(%dma_wait3A_91 : memref<128x64xf32, #tpu.memory_space<vmem>>) dst(%dma_wait3A_87 : memref<128x64xf32, #tpu.memory_space<vmem_shared>>)
      tpu.yield
    }) : () -> ()
    %add3A_29 = arith.constant 256 : i32
    %add3A_30 = arith.addi %mul3A_23, %add3A_29 : i32
    %run_scoped3A_31 = arith.constant 0 : i32
    "tpu.region"() ({
      %run_scoped3A_67 = tpu.sem_alloc : memref<!tpu.dma_semaphore, #tpu.memory_space<semaphore_mem>>
      %dma_start3A_68 = arith.constant 0 : i32
      %dma_start3A_69 = arith.constant 0 : i32
      %dma_start3A_70 = tpu.memref_slice %arg8[%run_scoped3A_31, %dma_start3A_68, %dma_start3A_69] : memref<3x128x64xf32, #tpu.memory_space<vmem>> -> memref<1x128x64xf32, #tpu.memory_space<vmem>>
      %dma_start3A_71 = tpu.memref_squeeze %dma_start3A_70 : memref<1x128x64xf32, #tpu.memory_space<vmem>> -> memref<128x64xf32, #tpu.memory_space<vmem>>
      %dma_start3A_72 = arith.constant 0 : i32
      %dma_start3A_73 = tpu.memref_slice %arg9[%add3A_30, %dma_start3A_72] : memref<10112x64xf32, #tpu.memory_space<vmem_shared>> -> memref<128x64xf32, #tpu.memory_space<vmem_shared>>
      %dma_start3A_74 = arith.constant 0 : i32
      %dma_start3A_75 = tpu.memref_slice %arg9[%add3A_30, %dma_start3A_74] : memref<10112x64xf32, #tpu.memory_space<vmem_shared>> -> memref<128x64xf32, #tpu.memory_space<vmem_shared>>
      %dma_start3A_76 = arith.constant 0 : i32
      %dma_start3A_77 = arith.constant 0 : i32
      %dma_start3A_78 = tpu.memref_slice %arg8[%run_scoped3A_31, %dma_start3A_76, %dma_start3A_77] : memref<3x128x64xf32, #tpu.memory_space<vmem>> -> memref<1x128x64xf32, #tpu.memory_space<vmem>>
      %dma_start3A_79 = tpu.memref_squeeze %dma_start3A_78 : memref<1x128x64xf32, #tpu.memory_space<vmem>> -> memref<128x64xf32, #tpu.memory_space<vmem>>
      tpu.enqueue_dma source(%dma_start3A_79 : memref<128x64xf32, #tpu.memory_space<vmem>>) target(%dma_start3A_75 : memref<128x64xf32, #tpu.memory_space<vmem_shared>>) target_semaphore(%run_scoped3A_67 : memref<!tpu.dma_semaphore, #tpu.memory_space<semaphore_mem>>)
      %dma_wait3A_80 = arith.constant 0 : i32
      %dma_wait3A_81 = arith.constant 0 : i32
      %dma_wait3A_82 = tpu.memref_slice %arg8[%run_scoped3A_31, %dma_wait3A_80, %dma_wait3A_81] : memref<3x128x64xf32, #tpu.memory_space<vmem>> -> memref<1x128x64xf32, #tpu.memory_space<vmem>>
      %dma_wait3A_83 = tpu.memref_squeeze %dma_wait3A_82 : memref<1x128x64xf32, #tpu.memory_space<vmem>> -> memref<128x64xf32, #tpu.memory_space<vmem>>
      %dma_wait3A_84 = arith.constant 0 : i32
      %dma_wait3A_85 = tpu.memref_slice %arg9[%add3A_30, %dma_wait3A_84] : memref<10112x64xf32, #tpu.memory_space<vmem_shared>> -> memref<128x64xf32, #tpu.memory_space<vmem_shared>>
      %dma_wait3A_86 = arith.constant 0 : i32
      %dma_wait3A_87 = tpu.memref_slice %arg9[%add3A_30, %dma_wait3A_86] : memref<10112x64xf32, #tpu.memory_space<vmem_shared>> -> memref<128x64xf32, #tpu.memory_space<vmem_shared>>
      %dma_wait3A_88 = arith.constant 0 : i32
      %dma_wait3A_89 = arith.constant 0 : i32
      %dma_wait3A_90 = tpu.memref_slice %arg8[%run_scoped3A_31, %dma_wait3A_88, %dma_wait3A_89] : memref<3x128x64xf32, #tpu.memory_space<vmem>> -> memref<1x128x64xf32, #tpu.memory_space<vmem>>
      %dma_wait3A_91 = tpu.memref_squeeze %dma_wait3A_90 : memref<1x128x64xf32, #tpu.memory_space<vmem>> -> memref<128x64xf32, #tpu.memory_space<vmem>>
      tpu.wait_dma2 semaphore(%run_scoped3A_67 : memref<!tpu.dma_semaphore, #tpu.memory_space<semaphore_mem>>) src(%dma_wait3A_91 : memref<128x64xf32, #tpu.memory_space<vmem>>) dst(%dma_wait3A_87 : memref<128x64xf32, #tpu.memory_space<vmem_shared>>)
      tpu.yield
    }) : () -> ()
    %add3A_32 = arith.constant 384 : i32
    %add3A_33 = arith.addi %mul3A_23, %add3A_32 : i32
    %run_scoped3A_34 = arith.constant 0 : i32
    "tpu.region"() ({
      %run_scoped3A_67 = tpu.sem_alloc : memref<!tpu.dma_semaphore, #tpu.memory_space<semaphore_mem>>
      %dma_start3A_68 = arith.constant 0 : i32
      %dma_start3A_69 = arith.constant 0 : i32
      %dma_start3A_70 = tpu.memref_slice %arg8[%run_scoped3A_34, %dma_start3A_68, %dma_start3A_69] : memref<3x128x64xf32, #tpu.memory_space<vmem>> -> memref<1x128x64xf32, #tpu.memory_space<vmem>>
      %dma_start3A_71 = tpu.memref_squeeze %dma_start3A_70 : memref<1x128x64xf32, #tpu.memory_space<vmem>> -> memref<128x64xf32, #tpu.memory_space<vmem>>
      %dma_start3A_72 = arith.constant 0 : i32
      %dma_start3A_73 = tpu.memref_slice %arg9[%add3A_33, %dma_start3A_72] : memref<10112x64xf32, #tpu.memory_space<vmem_shared>> -> memref<128x64xf32, #tpu.memory_space<vmem_shared>>
      %dma_start3A_74 = arith.constant 0 : i32
      %dma_start3A_75 = tpu.memref_slice %arg9[%add3A_33, %dma_start3A_74] : memref<10112x64xf32, #tpu.memory_space<vmem_shared>> -> memref<128x64xf32, #tpu.memory_space<vmem_shared>>
      %dma_start3A_76 = arith.constant 0 : i32
      %dma_start3A_77 = arith.constant 0 : i32
      %dma_start3A_78 = tpu.memref_slice %arg8[%run_scoped3A_34, %dma_start3A_76, %dma_start3A_77] : memref<3x128x64xf32, #tpu.memory_space<vmem>> -> memref<1x128x64xf32, #tpu.memory_space<vmem>>
      %dma_start3A_79 = tpu.memref_squeeze %dma_start3A_78 : memref<1x128x64xf32, #tpu.memory_space<vmem>> -> memref<128x64xf32, #tpu.memory_space<vmem>>
      tpu.enqueue_dma source(%dma_start3A_79 : memref<128x64xf32, #tpu.memory_space<vmem>>) target(%dma_start3A_75 : memref<128x64xf32, #tpu.memory_space<vmem_shared>>) target_semaphore(%run_scoped3A_67 : memref<!tpu.dma_semaphore, #tpu.memory_space<semaphore_mem>>)
      %dma_wait3A_80 = arith.constant 0 : i32
      %dma_wait3A_81 = arith.constant 0 : i32
      %dma_wait3A_82 = tpu.memref_slice %arg8[%run_scoped3A_34, %dma_wait3A_80, %dma_wait3A_81] : memref<3x128x64xf32, #tpu.memory_space<vmem>> -> memref<1x128x64xf32, #tpu.memory_space<vmem>>
      %dma_wait3A_83 = tpu.memref_squeeze %dma_wait3A_82 : memref<1x128x64xf32, #tpu.memory_space<vmem>> -> memref<128x64xf32, #tpu.memory_space<vmem>>
      %dma_wait3A_84 = arith.constant 0 : i32
      %dma_wait3A_85 = tpu.memref_slice %arg9[%add3A_33, %dma_wait3A_84] : memref<10112x64xf32, #tpu.memory_space<vmem_shared>> -> memref<128x64xf32, #tpu.memory_space<vmem_shared>>
      %dma_wait3A_86 = arith.constant 0 : i32
      %dma_wait3A_87 = tpu.memref_slice %arg9[%add3A_33, %dma_wait3A_86] : memref<10112x64xf32, #tpu.memory_space<vmem_shared>> -> memref<128x64xf32, #tpu.memory_space<vmem_shared>>
      %dma_wait3A_88 = arith.constant 0 : i32
      %dma_wait3A_89 = arith.constant 0 : i32
      %dma_wait3A_90 = tpu.memref_slice %arg8[%run_scoped3A_34, %dma_wait3A_88, %dma_wait3A_89] : memref<3x128x64xf32, #tpu.memory_space<vmem>> -> memref<1x128x64xf32, #tpu.memory_space<vmem>>
      %dma_wait3A_91 = tpu.memref_squeeze %dma_wait3A_90 : memref<1x128x64xf32, #tpu.memory_space<vmem>> -> memref<128x64xf32, #tpu.memory_space<vmem>>
      tpu.wait_dma2 semaphore(%run_scoped3A_67 : memref<!tpu.dma_semaphore, #tpu.memory_space<semaphore_mem>>) src(%dma_wait3A_91 : memref<128x64xf32, #tpu.memory_space<vmem>>) dst(%dma_wait3A_87 : memref<128x64xf32, #tpu.memory_space<vmem_shared>>)
      tpu.yield
    }) : () -> ()
    %add3A_35 = arith.constant 512 : i32
    %add3A_36 = arith.addi %mul3A_23, %add3A_35 : i32
    %run_scoped3A_37 = arith.constant 0 : i32
    "tpu.region"() ({
      %run_scoped3A_67 = tpu.sem_alloc : memref<!tpu.dma_semaphore, #tpu.memory_space<semaphore_mem>>
      %dma_start3A_68 = arith.constant 0 : i32
      %dma_start3A_69 = arith.constant 0 : i32
      %dma_start3A_70 = tpu.memref_slice %arg8[%run_scoped3A_37, %dma_start3A_68, %dma_start3A_69] : memref<3x128x64xf32, #tpu.memory_space<vmem>> -> memref<1x120x64xf32, #tpu.memory_space<vmem>>
      %dma_start3A_71 = tpu.memref_squeeze %dma_start3A_70 : memref<1x120x64xf32, #tpu.memory_space<vmem>> -> memref<120x64xf32, #tpu.memory_space<vmem>>
      %dma_start3A_72 = arith.constant 0 : i32
      %dma_start3A_73 = tpu.memref_slice %arg9[%add3A_36, %dma_start3A_72] : memref<10112x64xf32, #tpu.memory_space<vmem_shared>> -> memref<120x64xf32, #tpu.memory_space<vmem_shared>>
      %dma_start3A_74 = arith.constant 0 : i32
      %dma_start3A_75 = tpu.memref_slice %arg9[%add3A_36, %dma_start3A_74] : memref<10112x64xf32, #tpu.memory_space<vmem_shared>> -> memref<120x64xf32, #tpu.memory_space<vmem_shared>>
      %dma_start3A_76 = arith.constant 0 : i32
      %dma_start3A_77 = arith.constant 0 : i32
      %dma_start3A_78 = tpu.memref_slice %arg8[%run_scoped3A_37, %dma_start3A_76, %dma_start3A_77] : memref<3x128x64xf32, #tpu.memory_space<vmem>> -> memref<1x120x64xf32, #tpu.memory_space<vmem>>
      %dma_start3A_79 = tpu.memref_squeeze %dma_start3A_78 : memref<1x120x64xf32, #tpu.memory_space<vmem>> -> memref<120x64xf32, #tpu.memory_space<vmem>>
      tpu.enqueue_dma source(%dma_start3A_79 : memref<120x64xf32, #tpu.memory_space<vmem>>) target(%dma_start3A_75 : memref<120x64xf32, #tpu.memory_space<vmem_shared>>) target_semaphore(%run_scoped3A_67 : memref<!tpu.dma_semaphore, #tpu.memory_space<semaphore_mem>>)
      %dma_wait3A_80 = arith.constant 0 : i32
      %dma_wait3A_81 = arith.constant 0 : i32
      %dma_wait3A_82 = tpu.memref_slice %arg8[%run_scoped3A_37, %dma_wait3A_80, %dma_wait3A_81] : memref<3x128x64xf32, #tpu.memory_space<vmem>> -> memref<1x120x64xf32, #tpu.memory_space<vmem>>
      %dma_wait3A_83 = tpu.memref_squeeze %dma_wait3A_82 : memref<1x120x64xf32, #tpu.memory_space<vmem>> -> memref<120x64xf32, #tpu.memory_space<vmem>>
      %dma_wait3A_84 = arith.constant 0 : i32
      %dma_wait3A_85 = tpu.memref_slice %arg9[%add3A_36, %dma_wait3A_84] : memref<10112x64xf32, #tpu.memory_space<vmem_shared>> -> memref<120x64xf32, #tpu.memory_space<vmem_shared>>
      %dma_wait3A_86 = arith.constant 0 : i32
      %dma_wait3A_87 = tpu.memref_slice %arg9[%add3A_36, %dma_wait3A_86] : memref<10112x64xf32, #tpu.memory_space<vmem_shared>> -> memref<120x64xf32, #tpu.memory_space<vmem_shared>>
      %dma_wait3A_88 = arith.constant 0 : i32
      %dma_wait3A_89 = arith.constant 0 : i32
      %dma_wait3A_90 = tpu.memref_slice %arg8[%run_scoped3A_37, %dma_wait3A_88, %dma_wait3A_89] : memref<3x128x64xf32, #tpu.memory_space<vmem>> -> memref<1x120x64xf32, #tpu.memory_space<vmem>>
      %dma_wait3A_91 = tpu.memref_squeeze %dma_wait3A_90 : memref<1x120x64xf32, #tpu.memory_space<vmem>> -> memref<120x64xf32, #tpu.memory_space<vmem>>
      tpu.wait_dma2 semaphore(%run_scoped3A_67 : memref<!tpu.dma_semaphore, #tpu.memory_space<semaphore_mem>>) src(%dma_wait3A_91 : memref<120x64xf32, #tpu.memory_space<vmem>>) dst(%dma_wait3A_87 : memref<120x64xf32, #tpu.memory_space<vmem_shared>>)
      tpu.yield
    }) : () -> ()
    %dma_wait3A = arith.constant 0 : i32
    %dma_wait3A_38 = arith.constant 0 : i32
    %dma_wait3A_39 = tpu.memref_slice %arg3[%add3A, %dma_wait3A, %dma_wait3A_38] : memref<32x99x128xi32, #tpu.memory_space<hbm>> -> memref<1x99x128xi32, #tpu.memory_space<hbm>>
    %dma_wait3A_40 = tpu.memref_squeeze %dma_wait3A_39 : memref<1x99x128xi32, #tpu.memory_space<hbm>> -> memref<99x128xi32, #tpu.memory_space<hbm>>
    %dma_wait3A_41 = arith.constant 0 : i32
    %dma_wait3A_42 = arith.constant 0 : i32
    %dma_wait3A_43 = tpu.memref_slice %arg3[%add3A, %dma_wait3A_41, %dma_wait3A_42] : memref<32x99x128xi32, #tpu.memory_space<hbm>> -> memref<1x99x128xi32, #tpu.memory_space<hbm>>
    %dma_wait3A_44 = tpu.memref_squeeze %dma_wait3A_43 : memref<1x99x128xi32, #tpu.memory_space<hbm>> -> memref<99x128xi32, #tpu.memory_space<hbm>>
    tpu.wait_dma2 semaphore(%arg10 : memref<!tpu.dma_semaphore, #tpu.memory_space<semaphore_mem>>) src(%dma_wait3A_44 : memref<99x128xi32, #tpu.memory_space<hbm>>) dst(%arg6 : memref<99x128xi32, #tpu.memory_space<vmem>>)
    %dma_wait3A_45 = arith.constant 0 : i32
    %dma_wait3A_46 = arith.constant 0 : i32
    %dma_wait3A_47 = tpu.memref_slice %arg4[%add3A, %dma_wait3A_45, %dma_wait3A_46] : memref<32x99x128xi32, #tpu.memory_space<hbm>> -> memref<1x99x128xi32, #tpu.memory_space<hbm>>
    %dma_wait3A_48 = tpu.memref_squeeze %dma_wait3A_47 : memref<1x99x128xi32, #tpu.memory_space<hbm>> -> memref<99x128xi32, #tpu.memory_space<hbm>>
    %dma_wait3A_49 = arith.constant 0 : i32
    %dma_wait3A_50 = arith.constant 0 : i32
    %dma_wait3A_51 = tpu.memref_slice %arg4[%add3A, %dma_wait3A_49, %dma_wait3A_50] : memref<32x99x128xi32, #tpu.memory_space<hbm>> -> memref<1x99x128xi32, #tpu.memory_space<hbm>>
    %dma_wait3A_52 = tpu.memref_squeeze %dma_wait3A_51 : memref<1x99x128xi32, #tpu.memory_space<hbm>> -> memref<99x128xi32, #tpu.memory_space<hbm>>
    tpu.wait_dma2 semaphore(%arg11 : memref<!tpu.dma_semaphore, #tpu.memory_space<semaphore_mem>>) src(%dma_wait3A_52 : memref<99x128xi32, #tpu.memory_space<hbm>>) dst(%arg7 : memref<99x128xi32, #tpu.memory_space<vmem>>)
    %barrier3A = arith.constant 0 : index
    tpu.barrier barrier_id(%barrier3A)
    %eq3A = arith.constant 0 : i32
    %eq3A_53 = arith.cmpi eq, %arg0, %eq3A : i32
    %jit3A = arith.constant 33 : i32
    %jit3A_54 = arith.constant 21 : i32
    %select_n3A = arith.select %eq3A_53, %jit3A, %jit3A_54 : i32
    %while3A = arith.constant 0 : i32
    %while3A_55 = arith.constant 0 : i32
    %while3A_56 = arith.subi %select_n3A, %while3A : i32
    %while3A_57 = arith.addi %while3A, %while3A_56 : i32
    %while3A_58 = arith.constant 1 : i32
    %while3A_59 = arith.divsi %while3A_56, %while3A_58 : i32
    %while3A_60 = arith.muli %while3A_59, %while3A_58 : i32
    %while3A_61 = arith.addi %while3A, %while3A_60 : i32
    %while3A_62 = arith.constant 1 : i32
    %while3A_63 = scf.for %while3A_67 = %while3A to %while3A_61 step %while3A_62 iter_args(%while3A_68 = %while3A_55) -> (i32)  : i32 {
      %mul3A_69 = arith.constant 3 : i32
      %mul3A_70 = arith.muli %while3A_67, %mul3A_69 : i32
      %add3A_71 = arith.constant 0 : i32
      %add3A_72 = arith.addi %mul3A_70, %add3A_71 : i32
      %dma_start3A_73 = arith.constant 0 : i32
      %dma_start3A_74 = arith.constant 0 : i32
      %dma_start3A_75 = arith.constant 0 : i32
      %dma_start3A_76 = tpu.memref_slice %arg8[%dma_start3A_73, %dma_start3A_74, %dma_start3A_75] : memref<3x128x64xf32, #tpu.memory_space<vmem>> -> memref<1x128x64xf32, #tpu.memory_space<vmem>>
      %dma_start3A_77 = tpu.memref_squeeze %dma_start3A_76 : memref<1x128x64xf32, #tpu.memory_space<vmem>> -> memref<128x64xf32, #tpu.memory_space<vmem>>
      %dma_start3A_78 = arith.constant 0 : i32
      %dma_start3A_79 = tpu.memref_slice %arg6[%add3A_72, %dma_start3A_78] : memref<99x128xi32, #tpu.memory_space<vmem>> -> memref<1x128xi32, #tpu.memory_space<vmem>>
      %dma_start3A_80 = tpu.memref_squeeze %dma_start3A_79 : memref<1x128xi32, #tpu.memory_space<vmem>> -> memref<128xi32, #tpu.memory_space<vmem>>
      %dma_start3A_81 = arith.constant 0 : i32
      %dma_start3A_82 = arith.constant 0 : i32
      %dma_start3A_83 = tpu.memref_slice %arg2[%dma_start3A_81, %dma_start3A_82] : memref<10000x64xf32, #tpu.memory_space<hbm>> -> memref<10000x64xf32, #tpu.memory_space<hbm>>
      tpu.enqueue_indirect_dma source(%dma_start3A_83 : memref<10000x64xf32, #tpu.memory_space<hbm>>) target(%dma_start3A_77 : memref<128x64xf32, #tpu.memory_space<vmem>>) offsets(%dma_start3A_80 : memref<128xi32, #tpu.memory_space<vmem>>) semaphore(%arg10 : memref<!tpu.dma_semaphore, #tpu.memory_space<semaphore_mem>>)
      %mul3A_84 = arith.constant 3 : i32
      %mul3A_85 = arith.muli %while3A_67, %mul3A_84 : i32
      %add3A_86 = arith.constant 1 : i32
      %add3A_87 = arith.addi %mul3A_85, %add3A_86 : i32
      %dma_start3A_88 = arith.constant 1 : i32
      %dma_start3A_89 = arith.constant 0 : i32
      %dma_start3A_90 = arith.constant 0 : i32
      %dma_start3A_91 = tpu.memref_slice %arg8[%dma_start3A_88, %dma_start3A_89, %dma_start3A_90] : memref<3x128x64xf32, #tpu.memory_space<vmem>> -> memref<1x128x64xf32, #tpu.memory_space<vmem>>
      %dma_start3A_92 = tpu.memref_squeeze %dma_start3A_91 : memref<1x128x64xf32, #tpu.memory_space<vmem>> -> memref<128x64xf32, #tpu.memory_space<vmem>>
      %dma_start3A_93 = arith.constant 0 : i32
      %dma_start3A_94 = tpu.memref_slice %arg6[%add3A_87, %dma_start3A_93] : memref<99x128xi32, #tpu.memory_space<vmem>> -> memref<1x128xi32, #tpu.memory_space<vmem>>
      %dma_start3A_95 = tpu.memref_squeeze %dma_start3A_94 : memref<1x128xi32, #tpu.memory_space<vmem>> -> memref<128xi32, #tpu.memory_space<vmem>>
      %dma_start3A_96 = arith.constant 0 : i32
      %dma_start3A_97 = arith.constant 0 : i32
      %dma_start3A_98 = tpu.memref_slice %arg2[%dma_start3A_96, %dma_start3A_97] : memref<10000x64xf32, #tpu.memory_space<hbm>> -> memref<10000x64xf32, #tpu.memory_space<hbm>>
      tpu.enqueue_indirect_dma source(%dma_start3A_98 : memref<10000x64xf32, #tpu.memory_space<hbm>>) target(%dma_start3A_92 : memref<128x64xf32, #tpu.memory_space<vmem>>) offsets(%dma_start3A_95 : memref<128xi32, #tpu.memory_space<vmem>>) semaphore(%arg10 : memref<!tpu.dma_semaphore, #tpu.memory_space<semaphore_mem>>)
      %mul3A_99 = arith.constant 3 : i32
      %mul3A_100 = arith.muli %while3A_67, %mul3A_99 : i32
      %add3A_101 = arith.constant 2 : i32
      %add3A_102 = arith.addi %mul3A_100, %add3A_101 : i32
      %dma_start3A_103 = arith.constant 2 : i32
      %dma_start3A_104 = arith.constant 0 : i32
      %dma_start3A_105 = arith.constant 0 : i32
      %dma_start3A_106 = tpu.memref_slice %arg8[%dma_start3A_103, %dma_start3A_104, %dma_start3A_105] : memref<3x128x64xf32, #tpu.memory_space<vmem>> -> memref<1x128x64xf32, #tpu.memory_space<vmem>>
      %dma_start3A_107 = tpu.memref_squeeze %dma_start3A_106 : memref<1x128x64xf32, #tpu.memory_space<vmem>> -> memref<128x64xf32, #tpu.memory_space<vmem>>
      %dma_start3A_108 = arith.constant 0 : i32
      %dma_start3A_109 = tpu.memref_slice %arg6[%add3A_102, %dma_start3A_108] : memref<99x128xi32, #tpu.memory_space<vmem>> -> memref<1x128xi32, #tpu.memory_space<vmem>>
      %dma_start3A_110 = tpu.memref_squeeze %dma_start3A_109 : memref<1x128xi32, #tpu.memory_space<vmem>> -> memref<128xi32, #tpu.memory_space<vmem>>
      %dma_start3A_111 = arith.constant 0 : i32
      %dma_start3A_112 = arith.constant 0 : i32
      %dma_start3A_113 = tpu.memref_slice %arg2[%dma_start3A_111, %dma_start3A_112] : memref<10000x64xf32, #tpu.memory_space<hbm>> -> memref<10000x64xf32, #tpu.memory_space<hbm>>
      tpu.enqueue_indirect_dma source(%dma_start3A_113 : memref<10000x64xf32, #tpu.memory_space<hbm>>) target(%dma_start3A_107 : memref<128x64xf32, #tpu.memory_space<vmem>>) offsets(%dma_start3A_110 : memref<128xi32, #tpu.memory_space<vmem>>) semaphore(%arg10 : memref<!tpu.dma_semaphore, #tpu.memory_space<semaphore_mem>>)
      %dma_wait3A_114 = arith.constant 0 : i32
      %dma_wait3A_115 = arith.constant 0 : i32
      %dma_wait3A_116 = arith.constant 0 : i32
      %dma_wait3A_117 = tpu.memref_slice %arg8[%dma_wait3A_114, %dma_wait3A_115, %dma_wait3A_116] : memref<3x128x64xf32, #tpu.memory_space<vmem>> -> memref<1x128x64xf32, #tpu.memory_space<vmem>>
      %dma_wait3A_118 = tpu.memref_squeeze %dma_wait3A_117 : memref<1x128x64xf32, #tpu.memory_space<vmem>> -> memref<128x64xf32, #tpu.memory_space<vmem>>
      %dma_wait3A_119 = arith.constant 0 : i32
      %dma_wait3A_120 = tpu.memref_slice %arg6[%add3A_72, %dma_wait3A_119] : memref<99x128xi32, #tpu.memory_space<vmem>> -> memref<1x128xi32, #tpu.memory_space<vmem>>
      %dma_wait3A_121 = tpu.memref_squeeze %dma_wait3A_120 : memref<1x128xi32, #tpu.memory_space<vmem>> -> memref<128xi32, #tpu.memory_space<vmem>>
      %dma_wait3A_122 = arith.constant 0 : i32
      %dma_wait3A_123 = arith.constant 0 : i32
      %dma_wait3A_124 = tpu.memref_slice %arg2[%dma_wait3A_122, %dma_wait3A_123] : memref<10000x64xf32, #tpu.memory_space<hbm>> -> memref<10000x64xf32, #tpu.memory_space<hbm>>
      tpu.wait_indirect_dma semaphore(%arg10 : memref<!tpu.dma_semaphore, #tpu.memory_space<semaphore_mem>>) src(%dma_wait3A_124 : memref<10000x64xf32, #tpu.memory_space<hbm>>) dst(%dma_wait3A_118 : memref<128x64xf32, #tpu.memory_space<vmem>>)
      %mul3A_125 = arith.constant 3 : i32
      %mul3A_126 = arith.muli %while3A_67, %mul3A_125 : i32
      %add3A_127 = arith.constant 0 : i32
      %add3A_128 = arith.addi %mul3A_126, %add3A_127 : i32
      %dma_start3A_129 = arith.constant 0 : i32
      %dma_start3A_130 = arith.constant 0 : i32
      %dma_start3A_131 = arith.constant 0 : i32
      %dma_start3A_132 = tpu.memref_slice %arg8[%dma_start3A_129, %dma_start3A_130, %dma_start3A_131] : memref<3x128x64xf32, #tpu.memory_space<vmem>> -> memref<1x128x64xf32, #tpu.memory_space<vmem>>
      %dma_start3A_133 = tpu.memref_squeeze %dma_start3A_132 : memref<1x128x64xf32, #tpu.memory_space<vmem>> -> memref<128x64xf32, #tpu.memory_space<vmem>>
      %dma_start3A_134 = arith.constant 0 : i32
      %dma_start3A_135 = tpu.memref_slice %arg7[%add3A_128, %dma_start3A_134] : memref<99x128xi32, #tpu.memory_space<vmem>> -> memref<1x128xi32, #tpu.memory_space<vmem>>
      %dma_start3A_136 = tpu.memref_squeeze %dma_start3A_135 : memref<1x128xi32, #tpu.memory_space<vmem>> -> memref<128xi32, #tpu.memory_space<vmem>>
      %dma_start3A_137 = arith.constant 0 : i32
      %dma_start3A_138 = arith.constant 0 : i32
      %dma_start3A_139 = tpu.memref_slice %arg9[%dma_start3A_137, %dma_start3A_138] : memref<10112x64xf32, #tpu.memory_space<vmem_shared>> -> memref<10112x64xf32, #tpu.memory_space<vmem_shared>>
      tpu.enqueue_indirect_dma source(%dma_start3A_133 : memref<128x64xf32, #tpu.memory_space<vmem>>) target(%dma_start3A_139 : memref<10112x64xf32, #tpu.memory_space<vmem_shared>>) offsets(%dma_start3A_136 : memref<128xi32, #tpu.memory_space<vmem>>) semaphore(%arg11 : memref<!tpu.dma_semaphore, #tpu.memory_space<semaphore_mem>>) {add = true}
      %dma_wait3A_140 = arith.constant 1 : i32
      %dma_wait3A_141 = arith.constant 0 : i32
      %dma_wait3A_142 = arith.constant 0 : i32
      %dma_wait3A_143 = tpu.memref_slice %arg8[%dma_wait3A_140, %dma_wait3A_141, %dma_wait3A_142] : memref<3x128x64xf32, #tpu.memory_space<vmem>> -> memref<1x128x64xf32, #tpu.memory_space<vmem>>
      %dma_wait3A_144 = tpu.memref_squeeze %dma_wait3A_143 : memref<1x128x64xf32, #tpu.memory_space<vmem>> -> memref<128x64xf32, #tpu.memory_space<vmem>>
      %dma_wait3A_145 = arith.constant 0 : i32
      %dma_wait3A_146 = tpu.memref_slice %arg6[%add3A_87, %dma_wait3A_145] : memref<99x128xi32, #tpu.memory_space<vmem>> -> memref<1x128xi32, #tpu.memory_space<vmem>>
      %dma_wait3A_147 = tpu.memref_squeeze %dma_wait3A_146 : memref<1x128xi32, #tpu.memory_space<vmem>> -> memref<128xi32, #tpu.memory_space<vmem>>
      %dma_wait3A_148 = arith.constant 0 : i32
      %dma_wait3A_149 = arith.constant 0 : i32
      %dma_wait3A_150 = tpu.memref_slice %arg2[%dma_wait3A_148, %dma_wait3A_149] : memref<10000x64xf32, #tpu.memory_space<hbm>> -> memref<10000x64xf32, #tpu.memory_space<hbm>>
      tpu.wait_indirect_dma semaphore(%arg10 : memref<!tpu.dma_semaphore, #tpu.memory_space<semaphore_mem>>) src(%dma_wait3A_150 : memref<10000x64xf32, #tpu.memory_space<hbm>>) dst(%dma_wait3A_144 : memref<128x64xf32, #tpu.memory_space<vmem>>)
      %mul3A_151 = arith.constant 3 : i32
      %mul3A_152 = arith.muli %while3A_67, %mul3A_151 : i32
      %add3A_153 = arith.constant 1 : i32
      %add3A_154 = arith.addi %mul3A_152, %add3A_153 : i32
      %dma_start3A_155 = arith.constant 1 : i32
      %dma_start3A_156 = arith.constant 0 : i32
      %dma_start3A_157 = arith.constant 0 : i32
      %dma_start3A_158 = tpu.memref_slice %arg8[%dma_start3A_155, %dma_start3A_156, %dma_start3A_157] : memref<3x128x64xf32, #tpu.memory_space<vmem>> -> memref<1x128x64xf32, #tpu.memory_space<vmem>>
      %dma_start3A_159 = tpu.memref_squeeze %dma_start3A_158 : memref<1x128x64xf32, #tpu.memory_space<vmem>> -> memref<128x64xf32, #tpu.memory_space<vmem>>
      %dma_start3A_160 = arith.constant 0 : i32
      %dma_start3A_161 = tpu.memref_slice %arg7[%add3A_154, %dma_start3A_160] : memref<99x128xi32, #tpu.memory_space<vmem>> -> memref<1x128xi32, #tpu.memory_space<vmem>>
      %dma_start3A_162 = tpu.memref_squeeze %dma_start3A_161 : memref<1x128xi32, #tpu.memory_space<vmem>> -> memref<128xi32, #tpu.memory_space<vmem>>
      %dma_start3A_163 = arith.constant 0 : i32
      %dma_start3A_164 = arith.constant 0 : i32
      %dma_start3A_165 = tpu.memref_slice %arg9[%dma_start3A_163, %dma_start3A_164] : memref<10112x64xf32, #tpu.memory_space<vmem_shared>> -> memref<10112x64xf32, #tpu.memory_space<vmem_shared>>
      tpu.enqueue_indirect_dma source(%dma_start3A_159 : memref<128x64xf32, #tpu.memory_space<vmem>>) target(%dma_start3A_165 : memref<10112x64xf32, #tpu.memory_space<vmem_shared>>) offsets(%dma_start3A_162 : memref<128xi32, #tpu.memory_space<vmem>>) semaphore(%arg11 : memref<!tpu.dma_semaphore, #tpu.memory_space<semaphore_mem>>) {add = true}
      %dma_wait3A_166 = arith.constant 2 : i32
      %dma_wait3A_167 = arith.constant 0 : i32
      %dma_wait3A_168 = arith.constant 0 : i32
      %dma_wait3A_169 = tpu.memref_slice %arg8[%dma_wait3A_166, %dma_wait3A_167, %dma_wait3A_168] : memref<3x128x64xf32, #tpu.memory_space<vmem>> -> memref<1x128x64xf32, #tpu.memory_space<vmem>>
      %dma_wait3A_170 = tpu.memref_squeeze %dma_wait3A_169 : memref<1x128x64xf32, #tpu.memory_space<vmem>> -> memref<128x64xf32, #tpu.memory_space<vmem>>
      %dma_wait3A_171 = arith.constant 0 : i32
      %dma_wait3A_172 = tpu.memref_slice %arg6[%add3A_102, %dma_wait3A_171] : memref<99x128xi32, #tpu.memory_space<vmem>> -> memref<1x128xi32, #tpu.memory_space<vmem>>
      %dma_wait3A_173 = tpu.memref_squeeze %dma_wait3A_172 : memref<1x128xi32, #tpu.memory_space<vmem>> -> memref<128xi32, #tpu.memory_space<vmem>>
      %dma_wait3A_174 = arith.constant 0 : i32
      %dma_wait3A_175 = arith.constant 0 : i32
      %dma_wait3A_176 = tpu.memref_slice %arg2[%dma_wait3A_174, %dma_wait3A_175] : memref<10000x64xf32, #tpu.memory_space<hbm>> -> memref<10000x64xf32, #tpu.memory_space<hbm>>
      tpu.wait_indirect_dma semaphore(%arg10 : memref<!tpu.dma_semaphore, #tpu.memory_space<semaphore_mem>>) src(%dma_wait3A_176 : memref<10000x64xf32, #tpu.memory_space<hbm>>) dst(%dma_wait3A_170 : memref<128x64xf32, #tpu.memory_space<vmem>>)
      %mul3A_177 = arith.constant 3 : i32
      %mul3A_178 = arith.muli %while3A_67, %mul3A_177 : i32
      %add3A_179 = arith.constant 2 : i32
      %add3A_180 = arith.addi %mul3A_178, %add3A_179 : i32
      %dma_start3A_181 = arith.constant 2 : i32
      %dma_start3A_182 = arith.constant 0 : i32
      %dma_start3A_183 = arith.constant 0 : i32
      %dma_start3A_184 = tpu.memref_slice %arg8[%dma_start3A_181, %dma_start3A_182, %dma_start3A_183] : memref<3x128x64xf32, #tpu.memory_space<vmem>> -> memref<1x128x64xf32, #tpu.memory_space<vmem>>
      %dma_start3A_185 = tpu.memref_squeeze %dma_start3A_184 : memref<1x128x64xf32, #tpu.memory_space<vmem>> -> memref<128x64xf32, #tpu.memory_space<vmem>>
      %dma_start3A_186 = arith.constant 0 : i32
      %dma_start3A_187 = tpu.memref_slice %arg7[%add3A_180, %dma_start3A_186] : memref<99x128xi32, #tpu.memory_space<vmem>> -> memref<1x128xi32, #tpu.memory_space<vmem>>
      %dma_start3A_188 = tpu.memref_squeeze %dma_start3A_187 : memref<1x128xi32, #tpu.memory_space<vmem>> -> memref<128xi32, #tpu.memory_space<vmem>>
      %dma_start3A_189 = arith.constant 0 : i32
      %dma_start3A_190 = arith.constant 0 : i32
      %dma_start3A_191 = tpu.memref_slice %arg9[%dma_start3A_189, %dma_start3A_190] : memref<10112x64xf32, #tpu.memory_space<vmem_shared>> -> memref<10112x64xf32, #tpu.memory_space<vmem_shared>>
      tpu.enqueue_indirect_dma source(%dma_start3A_185 : memref<128x64xf32, #tpu.memory_space<vmem>>) target(%dma_start3A_191 : memref<10112x64xf32, #tpu.memory_space<vmem_shared>>) offsets(%dma_start3A_188 : memref<128xi32, #tpu.memory_space<vmem>>) semaphore(%arg11 : memref<!tpu.dma_semaphore, #tpu.memory_space<semaphore_mem>>) {add = true}
      %dma_wait3A_192 = arith.constant 0 : i32
      %dma_wait3A_193 = arith.constant 0 : i32
      %dma_wait3A_194 = arith.constant 0 : i32
      %dma_wait3A_195 = tpu.memref_slice %arg8[%dma_wait3A_192, %dma_wait3A_193, %dma_wait3A_194] : memref<3x128x64xf32, #tpu.memory_space<vmem>> -> memref<1x128x64xf32, #tpu.memory_space<vmem>>
      %dma_wait3A_196 = tpu.memref_squeeze %dma_wait3A_195 : memref<1x128x64xf32, #tpu.memory_space<vmem>> -> memref<128x64xf32, #tpu.memory_space<vmem>>
      %dma_wait3A_197 = arith.constant 0 : i32
      %dma_wait3A_198 = tpu.memref_slice %arg7[%add3A_128, %dma_wait3A_197] : memref<99x128xi32, #tpu.memory_space<vmem>> -> memref<1x128xi32, #tpu.memory_space<vmem>>
      %dma_wait3A_199 = tpu.memref_squeeze %dma_wait3A_198 : memref<1x128xi32, #tpu.memory_space<vmem>> -> memref<128xi32, #tpu.memory_space<vmem>>
      %dma_wait3A_200 = arith.constant 0 : i32
      %dma_wait3A_201 = arith.constant 0 : i32
      %dma_wait3A_202 = tpu.memref_slice %arg9[%dma_wait3A_200, %dma_wait3A_201] : memref<10112x64xf32, #tpu.memory_space<vmem_shared>> -> memref<10112x64xf32, #tpu.memory_space<vmem_shared>>
      tpu.wait_indirect_dma semaphore(%arg11 : memref<!tpu.dma_semaphore, #tpu.memory_space<semaphore_mem>>) src(%dma_wait3A_196 : memref<128x64xf32, #tpu.memory_space<vmem>>) dst(%dma_wait3A_202 : memref<10112x64xf32, #tpu.memory_space<vmem_shared>>)
      %dma_wait3A_203 = arith.constant 1 : i32
      %dma_wait3A_204 = arith.constant 0 : i32
      %dma_wait3A_205 = arith.constant 0 : i32
      %dma_wait3A_206 = tpu.memref_slice %arg8[%dma_wait3A_203, %dma_wait3A_204, %dma_wait3A_205] : memref<3x128x64xf32, #tpu.memory_space<vmem>> -> memref<1x128x64xf32, #tpu.memory_space<vmem>>
      %dma_wait3A_207 = tpu.memref_squeeze %dma_wait3A_206 : memref<1x128x64xf32, #tpu.memory_space<vmem>> -> memref<128x64xf32, #tpu.memory_space<vmem>>
      %dma_wait3A_208 = arith.constant 0 : i32
      %dma_wait3A_209 = tpu.memref_slice %arg7[%add3A_154, %dma_wait3A_208] : memref<99x128xi32, #tpu.memory_space<vmem>> -> memref<1x128xi32, #tpu.memory_space<vmem>>
      %dma_wait3A_210 = tpu.memref_squeeze %dma_wait3A_209 : memref<1x128xi32, #tpu.memory_space<vmem>> -> memref<128xi32, #tpu.memory_space<vmem>>
      %dma_wait3A_211 = arith.constant 0 : i32
      %dma_wait3A_212 = arith.constant 0 : i32
      %dma_wait3A_213 = tpu.memref_slice %arg9[%dma_wait3A_211, %dma_wait3A_212] : memref<10112x64xf32, #tpu.memory_space<vmem_shared>> -> memref<10112x64xf32, #tpu.memory_space<vmem_shared>>
      tpu.wait_indirect_dma semaphore(%arg11 : memref<!tpu.dma_semaphore, #tpu.memory_space<semaphore_mem>>) src(%dma_wait3A_207 : memref<128x64xf32, #tpu.memory_space<vmem>>) dst(%dma_wait3A_213 : memref<10112x64xf32, #tpu.memory_space<vmem_shared>>)
      %dma_wait3A_214 = arith.constant 2 : i32
      %dma_wait3A_215 = arith.constant 0 : i32
      %dma_wait3A_216 = arith.constant 0 : i32
      %dma_wait3A_217 = tpu.memref_slice %arg8[%dma_wait3A_214, %dma_wait3A_215, %dma_wait3A_216] : memref<3x128x64xf32, #tpu.memory_space<vmem>> -> memref<1x128x64xf32, #tpu.memory_space<vmem>>
      %dma_wait3A_218 = tpu.memref_squeeze %dma_wait3A_217 : memref<1x128x64xf32, #tpu.memory_space<vmem>> -> memref<128x64xf32, #tpu.memory_space<vmem>>
      %dma_wait3A_219 = arith.constant 0 : i32
      %dma_wait3A_220 = tpu.memref_slice %arg7[%add3A_180, %dma_wait3A_219] : memref<99x128xi32, #tpu.memory_space<vmem>> -> memref<1x128xi32, #tpu.memory_space<vmem>>
      %dma_wait3A_221 = tpu.memref_squeeze %dma_wait3A_220 : memref<1x128xi32, #tpu.memory_space<vmem>> -> memref<128xi32, #tpu.memory_space<vmem>>
      %dma_wait3A_222 = arith.constant 0 : i32
      %dma_wait3A_223 = arith.constant 0 : i32
      %dma_wait3A_224 = tpu.memref_slice %arg9[%dma_wait3A_222, %dma_wait3A_223] : memref<10112x64xf32, #tpu.memory_space<vmem_shared>> -> memref<10112x64xf32, #tpu.memory_space<vmem_shared>>
      tpu.wait_indirect_dma semaphore(%arg11 : memref<!tpu.dma_semaphore, #tpu.memory_space<semaphore_mem>>) src(%dma_wait3A_218 : memref<128x64xf32, #tpu.memory_space<vmem>>) dst(%dma_wait3A_224 : memref<10112x64xf32, #tpu.memory_space<vmem_shared>>)
      %while3A_225 = arith.constant 0 : i32
      scf.yield %while3A_225 : i32
    }
    %while3A_64 = arith.constant 1 : i32
    %while3A_65 = scf.for %while3A_67 = %while3A_61 to %while3A_57 step %while3A_64 iter_args(%while3A_68 = %while3A_63) -> (i32)  : i32 {
      %mul3A_69 = arith.constant 3 : i32
      %mul3A_70 = arith.muli %while3A_67, %mul3A_69 : i32
      %add3A_71 = arith.constant 0 : i32
      %add3A_72 = arith.addi %mul3A_70, %add3A_71 : i32
      %dma_start3A_73 = arith.constant 0 : i32
      %dma_start3A_74 = arith.constant 0 : i32
      %dma_start3A_75 = arith.constant 0 : i32
      %dma_start3A_76 = tpu.memref_slice %arg8[%dma_start3A_73, %dma_start3A_74, %dma_start3A_75] : memref<3x128x64xf32, #tpu.memory_space<vmem>> -> memref<1x128x64xf32, #tpu.memory_space<vmem>>
      %dma_start3A_77 = tpu.memref_squeeze %dma_start3A_76 : memref<1x128x64xf32, #tpu.memory_space<vmem>> -> memref<128x64xf32, #tpu.memory_space<vmem>>
      %dma_start3A_78 = arith.constant 0 : i32
      %dma_start3A_79 = tpu.memref_slice %arg6[%add3A_72, %dma_start3A_78] : memref<99x128xi32, #tpu.memory_space<vmem>> -> memref<1x128xi32, #tpu.memory_space<vmem>>
      %dma_start3A_80 = tpu.memref_squeeze %dma_start3A_79 : memref<1x128xi32, #tpu.memory_space<vmem>> -> memref<128xi32, #tpu.memory_space<vmem>>
      %dma_start3A_81 = arith.constant 0 : i32
      %dma_start3A_82 = arith.constant 0 : i32
      %dma_start3A_83 = tpu.memref_slice %arg2[%dma_start3A_81, %dma_start3A_82] : memref<10000x64xf32, #tpu.memory_space<hbm>> -> memref<10000x64xf32, #tpu.memory_space<hbm>>
      tpu.enqueue_indirect_dma source(%dma_start3A_83 : memref<10000x64xf32, #tpu.memory_space<hbm>>) target(%dma_start3A_77 : memref<128x64xf32, #tpu.memory_space<vmem>>) offsets(%dma_start3A_80 : memref<128xi32, #tpu.memory_space<vmem>>) semaphore(%arg10 : memref<!tpu.dma_semaphore, #tpu.memory_space<semaphore_mem>>)
      %mul3A_84 = arith.constant 3 : i32
      %mul3A_85 = arith.muli %while3A_67, %mul3A_84 : i32
      %add3A_86 = arith.constant 1 : i32
      %add3A_87 = arith.addi %mul3A_85, %add3A_86 : i32
      %dma_start3A_88 = arith.constant 1 : i32
      %dma_start3A_89 = arith.constant 0 : i32
      %dma_start3A_90 = arith.constant 0 : i32
      %dma_start3A_91 = tpu.memref_slice %arg8[%dma_start3A_88, %dma_start3A_89, %dma_start3A_90] : memref<3x128x64xf32, #tpu.memory_space<vmem>> -> memref<1x128x64xf32, #tpu.memory_space<vmem>>
      %dma_start3A_92 = tpu.memref_squeeze %dma_start3A_91 : memref<1x128x64xf32, #tpu.memory_space<vmem>> -> memref<128x64xf32, #tpu.memory_space<vmem>>
      %dma_start3A_93 = arith.constant 0 : i32
      %dma_start3A_94 = tpu.memref_slice %arg6[%add3A_87, %dma_start3A_93] : memref<99x128xi32, #tpu.memory_space<vmem>> -> memref<1x128xi32, #tpu.memory_space<vmem>>
      %dma_start3A_95 = tpu.memref_squeeze %dma_start3A_94 : memref<1x128xi32, #tpu.memory_space<vmem>> -> memref<128xi32, #tpu.memory_space<vmem>>
      %dma_start3A_96 = arith.constant 0 : i32
      %dma_start3A_97 = arith.constant 0 : i32
      %dma_start3A_98 = tpu.memref_slice %arg2[%dma_start3A_96, %dma_start3A_97] : memref<10000x64xf32, #tpu.memory_space<hbm>> -> memref<10000x64xf32, #tpu.memory_space<hbm>>
      tpu.enqueue_indirect_dma source(%dma_start3A_98 : memref<10000x64xf32, #tpu.memory_space<hbm>>) target(%dma_start3A_92 : memref<128x64xf32, #tpu.memory_space<vmem>>) offsets(%dma_start3A_95 : memref<128xi32, #tpu.memory_space<vmem>>) semaphore(%arg10 : memref<!tpu.dma_semaphore, #tpu.memory_space<semaphore_mem>>)
      %mul3A_99 = arith.constant 3 : i32
      %mul3A_100 = arith.muli %while3A_67, %mul3A_99 : i32
      %add3A_101 = arith.constant 2 : i32
      %add3A_102 = arith.addi %mul3A_100, %add3A_101 : i32
      %dma_start3A_103 = arith.constant 2 : i32
      %dma_start3A_104 = arith.constant 0 : i32
      %dma_start3A_105 = arith.constant 0 : i32
      %dma_start3A_106 = tpu.memref_slice %arg8[%dma_start3A_103, %dma_start3A_104, %dma_start3A_105] : memref<3x128x64xf32, #tpu.memory_space<vmem>> -> memref<1x128x64xf32, #tpu.memory_space<vmem>>
      %dma_start3A_107 = tpu.memref_squeeze %dma_start3A_106 : memref<1x128x64xf32, #tpu.memory_space<vmem>> -> memref<128x64xf32, #tpu.memory_space<vmem>>
      %dma_start3A_108 = arith.constant 0 : i32
      %dma_start3A_109 = tpu.memref_slice %arg6[%add3A_102, %dma_start3A_108] : memref<99x128xi32, #tpu.memory_space<vmem>> -> memref<1x128xi32, #tpu.memory_space<vmem>>
      %dma_start3A_110 = tpu.memref_squeeze %dma_start3A_109 : memref<1x128xi32, #tpu.memory_space<vmem>> -> memref<128xi32, #tpu.memory_space<vmem>>
      %dma_start3A_111 = arith.constant 0 : i32
      %dma_start3A_112 = arith.constant 0 : i32
      %dma_start3A_113 = tpu.memref_slice %arg2[%dma_start3A_111, %dma_start3A_112] : memref<10000x64xf32, #tpu.memory_space<hbm>> -> memref<10000x64xf32, #tpu.memory_space<hbm>>
      tpu.enqueue_indirect_dma source(%dma_start3A_113 : memref<10000x64xf32, #tpu.memory_space<hbm>>) target(%dma_start3A_107 : memref<128x64xf32, #tpu.memory_space<vmem>>) offsets(%dma_start3A_110 : memref<128xi32, #tpu.memory_space<vmem>>) semaphore(%arg10 : memref<!tpu.dma_semaphore, #tpu.memory_space<semaphore_mem>>)
      %dma_wait3A_114 = arith.constant 0 : i32
      %dma_wait3A_115 = arith.constant 0 : i32
      %dma_wait3A_116 = arith.constant 0 : i32
      %dma_wait3A_117 = tpu.memref_slice %arg8[%dma_wait3A_114, %dma_wait3A_115, %dma_wait3A_116] : memref<3x128x64xf32, #tpu.memory_space<vmem>> -> memref<1x128x64xf32, #tpu.memory_space<vmem>>
      %dma_wait3A_118 = tpu.memref_squeeze %dma_wait3A_117 : memref<1x128x64xf32, #tpu.memory_space<vmem>> -> memref<128x64xf32, #tpu.memory_space<vmem>>
      %dma_wait3A_119 = arith.constant 0 : i32
      %dma_wait3A_120 = tpu.memref_slice %arg6[%add3A_72, %dma_wait3A_119] : memref<99x128xi32, #tpu.memory_space<vmem>> -> memref<1x128xi32, #tpu.memory_space<vmem>>
      %dma_wait3A_121 = tpu.memref_squeeze %dma_wait3A_120 : memref<1x128xi32, #tpu.memory_space<vmem>> -> memref<128xi32, #tpu.memory_space<vmem>>
      %dma_wait3A_122 = arith.constant 0 : i32
      %dma_wait3A_123 = arith.constant 0 : i32
      %dma_wait3A_124 = tpu.memref_slice %arg2[%dma_wait3A_122, %dma_wait3A_123] : memref<10000x64xf32, #tpu.memory_space<hbm>> -> memref<10000x64xf32, #tpu.memory_space<hbm>>
      tpu.wait_indirect_dma semaphore(%arg10 : memref<!tpu.dma_semaphore, #tpu.memory_space<semaphore_mem>>) src(%dma_wait3A_124 : memref<10000x64xf32, #tpu.memory_space<hbm>>) dst(%dma_wait3A_118 : memref<128x64xf32, #tpu.memory_space<vmem>>)
      %mul3A_125 = arith.constant 3 : i32
      %mul3A_126 = arith.muli %while3A_67, %mul3A_125 : i32
      %add3A_127 = arith.constant 0 : i32
      %add3A_128 = arith.addi %mul3A_126, %add3A_127 : i32
      %dma_start3A_129 = arith.constant 0 : i32
      %dma_start3A_130 = arith.constant 0 : i32
      %dma_start3A_131 = arith.constant 0 : i32
      %dma_start3A_132 = tpu.memref_slice %arg8[%dma_start3A_129, %dma_start3A_130, %dma_start3A_131] : memref<3x128x64xf32, #tpu.memory_space<vmem>> -> memref<1x128x64xf32, #tpu.memory_space<vmem>>
      %dma_start3A_133 = tpu.memref_squeeze %dma_start3A_132 : memref<1x128x64xf32, #tpu.memory_space<vmem>> -> memref<128x64xf32, #tpu.memory_space<vmem>>
      %dma_start3A_134 = arith.constant 0 : i32
      %dma_start3A_135 = tpu.memref_slice %arg7[%add3A_128, %dma_start3A_134] : memref<99x128xi32, #tpu.memory_space<vmem>> -> memref<1x128xi32, #tpu.memory_space<vmem>>
      %dma_start3A_136 = tpu.memref_squeeze %dma_start3A_135 : memref<1x128xi32, #tpu.memory_space<vmem>> -> memref<128xi32, #tpu.memory_space<vmem>>
      %dma_start3A_137 = arith.constant 0 : i32
      %dma_start3A_138 = arith.constant 0 : i32
      %dma_start3A_139 = tpu.memref_slice %arg9[%dma_start3A_137, %dma_start3A_138] : memref<10112x64xf32, #tpu.memory_space<vmem_shared>> -> memref<10112x64xf32, #tpu.memory_space<vmem_shared>>
      tpu.enqueue_indirect_dma source(%dma_start3A_133 : memref<128x64xf32, #tpu.memory_space<vmem>>) target(%dma_start3A_139 : memref<10112x64xf32, #tpu.memory_space<vmem_shared>>) offsets(%dma_start3A_136 : memref<128xi32, #tpu.memory_space<vmem>>) semaphore(%arg11 : memref<!tpu.dma_semaphore, #tpu.memory_space<semaphore_mem>>) {add = true}
      %dma_wait3A_140 = arith.constant 1 : i32
      %dma_wait3A_141 = arith.constant 0 : i32
      %dma_wait3A_142 = arith.constant 0 : i32
      %dma_wait3A_143 = tpu.memref_slice %arg8[%dma_wait3A_140, %dma_wait3A_141, %dma_wait3A_142] : memref<3x128x64xf32, #tpu.memory_space<vmem>> -> memref<1x128x64xf32, #tpu.memory_space<vmem>>
      %dma_wait3A_144 = tpu.memref_squeeze %dma_wait3A_143 : memref<1x128x64xf32, #tpu.memory_space<vmem>> -> memref<128x64xf32, #tpu.memory_space<vmem>>
      %dma_wait3A_145 = arith.constant 0 : i32
      %dma_wait3A_146 = tpu.memref_slice %arg6[%add3A_87, %dma_wait3A_145] : memref<99x128xi32, #tpu.memory_space<vmem>> -> memref<1x128xi32, #tpu.memory_space<vmem>>
      %dma_wait3A_147 = tpu.memref_squeeze %dma_wait3A_146 : memref<1x128xi32, #tpu.memory_space<vmem>> -> memref<128xi32, #tpu.memory_space<vmem>>
      %dma_wait3A_148 = arith.constant 0 : i32
      %dma_wait3A_149 = arith.constant 0 : i32
      %dma_wait3A_150 = tpu.memref_slice %arg2[%dma_wait3A_148, %dma_wait3A_149] : memref<10000x64xf32, #tpu.memory_space<hbm>> -> memref<10000x64xf32, #tpu.memory_space<hbm>>
      tpu.wait_indirect_dma semaphore(%arg10 : memref<!tpu.dma_semaphore, #tpu.memory_space<semaphore_mem>>) src(%dma_wait3A_150 : memref<10000x64xf32, #tpu.memory_space<hbm>>) dst(%dma_wait3A_144 : memref<128x64xf32, #tpu.memory_space<vmem>>)
      %mul3A_151 = arith.constant 3 : i32
      %mul3A_152 = arith.muli %while3A_67, %mul3A_151 : i32
      %add3A_153 = arith.constant 1 : i32
      %add3A_154 = arith.addi %mul3A_152, %add3A_153 : i32
      %dma_start3A_155 = arith.constant 1 : i32
      %dma_start3A_156 = arith.constant 0 : i32
      %dma_start3A_157 = arith.constant 0 : i32
      %dma_start3A_158 = tpu.memref_slice %arg8[%dma_start3A_155, %dma_start3A_156, %dma_start3A_157] : memref<3x128x64xf32, #tpu.memory_space<vmem>> -> memref<1x128x64xf32, #tpu.memory_space<vmem>>
      %dma_start3A_159 = tpu.memref_squeeze %dma_start3A_158 : memref<1x128x64xf32, #tpu.memory_space<vmem>> -> memref<128x64xf32, #tpu.memory_space<vmem>>
      %dma_start3A_160 = arith.constant 0 : i32
      %dma_start3A_161 = tpu.memref_slice %arg7[%add3A_154, %dma_start3A_160] : memref<99x128xi32, #tpu.memory_space<vmem>> -> memref<1x128xi32, #tpu.memory_space<vmem>>
      %dma_start3A_162 = tpu.memref_squeeze %dma_start3A_161 : memref<1x128xi32, #tpu.memory_space<vmem>> -> memref<128xi32, #tpu.memory_space<vmem>>
      %dma_start3A_163 = arith.constant 0 : i32
      %dma_start3A_164 = arith.constant 0 : i32
      %dma_start3A_165 = tpu.memref_slice %arg9[%dma_start3A_163, %dma_start3A_164] : memref<10112x64xf32, #tpu.memory_space<vmem_shared>> -> memref<10112x64xf32, #tpu.memory_space<vmem_shared>>
      tpu.enqueue_indirect_dma source(%dma_start3A_159 : memref<128x64xf32, #tpu.memory_space<vmem>>) target(%dma_start3A_165 : memref<10112x64xf32, #tpu.memory_space<vmem_shared>>) offsets(%dma_start3A_162 : memref<128xi32, #tpu.memory_space<vmem>>) semaphore(%arg11 : memref<!tpu.dma_semaphore, #tpu.memory_space<semaphore_mem>>) {add = true}
      %dma_wait3A_166 = arith.constant 2 : i32
      %dma_wait3A_167 = arith.constant 0 : i32
      %dma_wait3A_168 = arith.constant 0 : i32
      %dma_wait3A_169 = tpu.memref_slice %arg8[%dma_wait3A_166, %dma_wait3A_167, %dma_wait3A_168] : memref<3x128x64xf32, #tpu.memory_space<vmem>> -> memref<1x128x64xf32, #tpu.memory_space<vmem>>
      %dma_wait3A_170 = tpu.memref_squeeze %dma_wait3A_169 : memref<1x128x64xf32, #tpu.memory_space<vmem>> -> memref<128x64xf32, #tpu.memory_space<vmem>>
      %dma_wait3A_171 = arith.constant 0 : i32
      %dma_wait3A_172 = tpu.memref_slice %arg6[%add3A_102, %dma_wait3A_171] : memref<99x128xi32, #tpu.memory_space<vmem>> -> memref<1x128xi32, #tpu.memory_space<vmem>>
      %dma_wait3A_173 = tpu.memref_squeeze %dma_wait3A_172 : memref<1x128xi32, #tpu.memory_space<vmem>> -> memref<128xi32, #tpu.memory_space<vmem>>
      %dma_wait3A_174 = arith.constant 0 : i32
      %dma_wait3A_175 = arith.constant 0 : i32
      %dma_wait3A_176 = tpu.memref_slice %arg2[%dma_wait3A_174, %dma_wait3A_175] : memref<10000x64xf32, #tpu.memory_space<hbm>> -> memref<10000x64xf32, #tpu.memory_space<hbm>>
      tpu.wait_indirect_dma semaphore(%arg10 : memref<!tpu.dma_semaphore, #tpu.memory_space<semaphore_mem>>) src(%dma_wait3A_176 : memref<10000x64xf32, #tpu.memory_space<hbm>>) dst(%dma_wait3A_170 : memref<128x64xf32, #tpu.memory_space<vmem>>)
      %mul3A_177 = arith.constant 3 : i32
      %mul3A_178 = arith.muli %while3A_67, %mul3A_177 : i32
      %add3A_179 = arith.constant 2 : i32
      %add3A_180 = arith.addi %mul3A_178, %add3A_179 : i32
      %dma_start3A_181 = arith.constant 2 : i32
      %dma_start3A_182 = arith.constant 0 : i32
      %dma_start3A_183 = arith.constant 0 : i32
      %dma_start3A_184 = tpu.memref_slice %arg8[%dma_start3A_181, %dma_start3A_182, %dma_start3A_183] : memref<3x128x64xf32, #tpu.memory_space<vmem>> -> memref<1x128x64xf32, #tpu.memory_space<vmem>>
      %dma_start3A_185 = tpu.memref_squeeze %dma_start3A_184 : memref<1x128x64xf32, #tpu.memory_space<vmem>> -> memref<128x64xf32, #tpu.memory_space<vmem>>
      %dma_start3A_186 = arith.constant 0 : i32
      %dma_start3A_187 = tpu.memref_slice %arg7[%add3A_180, %dma_start3A_186] : memref<99x128xi32, #tpu.memory_space<vmem>> -> memref<1x128xi32, #tpu.memory_space<vmem>>
      %dma_start3A_188 = tpu.memref_squeeze %dma_start3A_187 : memref<1x128xi32, #tpu.memory_space<vmem>> -> memref<128xi32, #tpu.memory_space<vmem>>
      %dma_start3A_189 = arith.constant 0 : i32
      %dma_start3A_190 = arith.constant 0 : i32
      %dma_start3A_191 = tpu.memref_slice %arg9[%dma_start3A_189, %dma_start3A_190] : memref<10112x64xf32, #tpu.memory_space<vmem_shared>> -> memref<10112x64xf32, #tpu.memory_space<vmem_shared>>
      tpu.enqueue_indirect_dma source(%dma_start3A_185 : memref<128x64xf32, #tpu.memory_space<vmem>>) target(%dma_start3A_191 : memref<10112x64xf32, #tpu.memory_space<vmem_shared>>) offsets(%dma_start3A_188 : memref<128xi32, #tpu.memory_space<vmem>>) semaphore(%arg11 : memref<!tpu.dma_semaphore, #tpu.memory_space<semaphore_mem>>) {add = true}
      %dma_wait3A_192 = arith.constant 0 : i32
      %dma_wait3A_193 = arith.constant 0 : i32
      %dma_wait3A_194 = arith.constant 0 : i32
      %dma_wait3A_195 = tpu.memref_slice %arg8[%dma_wait3A_192, %dma_wait3A_193, %dma_wait3A_194] : memref<3x128x64xf32, #tpu.memory_space<vmem>> -> memref<1x128x64xf32, #tpu.memory_space<vmem>>
      %dma_wait3A_196 = tpu.memref_squeeze %dma_wait3A_195 : memref<1x128x64xf32, #tpu.memory_space<vmem>> -> memref<128x64xf32, #tpu.memory_space<vmem>>
      %dma_wait3A_197 = arith.constant 0 : i32
      %dma_wait3A_198 = tpu.memref_slice %arg7[%add3A_128, %dma_wait3A_197] : memref<99x128xi32, #tpu.memory_space<vmem>> -> memref<1x128xi32, #tpu.memory_space<vmem>>
      %dma_wait3A_199 = tpu.memref_squeeze %dma_wait3A_198 : memref<1x128xi32, #tpu.memory_space<vmem>> -> memref<128xi32, #tpu.memory_space<vmem>>
      %dma_wait3A_200 = arith.constant 0 : i32
      %dma_wait3A_201 = arith.constant 0 : i32
      %dma_wait3A_202 = tpu.memref_slice %arg9[%dma_wait3A_200, %dma_wait3A_201] : memref<10112x64xf32, #tpu.memory_space<vmem_shared>> -> memref<10112x64xf32, #tpu.memory_space<vmem_shared>>
      tpu.wait_indirect_dma semaphore(%arg11 : memref<!tpu.dma_semaphore, #tpu.memory_space<semaphore_mem>>) src(%dma_wait3A_196 : memref<128x64xf32, #tpu.memory_space<vmem>>) dst(%dma_wait3A_202 : memref<10112x64xf32, #tpu.memory_space<vmem_shared>>)
      %dma_wait3A_203 = arith.constant 1 : i32
      %dma_wait3A_204 = arith.constant 0 : i32
      %dma_wait3A_205 = arith.constant 0 : i32
      %dma_wait3A_206 = tpu.memref_slice %arg8[%dma_wait3A_203, %dma_wait3A_204, %dma_wait3A_205] : memref<3x128x64xf32, #tpu.memory_space<vmem>> -> memref<1x128x64xf32, #tpu.memory_space<vmem>>
      %dma_wait3A_207 = tpu.memref_squeeze %dma_wait3A_206 : memref<1x128x64xf32, #tpu.memory_space<vmem>> -> memref<128x64xf32, #tpu.memory_space<vmem>>
      %dma_wait3A_208 = arith.constant 0 : i32
      %dma_wait3A_209 = tpu.memref_slice %arg7[%add3A_154, %dma_wait3A_208] : memref<99x128xi32, #tpu.memory_space<vmem>> -> memref<1x128xi32, #tpu.memory_space<vmem>>
      %dma_wait3A_210 = tpu.memref_squeeze %dma_wait3A_209 : memref<1x128xi32, #tpu.memory_space<vmem>> -> memref<128xi32, #tpu.memory_space<vmem>>
      %dma_wait3A_211 = arith.constant 0 : i32
      %dma_wait3A_212 = arith.constant 0 : i32
      %dma_wait3A_213 = tpu.memref_slice %arg9[%dma_wait3A_211, %dma_wait3A_212] : memref<10112x64xf32, #tpu.memory_space<vmem_shared>> -> memref<10112x64xf32, #tpu.memory_space<vmem_shared>>
      tpu.wait_indirect_dma semaphore(%arg11 : memref<!tpu.dma_semaphore, #tpu.memory_space<semaphore_mem>>) src(%dma_wait3A_207 : memref<128x64xf32, #tpu.memory_space<vmem>>) dst(%dma_wait3A_213 : memref<10112x64xf32, #tpu.memory_space<vmem_shared>>)
      %dma_wait3A_214 = arith.constant 2 : i32
      %dma_wait3A_215 = arith.constant 0 : i32
      %dma_wait3A_216 = arith.constant 0 : i32
      %dma_wait3A_217 = tpu.memref_slice %arg8[%dma_wait3A_214, %dma_wait3A_215, %dma_wait3A_216] : memref<3x128x64xf32, #tpu.memory_space<vmem>> -> memref<1x128x64xf32, #tpu.memory_space<vmem>>
      %dma_wait3A_218 = tpu.memref_squeeze %dma_wait3A_217 : memref<1x128x64xf32, #tpu.memory_space<vmem>> -> memref<128x64xf32, #tpu.memory_space<vmem>>
      %dma_wait3A_219 = arith.constant 0 : i32
      %dma_wait3A_220 = tpu.memref_slice %arg7[%add3A_180, %dma_wait3A_219] : memref<99x128xi32, #tpu.memory_space<vmem>> -> memref<1x128xi32, #tpu.memory_space<vmem>>
      %dma_wait3A_221 = tpu.memref_squeeze %dma_wait3A_220 : memref<1x128xi32, #tpu.memory_space<vmem>> -> memref<128xi32, #tpu.memory_space<vmem>>
      %dma_wait3A_222 = arith.constant 0 : i32
      %dma_wait3A_223 = arith.constant 0 : i32
      %dma_wait3A_224 = tpu.memref_slice %arg9[%dma_wait3A_222, %dma_wait3A_223] : memref<10112x64xf32, #tpu.memory_space<vmem_shared>> -> memref<10112x64xf32, #tpu.memory_space<vmem_shared>>
      tpu.wait_indirect_dma semaphore(%arg11 : memref<!tpu.dma_semaphore, #tpu.memory_space<semaphore_mem>>) src(%dma_wait3A_218 : memref<128x64xf32, #tpu.memory_space<vmem>>) dst(%dma_wait3A_224 : memref<10112x64xf32, #tpu.memory_space<vmem_shared>>)
      %while3A_225 = arith.constant 0 : i32
      scf.yield %while3A_225 : i32
    }
    %barrier3A_66 = arith.constant 0 : index
    tpu.barrier barrier_id(%barrier3A_66)
    "tpu.region"() ({
      %run_scoped3A_67 = tpu.sem_alloc : memref<!tpu.dma_semaphore, #tpu.memory_space<semaphore_mem>>
      %dma_start3A_68 = arith.constant 0 : i32
      %dma_start3A_69 = tpu.memref_slice %arg5[%arg0, %mul3A_23, %dma_start3A_68] : memref<2x10112x64xf32, #tpu.memory_space<hbm>> -> memref<1x632x64xf32, #tpu.memory_space<hbm>>
      %dma_start3A_70 = tpu.memref_squeeze %dma_start3A_69 : memref<1x632x64xf32, #tpu.memory_space<hbm>> -> memref<632x64xf32, #tpu.memory_space<hbm>>
      %dma_start3A_71 = arith.constant 0 : i32
      %dma_start3A_72 = tpu.memref_slice %arg9[%mul3A_23, %dma_start3A_71] : memref<10112x64xf32, #tpu.memory_space<vmem_shared>> -> memref<632x64xf32, #tpu.memory_space<vmem_shared>>
      tpu.enqueue_dma source(%dma_start3A_72 : memref<632x64xf32, #tpu.memory_space<vmem_shared>>) target(%dma_start3A_70 : memref<632x64xf32, #tpu.memory_space<hbm>>) target_semaphore(%run_scoped3A_67 : memref<!tpu.dma_semaphore, #tpu.memory_space<semaphore_mem>>)
      %dma_wait3A_73 = arith.constant 0 : i32
      %dma_wait3A_74 = tpu.memref_slice %arg5[%arg0, %mul3A_23, %dma_wait3A_73] : memref<2x10112x64xf32, #tpu.memory_space<hbm>> -> memref<1x632x64xf32, #tpu.memory_space<hbm>>
      %dma_wait3A_75 = tpu.memref_squeeze %dma_wait3A_74 : memref<1x632x64xf32, #tpu.memory_space<hbm>> -> memref<632x64xf32, #tpu.memory_space<hbm>>
      %dma_wait3A_76 = arith.constant 0 : i32
      %dma_wait3A_77 = tpu.memref_slice %arg9[%mul3A_23, %dma_wait3A_76] : memref<10112x64xf32, #tpu.memory_space<vmem_shared>> -> memref<632x64xf32, #tpu.memory_space<vmem_shared>>
      tpu.wait_dma2 semaphore(%run_scoped3A_67 : memref<!tpu.dma_semaphore, #tpu.memory_space<semaphore_mem>>) src(%dma_wait3A_77 : memref<632x64xf32, #tpu.memory_space<vmem_shared>>) dst(%dma_wait3A_75 : memref<632x64xf32, #tpu.memory_space<hbm>>)
      tpu.yield
    }) : () -> ()
    return
  }
}

#map = affine_map<(d0, d1) -> (0, 0)>
#map1 = affine_map<(d0, d1) -> (0, 0, 0)>
module attributes {stable_mosaic.version = 14 : i64} {
  func.func @sc_aggregate_128(%arg0: i32, %arg1: i32, %arg2: memref<10000x128xf32, #tpu.memory_space<hbm>>, %arg3: memref<32x198x64xi32, #tpu.memory_space<hbm>>, %arg4: memref<32x198x64xi32, #tpu.memory_space<hbm>>, %arg5: memref<2x10112x128xf32, #tpu.memory_space<hbm>>, %arg6: memref<198x64xi32, #tpu.memory_space<vmem>>, %arg7: memref<198x64xi32, #tpu.memory_space<vmem>>, %arg8: memref<3x64x128xf32, #tpu.memory_space<vmem>>, %arg9: memref<10112x128xf32, #tpu.memory_space<vmem_shared>>, %arg10: memref<!tpu.dma_semaphore, #tpu.memory_space<semaphore_mem>>, %arg11: memref<!tpu.dma_semaphore, #tpu.memory_space<semaphore_mem>>) attributes {dimension_semantics = [#tpu.dimension_semantics<core_parallel>, #tpu.dimension_semantics<subcore_parallel>], iteration_bounds = array<i64: 2, 16>, scalar_prefetch = 0 : i64, scratch_operands = 6 : i64, tpu.core_type = #tpu.core_type<sc_vector_subcore>, window_params = [{transform_indices = #map}, {transform_indices = #map1}, {transform_indices = #map1}, {transform_indices = #map1}]} {
    %mul3A = arith.constant 16 : i32
    %mul3A_0 = arith.muli %arg0, %mul3A : i32
    %add3A = arith.addi %mul3A_0, %arg1 : i32
    %dma_start3A = arith.constant 0 : i32
    %dma_start3A_1 = arith.constant 0 : i32
    %dma_start3A_2 = tpu.memref_slice %arg3[%add3A, %dma_start3A, %dma_start3A_1] : memref<32x198x64xi32, #tpu.memory_space<hbm>> -> memref<1x198x64xi32, #tpu.memory_space<hbm>>
    %dma_start3A_3 = tpu.memref_squeeze %dma_start3A_2 : memref<1x198x64xi32, #tpu.memory_space<hbm>> -> memref<198x64xi32, #tpu.memory_space<hbm>>
    %dma_start3A_4 = arith.constant 0 : i32
    %dma_start3A_5 = arith.constant 0 : i32
    %dma_start3A_6 = tpu.memref_slice %arg3[%add3A, %dma_start3A_4, %dma_start3A_5] : memref<32x198x64xi32, #tpu.memory_space<hbm>> -> memref<1x198x64xi32, #tpu.memory_space<hbm>>
    %dma_start3A_7 = tpu.memref_squeeze %dma_start3A_6 : memref<1x198x64xi32, #tpu.memory_space<hbm>> -> memref<198x64xi32, #tpu.memory_space<hbm>>
    tpu.enqueue_dma source(%dma_start3A_7 : memref<198x64xi32, #tpu.memory_space<hbm>>) target(%arg6 : memref<198x64xi32, #tpu.memory_space<vmem>>) target_semaphore(%arg10 : memref<!tpu.dma_semaphore, #tpu.memory_space<semaphore_mem>>)
    %dma_start3A_8 = arith.constant 0 : i32
    %dma_start3A_9 = arith.constant 0 : i32
    %dma_start3A_10 = tpu.memref_slice %arg4[%add3A, %dma_start3A_8, %dma_start3A_9] : memref<32x198x64xi32, #tpu.memory_space<hbm>> -> memref<1x198x64xi32, #tpu.memory_space<hbm>>
    %dma_start3A_11 = tpu.memref_squeeze %dma_start3A_10 : memref<1x198x64xi32, #tpu.memory_space<hbm>> -> memref<198x64xi32, #tpu.memory_space<hbm>>
    %dma_start3A_12 = arith.constant 0 : i32
    %dma_start3A_13 = arith.constant 0 : i32
    %dma_start3A_14 = tpu.memref_slice %arg4[%add3A, %dma_start3A_12, %dma_start3A_13] : memref<32x198x64xi32, #tpu.memory_space<hbm>> -> memref<1x198x64xi32, #tpu.memory_space<hbm>>
    %dma_start3A_15 = tpu.memref_squeeze %dma_start3A_14 : memref<1x198x64xi32, #tpu.memory_space<hbm>> -> memref<198x64xi32, #tpu.memory_space<hbm>>
    tpu.enqueue_dma source(%dma_start3A_15 : memref<198x64xi32, #tpu.memory_space<hbm>>) target(%arg7 : memref<198x64xi32, #tpu.memory_space<vmem>>) target_semaphore(%arg11 : memref<!tpu.dma_semaphore, #tpu.memory_space<semaphore_mem>>)
    %scan3A = arith.constant 0 : i32
    %scan3A_16 = arith.constant 0 : i32
    %scan3A_17 = arith.constant 64 : i32
    %scan3A_18 = arith.addi %scan3A_16, %scan3A_17 : i32
    %scan3A_19 = arith.constant 1 : i32
    %scan3A_20 = scf.for %scan3A_82 = %scan3A_16 to %scan3A_18 step %scan3A_19 iter_args(%scan3A_83 = %scan3A) -> (i32)  : i32 {
      %broadcast_in_dim3A = arith.constant 0.000000e+00 : f32
      %broadcast_in_dim3A_84 = vector.broadcast %broadcast_in_dim3A : f32 to vector<16xf32>
      %swap3A = arith.constant 0 : i32
      %swap3A_85 = arith.constant 0 : i32
      %swap3A_86 = arith.constant 0 : i32
      %swap3A_87 = tpu.memref_slice %arg8[%swap3A, %swap3A_85, %swap3A_86] : memref<3x64x128xf32, #tpu.memory_space<vmem>> -> memref<1x64x128xf32, #tpu.memory_space<vmem>>
      %swap3A_88 = tpu.memref_squeeze %swap3A_87 : memref<1x64x128xf32, #tpu.memory_space<vmem>> -> memref<64x128xf32, #tpu.memory_space<vmem>>
      %swap3A_89 = arith.index_cast %scan3A_82 : i32 to index
      %swap3A_90 = arith.constant 0 : index
      %swap3A_91 = tpu.vector_load %swap3A_88[%swap3A_89, %swap3A_90] {strides = array<i32>} : memref<64x128xf32, #tpu.memory_space<vmem>>, vector<1x16xf32>,
      %swap3A_92 = vector.shape_cast %swap3A_91 : vector<1x16xf32> to vector<16xf32>
      %swap3A_93 = vector.shape_cast %broadcast_in_dim3A_84 : vector<16xf32> to vector<1x16xf32>
      tpu.vector_store %swap3A_88[%swap3A_89, %swap3A_90], %swap3A_93 {strides = array<i32>} : memref<64x128xf32, #tpu.memory_space<vmem>>, vector<1x16xf32>,
      %swap3A_94 = arith.constant 0 : i32
      %swap3A_95 = arith.constant 0 : i32
      %swap3A_96 = arith.constant 0 : i32
      %swap3A_97 = tpu.memref_slice %arg8[%swap3A_94, %swap3A_95, %swap3A_96] : memref<3x64x128xf32, #tpu.memory_space<vmem>> -> memref<1x64x128xf32, #tpu.memory_space<vmem>>
      %swap3A_98 = tpu.memref_squeeze %swap3A_97 : memref<1x64x128xf32, #tpu.memory_space<vmem>> -> memref<64x128xf32, #tpu.memory_space<vmem>>
      %swap3A_99 = arith.index_cast %scan3A_82 : i32 to index
      %swap3A_100 = arith.constant 16 : index
      %swap3A_101 = tpu.vector_load %swap3A_98[%swap3A_99, %swap3A_100] {strides = array<i32>} : memref<64x128xf32, #tpu.memory_space<vmem>>, vector<1x16xf32>,
      %swap3A_102 = vector.shape_cast %swap3A_101 : vector<1x16xf32> to vector<16xf32>
      %swap3A_103 = vector.shape_cast %broadcast_in_dim3A_84 : vector<16xf32> to vector<1x16xf32>
      tpu.vector_store %swap3A_98[%swap3A_99, %swap3A_100], %swap3A_103 {strides = array<i32>} : memref<64x128xf32, #tpu.memory_space<vmem>>, vector<1x16xf32>,
      %swap3A_104 = arith.constant 0 : i32
      %swap3A_105 = arith.constant 0 : i32
      %swap3A_106 = arith.constant 0 : i32
      %swap3A_107 = tpu.memref_slice %arg8[%swap3A_104, %swap3A_105, %swap3A_106] : memref<3x64x128xf32, #tpu.memory_space<vmem>> -> memref<1x64x128xf32, #tpu.memory_space<vmem>>
      %swap3A_108 = tpu.memref_squeeze %swap3A_107 : memref<1x64x128xf32, #tpu.memory_space<vmem>> -> memref<64x128xf32, #tpu.memory_space<vmem>>
      %swap3A_109 = arith.index_cast %scan3A_82 : i32 to index
      %swap3A_110 = arith.constant 32 : index
      %swap3A_111 = tpu.vector_load %swap3A_108[%swap3A_109, %swap3A_110] {strides = array<i32>} : memref<64x128xf32, #tpu.memory_space<vmem>>, vector<1x16xf32>,
      %swap3A_112 = vector.shape_cast %swap3A_111 : vector<1x16xf32> to vector<16xf32>
      %swap3A_113 = vector.shape_cast %broadcast_in_dim3A_84 : vector<16xf32> to vector<1x16xf32>
      tpu.vector_store %swap3A_108[%swap3A_109, %swap3A_110], %swap3A_113 {strides = array<i32>} : memref<64x128xf32, #tpu.memory_space<vmem>>, vector<1x16xf32>,
      %swap3A_114 = arith.constant 0 : i32
      %swap3A_115 = arith.constant 0 : i32
      %swap3A_116 = arith.constant 0 : i32
      %swap3A_117 = tpu.memref_slice %arg8[%swap3A_114, %swap3A_115, %swap3A_116] : memref<3x64x128xf32, #tpu.memory_space<vmem>> -> memref<1x64x128xf32, #tpu.memory_space<vmem>>
      %swap3A_118 = tpu.memref_squeeze %swap3A_117 : memref<1x64x128xf32, #tpu.memory_space<vmem>> -> memref<64x128xf32, #tpu.memory_space<vmem>>
      %swap3A_119 = arith.index_cast %scan3A_82 : i32 to index
      %swap3A_120 = arith.constant 48 : index
      %swap3A_121 = tpu.vector_load %swap3A_118[%swap3A_119, %swap3A_120] {strides = array<i32>} : memref<64x128xf32, #tpu.memory_space<vmem>>, vector<1x16xf32>,
      %swap3A_122 = vector.shape_cast %swap3A_121 : vector<1x16xf32> to vector<16xf32>
      %swap3A_123 = vector.shape_cast %broadcast_in_dim3A_84 : vector<16xf32> to vector<1x16xf32>
      tpu.vector_store %swap3A_118[%swap3A_119, %swap3A_120], %swap3A_123 {strides = array<i32>} : memref<64x128xf32, #tpu.memory_space<vmem>>, vector<1x16xf32>,
      %swap3A_124 = arith.constant 0 : i32
      %swap3A_125 = arith.constant 0 : i32
      %swap3A_126 = arith.constant 0 : i32
      %swap3A_127 = tpu.memref_slice %arg8[%swap3A_124, %swap3A_125, %swap3A_126] : memref<3x64x128xf32, #tpu.memory_space<vmem>> -> memref<1x64x128xf32, #tpu.memory_space<vmem>>
      %swap3A_128 = tpu.memref_squeeze %swap3A_127 : memref<1x64x128xf32, #tpu.memory_space<vmem>> -> memref<64x128xf32, #tpu.memory_space<vmem>>
      %swap3A_129 = arith.index_cast %scan3A_82 : i32 to index
      %swap3A_130 = arith.constant 64 : index
      %swap3A_131 = tpu.vector_load %swap3A_128[%swap3A_129, %swap3A_130] {strides = array<i32>} : memref<64x128xf32, #tpu.memory_space<vmem>>, vector<1x16xf32>,
      %swap3A_132 = vector.shape_cast %swap3A_131 : vector<1x16xf32> to vector<16xf32>
      %swap3A_133 = vector.shape_cast %broadcast_in_dim3A_84 : vector<16xf32> to vector<1x16xf32>
      tpu.vector_store %swap3A_128[%swap3A_129, %swap3A_130], %swap3A_133 {strides = array<i32>} : memref<64x128xf32, #tpu.memory_space<vmem>>, vector<1x16xf32>,
      %swap3A_134 = arith.constant 0 : i32
      %swap3A_135 = arith.constant 0 : i32
      %swap3A_136 = arith.constant 0 : i32
      %swap3A_137 = tpu.memref_slice %arg8[%swap3A_134, %swap3A_135, %swap3A_136] : memref<3x64x128xf32, #tpu.memory_space<vmem>> -> memref<1x64x128xf32, #tpu.memory_space<vmem>>
      %swap3A_138 = tpu.memref_squeeze %swap3A_137 : memref<1x64x128xf32, #tpu.memory_space<vmem>> -> memref<64x128xf32, #tpu.memory_space<vmem>>
      %swap3A_139 = arith.index_cast %scan3A_82 : i32 to index
      %swap3A_140 = arith.constant 80 : index
      %swap3A_141 = tpu.vector_load %swap3A_138[%swap3A_139, %swap3A_140] {strides = array<i32>} : memref<64x128xf32, #tpu.memory_space<vmem>>, vector<1x16xf32>,
      %swap3A_142 = vector.shape_cast %swap3A_141 : vector<1x16xf32> to vector<16xf32>
      %swap3A_143 = vector.shape_cast %broadcast_in_dim3A_84 : vector<16xf32> to vector<1x16xf32>
      tpu.vector_store %swap3A_138[%swap3A_139, %swap3A_140], %swap3A_143 {strides = array<i32>} : memref<64x128xf32, #tpu.memory_space<vmem>>, vector<1x16xf32>,
      %swap3A_144 = arith.constant 0 : i32
      %swap3A_145 = arith.constant 0 : i32
      %swap3A_146 = arith.constant 0 : i32
      %swap3A_147 = tpu.memref_slice %arg8[%swap3A_144, %swap3A_145, %swap3A_146] : memref<3x64x128xf32, #tpu.memory_space<vmem>> -> memref<1x64x128xf32, #tpu.memory_space<vmem>>
      %swap3A_148 = tpu.memref_squeeze %swap3A_147 : memref<1x64x128xf32, #tpu.memory_space<vmem>> -> memref<64x128xf32, #tpu.memory_space<vmem>>
      %swap3A_149 = arith.index_cast %scan3A_82 : i32 to index
      %swap3A_150 = arith.constant 96 : index
      %swap3A_151 = tpu.vector_load %swap3A_148[%swap3A_149, %swap3A_150] {strides = array<i32>} : memref<64x128xf32, #tpu.memory_space<vmem>>, vector<1x16xf32>,
      %swap3A_152 = vector.shape_cast %swap3A_151 : vector<1x16xf32> to vector<16xf32>
      %swap3A_153 = vector.shape_cast %broadcast_in_dim3A_84 : vector<16xf32> to vector<1x16xf32>
      tpu.vector_store %swap3A_148[%swap3A_149, %swap3A_150], %swap3A_153 {strides = array<i32>} : memref<64x128xf32, #tpu.memory_space<vmem>>, vector<1x16xf32>,
      %swap3A_154 = arith.constant 0 : i32
      %swap3A_155 = arith.constant 0 : i32
      %swap3A_156 = arith.constant 0 : i32
      %swap3A_157 = tpu.memref_slice %arg8[%swap3A_154, %swap3A_155, %swap3A_156] : memref<3x64x128xf32, #tpu.memory_space<vmem>> -> memref<1x64x128xf32, #tpu.memory_space<vmem>>
      %swap3A_158 = tpu.memref_squeeze %swap3A_157 : memref<1x64x128xf32, #tpu.memory_space<vmem>> -> memref<64x128xf32, #tpu.memory_space<vmem>>
      %swap3A_159 = arith.index_cast %scan3A_82 : i32 to index
      %swap3A_160 = arith.constant 112 : index
      %swap3A_161 = tpu.vector_load %swap3A_158[%swap3A_159, %swap3A_160] {strides = array<i32>} : memref<64x128xf32, #tpu.memory_space<vmem>>, vector<1x16xf32>,
      %swap3A_162 = vector.shape_cast %swap3A_161 : vector<1x16xf32> to vector<16xf32>
      %swap3A_163 = vector.shape_cast %broadcast_in_dim3A_84 : vector<16xf32> to vector<1x16xf32>
      tpu.vector_store %swap3A_158[%swap3A_159, %swap3A_160], %swap3A_163 {strides = array<i32>} : memref<64x128xf32, #tpu.memory_space<vmem>>, vector<1x16xf32>,
      %scan3A_164 = arith.constant 0 : i32
      scf.yield %scan3A_164 : i32
    }
    %scan3A_21 = arith.constant 64 : i32
    %mul3A_22 = arith.constant 632 : i32
    %mul3A_23 = arith.muli %arg1, %mul3A_22 : i32
    %add3A_24 = arith.constant 0 : i32
    %add3A_25 = arith.addi %mul3A_23, %add3A_24 : i32
    %run_scoped3A = arith.constant 0 : i32
    "tpu.region"() ({
      %run_scoped3A_82 = tpu.sem_alloc : memref<!tpu.dma_semaphore, #tpu.memory_space<semaphore_mem>>
      %dma_start3A_83 = arith.constant 0 : i32
      %dma_start3A_84 = arith.constant 0 : i32
      %dma_start3A_85 = tpu.memref_slice %arg8[%run_scoped3A, %dma_start3A_83, %dma_start3A_84] : memref<3x64x128xf32, #tpu.memory_space<vmem>> -> memref<1x64x128xf32, #tpu.memory_space<vmem>>
      %dma_start3A_86 = tpu.memref_squeeze %dma_start3A_85 : memref<1x64x128xf32, #tpu.memory_space<vmem>> -> memref<64x128xf32, #tpu.memory_space<vmem>>
      %dma_start3A_87 = arith.constant 0 : i32
      %dma_start3A_88 = tpu.memref_slice %arg9[%add3A_25, %dma_start3A_87] : memref<10112x128xf32, #tpu.memory_space<vmem_shared>> -> memref<64x128xf32, #tpu.memory_space<vmem_shared>>
      %dma_start3A_89 = arith.constant 0 : i32
      %dma_start3A_90 = tpu.memref_slice %arg9[%add3A_25, %dma_start3A_89] : memref<10112x128xf32, #tpu.memory_space<vmem_shared>> -> memref<64x128xf32, #tpu.memory_space<vmem_shared>>
      %dma_start3A_91 = arith.constant 0 : i32
      %dma_start3A_92 = arith.constant 0 : i32
      %dma_start3A_93 = tpu.memref_slice %arg8[%run_scoped3A, %dma_start3A_91, %dma_start3A_92] : memref<3x64x128xf32, #tpu.memory_space<vmem>> -> memref<1x64x128xf32, #tpu.memory_space<vmem>>
      %dma_start3A_94 = tpu.memref_squeeze %dma_start3A_93 : memref<1x64x128xf32, #tpu.memory_space<vmem>> -> memref<64x128xf32, #tpu.memory_space<vmem>>
      tpu.enqueue_dma source(%dma_start3A_94 : memref<64x128xf32, #tpu.memory_space<vmem>>) target(%dma_start3A_90 : memref<64x128xf32, #tpu.memory_space<vmem_shared>>) target_semaphore(%run_scoped3A_82 : memref<!tpu.dma_semaphore, #tpu.memory_space<semaphore_mem>>)
      %dma_wait3A_95 = arith.constant 0 : i32
      %dma_wait3A_96 = arith.constant 0 : i32
      %dma_wait3A_97 = tpu.memref_slice %arg8[%run_scoped3A, %dma_wait3A_95, %dma_wait3A_96] : memref<3x64x128xf32, #tpu.memory_space<vmem>> -> memref<1x64x128xf32, #tpu.memory_space<vmem>>
      %dma_wait3A_98 = tpu.memref_squeeze %dma_wait3A_97 : memref<1x64x128xf32, #tpu.memory_space<vmem>> -> memref<64x128xf32, #tpu.memory_space<vmem>>
      %dma_wait3A_99 = arith.constant 0 : i32
      %dma_wait3A_100 = tpu.memref_slice %arg9[%add3A_25, %dma_wait3A_99] : memref<10112x128xf32, #tpu.memory_space<vmem_shared>> -> memref<64x128xf32, #tpu.memory_space<vmem_shared>>
      %dma_wait3A_101 = arith.constant 0 : i32
      %dma_wait3A_102 = tpu.memref_slice %arg9[%add3A_25, %dma_wait3A_101] : memref<10112x128xf32, #tpu.memory_space<vmem_shared>> -> memref<64x128xf32, #tpu.memory_space<vmem_shared>>
      %dma_wait3A_103 = arith.constant 0 : i32
      %dma_wait3A_104 = arith.constant 0 : i32
      %dma_wait3A_105 = tpu.memref_slice %arg8[%run_scoped3A, %dma_wait3A_103, %dma_wait3A_104] : memref<3x64x128xf32, #tpu.memory_space<vmem>> -> memref<1x64x128xf32, #tpu.memory_space<vmem>>
      %dma_wait3A_106 = tpu.memref_squeeze %dma_wait3A_105 : memref<1x64x128xf32, #tpu.memory_space<vmem>> -> memref<64x128xf32, #tpu.memory_space<vmem>>
      tpu.wait_dma2 semaphore(%run_scoped3A_82 : memref<!tpu.dma_semaphore, #tpu.memory_space<semaphore_mem>>) src(%dma_wait3A_106 : memref<64x128xf32, #tpu.memory_space<vmem>>) dst(%dma_wait3A_102 : memref<64x128xf32, #tpu.memory_space<vmem_shared>>)
      tpu.yield
    }) : () -> ()
    %add3A_26 = arith.constant 64 : i32
    %add3A_27 = arith.addi %mul3A_23, %add3A_26 : i32
    %run_scoped3A_28 = arith.constant 0 : i32
    "tpu.region"() ({
      %run_scoped3A_82 = tpu.sem_alloc : memref<!tpu.dma_semaphore, #tpu.memory_space<semaphore_mem>>
      %dma_start3A_83 = arith.constant 0 : i32
      %dma_start3A_84 = arith.constant 0 : i32
      %dma_start3A_85 = tpu.memref_slice %arg8[%run_scoped3A_28, %dma_start3A_83, %dma_start3A_84] : memref<3x64x128xf32, #tpu.memory_space<vmem>> -> memref<1x64x128xf32, #tpu.memory_space<vmem>>
      %dma_start3A_86 = tpu.memref_squeeze %dma_start3A_85 : memref<1x64x128xf32, #tpu.memory_space<vmem>> -> memref<64x128xf32, #tpu.memory_space<vmem>>
      %dma_start3A_87 = arith.constant 0 : i32
      %dma_start3A_88 = tpu.memref_slice %arg9[%add3A_27, %dma_start3A_87] : memref<10112x128xf32, #tpu.memory_space<vmem_shared>> -> memref<64x128xf32, #tpu.memory_space<vmem_shared>>
      %dma_start3A_89 = arith.constant 0 : i32
      %dma_start3A_90 = tpu.memref_slice %arg9[%add3A_27, %dma_start3A_89] : memref<10112x128xf32, #tpu.memory_space<vmem_shared>> -> memref<64x128xf32, #tpu.memory_space<vmem_shared>>
      %dma_start3A_91 = arith.constant 0 : i32
      %dma_start3A_92 = arith.constant 0 : i32
      %dma_start3A_93 = tpu.memref_slice %arg8[%run_scoped3A_28, %dma_start3A_91, %dma_start3A_92] : memref<3x64x128xf32, #tpu.memory_space<vmem>> -> memref<1x64x128xf32, #tpu.memory_space<vmem>>
      %dma_start3A_94 = tpu.memref_squeeze %dma_start3A_93 : memref<1x64x128xf32, #tpu.memory_space<vmem>> -> memref<64x128xf32, #tpu.memory_space<vmem>>
      tpu.enqueue_dma source(%dma_start3A_94 : memref<64x128xf32, #tpu.memory_space<vmem>>) target(%dma_start3A_90 : memref<64x128xf32, #tpu.memory_space<vmem_shared>>) target_semaphore(%run_scoped3A_82 : memref<!tpu.dma_semaphore, #tpu.memory_space<semaphore_mem>>)
      %dma_wait3A_95 = arith.constant 0 : i32
      %dma_wait3A_96 = arith.constant 0 : i32
      %dma_wait3A_97 = tpu.memref_slice %arg8[%run_scoped3A_28, %dma_wait3A_95, %dma_wait3A_96] : memref<3x64x128xf32, #tpu.memory_space<vmem>> -> memref<1x64x128xf32, #tpu.memory_space<vmem>>
      %dma_wait3A_98 = tpu.memref_squeeze %dma_wait3A_97 : memref<1x64x128xf32, #tpu.memory_space<vmem>> -> memref<64x128xf32, #tpu.memory_space<vmem>>
      %dma_wait3A_99 = arith.constant 0 : i32
      %dma_wait3A_100 = tpu.memref_slice %arg9[%add3A_27, %dma_wait3A_99] : memref<10112x128xf32, #tpu.memory_space<vmem_shared>> -> memref<64x128xf32, #tpu.memory_space<vmem_shared>>
      %dma_wait3A_101 = arith.constant 0 : i32
      %dma_wait3A_102 = tpu.memref_slice %arg9[%add3A_27, %dma_wait3A_101] : memref<10112x128xf32, #tpu.memory_space<vmem_shared>> -> memref<64x128xf32, #tpu.memory_space<vmem_shared>>
      %dma_wait3A_103 = arith.constant 0 : i32
      %dma_wait3A_104 = arith.constant 0 : i32
      %dma_wait3A_105 = tpu.memref_slice %arg8[%run_scoped3A_28, %dma_wait3A_103, %dma_wait3A_104] : memref<3x64x128xf32, #tpu.memory_space<vmem>> -> memref<1x64x128xf32, #tpu.memory_space<vmem>>
      %dma_wait3A_106 = tpu.memref_squeeze %dma_wait3A_105 : memref<1x64x128xf32, #tpu.memory_space<vmem>> -> memref<64x128xf32, #tpu.memory_space<vmem>>
      tpu.wait_dma2 semaphore(%run_scoped3A_82 : memref<!tpu.dma_semaphore, #tpu.memory_space<semaphore_mem>>) src(%dma_wait3A_106 : memref<64x128xf32, #tpu.memory_space<vmem>>) dst(%dma_wait3A_102 : memref<64x128xf32, #tpu.memory_space<vmem_shared>>)
      tpu.yield
    }) : () -> ()
    %add3A_29 = arith.constant 128 : i32
    %add3A_30 = arith.addi %mul3A_23, %add3A_29 : i32
    %run_scoped3A_31 = arith.constant 0 : i32
    "tpu.region"() ({
      %run_scoped3A_82 = tpu.sem_alloc : memref<!tpu.dma_semaphore, #tpu.memory_space<semaphore_mem>>
      %dma_start3A_83 = arith.constant 0 : i32
      %dma_start3A_84 = arith.constant 0 : i32
      %dma_start3A_85 = tpu.memref_slice %arg8[%run_scoped3A_31, %dma_start3A_83, %dma_start3A_84] : memref<3x64x128xf32, #tpu.memory_space<vmem>> -> memref<1x64x128xf32, #tpu.memory_space<vmem>>
      %dma_start3A_86 = tpu.memref_squeeze %dma_start3A_85 : memref<1x64x128xf32, #tpu.memory_space<vmem>> -> memref<64x128xf32, #tpu.memory_space<vmem>>
      %dma_start3A_87 = arith.constant 0 : i32
      %dma_start3A_88 = tpu.memref_slice %arg9[%add3A_30, %dma_start3A_87] : memref<10112x128xf32, #tpu.memory_space<vmem_shared>> -> memref<64x128xf32, #tpu.memory_space<vmem_shared>>
      %dma_start3A_89 = arith.constant 0 : i32
      %dma_start3A_90 = tpu.memref_slice %arg9[%add3A_30, %dma_start3A_89] : memref<10112x128xf32, #tpu.memory_space<vmem_shared>> -> memref<64x128xf32, #tpu.memory_space<vmem_shared>>
      %dma_start3A_91 = arith.constant 0 : i32
      %dma_start3A_92 = arith.constant 0 : i32
      %dma_start3A_93 = tpu.memref_slice %arg8[%run_scoped3A_31, %dma_start3A_91, %dma_start3A_92] : memref<3x64x128xf32, #tpu.memory_space<vmem>> -> memref<1x64x128xf32, #tpu.memory_space<vmem>>
      %dma_start3A_94 = tpu.memref_squeeze %dma_start3A_93 : memref<1x64x128xf32, #tpu.memory_space<vmem>> -> memref<64x128xf32, #tpu.memory_space<vmem>>
      tpu.enqueue_dma source(%dma_start3A_94 : memref<64x128xf32, #tpu.memory_space<vmem>>) target(%dma_start3A_90 : memref<64x128xf32, #tpu.memory_space<vmem_shared>>) target_semaphore(%run_scoped3A_82 : memref<!tpu.dma_semaphore, #tpu.memory_space<semaphore_mem>>)
      %dma_wait3A_95 = arith.constant 0 : i32
      %dma_wait3A_96 = arith.constant 0 : i32
      %dma_wait3A_97 = tpu.memref_slice %arg8[%run_scoped3A_31, %dma_wait3A_95, %dma_wait3A_96] : memref<3x64x128xf32, #tpu.memory_space<vmem>> -> memref<1x64x128xf32, #tpu.memory_space<vmem>>
      %dma_wait3A_98 = tpu.memref_squeeze %dma_wait3A_97 : memref<1x64x128xf32, #tpu.memory_space<vmem>> -> memref<64x128xf32, #tpu.memory_space<vmem>>
      %dma_wait3A_99 = arith.constant 0 : i32
      %dma_wait3A_100 = tpu.memref_slice %arg9[%add3A_30, %dma_wait3A_99] : memref<10112x128xf32, #tpu.memory_space<vmem_shared>> -> memref<64x128xf32, #tpu.memory_space<vmem_shared>>
      %dma_wait3A_101 = arith.constant 0 : i32
      %dma_wait3A_102 = tpu.memref_slice %arg9[%add3A_30, %dma_wait3A_101] : memref<10112x128xf32, #tpu.memory_space<vmem_shared>> -> memref<64x128xf32, #tpu.memory_space<vmem_shared>>
      %dma_wait3A_103 = arith.constant 0 : i32
      %dma_wait3A_104 = arith.constant 0 : i32
      %dma_wait3A_105 = tpu.memref_slice %arg8[%run_scoped3A_31, %dma_wait3A_103, %dma_wait3A_104] : memref<3x64x128xf32, #tpu.memory_space<vmem>> -> memref<1x64x128xf32, #tpu.memory_space<vmem>>
      %dma_wait3A_106 = tpu.memref_squeeze %dma_wait3A_105 : memref<1x64x128xf32, #tpu.memory_space<vmem>> -> memref<64x128xf32, #tpu.memory_space<vmem>>
      tpu.wait_dma2 semaphore(%run_scoped3A_82 : memref<!tpu.dma_semaphore, #tpu.memory_space<semaphore_mem>>) src(%dma_wait3A_106 : memref<64x128xf32, #tpu.memory_space<vmem>>) dst(%dma_wait3A_102 : memref<64x128xf32, #tpu.memory_space<vmem_shared>>)
      tpu.yield
    }) : () -> ()
    %add3A_32 = arith.constant 192 : i32
    %add3A_33 = arith.addi %mul3A_23, %add3A_32 : i32
    %run_scoped3A_34 = arith.constant 0 : i32
    "tpu.region"() ({
      %run_scoped3A_82 = tpu.sem_alloc : memref<!tpu.dma_semaphore, #tpu.memory_space<semaphore_mem>>
      %dma_start3A_83 = arith.constant 0 : i32
      %dma_start3A_84 = arith.constant 0 : i32
      %dma_start3A_85 = tpu.memref_slice %arg8[%run_scoped3A_34, %dma_start3A_83, %dma_start3A_84] : memref<3x64x128xf32, #tpu.memory_space<vmem>> -> memref<1x64x128xf32, #tpu.memory_space<vmem>>
      %dma_start3A_86 = tpu.memref_squeeze %dma_start3A_85 : memref<1x64x128xf32, #tpu.memory_space<vmem>> -> memref<64x128xf32, #tpu.memory_space<vmem>>
      %dma_start3A_87 = arith.constant 0 : i32
      %dma_start3A_88 = tpu.memref_slice %arg9[%add3A_33, %dma_start3A_87] : memref<10112x128xf32, #tpu.memory_space<vmem_shared>> -> memref<64x128xf32, #tpu.memory_space<vmem_shared>>
      %dma_start3A_89 = arith.constant 0 : i32
      %dma_start3A_90 = tpu.memref_slice %arg9[%add3A_33, %dma_start3A_89] : memref<10112x128xf32, #tpu.memory_space<vmem_shared>> -> memref<64x128xf32, #tpu.memory_space<vmem_shared>>
      %dma_start3A_91 = arith.constant 0 : i32
      %dma_start3A_92 = arith.constant 0 : i32
      %dma_start3A_93 = tpu.memref_slice %arg8[%run_scoped3A_34, %dma_start3A_91, %dma_start3A_92] : memref<3x64x128xf32, #tpu.memory_space<vmem>> -> memref<1x64x128xf32, #tpu.memory_space<vmem>>
      %dma_start3A_94 = tpu.memref_squeeze %dma_start3A_93 : memref<1x64x128xf32, #tpu.memory_space<vmem>> -> memref<64x128xf32, #tpu.memory_space<vmem>>
      tpu.enqueue_dma source(%dma_start3A_94 : memref<64x128xf32, #tpu.memory_space<vmem>>) target(%dma_start3A_90 : memref<64x128xf32, #tpu.memory_space<vmem_shared>>) target_semaphore(%run_scoped3A_82 : memref<!tpu.dma_semaphore, #tpu.memory_space<semaphore_mem>>)
      %dma_wait3A_95 = arith.constant 0 : i32
      %dma_wait3A_96 = arith.constant 0 : i32
      %dma_wait3A_97 = tpu.memref_slice %arg8[%run_scoped3A_34, %dma_wait3A_95, %dma_wait3A_96] : memref<3x64x128xf32, #tpu.memory_space<vmem>> -> memref<1x64x128xf32, #tpu.memory_space<vmem>>
      %dma_wait3A_98 = tpu.memref_squeeze %dma_wait3A_97 : memref<1x64x128xf32, #tpu.memory_space<vmem>> -> memref<64x128xf32, #tpu.memory_space<vmem>>
      %dma_wait3A_99 = arith.constant 0 : i32
      %dma_wait3A_100 = tpu.memref_slice %arg9[%add3A_33, %dma_wait3A_99] : memref<10112x128xf32, #tpu.memory_space<vmem_shared>> -> memref<64x128xf32, #tpu.memory_space<vmem_shared>>
      %dma_wait3A_101 = arith.constant 0 : i32
      %dma_wait3A_102 = tpu.memref_slice %arg9[%add3A_33, %dma_wait3A_101] : memref<10112x128xf32, #tpu.memory_space<vmem_shared>> -> memref<64x128xf32, #tpu.memory_space<vmem_shared>>
      %dma_wait3A_103 = arith.constant 0 : i32
      %dma_wait3A_104 = arith.constant 0 : i32
      %dma_wait3A_105 = tpu.memref_slice %arg8[%run_scoped3A_34, %dma_wait3A_103, %dma_wait3A_104] : memref<3x64x128xf32, #tpu.memory_space<vmem>> -> memref<1x64x128xf32, #tpu.memory_space<vmem>>
      %dma_wait3A_106 = tpu.memref_squeeze %dma_wait3A_105 : memref<1x64x128xf32, #tpu.memory_space<vmem>> -> memref<64x128xf32, #tpu.memory_space<vmem>>
      tpu.wait_dma2 semaphore(%run_scoped3A_82 : memref<!tpu.dma_semaphore, #tpu.memory_space<semaphore_mem>>) src(%dma_wait3A_106 : memref<64x128xf32, #tpu.memory_space<vmem>>) dst(%dma_wait3A_102 : memref<64x128xf32, #tpu.memory_space<vmem_shared>>)
      tpu.yield
    }) : () -> ()
    %add3A_35 = arith.constant 256 : i32
    %add3A_36 = arith.addi %mul3A_23, %add3A_35 : i32
    %run_scoped3A_37 = arith.constant 0 : i32
    "tpu.region"() ({
      %run_scoped3A_82 = tpu.sem_alloc : memref<!tpu.dma_semaphore, #tpu.memory_space<semaphore_mem>>
      %dma_start3A_83 = arith.constant 0 : i32
      %dma_start3A_84 = arith.constant 0 : i32
      %dma_start3A_85 = tpu.memref_slice %arg8[%run_scoped3A_37, %dma_start3A_83, %dma_start3A_84] : memref<3x64x128xf32, #tpu.memory_space<vmem>> -> memref<1x64x128xf32, #tpu.memory_space<vmem>>
      %dma_start3A_86 = tpu.memref_squeeze %dma_start3A_85 : memref<1x64x128xf32, #tpu.memory_space<vmem>> -> memref<64x128xf32, #tpu.memory_space<vmem>>
      %dma_start3A_87 = arith.constant 0 : i32
      %dma_start3A_88 = tpu.memref_slice %arg9[%add3A_36, %dma_start3A_87] : memref<10112x128xf32, #tpu.memory_space<vmem_shared>> -> memref<64x128xf32, #tpu.memory_space<vmem_shared>>
      %dma_start3A_89 = arith.constant 0 : i32
      %dma_start3A_90 = tpu.memref_slice %arg9[%add3A_36, %dma_start3A_89] : memref<10112x128xf32, #tpu.memory_space<vmem_shared>> -> memref<64x128xf32, #tpu.memory_space<vmem_shared>>
      %dma_start3A_91 = arith.constant 0 : i32
      %dma_start3A_92 = arith.constant 0 : i32
      %dma_start3A_93 = tpu.memref_slice %arg8[%run_scoped3A_37, %dma_start3A_91, %dma_start3A_92] : memref<3x64x128xf32, #tpu.memory_space<vmem>> -> memref<1x64x128xf32, #tpu.memory_space<vmem>>
      %dma_start3A_94 = tpu.memref_squeeze %dma_start3A_93 : memref<1x64x128xf32, #tpu.memory_space<vmem>> -> memref<64x128xf32, #tpu.memory_space<vmem>>
      tpu.enqueue_dma source(%dma_start3A_94 : memref<64x128xf32, #tpu.memory_space<vmem>>) target(%dma_start3A_90 : memref<64x128xf32, #tpu.memory_space<vmem_shared>>) target_semaphore(%run_scoped3A_82 : memref<!tpu.dma_semaphore, #tpu.memory_space<semaphore_mem>>)
      %dma_wait3A_95 = arith.constant 0 : i32
      %dma_wait3A_96 = arith.constant 0 : i32
      %dma_wait3A_97 = tpu.memref_slice %arg8[%run_scoped3A_37, %dma_wait3A_95, %dma_wait3A_96] : memref<3x64x128xf32, #tpu.memory_space<vmem>> -> memref<1x64x128xf32, #tpu.memory_space<vmem>>
      %dma_wait3A_98 = tpu.memref_squeeze %dma_wait3A_97 : memref<1x64x128xf32, #tpu.memory_space<vmem>> -> memref<64x128xf32, #tpu.memory_space<vmem>>
      %dma_wait3A_99 = arith.constant 0 : i32
      %dma_wait3A_100 = tpu.memref_slice %arg9[%add3A_36, %dma_wait3A_99] : memref<10112x128xf32, #tpu.memory_space<vmem_shared>> -> memref<64x128xf32, #tpu.memory_space<vmem_shared>>
      %dma_wait3A_101 = arith.constant 0 : i32
      %dma_wait3A_102 = tpu.memref_slice %arg9[%add3A_36, %dma_wait3A_101] : memref<10112x128xf32, #tpu.memory_space<vmem_shared>> -> memref<64x128xf32, #tpu.memory_space<vmem_shared>>
      %dma_wait3A_103 = arith.constant 0 : i32
      %dma_wait3A_104 = arith.constant 0 : i32
      %dma_wait3A_105 = tpu.memref_slice %arg8[%run_scoped3A_37, %dma_wait3A_103, %dma_wait3A_104] : memref<3x64x128xf32, #tpu.memory_space<vmem>> -> memref<1x64x128xf32, #tpu.memory_space<vmem>>
      %dma_wait3A_106 = tpu.memref_squeeze %dma_wait3A_105 : memref<1x64x128xf32, #tpu.memory_space<vmem>> -> memref<64x128xf32, #tpu.memory_space<vmem>>
      tpu.wait_dma2 semaphore(%run_scoped3A_82 : memref<!tpu.dma_semaphore, #tpu.memory_space<semaphore_mem>>) src(%dma_wait3A_106 : memref<64x128xf32, #tpu.memory_space<vmem>>) dst(%dma_wait3A_102 : memref<64x128xf32, #tpu.memory_space<vmem_shared>>)
      tpu.yield
    }) : () -> ()
    %add3A_38 = arith.constant 320 : i32
    %add3A_39 = arith.addi %mul3A_23, %add3A_38 : i32
    %run_scoped3A_40 = arith.constant 0 : i32
    "tpu.region"() ({
      %run_scoped3A_82 = tpu.sem_alloc : memref<!tpu.dma_semaphore, #tpu.memory_space<semaphore_mem>>
      %dma_start3A_83 = arith.constant 0 : i32
      %dma_start3A_84 = arith.constant 0 : i32
      %dma_start3A_85 = tpu.memref_slice %arg8[%run_scoped3A_40, %dma_start3A_83, %dma_start3A_84] : memref<3x64x128xf32, #tpu.memory_space<vmem>> -> memref<1x64x128xf32, #tpu.memory_space<vmem>>
      %dma_start3A_86 = tpu.memref_squeeze %dma_start3A_85 : memref<1x64x128xf32, #tpu.memory_space<vmem>> -> memref<64x128xf32, #tpu.memory_space<vmem>>
      %dma_start3A_87 = arith.constant 0 : i32
      %dma_start3A_88 = tpu.memref_slice %arg9[%add3A_39, %dma_start3A_87] : memref<10112x128xf32, #tpu.memory_space<vmem_shared>> -> memref<64x128xf32, #tpu.memory_space<vmem_shared>>
      %dma_start3A_89 = arith.constant 0 : i32
      %dma_start3A_90 = tpu.memref_slice %arg9[%add3A_39, %dma_start3A_89] : memref<10112x128xf32, #tpu.memory_space<vmem_shared>> -> memref<64x128xf32, #tpu.memory_space<vmem_shared>>
      %dma_start3A_91 = arith.constant 0 : i32
      %dma_start3A_92 = arith.constant 0 : i32
      %dma_start3A_93 = tpu.memref_slice %arg8[%run_scoped3A_40, %dma_start3A_91, %dma_start3A_92] : memref<3x64x128xf32, #tpu.memory_space<vmem>> -> memref<1x64x128xf32, #tpu.memory_space<vmem>>
      %dma_start3A_94 = tpu.memref_squeeze %dma_start3A_93 : memref<1x64x128xf32, #tpu.memory_space<vmem>> -> memref<64x128xf32, #tpu.memory_space<vmem>>
      tpu.enqueue_dma source(%dma_start3A_94 : memref<64x128xf32, #tpu.memory_space<vmem>>) target(%dma_start3A_90 : memref<64x128xf32, #tpu.memory_space<vmem_shared>>) target_semaphore(%run_scoped3A_82 : memref<!tpu.dma_semaphore, #tpu.memory_space<semaphore_mem>>)
      %dma_wait3A_95 = arith.constant 0 : i32
      %dma_wait3A_96 = arith.constant 0 : i32
      %dma_wait3A_97 = tpu.memref_slice %arg8[%run_scoped3A_40, %dma_wait3A_95, %dma_wait3A_96] : memref<3x64x128xf32, #tpu.memory_space<vmem>> -> memref<1x64x128xf32, #tpu.memory_space<vmem>>
      %dma_wait3A_98 = tpu.memref_squeeze %dma_wait3A_97 : memref<1x64x128xf32, #tpu.memory_space<vmem>> -> memref<64x128xf32, #tpu.memory_space<vmem>>
      %dma_wait3A_99 = arith.constant 0 : i32
      %dma_wait3A_100 = tpu.memref_slice %arg9[%add3A_39, %dma_wait3A_99] : memref<10112x128xf32, #tpu.memory_space<vmem_shared>> -> memref<64x128xf32, #tpu.memory_space<vmem_shared>>
      %dma_wait3A_101 = arith.constant 0 : i32
      %dma_wait3A_102 = tpu.memref_slice %arg9[%add3A_39, %dma_wait3A_101] : memref<10112x128xf32, #tpu.memory_space<vmem_shared>> -> memref<64x128xf32, #tpu.memory_space<vmem_shared>>
      %dma_wait3A_103 = arith.constant 0 : i32
      %dma_wait3A_104 = arith.constant 0 : i32
      %dma_wait3A_105 = tpu.memref_slice %arg8[%run_scoped3A_40, %dma_wait3A_103, %dma_wait3A_104] : memref<3x64x128xf32, #tpu.memory_space<vmem>> -> memref<1x64x128xf32, #tpu.memory_space<vmem>>
      %dma_wait3A_106 = tpu.memref_squeeze %dma_wait3A_105 : memref<1x64x128xf32, #tpu.memory_space<vmem>> -> memref<64x128xf32, #tpu.memory_space<vmem>>
      tpu.wait_dma2 semaphore(%run_scoped3A_82 : memref<!tpu.dma_semaphore, #tpu.memory_space<semaphore_mem>>) src(%dma_wait3A_106 : memref<64x128xf32, #tpu.memory_space<vmem>>) dst(%dma_wait3A_102 : memref<64x128xf32, #tpu.memory_space<vmem_shared>>)
      tpu.yield
    }) : () -> ()
    %add3A_41 = arith.constant 384 : i32
    %add3A_42 = arith.addi %mul3A_23, %add3A_41 : i32
    %run_scoped3A_43 = arith.constant 0 : i32
    "tpu.region"() ({
      %run_scoped3A_82 = tpu.sem_alloc : memref<!tpu.dma_semaphore, #tpu.memory_space<semaphore_mem>>
      %dma_start3A_83 = arith.constant 0 : i32
      %dma_start3A_84 = arith.constant 0 : i32
      %dma_start3A_85 = tpu.memref_slice %arg8[%run_scoped3A_43, %dma_start3A_83, %dma_start3A_84] : memref<3x64x128xf32, #tpu.memory_space<vmem>> -> memref<1x64x128xf32, #tpu.memory_space<vmem>>
      %dma_start3A_86 = tpu.memref_squeeze %dma_start3A_85 : memref<1x64x128xf32, #tpu.memory_space<vmem>> -> memref<64x128xf32, #tpu.memory_space<vmem>>
      %dma_start3A_87 = arith.constant 0 : i32
      %dma_start3A_88 = tpu.memref_slice %arg9[%add3A_42, %dma_start3A_87] : memref<10112x128xf32, #tpu.memory_space<vmem_shared>> -> memref<64x128xf32, #tpu.memory_space<vmem_shared>>
      %dma_start3A_89 = arith.constant 0 : i32
      %dma_start3A_90 = tpu.memref_slice %arg9[%add3A_42, %dma_start3A_89] : memref<10112x128xf32, #tpu.memory_space<vmem_shared>> -> memref<64x128xf32, #tpu.memory_space<vmem_shared>>
      %dma_start3A_91 = arith.constant 0 : i32
      %dma_start3A_92 = arith.constant 0 : i32
      %dma_start3A_93 = tpu.memref_slice %arg8[%run_scoped3A_43, %dma_start3A_91, %dma_start3A_92] : memref<3x64x128xf32, #tpu.memory_space<vmem>> -> memref<1x64x128xf32, #tpu.memory_space<vmem>>
      %dma_start3A_94 = tpu.memref_squeeze %dma_start3A_93 : memref<1x64x128xf32, #tpu.memory_space<vmem>> -> memref<64x128xf32, #tpu.memory_space<vmem>>
      tpu.enqueue_dma source(%dma_start3A_94 : memref<64x128xf32, #tpu.memory_space<vmem>>) target(%dma_start3A_90 : memref<64x128xf32, #tpu.memory_space<vmem_shared>>) target_semaphore(%run_scoped3A_82 : memref<!tpu.dma_semaphore, #tpu.memory_space<semaphore_mem>>)
      %dma_wait3A_95 = arith.constant 0 : i32
      %dma_wait3A_96 = arith.constant 0 : i32
      %dma_wait3A_97 = tpu.memref_slice %arg8[%run_scoped3A_43, %dma_wait3A_95, %dma_wait3A_96] : memref<3x64x128xf32, #tpu.memory_space<vmem>> -> memref<1x64x128xf32, #tpu.memory_space<vmem>>
      %dma_wait3A_98 = tpu.memref_squeeze %dma_wait3A_97 : memref<1x64x128xf32, #tpu.memory_space<vmem>> -> memref<64x128xf32, #tpu.memory_space<vmem>>
      %dma_wait3A_99 = arith.constant 0 : i32
      %dma_wait3A_100 = tpu.memref_slice %arg9[%add3A_42, %dma_wait3A_99] : memref<10112x128xf32, #tpu.memory_space<vmem_shared>> -> memref<64x128xf32, #tpu.memory_space<vmem_shared>>
      %dma_wait3A_101 = arith.constant 0 : i32
      %dma_wait3A_102 = tpu.memref_slice %arg9[%add3A_42, %dma_wait3A_101] : memref<10112x128xf32, #tpu.memory_space<vmem_shared>> -> memref<64x128xf32, #tpu.memory_space<vmem_shared>>
      %dma_wait3A_103 = arith.constant 0 : i32
      %dma_wait3A_104 = arith.constant 0 : i32
      %dma_wait3A_105 = tpu.memref_slice %arg8[%run_scoped3A_43, %dma_wait3A_103, %dma_wait3A_104] : memref<3x64x128xf32, #tpu.memory_space<vmem>> -> memref<1x64x128xf32, #tpu.memory_space<vmem>>
      %dma_wait3A_106 = tpu.memref_squeeze %dma_wait3A_105 : memref<1x64x128xf32, #tpu.memory_space<vmem>> -> memref<64x128xf32, #tpu.memory_space<vmem>>
      tpu.wait_dma2 semaphore(%run_scoped3A_82 : memref<!tpu.dma_semaphore, #tpu.memory_space<semaphore_mem>>) src(%dma_wait3A_106 : memref<64x128xf32, #tpu.memory_space<vmem>>) dst(%dma_wait3A_102 : memref<64x128xf32, #tpu.memory_space<vmem_shared>>)
      tpu.yield
    }) : () -> ()
    %add3A_44 = arith.constant 448 : i32
    %add3A_45 = arith.addi %mul3A_23, %add3A_44 : i32
    %run_scoped3A_46 = arith.constant 0 : i32
    "tpu.region"() ({
      %run_scoped3A_82 = tpu.sem_alloc : memref<!tpu.dma_semaphore, #tpu.memory_space<semaphore_mem>>
      %dma_start3A_83 = arith.constant 0 : i32
      %dma_start3A_84 = arith.constant 0 : i32
      %dma_start3A_85 = tpu.memref_slice %arg8[%run_scoped3A_46, %dma_start3A_83, %dma_start3A_84] : memref<3x64x128xf32, #tpu.memory_space<vmem>> -> memref<1x64x128xf32, #tpu.memory_space<vmem>>
      %dma_start3A_86 = tpu.memref_squeeze %dma_start3A_85 : memref<1x64x128xf32, #tpu.memory_space<vmem>> -> memref<64x128xf32, #tpu.memory_space<vmem>>
      %dma_start3A_87 = arith.constant 0 : i32
      %dma_start3A_88 = tpu.memref_slice %arg9[%add3A_45, %dma_start3A_87] : memref<10112x128xf32, #tpu.memory_space<vmem_shared>> -> memref<64x128xf32, #tpu.memory_space<vmem_shared>>
      %dma_start3A_89 = arith.constant 0 : i32
      %dma_start3A_90 = tpu.memref_slice %arg9[%add3A_45, %dma_start3A_89] : memref<10112x128xf32, #tpu.memory_space<vmem_shared>> -> memref<64x128xf32, #tpu.memory_space<vmem_shared>>
      %dma_start3A_91 = arith.constant 0 : i32
      %dma_start3A_92 = arith.constant 0 : i32
      %dma_start3A_93 = tpu.memref_slice %arg8[%run_scoped3A_46, %dma_start3A_91, %dma_start3A_92] : memref<3x64x128xf32, #tpu.memory_space<vmem>> -> memref<1x64x128xf32, #tpu.memory_space<vmem>>
      %dma_start3A_94 = tpu.memref_squeeze %dma_start3A_93 : memref<1x64x128xf32, #tpu.memory_space<vmem>> -> memref<64x128xf32, #tpu.memory_space<vmem>>
      tpu.enqueue_dma source(%dma_start3A_94 : memref<64x128xf32, #tpu.memory_space<vmem>>) target(%dma_start3A_90 : memref<64x128xf32, #tpu.memory_space<vmem_shared>>) target_semaphore(%run_scoped3A_82 : memref<!tpu.dma_semaphore, #tpu.memory_space<semaphore_mem>>)
      %dma_wait3A_95 = arith.constant 0 : i32
      %dma_wait3A_96 = arith.constant 0 : i32
      %dma_wait3A_97 = tpu.memref_slice %arg8[%run_scoped3A_46, %dma_wait3A_95, %dma_wait3A_96] : memref<3x64x128xf32, #tpu.memory_space<vmem>> -> memref<1x64x128xf32, #tpu.memory_space<vmem>>
      %dma_wait3A_98 = tpu.memref_squeeze %dma_wait3A_97 : memref<1x64x128xf32, #tpu.memory_space<vmem>> -> memref<64x128xf32, #tpu.memory_space<vmem>>
      %dma_wait3A_99 = arith.constant 0 : i32
      %dma_wait3A_100 = tpu.memref_slice %arg9[%add3A_45, %dma_wait3A_99] : memref<10112x128xf32, #tpu.memory_space<vmem_shared>> -> memref<64x128xf32, #tpu.memory_space<vmem_shared>>
      %dma_wait3A_101 = arith.constant 0 : i32
      %dma_wait3A_102 = tpu.memref_slice %arg9[%add3A_45, %dma_wait3A_101] : memref<10112x128xf32, #tpu.memory_space<vmem_shared>> -> memref<64x128xf32, #tpu.memory_space<vmem_shared>>
      %dma_wait3A_103 = arith.constant 0 : i32
      %dma_wait3A_104 = arith.constant 0 : i32
      %dma_wait3A_105 = tpu.memref_slice %arg8[%run_scoped3A_46, %dma_wait3A_103, %dma_wait3A_104] : memref<3x64x128xf32, #tpu.memory_space<vmem>> -> memref<1x64x128xf32, #tpu.memory_space<vmem>>
      %dma_wait3A_106 = tpu.memref_squeeze %dma_wait3A_105 : memref<1x64x128xf32, #tpu.memory_space<vmem>> -> memref<64x128xf32, #tpu.memory_space<vmem>>
      tpu.wait_dma2 semaphore(%run_scoped3A_82 : memref<!tpu.dma_semaphore, #tpu.memory_space<semaphore_mem>>) src(%dma_wait3A_106 : memref<64x128xf32, #tpu.memory_space<vmem>>) dst(%dma_wait3A_102 : memref<64x128xf32, #tpu.memory_space<vmem_shared>>)
      tpu.yield
    }) : () -> ()
    %add3A_47 = arith.constant 512 : i32
    %add3A_48 = arith.addi %mul3A_23, %add3A_47 : i32
    %run_scoped3A_49 = arith.constant 0 : i32
    "tpu.region"() ({
      %run_scoped3A_82 = tpu.sem_alloc : memref<!tpu.dma_semaphore, #tpu.memory_space<semaphore_mem>>
      %dma_start3A_83 = arith.constant 0 : i32
      %dma_start3A_84 = arith.constant 0 : i32
      %dma_start3A_85 = tpu.memref_slice %arg8[%run_scoped3A_49, %dma_start3A_83, %dma_start3A_84] : memref<3x64x128xf32, #tpu.memory_space<vmem>> -> memref<1x64x128xf32, #tpu.memory_space<vmem>>
      %dma_start3A_86 = tpu.memref_squeeze %dma_start3A_85 : memref<1x64x128xf32, #tpu.memory_space<vmem>> -> memref<64x128xf32, #tpu.memory_space<vmem>>
      %dma_start3A_87 = arith.constant 0 : i32
      %dma_start3A_88 = tpu.memref_slice %arg9[%add3A_48, %dma_start3A_87] : memref<10112x128xf32, #tpu.memory_space<vmem_shared>> -> memref<64x128xf32, #tpu.memory_space<vmem_shared>>
      %dma_start3A_89 = arith.constant 0 : i32
      %dma_start3A_90 = tpu.memref_slice %arg9[%add3A_48, %dma_start3A_89] : memref<10112x128xf32, #tpu.memory_space<vmem_shared>> -> memref<64x128xf32, #tpu.memory_space<vmem_shared>>
      %dma_start3A_91 = arith.constant 0 : i32
      %dma_start3A_92 = arith.constant 0 : i32
      %dma_start3A_93 = tpu.memref_slice %arg8[%run_scoped3A_49, %dma_start3A_91, %dma_start3A_92] : memref<3x64x128xf32, #tpu.memory_space<vmem>> -> memref<1x64x128xf32, #tpu.memory_space<vmem>>
      %dma_start3A_94 = tpu.memref_squeeze %dma_start3A_93 : memref<1x64x128xf32, #tpu.memory_space<vmem>> -> memref<64x128xf32, #tpu.memory_space<vmem>>
      tpu.enqueue_dma source(%dma_start3A_94 : memref<64x128xf32, #tpu.memory_space<vmem>>) target(%dma_start3A_90 : memref<64x128xf32, #tpu.memory_space<vmem_shared>>) target_semaphore(%run_scoped3A_82 : memref<!tpu.dma_semaphore, #tpu.memory_space<semaphore_mem>>)
      %dma_wait3A_95 = arith.constant 0 : i32
      %dma_wait3A_96 = arith.constant 0 : i32
      %dma_wait3A_97 = tpu.memref_slice %arg8[%run_scoped3A_49, %dma_wait3A_95, %dma_wait3A_96] : memref<3x64x128xf32, #tpu.memory_space<vmem>> -> memref<1x64x128xf32, #tpu.memory_space<vmem>>
      %dma_wait3A_98 = tpu.memref_squeeze %dma_wait3A_97 : memref<1x64x128xf32, #tpu.memory_space<vmem>> -> memref<64x128xf32, #tpu.memory_space<vmem>>
      %dma_wait3A_99 = arith.constant 0 : i32
      %dma_wait3A_100 = tpu.memref_slice %arg9[%add3A_48, %dma_wait3A_99] : memref<10112x128xf32, #tpu.memory_space<vmem_shared>> -> memref<64x128xf32, #tpu.memory_space<vmem_shared>>
      %dma_wait3A_101 = arith.constant 0 : i32
      %dma_wait3A_102 = tpu.memref_slice %arg9[%add3A_48, %dma_wait3A_101] : memref<10112x128xf32, #tpu.memory_space<vmem_shared>> -> memref<64x128xf32, #tpu.memory_space<vmem_shared>>
      %dma_wait3A_103 = arith.constant 0 : i32
      %dma_wait3A_104 = arith.constant 0 : i32
      %dma_wait3A_105 = tpu.memref_slice %arg8[%run_scoped3A_49, %dma_wait3A_103, %dma_wait3A_104] : memref<3x64x128xf32, #tpu.memory_space<vmem>> -> memref<1x64x128xf32, #tpu.memory_space<vmem>>
      %dma_wait3A_106 = tpu.memref_squeeze %dma_wait3A_105 : memref<1x64x128xf32, #tpu.memory_space<vmem>> -> memref<64x128xf32, #tpu.memory_space<vmem>>
      tpu.wait_dma2 semaphore(%run_scoped3A_82 : memref<!tpu.dma_semaphore, #tpu.memory_space<semaphore_mem>>) src(%dma_wait3A_106 : memref<64x128xf32, #tpu.memory_space<vmem>>) dst(%dma_wait3A_102 : memref<64x128xf32, #tpu.memory_space<vmem_shared>>)
      tpu.yield
    }) : () -> ()
    %add3A_50 = arith.constant 576 : i32
    %add3A_51 = arith.addi %mul3A_23, %add3A_50 : i32
    %run_scoped3A_52 = arith.constant 0 : i32
    "tpu.region"() ({
      %run_scoped3A_82 = tpu.sem_alloc : memref<!tpu.dma_semaphore, #tpu.memory_space<semaphore_mem>>
      %dma_start3A_83 = arith.constant 0 : i32
      %dma_start3A_84 = arith.constant 0 : i32
      %dma_start3A_85 = tpu.memref_slice %arg8[%run_scoped3A_52, %dma_start3A_83, %dma_start3A_84] : memref<3x64x128xf32, #tpu.memory_space<vmem>> -> memref<1x56x128xf32, #tpu.memory_space<vmem>>
      %dma_start3A_86 = tpu.memref_squeeze %dma_start3A_85 : memref<1x56x128xf32, #tpu.memory_space<vmem>> -> memref<56x128xf32, #tpu.memory_space<vmem>>
      %dma_start3A_87 = arith.constant 0 : i32
      %dma_start3A_88 = tpu.memref_slice %arg9[%add3A_51, %dma_start3A_87] : memref<10112x128xf32, #tpu.memory_space<vmem_shared>> -> memref<56x128xf32, #tpu.memory_space<vmem_shared>>
      %dma_start3A_89 = arith.constant 0 : i32
      %dma_start3A_90 = tpu.memref_slice %arg9[%add3A_51, %dma_start3A_89] : memref<10112x128xf32, #tpu.memory_space<vmem_shared>> -> memref<56x128xf32, #tpu.memory_space<vmem_shared>>
      %dma_start3A_91 = arith.constant 0 : i32
      %dma_start3A_92 = arith.constant 0 : i32
      %dma_start3A_93 = tpu.memref_slice %arg8[%run_scoped3A_52, %dma_start3A_91, %dma_start3A_92] : memref<3x64x128xf32, #tpu.memory_space<vmem>> -> memref<1x56x128xf32, #tpu.memory_space<vmem>>
      %dma_start3A_94 = tpu.memref_squeeze %dma_start3A_93 : memref<1x56x128xf32, #tpu.memory_space<vmem>> -> memref<56x128xf32, #tpu.memory_space<vmem>>
      tpu.enqueue_dma source(%dma_start3A_94 : memref<56x128xf32, #tpu.memory_space<vmem>>) target(%dma_start3A_90 : memref<56x128xf32, #tpu.memory_space<vmem_shared>>) target_semaphore(%run_scoped3A_82 : memref<!tpu.dma_semaphore, #tpu.memory_space<semaphore_mem>>)
      %dma_wait3A_95 = arith.constant 0 : i32
      %dma_wait3A_96 = arith.constant 0 : i32
      %dma_wait3A_97 = tpu.memref_slice %arg8[%run_scoped3A_52, %dma_wait3A_95, %dma_wait3A_96] : memref<3x64x128xf32, #tpu.memory_space<vmem>> -> memref<1x56x128xf32, #tpu.memory_space<vmem>>
      %dma_wait3A_98 = tpu.memref_squeeze %dma_wait3A_97 : memref<1x56x128xf32, #tpu.memory_space<vmem>> -> memref<56x128xf32, #tpu.memory_space<vmem>>
      %dma_wait3A_99 = arith.constant 0 : i32
      %dma_wait3A_100 = tpu.memref_slice %arg9[%add3A_51, %dma_wait3A_99] : memref<10112x128xf32, #tpu.memory_space<vmem_shared>> -> memref<56x128xf32, #tpu.memory_space<vmem_shared>>
      %dma_wait3A_101 = arith.constant 0 : i32
      %dma_wait3A_102 = tpu.memref_slice %arg9[%add3A_51, %dma_wait3A_101] : memref<10112x128xf32, #tpu.memory_space<vmem_shared>> -> memref<56x128xf32, #tpu.memory_space<vmem_shared>>
      %dma_wait3A_103 = arith.constant 0 : i32
      %dma_wait3A_104 = arith.constant 0 : i32
      %dma_wait3A_105 = tpu.memref_slice %arg8[%run_scoped3A_52, %dma_wait3A_103, %dma_wait3A_104] : memref<3x64x128xf32, #tpu.memory_space<vmem>> -> memref<1x56x128xf32, #tpu.memory_space<vmem>>
      %dma_wait3A_106 = tpu.memref_squeeze %dma_wait3A_105 : memref<1x56x128xf32, #tpu.memory_space<vmem>> -> memref<56x128xf32, #tpu.memory_space<vmem>>
      tpu.wait_dma2 semaphore(%run_scoped3A_82 : memref<!tpu.dma_semaphore, #tpu.memory_space<semaphore_mem>>) src(%dma_wait3A_106 : memref<56x128xf32, #tpu.memory_space<vmem>>) dst(%dma_wait3A_102 : memref<56x128xf32, #tpu.memory_space<vmem_shared>>)
      tpu.yield
    }) : () -> ()
    %dma_wait3A = arith.constant 0 : i32
    %dma_wait3A_53 = arith.constant 0 : i32
    %dma_wait3A_54 = tpu.memref_slice %arg3[%add3A, %dma_wait3A, %dma_wait3A_53] : memref<32x198x64xi32, #tpu.memory_space<hbm>> -> memref<1x198x64xi32, #tpu.memory_space<hbm>>
    %dma_wait3A_55 = tpu.memref_squeeze %dma_wait3A_54 : memref<1x198x64xi32, #tpu.memory_space<hbm>> -> memref<198x64xi32, #tpu.memory_space<hbm>>
    %dma_wait3A_56 = arith.constant 0 : i32
    %dma_wait3A_57 = arith.constant 0 : i32
    %dma_wait3A_58 = tpu.memref_slice %arg3[%add3A, %dma_wait3A_56, %dma_wait3A_57] : memref<32x198x64xi32, #tpu.memory_space<hbm>> -> memref<1x198x64xi32, #tpu.memory_space<hbm>>
    %dma_wait3A_59 = tpu.memref_squeeze %dma_wait3A_58 : memref<1x198x64xi32, #tpu.memory_space<hbm>> -> memref<198x64xi32, #tpu.memory_space<hbm>>
    tpu.wait_dma2 semaphore(%arg10 : memref<!tpu.dma_semaphore, #tpu.memory_space<semaphore_mem>>) src(%dma_wait3A_59 : memref<198x64xi32, #tpu.memory_space<hbm>>) dst(%arg6 : memref<198x64xi32, #tpu.memory_space<vmem>>)
    %dma_wait3A_60 = arith.constant 0 : i32
    %dma_wait3A_61 = arith.constant 0 : i32
    %dma_wait3A_62 = tpu.memref_slice %arg4[%add3A, %dma_wait3A_60, %dma_wait3A_61] : memref<32x198x64xi32, #tpu.memory_space<hbm>> -> memref<1x198x64xi32, #tpu.memory_space<hbm>>
    %dma_wait3A_63 = tpu.memref_squeeze %dma_wait3A_62 : memref<1x198x64xi32, #tpu.memory_space<hbm>> -> memref<198x64xi32, #tpu.memory_space<hbm>>
    %dma_wait3A_64 = arith.constant 0 : i32
    %dma_wait3A_65 = arith.constant 0 : i32
    %dma_wait3A_66 = tpu.memref_slice %arg4[%add3A, %dma_wait3A_64, %dma_wait3A_65] : memref<32x198x64xi32, #tpu.memory_space<hbm>> -> memref<1x198x64xi32, #tpu.memory_space<hbm>>
    %dma_wait3A_67 = tpu.memref_squeeze %dma_wait3A_66 : memref<1x198x64xi32, #tpu.memory_space<hbm>> -> memref<198x64xi32, #tpu.memory_space<hbm>>
    tpu.wait_dma2 semaphore(%arg11 : memref<!tpu.dma_semaphore, #tpu.memory_space<semaphore_mem>>) src(%dma_wait3A_67 : memref<198x64xi32, #tpu.memory_space<hbm>>) dst(%arg7 : memref<198x64xi32, #tpu.memory_space<vmem>>)
    %barrier3A = arith.constant 0 : index
    tpu.barrier barrier_id(%barrier3A)
    %eq3A = arith.constant 0 : i32
    %eq3A_68 = arith.cmpi eq, %arg0, %eq3A : i32
    %jit3A = arith.constant 66 : i32
    %jit3A_69 = arith.constant 42 : i32
    %select_n3A = arith.select %eq3A_68, %jit3A, %jit3A_69 : i32
    %while3A = arith.constant 0 : i32
    %while3A_70 = arith.constant 0 : i32
    %while3A_71 = arith.subi %select_n3A, %while3A : i32
    %while3A_72 = arith.addi %while3A, %while3A_71 : i32
    %while3A_73 = arith.constant 1 : i32
    %while3A_74 = arith.divsi %while3A_71, %while3A_73 : i32
    %while3A_75 = arith.muli %while3A_74, %while3A_73 : i32
    %while3A_76 = arith.addi %while3A, %while3A_75 : i32
    %while3A_77 = arith.constant 1 : i32
    %while3A_78 = scf.for %while3A_82 = %while3A to %while3A_76 step %while3A_77 iter_args(%while3A_83 = %while3A_70) -> (i32)  : i32 {
      %mul3A_84 = arith.constant 3 : i32
      %mul3A_85 = arith.muli %while3A_82, %mul3A_84 : i32
      %add3A_86 = arith.constant 0 : i32
      %add3A_87 = arith.addi %mul3A_85, %add3A_86 : i32
      %dma_start3A_88 = arith.constant 0 : i32
      %dma_start3A_89 = arith.constant 0 : i32
      %dma_start3A_90 = arith.constant 0 : i32
      %dma_start3A_91 = tpu.memref_slice %arg8[%dma_start3A_88, %dma_start3A_89, %dma_start3A_90] : memref<3x64x128xf32, #tpu.memory_space<vmem>> -> memref<1x64x128xf32, #tpu.memory_space<vmem>>
      %dma_start3A_92 = tpu.memref_squeeze %dma_start3A_91 : memref<1x64x128xf32, #tpu.memory_space<vmem>> -> memref<64x128xf32, #tpu.memory_space<vmem>>
      %dma_start3A_93 = arith.constant 0 : i32
      %dma_start3A_94 = tpu.memref_slice %arg6[%add3A_87, %dma_start3A_93] : memref<198x64xi32, #tpu.memory_space<vmem>> -> memref<1x64xi32, #tpu.memory_space<vmem>>
      %dma_start3A_95 = tpu.memref_squeeze %dma_start3A_94 : memref<1x64xi32, #tpu.memory_space<vmem>> -> memref<64xi32, #tpu.memory_space<vmem>>
      %dma_start3A_96 = arith.constant 0 : i32
      %dma_start3A_97 = arith.constant 0 : i32
      %dma_start3A_98 = tpu.memref_slice %arg2[%dma_start3A_96, %dma_start3A_97] : memref<10000x128xf32, #tpu.memory_space<hbm>> -> memref<10000x128xf32, #tpu.memory_space<hbm>>
      tpu.enqueue_indirect_dma source(%dma_start3A_98 : memref<10000x128xf32, #tpu.memory_space<hbm>>) target(%dma_start3A_92 : memref<64x128xf32, #tpu.memory_space<vmem>>) offsets(%dma_start3A_95 : memref<64xi32, #tpu.memory_space<vmem>>) semaphore(%arg10 : memref<!tpu.dma_semaphore, #tpu.memory_space<semaphore_mem>>)
      %mul3A_99 = arith.constant 3 : i32
      %mul3A_100 = arith.muli %while3A_82, %mul3A_99 : i32
      %add3A_101 = arith.constant 1 : i32
      %add3A_102 = arith.addi %mul3A_100, %add3A_101 : i32
      %dma_start3A_103 = arith.constant 1 : i32
      %dma_start3A_104 = arith.constant 0 : i32
      %dma_start3A_105 = arith.constant 0 : i32
      %dma_start3A_106 = tpu.memref_slice %arg8[%dma_start3A_103, %dma_start3A_104, %dma_start3A_105] : memref<3x64x128xf32, #tpu.memory_space<vmem>> -> memref<1x64x128xf32, #tpu.memory_space<vmem>>
      %dma_start3A_107 = tpu.memref_squeeze %dma_start3A_106 : memref<1x64x128xf32, #tpu.memory_space<vmem>> -> memref<64x128xf32, #tpu.memory_space<vmem>>
      %dma_start3A_108 = arith.constant 0 : i32
      %dma_start3A_109 = tpu.memref_slice %arg6[%add3A_102, %dma_start3A_108] : memref<198x64xi32, #tpu.memory_space<vmem>> -> memref<1x64xi32, #tpu.memory_space<vmem>>
      %dma_start3A_110 = tpu.memref_squeeze %dma_start3A_109 : memref<1x64xi32, #tpu.memory_space<vmem>> -> memref<64xi32, #tpu.memory_space<vmem>>
      %dma_start3A_111 = arith.constant 0 : i32
      %dma_start3A_112 = arith.constant 0 : i32
      %dma_start3A_113 = tpu.memref_slice %arg2[%dma_start3A_111, %dma_start3A_112] : memref<10000x128xf32, #tpu.memory_space<hbm>> -> memref<10000x128xf32, #tpu.memory_space<hbm>>
      tpu.enqueue_indirect_dma source(%dma_start3A_113 : memref<10000x128xf32, #tpu.memory_space<hbm>>) target(%dma_start3A_107 : memref<64x128xf32, #tpu.memory_space<vmem>>) offsets(%dma_start3A_110 : memref<64xi32, #tpu.memory_space<vmem>>) semaphore(%arg10 : memref<!tpu.dma_semaphore, #tpu.memory_space<semaphore_mem>>)
      %mul3A_114 = arith.constant 3 : i32
      %mul3A_115 = arith.muli %while3A_82, %mul3A_114 : i32
      %add3A_116 = arith.constant 2 : i32
      %add3A_117 = arith.addi %mul3A_115, %add3A_116 : i32
      %dma_start3A_118 = arith.constant 2 : i32
      %dma_start3A_119 = arith.constant 0 : i32
      %dma_start3A_120 = arith.constant 0 : i32
      %dma_start3A_121 = tpu.memref_slice %arg8[%dma_start3A_118, %dma_start3A_119, %dma_start3A_120] : memref<3x64x128xf32, #tpu.memory_space<vmem>> -> memref<1x64x128xf32, #tpu.memory_space<vmem>>
      %dma_start3A_122 = tpu.memref_squeeze %dma_start3A_121 : memref<1x64x128xf32, #tpu.memory_space<vmem>> -> memref<64x128xf32, #tpu.memory_space<vmem>>
      %dma_start3A_123 = arith.constant 0 : i32
      %dma_start3A_124 = tpu.memref_slice %arg6[%add3A_117, %dma_start3A_123] : memref<198x64xi32, #tpu.memory_space<vmem>> -> memref<1x64xi32, #tpu.memory_space<vmem>>
      %dma_start3A_125 = tpu.memref_squeeze %dma_start3A_124 : memref<1x64xi32, #tpu.memory_space<vmem>> -> memref<64xi32, #tpu.memory_space<vmem>>
      %dma_start3A_126 = arith.constant 0 : i32
      %dma_start3A_127 = arith.constant 0 : i32
      %dma_start3A_128 = tpu.memref_slice %arg2[%dma_start3A_126, %dma_start3A_127] : memref<10000x128xf32, #tpu.memory_space<hbm>> -> memref<10000x128xf32, #tpu.memory_space<hbm>>
      tpu.enqueue_indirect_dma source(%dma_start3A_128 : memref<10000x128xf32, #tpu.memory_space<hbm>>) target(%dma_start3A_122 : memref<64x128xf32, #tpu.memory_space<vmem>>) offsets(%dma_start3A_125 : memref<64xi32, #tpu.memory_space<vmem>>) semaphore(%arg10 : memref<!tpu.dma_semaphore, #tpu.memory_space<semaphore_mem>>)
      %dma_wait3A_129 = arith.constant 0 : i32
      %dma_wait3A_130 = arith.constant 0 : i32
      %dma_wait3A_131 = arith.constant 0 : i32
      %dma_wait3A_132 = tpu.memref_slice %arg8[%dma_wait3A_129, %dma_wait3A_130, %dma_wait3A_131] : memref<3x64x128xf32, #tpu.memory_space<vmem>> -> memref<1x64x128xf32, #tpu.memory_space<vmem>>
      %dma_wait3A_133 = tpu.memref_squeeze %dma_wait3A_132 : memref<1x64x128xf32, #tpu.memory_space<vmem>> -> memref<64x128xf32, #tpu.memory_space<vmem>>
      %dma_wait3A_134 = arith.constant 0 : i32
      %dma_wait3A_135 = tpu.memref_slice %arg6[%add3A_87, %dma_wait3A_134] : memref<198x64xi32, #tpu.memory_space<vmem>> -> memref<1x64xi32, #tpu.memory_space<vmem>>
      %dma_wait3A_136 = tpu.memref_squeeze %dma_wait3A_135 : memref<1x64xi32, #tpu.memory_space<vmem>> -> memref<64xi32, #tpu.memory_space<vmem>>
      %dma_wait3A_137 = arith.constant 0 : i32
      %dma_wait3A_138 = arith.constant 0 : i32
      %dma_wait3A_139 = tpu.memref_slice %arg2[%dma_wait3A_137, %dma_wait3A_138] : memref<10000x128xf32, #tpu.memory_space<hbm>> -> memref<10000x128xf32, #tpu.memory_space<hbm>>
      tpu.wait_indirect_dma semaphore(%arg10 : memref<!tpu.dma_semaphore, #tpu.memory_space<semaphore_mem>>) src(%dma_wait3A_139 : memref<10000x128xf32, #tpu.memory_space<hbm>>) dst(%dma_wait3A_133 : memref<64x128xf32, #tpu.memory_space<vmem>>)
      %mul3A_140 = arith.constant 3 : i32
      %mul3A_141 = arith.muli %while3A_82, %mul3A_140 : i32
      %add3A_142 = arith.constant 0 : i32
      %add3A_143 = arith.addi %mul3A_141, %add3A_142 : i32
      %dma_start3A_144 = arith.constant 0 : i32
      %dma_start3A_145 = arith.constant 0 : i32
      %dma_start3A_146 = arith.constant 0 : i32
      %dma_start3A_147 = tpu.memref_slice %arg8[%dma_start3A_144, %dma_start3A_145, %dma_start3A_146] : memref<3x64x128xf32, #tpu.memory_space<vmem>> -> memref<1x64x128xf32, #tpu.memory_space<vmem>>
      %dma_start3A_148 = tpu.memref_squeeze %dma_start3A_147 : memref<1x64x128xf32, #tpu.memory_space<vmem>> -> memref<64x128xf32, #tpu.memory_space<vmem>>
      %dma_start3A_149 = arith.constant 0 : i32
      %dma_start3A_150 = tpu.memref_slice %arg7[%add3A_143, %dma_start3A_149] : memref<198x64xi32, #tpu.memory_space<vmem>> -> memref<1x64xi32, #tpu.memory_space<vmem>>
      %dma_start3A_151 = tpu.memref_squeeze %dma_start3A_150 : memref<1x64xi32, #tpu.memory_space<vmem>> -> memref<64xi32, #tpu.memory_space<vmem>>
      %dma_start3A_152 = arith.constant 0 : i32
      %dma_start3A_153 = arith.constant 0 : i32
      %dma_start3A_154 = tpu.memref_slice %arg9[%dma_start3A_152, %dma_start3A_153] : memref<10112x128xf32, #tpu.memory_space<vmem_shared>> -> memref<10112x128xf32, #tpu.memory_space<vmem_shared>>
      tpu.enqueue_indirect_dma source(%dma_start3A_148 : memref<64x128xf32, #tpu.memory_space<vmem>>) target(%dma_start3A_154 : memref<10112x128xf32, #tpu.memory_space<vmem_shared>>) offsets(%dma_start3A_151 : memref<64xi32, #tpu.memory_space<vmem>>) semaphore(%arg11 : memref<!tpu.dma_semaphore, #tpu.memory_space<semaphore_mem>>) {add = true}
      %dma_wait3A_155 = arith.constant 1 : i32
      %dma_wait3A_156 = arith.constant 0 : i32
      %dma_wait3A_157 = arith.constant 0 : i32
      %dma_wait3A_158 = tpu.memref_slice %arg8[%dma_wait3A_155, %dma_wait3A_156, %dma_wait3A_157] : memref<3x64x128xf32, #tpu.memory_space<vmem>> -> memref<1x64x128xf32, #tpu.memory_space<vmem>>
      %dma_wait3A_159 = tpu.memref_squeeze %dma_wait3A_158 : memref<1x64x128xf32, #tpu.memory_space<vmem>> -> memref<64x128xf32, #tpu.memory_space<vmem>>
      %dma_wait3A_160 = arith.constant 0 : i32
      %dma_wait3A_161 = tpu.memref_slice %arg6[%add3A_102, %dma_wait3A_160] : memref<198x64xi32, #tpu.memory_space<vmem>> -> memref<1x64xi32, #tpu.memory_space<vmem>>
      %dma_wait3A_162 = tpu.memref_squeeze %dma_wait3A_161 : memref<1x64xi32, #tpu.memory_space<vmem>> -> memref<64xi32, #tpu.memory_space<vmem>>
      %dma_wait3A_163 = arith.constant 0 : i32
      %dma_wait3A_164 = arith.constant 0 : i32
      %dma_wait3A_165 = tpu.memref_slice %arg2[%dma_wait3A_163, %dma_wait3A_164] : memref<10000x128xf32, #tpu.memory_space<hbm>> -> memref<10000x128xf32, #tpu.memory_space<hbm>>
      tpu.wait_indirect_dma semaphore(%arg10 : memref<!tpu.dma_semaphore, #tpu.memory_space<semaphore_mem>>) src(%dma_wait3A_165 : memref<10000x128xf32, #tpu.memory_space<hbm>>) dst(%dma_wait3A_159 : memref<64x128xf32, #tpu.memory_space<vmem>>)
      %mul3A_166 = arith.constant 3 : i32
      %mul3A_167 = arith.muli %while3A_82, %mul3A_166 : i32
      %add3A_168 = arith.constant 1 : i32
      %add3A_169 = arith.addi %mul3A_167, %add3A_168 : i32
      %dma_start3A_170 = arith.constant 1 : i32
      %dma_start3A_171 = arith.constant 0 : i32
      %dma_start3A_172 = arith.constant 0 : i32
      %dma_start3A_173 = tpu.memref_slice %arg8[%dma_start3A_170, %dma_start3A_171, %dma_start3A_172] : memref<3x64x128xf32, #tpu.memory_space<vmem>> -> memref<1x64x128xf32, #tpu.memory_space<vmem>>
      %dma_start3A_174 = tpu.memref_squeeze %dma_start3A_173 : memref<1x64x128xf32, #tpu.memory_space<vmem>> -> memref<64x128xf32, #tpu.memory_space<vmem>>
      %dma_start3A_175 = arith.constant 0 : i32
      %dma_start3A_176 = tpu.memref_slice %arg7[%add3A_169, %dma_start3A_175] : memref<198x64xi32, #tpu.memory_space<vmem>> -> memref<1x64xi32, #tpu.memory_space<vmem>>
      %dma_start3A_177 = tpu.memref_squeeze %dma_start3A_176 : memref<1x64xi32, #tpu.memory_space<vmem>> -> memref<64xi32, #tpu.memory_space<vmem>>
      %dma_start3A_178 = arith.constant 0 : i32
      %dma_start3A_179 = arith.constant 0 : i32
      %dma_start3A_180 = tpu.memref_slice %arg9[%dma_start3A_178, %dma_start3A_179] : memref<10112x128xf32, #tpu.memory_space<vmem_shared>> -> memref<10112x128xf32, #tpu.memory_space<vmem_shared>>
      tpu.enqueue_indirect_dma source(%dma_start3A_174 : memref<64x128xf32, #tpu.memory_space<vmem>>) target(%dma_start3A_180 : memref<10112x128xf32, #tpu.memory_space<vmem_shared>>) offsets(%dma_start3A_177 : memref<64xi32, #tpu.memory_space<vmem>>) semaphore(%arg11 : memref<!tpu.dma_semaphore, #tpu.memory_space<semaphore_mem>>) {add = true}
      %dma_wait3A_181 = arith.constant 2 : i32
      %dma_wait3A_182 = arith.constant 0 : i32
      %dma_wait3A_183 = arith.constant 0 : i32
      %dma_wait3A_184 = tpu.memref_slice %arg8[%dma_wait3A_181, %dma_wait3A_182, %dma_wait3A_183] : memref<3x64x128xf32, #tpu.memory_space<vmem>> -> memref<1x64x128xf32, #tpu.memory_space<vmem>>
      %dma_wait3A_185 = tpu.memref_squeeze %dma_wait3A_184 : memref<1x64x128xf32, #tpu.memory_space<vmem>> -> memref<64x128xf32, #tpu.memory_space<vmem>>
      %dma_wait3A_186 = arith.constant 0 : i32
      %dma_wait3A_187 = tpu.memref_slice %arg6[%add3A_117, %dma_wait3A_186] : memref<198x64xi32, #tpu.memory_space<vmem>> -> memref<1x64xi32, #tpu.memory_space<vmem>>
      %dma_wait3A_188 = tpu.memref_squeeze %dma_wait3A_187 : memref<1x64xi32, #tpu.memory_space<vmem>> -> memref<64xi32, #tpu.memory_space<vmem>>
      %dma_wait3A_189 = arith.constant 0 : i32
      %dma_wait3A_190 = arith.constant 0 : i32
      %dma_wait3A_191 = tpu.memref_slice %arg2[%dma_wait3A_189, %dma_wait3A_190] : memref<10000x128xf32, #tpu.memory_space<hbm>> -> memref<10000x128xf32, #tpu.memory_space<hbm>>
      tpu.wait_indirect_dma semaphore(%arg10 : memref<!tpu.dma_semaphore, #tpu.memory_space<semaphore_mem>>) src(%dma_wait3A_191 : memref<10000x128xf32, #tpu.memory_space<hbm>>) dst(%dma_wait3A_185 : memref<64x128xf32, #tpu.memory_space<vmem>>)
      %mul3A_192 = arith.constant 3 : i32
      %mul3A_193 = arith.muli %while3A_82, %mul3A_192 : i32
      %add3A_194 = arith.constant 2 : i32
      %add3A_195 = arith.addi %mul3A_193, %add3A_194 : i32
      %dma_start3A_196 = arith.constant 2 : i32
      %dma_start3A_197 = arith.constant 0 : i32
      %dma_start3A_198 = arith.constant 0 : i32
      %dma_start3A_199 = tpu.memref_slice %arg8[%dma_start3A_196, %dma_start3A_197, %dma_start3A_198] : memref<3x64x128xf32, #tpu.memory_space<vmem>> -> memref<1x64x128xf32, #tpu.memory_space<vmem>>
      %dma_start3A_200 = tpu.memref_squeeze %dma_start3A_199 : memref<1x64x128xf32, #tpu.memory_space<vmem>> -> memref<64x128xf32, #tpu.memory_space<vmem>>
      %dma_start3A_201 = arith.constant 0 : i32
      %dma_start3A_202 = tpu.memref_slice %arg7[%add3A_195, %dma_start3A_201] : memref<198x64xi32, #tpu.memory_space<vmem>> -> memref<1x64xi32, #tpu.memory_space<vmem>>
      %dma_start3A_203 = tpu.memref_squeeze %dma_start3A_202 : memref<1x64xi32, #tpu.memory_space<vmem>> -> memref<64xi32, #tpu.memory_space<vmem>>
      %dma_start3A_204 = arith.constant 0 : i32
      %dma_start3A_205 = arith.constant 0 : i32
      %dma_start3A_206 = tpu.memref_slice %arg9[%dma_start3A_204, %dma_start3A_205] : memref<10112x128xf32, #tpu.memory_space<vmem_shared>> -> memref<10112x128xf32, #tpu.memory_space<vmem_shared>>
      tpu.enqueue_indirect_dma source(%dma_start3A_200 : memref<64x128xf32, #tpu.memory_space<vmem>>) target(%dma_start3A_206 : memref<10112x128xf32, #tpu.memory_space<vmem_shared>>) offsets(%dma_start3A_203 : memref<64xi32, #tpu.memory_space<vmem>>) semaphore(%arg11 : memref<!tpu.dma_semaphore, #tpu.memory_space<semaphore_mem>>) {add = true}
      %dma_wait3A_207 = arith.constant 0 : i32
      %dma_wait3A_208 = arith.constant 0 : i32
      %dma_wait3A_209 = arith.constant 0 : i32
      %dma_wait3A_210 = tpu.memref_slice %arg8[%dma_wait3A_207, %dma_wait3A_208, %dma_wait3A_209] : memref<3x64x128xf32, #tpu.memory_space<vmem>> -> memref<1x64x128xf32, #tpu.memory_space<vmem>>
      %dma_wait3A_211 = tpu.memref_squeeze %dma_wait3A_210 : memref<1x64x128xf32, #tpu.memory_space<vmem>> -> memref<64x128xf32, #tpu.memory_space<vmem>>
      %dma_wait3A_212 = arith.constant 0 : i32
      %dma_wait3A_213 = tpu.memref_slice %arg7[%add3A_143, %dma_wait3A_212] : memref<198x64xi32, #tpu.memory_space<vmem>> -> memref<1x64xi32, #tpu.memory_space<vmem>>
      %dma_wait3A_214 = tpu.memref_squeeze %dma_wait3A_213 : memref<1x64xi32, #tpu.memory_space<vmem>> -> memref<64xi32, #tpu.memory_space<vmem>>
      %dma_wait3A_215 = arith.constant 0 : i32
      %dma_wait3A_216 = arith.constant 0 : i32
      %dma_wait3A_217 = tpu.memref_slice %arg9[%dma_wait3A_215, %dma_wait3A_216] : memref<10112x128xf32, #tpu.memory_space<vmem_shared>> -> memref<10112x128xf32, #tpu.memory_space<vmem_shared>>
      tpu.wait_indirect_dma semaphore(%arg11 : memref<!tpu.dma_semaphore, #tpu.memory_space<semaphore_mem>>) src(%dma_wait3A_211 : memref<64x128xf32, #tpu.memory_space<vmem>>) dst(%dma_wait3A_217 : memref<10112x128xf32, #tpu.memory_space<vmem_shared>>)
      %dma_wait3A_218 = arith.constant 1 : i32
      %dma_wait3A_219 = arith.constant 0 : i32
      %dma_wait3A_220 = arith.constant 0 : i32
      %dma_wait3A_221 = tpu.memref_slice %arg8[%dma_wait3A_218, %dma_wait3A_219, %dma_wait3A_220] : memref<3x64x128xf32, #tpu.memory_space<vmem>> -> memref<1x64x128xf32, #tpu.memory_space<vmem>>
      %dma_wait3A_222 = tpu.memref_squeeze %dma_wait3A_221 : memref<1x64x128xf32, #tpu.memory_space<vmem>> -> memref<64x128xf32, #tpu.memory_space<vmem>>
      %dma_wait3A_223 = arith.constant 0 : i32
      %dma_wait3A_224 = tpu.memref_slice %arg7[%add3A_169, %dma_wait3A_223] : memref<198x64xi32, #tpu.memory_space<vmem>> -> memref<1x64xi32, #tpu.memory_space<vmem>>
      %dma_wait3A_225 = tpu.memref_squeeze %dma_wait3A_224 : memref<1x64xi32, #tpu.memory_space<vmem>> -> memref<64xi32, #tpu.memory_space<vmem>>
      %dma_wait3A_226 = arith.constant 0 : i32
      %dma_wait3A_227 = arith.constant 0 : i32
      %dma_wait3A_228 = tpu.memref_slice %arg9[%dma_wait3A_226, %dma_wait3A_227] : memref<10112x128xf32, #tpu.memory_space<vmem_shared>> -> memref<10112x128xf32, #tpu.memory_space<vmem_shared>>
      tpu.wait_indirect_dma semaphore(%arg11 : memref<!tpu.dma_semaphore, #tpu.memory_space<semaphore_mem>>) src(%dma_wait3A_222 : memref<64x128xf32, #tpu.memory_space<vmem>>) dst(%dma_wait3A_228 : memref<10112x128xf32, #tpu.memory_space<vmem_shared>>)
      %dma_wait3A_229 = arith.constant 2 : i32
      %dma_wait3A_230 = arith.constant 0 : i32
      %dma_wait3A_231 = arith.constant 0 : i32
      %dma_wait3A_232 = tpu.memref_slice %arg8[%dma_wait3A_229, %dma_wait3A_230, %dma_wait3A_231] : memref<3x64x128xf32, #tpu.memory_space<vmem>> -> memref<1x64x128xf32, #tpu.memory_space<vmem>>
      %dma_wait3A_233 = tpu.memref_squeeze %dma_wait3A_232 : memref<1x64x128xf32, #tpu.memory_space<vmem>> -> memref<64x128xf32, #tpu.memory_space<vmem>>
      %dma_wait3A_234 = arith.constant 0 : i32
      %dma_wait3A_235 = tpu.memref_slice %arg7[%add3A_195, %dma_wait3A_234] : memref<198x64xi32, #tpu.memory_space<vmem>> -> memref<1x64xi32, #tpu.memory_space<vmem>>
      %dma_wait3A_236 = tpu.memref_squeeze %dma_wait3A_235 : memref<1x64xi32, #tpu.memory_space<vmem>> -> memref<64xi32, #tpu.memory_space<vmem>>
      %dma_wait3A_237 = arith.constant 0 : i32
      %dma_wait3A_238 = arith.constant 0 : i32
      %dma_wait3A_239 = tpu.memref_slice %arg9[%dma_wait3A_237, %dma_wait3A_238] : memref<10112x128xf32, #tpu.memory_space<vmem_shared>> -> memref<10112x128xf32, #tpu.memory_space<vmem_shared>>
      tpu.wait_indirect_dma semaphore(%arg11 : memref<!tpu.dma_semaphore, #tpu.memory_space<semaphore_mem>>) src(%dma_wait3A_233 : memref<64x128xf32, #tpu.memory_space<vmem>>) dst(%dma_wait3A_239 : memref<10112x128xf32, #tpu.memory_space<vmem_shared>>)
      %while3A_240 = arith.constant 0 : i32
      scf.yield %while3A_240 : i32
    }
    %while3A_79 = arith.constant 1 : i32
    %while3A_80 = scf.for %while3A_82 = %while3A_76 to %while3A_72 step %while3A_79 iter_args(%while3A_83 = %while3A_78) -> (i32)  : i32 {
      %mul3A_84 = arith.constant 3 : i32
      %mul3A_85 = arith.muli %while3A_82, %mul3A_84 : i32
      %add3A_86 = arith.constant 0 : i32
      %add3A_87 = arith.addi %mul3A_85, %add3A_86 : i32
      %dma_start3A_88 = arith.constant 0 : i32
      %dma_start3A_89 = arith.constant 0 : i32
      %dma_start3A_90 = arith.constant 0 : i32
      %dma_start3A_91 = tpu.memref_slice %arg8[%dma_start3A_88, %dma_start3A_89, %dma_start3A_90] : memref<3x64x128xf32, #tpu.memory_space<vmem>> -> memref<1x64x128xf32, #tpu.memory_space<vmem>>
      %dma_start3A_92 = tpu.memref_squeeze %dma_start3A_91 : memref<1x64x128xf32, #tpu.memory_space<vmem>> -> memref<64x128xf32, #tpu.memory_space<vmem>>
      %dma_start3A_93 = arith.constant 0 : i32
      %dma_start3A_94 = tpu.memref_slice %arg6[%add3A_87, %dma_start3A_93] : memref<198x64xi32, #tpu.memory_space<vmem>> -> memref<1x64xi32, #tpu.memory_space<vmem>>
      %dma_start3A_95 = tpu.memref_squeeze %dma_start3A_94 : memref<1x64xi32, #tpu.memory_space<vmem>> -> memref<64xi32, #tpu.memory_space<vmem>>
      %dma_start3A_96 = arith.constant 0 : i32
      %dma_start3A_97 = arith.constant 0 : i32
      %dma_start3A_98 = tpu.memref_slice %arg2[%dma_start3A_96, %dma_start3A_97] : memref<10000x128xf32, #tpu.memory_space<hbm>> -> memref<10000x128xf32, #tpu.memory_space<hbm>>
      tpu.enqueue_indirect_dma source(%dma_start3A_98 : memref<10000x128xf32, #tpu.memory_space<hbm>>) target(%dma_start3A_92 : memref<64x128xf32, #tpu.memory_space<vmem>>) offsets(%dma_start3A_95 : memref<64xi32, #tpu.memory_space<vmem>>) semaphore(%arg10 : memref<!tpu.dma_semaphore, #tpu.memory_space<semaphore_mem>>)
      %mul3A_99 = arith.constant 3 : i32
      %mul3A_100 = arith.muli %while3A_82, %mul3A_99 : i32
      %add3A_101 = arith.constant 1 : i32
      %add3A_102 = arith.addi %mul3A_100, %add3A_101 : i32
      %dma_start3A_103 = arith.constant 1 : i32
      %dma_start3A_104 = arith.constant 0 : i32
      %dma_start3A_105 = arith.constant 0 : i32
      %dma_start3A_106 = tpu.memref_slice %arg8[%dma_start3A_103, %dma_start3A_104, %dma_start3A_105] : memref<3x64x128xf32, #tpu.memory_space<vmem>> -> memref<1x64x128xf32, #tpu.memory_space<vmem>>
      %dma_start3A_107 = tpu.memref_squeeze %dma_start3A_106 : memref<1x64x128xf32, #tpu.memory_space<vmem>> -> memref<64x128xf32, #tpu.memory_space<vmem>>
      %dma_start3A_108 = arith.constant 0 : i32
      %dma_start3A_109 = tpu.memref_slice %arg6[%add3A_102, %dma_start3A_108] : memref<198x64xi32, #tpu.memory_space<vmem>> -> memref<1x64xi32, #tpu.memory_space<vmem>>
      %dma_start3A_110 = tpu.memref_squeeze %dma_start3A_109 : memref<1x64xi32, #tpu.memory_space<vmem>> -> memref<64xi32, #tpu.memory_space<vmem>>
      %dma_start3A_111 = arith.constant 0 : i32
      %dma_start3A_112 = arith.constant 0 : i32
      %dma_start3A_113 = tpu.memref_slice %arg2[%dma_start3A_111, %dma_start3A_112] : memref<10000x128xf32, #tpu.memory_space<hbm>> -> memref<10000x128xf32, #tpu.memory_space<hbm>>
      tpu.enqueue_indirect_dma source(%dma_start3A_113 : memref<10000x128xf32, #tpu.memory_space<hbm>>) target(%dma_start3A_107 : memref<64x128xf32, #tpu.memory_space<vmem>>) offsets(%dma_start3A_110 : memref<64xi32, #tpu.memory_space<vmem>>) semaphore(%arg10 : memref<!tpu.dma_semaphore, #tpu.memory_space<semaphore_mem>>)
      %mul3A_114 = arith.constant 3 : i32
      %mul3A_115 = arith.muli %while3A_82, %mul3A_114 : i32
      %add3A_116 = arith.constant 2 : i32
      %add3A_117 = arith.addi %mul3A_115, %add3A_116 : i32
      %dma_start3A_118 = arith.constant 2 : i32
      %dma_start3A_119 = arith.constant 0 : i32
      %dma_start3A_120 = arith.constant 0 : i32
      %dma_start3A_121 = tpu.memref_slice %arg8[%dma_start3A_118, %dma_start3A_119, %dma_start3A_120] : memref<3x64x128xf32, #tpu.memory_space<vmem>> -> memref<1x64x128xf32, #tpu.memory_space<vmem>>
      %dma_start3A_122 = tpu.memref_squeeze %dma_start3A_121 : memref<1x64x128xf32, #tpu.memory_space<vmem>> -> memref<64x128xf32, #tpu.memory_space<vmem>>
      %dma_start3A_123 = arith.constant 0 : i32
      %dma_start3A_124 = tpu.memref_slice %arg6[%add3A_117, %dma_start3A_123] : memref<198x64xi32, #tpu.memory_space<vmem>> -> memref<1x64xi32, #tpu.memory_space<vmem>>
      %dma_start3A_125 = tpu.memref_squeeze %dma_start3A_124 : memref<1x64xi32, #tpu.memory_space<vmem>> -> memref<64xi32, #tpu.memory_space<vmem>>
      %dma_start3A_126 = arith.constant 0 : i32
      %dma_start3A_127 = arith.constant 0 : i32
      %dma_start3A_128 = tpu.memref_slice %arg2[%dma_start3A_126, %dma_start3A_127] : memref<10000x128xf32, #tpu.memory_space<hbm>> -> memref<10000x128xf32, #tpu.memory_space<hbm>>
      tpu.enqueue_indirect_dma source(%dma_start3A_128 : memref<10000x128xf32, #tpu.memory_space<hbm>>) target(%dma_start3A_122 : memref<64x128xf32, #tpu.memory_space<vmem>>) offsets(%dma_start3A_125 : memref<64xi32, #tpu.memory_space<vmem>>) semaphore(%arg10 : memref<!tpu.dma_semaphore, #tpu.memory_space<semaphore_mem>>)
      %dma_wait3A_129 = arith.constant 0 : i32
      %dma_wait3A_130 = arith.constant 0 : i32
      %dma_wait3A_131 = arith.constant 0 : i32
      %dma_wait3A_132 = tpu.memref_slice %arg8[%dma_wait3A_129, %dma_wait3A_130, %dma_wait3A_131] : memref<3x64x128xf32, #tpu.memory_space<vmem>> -> memref<1x64x128xf32, #tpu.memory_space<vmem>>
      %dma_wait3A_133 = tpu.memref_squeeze %dma_wait3A_132 : memref<1x64x128xf32, #tpu.memory_space<vmem>> -> memref<64x128xf32, #tpu.memory_space<vmem>>
      %dma_wait3A_134 = arith.constant 0 : i32
      %dma_wait3A_135 = tpu.memref_slice %arg6[%add3A_87, %dma_wait3A_134] : memref<198x64xi32, #tpu.memory_space<vmem>> -> memref<1x64xi32, #tpu.memory_space<vmem>>
      %dma_wait3A_136 = tpu.memref_squeeze %dma_wait3A_135 : memref<1x64xi32, #tpu.memory_space<vmem>> -> memref<64xi32, #tpu.memory_space<vmem>>
      %dma_wait3A_137 = arith.constant 0 : i32
      %dma_wait3A_138 = arith.constant 0 : i32
      %dma_wait3A_139 = tpu.memref_slice %arg2[%dma_wait3A_137, %dma_wait3A_138] : memref<10000x128xf32, #tpu.memory_space<hbm>> -> memref<10000x128xf32, #tpu.memory_space<hbm>>
      tpu.wait_indirect_dma semaphore(%arg10 : memref<!tpu.dma_semaphore, #tpu.memory_space<semaphore_mem>>) src(%dma_wait3A_139 : memref<10000x128xf32, #tpu.memory_space<hbm>>) dst(%dma_wait3A_133 : memref<64x128xf32, #tpu.memory_space<vmem>>)
      %mul3A_140 = arith.constant 3 : i32
      %mul3A_141 = arith.muli %while3A_82, %mul3A_140 : i32
      %add3A_142 = arith.constant 0 : i32
      %add3A_143 = arith.addi %mul3A_141, %add3A_142 : i32
      %dma_start3A_144 = arith.constant 0 : i32
      %dma_start3A_145 = arith.constant 0 : i32
      %dma_start3A_146 = arith.constant 0 : i32
      %dma_start3A_147 = tpu.memref_slice %arg8[%dma_start3A_144, %dma_start3A_145, %dma_start3A_146] : memref<3x64x128xf32, #tpu.memory_space<vmem>> -> memref<1x64x128xf32, #tpu.memory_space<vmem>>
      %dma_start3A_148 = tpu.memref_squeeze %dma_start3A_147 : memref<1x64x128xf32, #tpu.memory_space<vmem>> -> memref<64x128xf32, #tpu.memory_space<vmem>>
      %dma_start3A_149 = arith.constant 0 : i32
      %dma_start3A_150 = tpu.memref_slice %arg7[%add3A_143, %dma_start3A_149] : memref<198x64xi32, #tpu.memory_space<vmem>> -> memref<1x64xi32, #tpu.memory_space<vmem>>
      %dma_start3A_151 = tpu.memref_squeeze %dma_start3A_150 : memref<1x64xi32, #tpu.memory_space<vmem>> -> memref<64xi32, #tpu.memory_space<vmem>>
      %dma_start3A_152 = arith.constant 0 : i32
      %dma_start3A_153 = arith.constant 0 : i32
      %dma_start3A_154 = tpu.memref_slice %arg9[%dma_start3A_152, %dma_start3A_153] : memref<10112x128xf32, #tpu.memory_space<vmem_shared>> -> memref<10112x128xf32, #tpu.memory_space<vmem_shared>>
      tpu.enqueue_indirect_dma source(%dma_start3A_148 : memref<64x128xf32, #tpu.memory_space<vmem>>) target(%dma_start3A_154 : memref<10112x128xf32, #tpu.memory_space<vmem_shared>>) offsets(%dma_start3A_151 : memref<64xi32, #tpu.memory_space<vmem>>) semaphore(%arg11 : memref<!tpu.dma_semaphore, #tpu.memory_space<semaphore_mem>>) {add = true}
      %dma_wait3A_155 = arith.constant 1 : i32
      %dma_wait3A_156 = arith.constant 0 : i32
      %dma_wait3A_157 = arith.constant 0 : i32
      %dma_wait3A_158 = tpu.memref_slice %arg8[%dma_wait3A_155, %dma_wait3A_156, %dma_wait3A_157] : memref<3x64x128xf32, #tpu.memory_space<vmem>> -> memref<1x64x128xf32, #tpu.memory_space<vmem>>
      %dma_wait3A_159 = tpu.memref_squeeze %dma_wait3A_158 : memref<1x64x128xf32, #tpu.memory_space<vmem>> -> memref<64x128xf32, #tpu.memory_space<vmem>>
      %dma_wait3A_160 = arith.constant 0 : i32
      %dma_wait3A_161 = tpu.memref_slice %arg6[%add3A_102, %dma_wait3A_160] : memref<198x64xi32, #tpu.memory_space<vmem>> -> memref<1x64xi32, #tpu.memory_space<vmem>>
      %dma_wait3A_162 = tpu.memref_squeeze %dma_wait3A_161 : memref<1x64xi32, #tpu.memory_space<vmem>> -> memref<64xi32, #tpu.memory_space<vmem>>
      %dma_wait3A_163 = arith.constant 0 : i32
      %dma_wait3A_164 = arith.constant 0 : i32
      %dma_wait3A_165 = tpu.memref_slice %arg2[%dma_wait3A_163, %dma_wait3A_164] : memref<10000x128xf32, #tpu.memory_space<hbm>> -> memref<10000x128xf32, #tpu.memory_space<hbm>>
      tpu.wait_indirect_dma semaphore(%arg10 : memref<!tpu.dma_semaphore, #tpu.memory_space<semaphore_mem>>) src(%dma_wait3A_165 : memref<10000x128xf32, #tpu.memory_space<hbm>>) dst(%dma_wait3A_159 : memref<64x128xf32, #tpu.memory_space<vmem>>)
      %mul3A_166 = arith.constant 3 : i32
      %mul3A_167 = arith.muli %while3A_82, %mul3A_166 : i32
      %add3A_168 = arith.constant 1 : i32
      %add3A_169 = arith.addi %mul3A_167, %add3A_168 : i32
      %dma_start3A_170 = arith.constant 1 : i32
      %dma_start3A_171 = arith.constant 0 : i32
      %dma_start3A_172 = arith.constant 0 : i32
      %dma_start3A_173 = tpu.memref_slice %arg8[%dma_start3A_170, %dma_start3A_171, %dma_start3A_172] : memref<3x64x128xf32, #tpu.memory_space<vmem>> -> memref<1x64x128xf32, #tpu.memory_space<vmem>>
      %dma_start3A_174 = tpu.memref_squeeze %dma_start3A_173 : memref<1x64x128xf32, #tpu.memory_space<vmem>> -> memref<64x128xf32, #tpu.memory_space<vmem>>
      %dma_start3A_175 = arith.constant 0 : i32
      %dma_start3A_176 = tpu.memref_slice %arg7[%add3A_169, %dma_start3A_175] : memref<198x64xi32, #tpu.memory_space<vmem>> -> memref<1x64xi32, #tpu.memory_space<vmem>>
      %dma_start3A_177 = tpu.memref_squeeze %dma_start3A_176 : memref<1x64xi32, #tpu.memory_space<vmem>> -> memref<64xi32, #tpu.memory_space<vmem>>
      %dma_start3A_178 = arith.constant 0 : i32
      %dma_start3A_179 = arith.constant 0 : i32
      %dma_start3A_180 = tpu.memref_slice %arg9[%dma_start3A_178, %dma_start3A_179] : memref<10112x128xf32, #tpu.memory_space<vmem_shared>> -> memref<10112x128xf32, #tpu.memory_space<vmem_shared>>
      tpu.enqueue_indirect_dma source(%dma_start3A_174 : memref<64x128xf32, #tpu.memory_space<vmem>>) target(%dma_start3A_180 : memref<10112x128xf32, #tpu.memory_space<vmem_shared>>) offsets(%dma_start3A_177 : memref<64xi32, #tpu.memory_space<vmem>>) semaphore(%arg11 : memref<!tpu.dma_semaphore, #tpu.memory_space<semaphore_mem>>) {add = true}
      %dma_wait3A_181 = arith.constant 2 : i32
      %dma_wait3A_182 = arith.constant 0 : i32
      %dma_wait3A_183 = arith.constant 0 : i32
      %dma_wait3A_184 = tpu.memref_slice %arg8[%dma_wait3A_181, %dma_wait3A_182, %dma_wait3A_183] : memref<3x64x128xf32, #tpu.memory_space<vmem>> -> memref<1x64x128xf32, #tpu.memory_space<vmem>>
      %dma_wait3A_185 = tpu.memref_squeeze %dma_wait3A_184 : memref<1x64x128xf32, #tpu.memory_space<vmem>> -> memref<64x128xf32, #tpu.memory_space<vmem>>
      %dma_wait3A_186 = arith.constant 0 : i32
      %dma_wait3A_187 = tpu.memref_slice %arg6[%add3A_117, %dma_wait3A_186] : memref<198x64xi32, #tpu.memory_space<vmem>> -> memref<1x64xi32, #tpu.memory_space<vmem>>
      %dma_wait3A_188 = tpu.memref_squeeze %dma_wait3A_187 : memref<1x64xi32, #tpu.memory_space<vmem>> -> memref<64xi32, #tpu.memory_space<vmem>>
      %dma_wait3A_189 = arith.constant 0 : i32
      %dma_wait3A_190 = arith.constant 0 : i32
      %dma_wait3A_191 = tpu.memref_slice %arg2[%dma_wait3A_189, %dma_wait3A_190] : memref<10000x128xf32, #tpu.memory_space<hbm>> -> memref<10000x128xf32, #tpu.memory_space<hbm>>
      tpu.wait_indirect_dma semaphore(%arg10 : memref<!tpu.dma_semaphore, #tpu.memory_space<semaphore_mem>>) src(%dma_wait3A_191 : memref<10000x128xf32, #tpu.memory_space<hbm>>) dst(%dma_wait3A_185 : memref<64x128xf32, #tpu.memory_space<vmem>>)
      %mul3A_192 = arith.constant 3 : i32
      %mul3A_193 = arith.muli %while3A_82, %mul3A_192 : i32
      %add3A_194 = arith.constant 2 : i32
      %add3A_195 = arith.addi %mul3A_193, %add3A_194 : i32
      %dma_start3A_196 = arith.constant 2 : i32
      %dma_start3A_197 = arith.constant 0 : i32
      %dma_start3A_198 = arith.constant 0 : i32
      %dma_start3A_199 = tpu.memref_slice %arg8[%dma_start3A_196, %dma_start3A_197, %dma_start3A_198] : memref<3x64x128xf32, #tpu.memory_space<vmem>> -> memref<1x64x128xf32, #tpu.memory_space<vmem>>
      %dma_start3A_200 = tpu.memref_squeeze %dma_start3A_199 : memref<1x64x128xf32, #tpu.memory_space<vmem>> -> memref<64x128xf32, #tpu.memory_space<vmem>>
      %dma_start3A_201 = arith.constant 0 : i32
      %dma_start3A_202 = tpu.memref_slice %arg7[%add3A_195, %dma_start3A_201] : memref<198x64xi32, #tpu.memory_space<vmem>> -> memref<1x64xi32, #tpu.memory_space<vmem>>
      %dma_start3A_203 = tpu.memref_squeeze %dma_start3A_202 : memref<1x64xi32, #tpu.memory_space<vmem>> -> memref<64xi32, #tpu.memory_space<vmem>>
      %dma_start3A_204 = arith.constant 0 : i32
      %dma_start3A_205 = arith.constant 0 : i32
      %dma_start3A_206 = tpu.memref_slice %arg9[%dma_start3A_204, %dma_start3A_205] : memref<10112x128xf32, #tpu.memory_space<vmem_shared>> -> memref<10112x128xf32, #tpu.memory_space<vmem_shared>>
      tpu.enqueue_indirect_dma source(%dma_start3A_200 : memref<64x128xf32, #tpu.memory_space<vmem>>) target(%dma_start3A_206 : memref<10112x128xf32, #tpu.memory_space<vmem_shared>>) offsets(%dma_start3A_203 : memref<64xi32, #tpu.memory_space<vmem>>) semaphore(%arg11 : memref<!tpu.dma_semaphore, #tpu.memory_space<semaphore_mem>>) {add = true}
      %dma_wait3A_207 = arith.constant 0 : i32
      %dma_wait3A_208 = arith.constant 0 : i32
      %dma_wait3A_209 = arith.constant 0 : i32
      %dma_wait3A_210 = tpu.memref_slice %arg8[%dma_wait3A_207, %dma_wait3A_208, %dma_wait3A_209] : memref<3x64x128xf32, #tpu.memory_space<vmem>> -> memref<1x64x128xf32, #tpu.memory_space<vmem>>
      %dma_wait3A_211 = tpu.memref_squeeze %dma_wait3A_210 : memref<1x64x128xf32, #tpu.memory_space<vmem>> -> memref<64x128xf32, #tpu.memory_space<vmem>>
      %dma_wait3A_212 = arith.constant 0 : i32
      %dma_wait3A_213 = tpu.memref_slice %arg7[%add3A_143, %dma_wait3A_212] : memref<198x64xi32, #tpu.memory_space<vmem>> -> memref<1x64xi32, #tpu.memory_space<vmem>>
      %dma_wait3A_214 = tpu.memref_squeeze %dma_wait3A_213 : memref<1x64xi32, #tpu.memory_space<vmem>> -> memref<64xi32, #tpu.memory_space<vmem>>
      %dma_wait3A_215 = arith.constant 0 : i32
      %dma_wait3A_216 = arith.constant 0 : i32
      %dma_wait3A_217 = tpu.memref_slice %arg9[%dma_wait3A_215, %dma_wait3A_216] : memref<10112x128xf32, #tpu.memory_space<vmem_shared>> -> memref<10112x128xf32, #tpu.memory_space<vmem_shared>>
      tpu.wait_indirect_dma semaphore(%arg11 : memref<!tpu.dma_semaphore, #tpu.memory_space<semaphore_mem>>) src(%dma_wait3A_211 : memref<64x128xf32, #tpu.memory_space<vmem>>) dst(%dma_wait3A_217 : memref<10112x128xf32, #tpu.memory_space<vmem_shared>>)
      %dma_wait3A_218 = arith.constant 1 : i32
      %dma_wait3A_219 = arith.constant 0 : i32
      %dma_wait3A_220 = arith.constant 0 : i32
      %dma_wait3A_221 = tpu.memref_slice %arg8[%dma_wait3A_218, %dma_wait3A_219, %dma_wait3A_220] : memref<3x64x128xf32, #tpu.memory_space<vmem>> -> memref<1x64x128xf32, #tpu.memory_space<vmem>>
      %dma_wait3A_222 = tpu.memref_squeeze %dma_wait3A_221 : memref<1x64x128xf32, #tpu.memory_space<vmem>> -> memref<64x128xf32, #tpu.memory_space<vmem>>
      %dma_wait3A_223 = arith.constant 0 : i32
      %dma_wait3A_224 = tpu.memref_slice %arg7[%add3A_169, %dma_wait3A_223] : memref<198x64xi32, #tpu.memory_space<vmem>> -> memref<1x64xi32, #tpu.memory_space<vmem>>
      %dma_wait3A_225 = tpu.memref_squeeze %dma_wait3A_224 : memref<1x64xi32, #tpu.memory_space<vmem>> -> memref<64xi32, #tpu.memory_space<vmem>>
      %dma_wait3A_226 = arith.constant 0 : i32
      %dma_wait3A_227 = arith.constant 0 : i32
      %dma_wait3A_228 = tpu.memref_slice %arg9[%dma_wait3A_226, %dma_wait3A_227] : memref<10112x128xf32, #tpu.memory_space<vmem_shared>> -> memref<10112x128xf32, #tpu.memory_space<vmem_shared>>
      tpu.wait_indirect_dma semaphore(%arg11 : memref<!tpu.dma_semaphore, #tpu.memory_space<semaphore_mem>>) src(%dma_wait3A_222 : memref<64x128xf32, #tpu.memory_space<vmem>>) dst(%dma_wait3A_228 : memref<10112x128xf32, #tpu.memory_space<vmem_shared>>)
      %dma_wait3A_229 = arith.constant 2 : i32
      %dma_wait3A_230 = arith.constant 0 : i32
      %dma_wait3A_231 = arith.constant 0 : i32
      %dma_wait3A_232 = tpu.memref_slice %arg8[%dma_wait3A_229, %dma_wait3A_230, %dma_wait3A_231] : memref<3x64x128xf32, #tpu.memory_space<vmem>> -> memref<1x64x128xf32, #tpu.memory_space<vmem>>
      %dma_wait3A_233 = tpu.memref_squeeze %dma_wait3A_232 : memref<1x64x128xf32, #tpu.memory_space<vmem>> -> memref<64x128xf32, #tpu.memory_space<vmem>>
      %dma_wait3A_234 = arith.constant 0 : i32
      %dma_wait3A_235 = tpu.memref_slice %arg7[%add3A_195, %dma_wait3A_234] : memref<198x64xi32, #tpu.memory_space<vmem>> -> memref<1x64xi32, #tpu.memory_space<vmem>>
      %dma_wait3A_236 = tpu.memref_squeeze %dma_wait3A_235 : memref<1x64xi32, #tpu.memory_space<vmem>> -> memref<64xi32, #tpu.memory_space<vmem>>
      %dma_wait3A_237 = arith.constant 0 : i32
      %dma_wait3A_238 = arith.constant 0 : i32
      %dma_wait3A_239 = tpu.memref_slice %arg9[%dma_wait3A_237, %dma_wait3A_238] : memref<10112x128xf32, #tpu.memory_space<vmem_shared>> -> memref<10112x128xf32, #tpu.memory_space<vmem_shared>>
      tpu.wait_indirect_dma semaphore(%arg11 : memref<!tpu.dma_semaphore, #tpu.memory_space<semaphore_mem>>) src(%dma_wait3A_233 : memref<64x128xf32, #tpu.memory_space<vmem>>) dst(%dma_wait3A_239 : memref<10112x128xf32, #tpu.memory_space<vmem_shared>>)
      %while3A_240 = arith.constant 0 : i32
      scf.yield %while3A_240 : i32
    }
    %barrier3A_81 = arith.constant 0 : index
    tpu.barrier barrier_id(%barrier3A_81)
    "tpu.region"() ({
      %run_scoped3A_82 = tpu.sem_alloc : memref<!tpu.dma_semaphore, #tpu.memory_space<semaphore_mem>>
      %dma_start3A_83 = arith.constant 0 : i32
      %dma_start3A_84 = tpu.memref_slice %arg5[%arg0, %mul3A_23, %dma_start3A_83] : memref<2x10112x128xf32, #tpu.memory_space<hbm>> -> memref<1x632x128xf32, #tpu.memory_space<hbm>>
      %dma_start3A_85 = tpu.memref_squeeze %dma_start3A_84 : memref<1x632x128xf32, #tpu.memory_space<hbm>> -> memref<632x128xf32, #tpu.memory_space<hbm>>
      %dma_start3A_86 = arith.constant 0 : i32
      %dma_start3A_87 = tpu.memref_slice %arg9[%mul3A_23, %dma_start3A_86] : memref<10112x128xf32, #tpu.memory_space<vmem_shared>> -> memref<632x128xf32, #tpu.memory_space<vmem_shared>>
      tpu.enqueue_dma source(%dma_start3A_87 : memref<632x128xf32, #tpu.memory_space<vmem_shared>>) target(%dma_start3A_85 : memref<632x128xf32, #tpu.memory_space<hbm>>) target_semaphore(%run_scoped3A_82 : memref<!tpu.dma_semaphore, #tpu.memory_space<semaphore_mem>>)
      %dma_wait3A_88 = arith.constant 0 : i32
      %dma_wait3A_89 = tpu.memref_slice %arg5[%arg0, %mul3A_23, %dma_wait3A_88] : memref<2x10112x128xf32, #tpu.memory_space<hbm>> -> memref<1x632x128xf32, #tpu.memory_space<hbm>>
      %dma_wait3A_90 = tpu.memref_squeeze %dma_wait3A_89 : memref<1x632x128xf32, #tpu.memory_space<hbm>> -> memref<632x128xf32, #tpu.memory_space<hbm>>
      %dma_wait3A_91 = arith.constant 0 : i32
      %dma_wait3A_92 = tpu.memref_slice %arg9[%mul3A_23, %dma_wait3A_91] : memref<10112x128xf32, #tpu.memory_space<vmem_shared>> -> memref<632x128xf32, #tpu.memory_space<vmem_shared>>
      tpu.wait_dma2 semaphore(%run_scoped3A_82 : memref<!tpu.dma_semaphore, #tpu.memory_space<semaphore_mem>>) src(%dma_wait3A_92 : memref<632x128xf32, #tpu.memory_space<vmem_shared>>) dst(%dma_wait3A_90 : memref<632x128xf32, #tpu.memory_space<hbm>>)
      tpu.yield
    }) : () -> ()
    return
  }
}

#map = affine_map<(d0, d1) -> (0, 0, 0)>
module attributes {stable_mosaic.version = 14 : i64} {
  func.func @sc_degree(%arg0: i32, %arg1: i32, %arg2: memref<32x99x128xi32, #tpu.memory_space<hbm>>, %arg3: memref<2x10112x16xf32, #tpu.memory_space<hbm>>, %arg4: memref<99x128xi32, #tpu.memory_space<vmem>>, %arg5: memref<128x16xf32, #tpu.memory_space<vmem>>, %arg6: memref<128x16xf32, #tpu.memory_space<vmem>>, %arg7: memref<10112x16xf32, #tpu.memory_space<vmem_shared>>, %arg8: memref<!tpu.dma_semaphore, #tpu.memory_space<semaphore_mem>>) attributes {dimension_semantics = [#tpu.dimension_semantics<core_parallel>, #tpu.dimension_semantics<subcore_parallel>], iteration_bounds = array<i64: 2, 16>, scalar_prefetch = 0 : i64, scratch_operands = 5 : i64, tpu.core_type = #tpu.core_type<sc_vector_subcore>, window_params = [{transform_indices = #map}, {transform_indices = #map}]} {
    %mul3A = arith.constant 16 : i32
    %mul3A_0 = arith.muli %arg0, %mul3A : i32
    %add3A = arith.addi %mul3A_0, %arg1 : i32
    %scan3A = arith.constant 0 : i32
    %scan3A_1 = arith.constant 0 : i32
    %scan3A_2 = arith.constant 128 : i32
    %scan3A_3 = arith.addi %scan3A_1, %scan3A_2 : i32
    %scan3A_4 = arith.constant 1 : i32
    %scan3A_5 = scf.for %scan3A_33 = %scan3A_1 to %scan3A_3 step %scan3A_4 iter_args(%scan3A_34 = %scan3A) -> (i32)  : i32 {
      %broadcast_in_dim3A = arith.constant 1.000000e+00 : f32
      %broadcast_in_dim3A_35 = vector.broadcast %broadcast_in_dim3A : f32 to vector<16xf32>
      %swap3A = arith.index_cast %scan3A_33 : i32 to index
      %swap3A_36 = arith.constant 0 : index
      %swap3A_37 = tpu.vector_load %arg5[%swap3A, %swap3A_36] {strides = array<i32>} : memref<128x16xf32, #tpu.memory_space<vmem>>, vector<1x16xf32>,
      %swap3A_38 = vector.shape_cast %swap3A_37 : vector<1x16xf32> to vector<16xf32>
      %swap3A_39 = vector.shape_cast %broadcast_in_dim3A_35 : vector<16xf32> to vector<1x16xf32>
      tpu.vector_store %arg5[%swap3A, %swap3A_36], %swap3A_39 {strides = array<i32>} : memref<128x16xf32, #tpu.memory_space<vmem>>, vector<1x16xf32>,
      %broadcast_in_dim3A_40 = arith.constant 0.000000e+00 : f32
      %broadcast_in_dim3A_41 = vector.broadcast %broadcast_in_dim3A_40 : f32 to vector<16xf32>
      %swap3A_42 = arith.index_cast %scan3A_33 : i32 to index
      %swap3A_43 = arith.constant 0 : index
      %swap3A_44 = tpu.vector_load %arg6[%swap3A_42, %swap3A_43] {strides = array<i32>} : memref<128x16xf32, #tpu.memory_space<vmem>>, vector<1x16xf32>,
      %swap3A_45 = vector.shape_cast %swap3A_44 : vector<1x16xf32> to vector<16xf32>
      %swap3A_46 = vector.shape_cast %broadcast_in_dim3A_41 : vector<16xf32> to vector<1x16xf32>
      tpu.vector_store %arg6[%swap3A_42, %swap3A_43], %swap3A_46 {strides = array<i32>} : memref<128x16xf32, #tpu.memory_space<vmem>>, vector<1x16xf32>,
      %scan3A_47 = arith.constant 0 : i32
      scf.yield %scan3A_47 : i32
    }
    %scan3A_6 = arith.constant 128 : i32
    "tpu.region"() ({
      %run_scoped3A = tpu.sem_alloc : memref<!tpu.dma_semaphore, #tpu.memory_space<semaphore_mem>>
      %dma_start3A = arith.constant 0 : i32
      %dma_start3A_33 = arith.constant 0 : i32
      %dma_start3A_34 = tpu.memref_slice %arg2[%add3A, %dma_start3A, %dma_start3A_33] : memref<32x99x128xi32, #tpu.memory_space<hbm>> -> memref<1x99x128xi32, #tpu.memory_space<hbm>>
      %dma_start3A_35 = tpu.memref_squeeze %dma_start3A_34 : memref<1x99x128xi32, #tpu.memory_space<hbm>> -> memref<99x128xi32, #tpu.memory_space<hbm>>
      %dma_start3A_36 = arith.constant 0 : i32
      %dma_start3A_37 = arith.constant 0 : i32
      %dma_start3A_38 = tpu.memref_slice %arg2[%add3A, %dma_start3A_36, %dma_start3A_37] : memref<32x99x128xi32, #tpu.memory_space<hbm>> -> memref<1x99x128xi32, #tpu.memory_space<hbm>>
      %dma_start3A_39 = tpu.memref_squeeze %dma_start3A_38 : memref<1x99x128xi32, #tpu.memory_space<hbm>> -> memref<99x128xi32, #tpu.memory_space<hbm>>
      tpu.enqueue_dma source(%dma_start3A_39 : memref<99x128xi32, #tpu.memory_space<hbm>>) target(%arg4 : memref<99x128xi32, #tpu.memory_space<vmem>>) target_semaphore(%run_scoped3A : memref<!tpu.dma_semaphore, #tpu.memory_space<semaphore_mem>>)
      %dma_wait3A = arith.constant 0 : i32
      %dma_wait3A_40 = arith.constant 0 : i32
      %dma_wait3A_41 = tpu.memref_slice %arg2[%add3A, %dma_wait3A, %dma_wait3A_40] : memref<32x99x128xi32, #tpu.memory_space<hbm>> -> memref<1x99x128xi32, #tpu.memory_space<hbm>>
      %dma_wait3A_42 = tpu.memref_squeeze %dma_wait3A_41 : memref<1x99x128xi32, #tpu.memory_space<hbm>> -> memref<99x128xi32, #tpu.memory_space<hbm>>
      %dma_wait3A_43 = arith.constant 0 : i32
      %dma_wait3A_44 = arith.constant 0 : i32
      %dma_wait3A_45 = tpu.memref_slice %arg2[%add3A, %dma_wait3A_43, %dma_wait3A_44] : memref<32x99x128xi32, #tpu.memory_space<hbm>> -> memref<1x99x128xi32, #tpu.memory_space<hbm>>
      %dma_wait3A_46 = tpu.memref_squeeze %dma_wait3A_45 : memref<1x99x128xi32, #tpu.memory_space<hbm>> -> memref<99x128xi32, #tpu.memory_space<hbm>>
      tpu.wait_dma2 semaphore(%run_scoped3A : memref<!tpu.dma_semaphore, #tpu.memory_space<semaphore_mem>>) src(%dma_wait3A_46 : memref<99x128xi32, #tpu.memory_space<hbm>>) dst(%arg4 : memref<99x128xi32, #tpu.memory_space<vmem>>)
      tpu.yield
    }) : () -> ()
    %mul3A_7 = arith.constant 632 : i32
    %mul3A_8 = arith.muli %arg1, %mul3A_7 : i32
    %add3A_9 = arith.constant 0 : i32
    %add3A_10 = arith.addi %mul3A_8, %add3A_9 : i32
    "tpu.region"() ({
      %run_scoped3A = tpu.sem_alloc : memref<!tpu.dma_semaphore, #tpu.memory_space<semaphore_mem>>
      %dma_start3A = arith.constant 0 : i32
      %dma_start3A_33 = tpu.memref_slice %arg7[%add3A_10, %dma_start3A] : memref<10112x16xf32, #tpu.memory_space<vmem_shared>> -> memref<128x16xf32, #tpu.memory_space<vmem_shared>>
      %dma_start3A_34 = arith.constant 0 : i32
      %dma_start3A_35 = tpu.memref_slice %arg7[%add3A_10, %dma_start3A_34] : memref<10112x16xf32, #tpu.memory_space<vmem_shared>> -> memref<128x16xf32, #tpu.memory_space<vmem_shared>>
      tpu.enqueue_dma source(%arg6 : memref<128x16xf32, #tpu.memory_space<vmem>>) target(%dma_start3A_35 : memref<128x16xf32, #tpu.memory_space<vmem_shared>>) target_semaphore(%run_scoped3A : memref<!tpu.dma_semaphore, #tpu.memory_space<semaphore_mem>>)
      %dma_wait3A = arith.constant 0 : i32
      %dma_wait3A_36 = tpu.memref_slice %arg7[%add3A_10, %dma_wait3A] : memref<10112x16xf32, #tpu.memory_space<vmem_shared>> -> memref<128x16xf32, #tpu.memory_space<vmem_shared>>
      %dma_wait3A_37 = arith.constant 0 : i32
      %dma_wait3A_38 = tpu.memref_slice %arg7[%add3A_10, %dma_wait3A_37] : memref<10112x16xf32, #tpu.memory_space<vmem_shared>> -> memref<128x16xf32, #tpu.memory_space<vmem_shared>>
      tpu.wait_dma2 semaphore(%run_scoped3A : memref<!tpu.dma_semaphore, #tpu.memory_space<semaphore_mem>>) src(%arg6 : memref<128x16xf32, #tpu.memory_space<vmem>>) dst(%dma_wait3A_38 : memref<128x16xf32, #tpu.memory_space<vmem_shared>>)
      tpu.yield
    }) : () -> ()
    %add3A_11 = arith.constant 128 : i32
    %add3A_12 = arith.addi %mul3A_8, %add3A_11 : i32
    "tpu.region"() ({
      %run_scoped3A = tpu.sem_alloc : memref<!tpu.dma_semaphore, #tpu.memory_space<semaphore_mem>>
      %dma_start3A = arith.constant 0 : i32
      %dma_start3A_33 = tpu.memref_slice %arg7[%add3A_12, %dma_start3A] : memref<10112x16xf32, #tpu.memory_space<vmem_shared>> -> memref<128x16xf32, #tpu.memory_space<vmem_shared>>
      %dma_start3A_34 = arith.constant 0 : i32
      %dma_start3A_35 = tpu.memref_slice %arg7[%add3A_12, %dma_start3A_34] : memref<10112x16xf32, #tpu.memory_space<vmem_shared>> -> memref<128x16xf32, #tpu.memory_space<vmem_shared>>
      tpu.enqueue_dma source(%arg6 : memref<128x16xf32, #tpu.memory_space<vmem>>) target(%dma_start3A_35 : memref<128x16xf32, #tpu.memory_space<vmem_shared>>) target_semaphore(%run_scoped3A : memref<!tpu.dma_semaphore, #tpu.memory_space<semaphore_mem>>)
      %dma_wait3A = arith.constant 0 : i32
      %dma_wait3A_36 = tpu.memref_slice %arg7[%add3A_12, %dma_wait3A] : memref<10112x16xf32, #tpu.memory_space<vmem_shared>> -> memref<128x16xf32, #tpu.memory_space<vmem_shared>>
      %dma_wait3A_37 = arith.constant 0 : i32
      %dma_wait3A_38 = tpu.memref_slice %arg7[%add3A_12, %dma_wait3A_37] : memref<10112x16xf32, #tpu.memory_space<vmem_shared>> -> memref<128x16xf32, #tpu.memory_space<vmem_shared>>
      tpu.wait_dma2 semaphore(%run_scoped3A : memref<!tpu.dma_semaphore, #tpu.memory_space<semaphore_mem>>) src(%arg6 : memref<128x16xf32, #tpu.memory_space<vmem>>) dst(%dma_wait3A_38 : memref<128x16xf32, #tpu.memory_space<vmem_shared>>)
      tpu.yield
    }) : () -> ()
    %add3A_13 = arith.constant 256 : i32
    %add3A_14 = arith.addi %mul3A_8, %add3A_13 : i32
    "tpu.region"() ({
      %run_scoped3A = tpu.sem_alloc : memref<!tpu.dma_semaphore, #tpu.memory_space<semaphore_mem>>
      %dma_start3A = arith.constant 0 : i32
      %dma_start3A_33 = tpu.memref_slice %arg7[%add3A_14, %dma_start3A] : memref<10112x16xf32, #tpu.memory_space<vmem_shared>> -> memref<128x16xf32, #tpu.memory_space<vmem_shared>>
      %dma_start3A_34 = arith.constant 0 : i32
      %dma_start3A_35 = tpu.memref_slice %arg7[%add3A_14, %dma_start3A_34] : memref<10112x16xf32, #tpu.memory_space<vmem_shared>> -> memref<128x16xf32, #tpu.memory_space<vmem_shared>>
      tpu.enqueue_dma source(%arg6 : memref<128x16xf32, #tpu.memory_space<vmem>>) target(%dma_start3A_35 : memref<128x16xf32, #tpu.memory_space<vmem_shared>>) target_semaphore(%run_scoped3A : memref<!tpu.dma_semaphore, #tpu.memory_space<semaphore_mem>>)
      %dma_wait3A = arith.constant 0 : i32
      %dma_wait3A_36 = tpu.memref_slice %arg7[%add3A_14, %dma_wait3A] : memref<10112x16xf32, #tpu.memory_space<vmem_shared>> -> memref<128x16xf32, #tpu.memory_space<vmem_shared>>
      %dma_wait3A_37 = arith.constant 0 : i32
      %dma_wait3A_38 = tpu.memref_slice %arg7[%add3A_14, %dma_wait3A_37] : memref<10112x16xf32, #tpu.memory_space<vmem_shared>> -> memref<128x16xf32, #tpu.memory_space<vmem_shared>>
      tpu.wait_dma2 semaphore(%run_scoped3A : memref<!tpu.dma_semaphore, #tpu.memory_space<semaphore_mem>>) src(%arg6 : memref<128x16xf32, #tpu.memory_space<vmem>>) dst(%dma_wait3A_38 : memref<128x16xf32, #tpu.memory_space<vmem_shared>>)
      tpu.yield
    }) : () -> ()
    %add3A_15 = arith.constant 384 : i32
    %add3A_16 = arith.addi %mul3A_8, %add3A_15 : i32
    "tpu.region"() ({
      %run_scoped3A = tpu.sem_alloc : memref<!tpu.dma_semaphore, #tpu.memory_space<semaphore_mem>>
      %dma_start3A = arith.constant 0 : i32
      %dma_start3A_33 = tpu.memref_slice %arg7[%add3A_16, %dma_start3A] : memref<10112x16xf32, #tpu.memory_space<vmem_shared>> -> memref<128x16xf32, #tpu.memory_space<vmem_shared>>
      %dma_start3A_34 = arith.constant 0 : i32
      %dma_start3A_35 = tpu.memref_slice %arg7[%add3A_16, %dma_start3A_34] : memref<10112x16xf32, #tpu.memory_space<vmem_shared>> -> memref<128x16xf32, #tpu.memory_space<vmem_shared>>
      tpu.enqueue_dma source(%arg6 : memref<128x16xf32, #tpu.memory_space<vmem>>) target(%dma_start3A_35 : memref<128x16xf32, #tpu.memory_space<vmem_shared>>) target_semaphore(%run_scoped3A : memref<!tpu.dma_semaphore, #tpu.memory_space<semaphore_mem>>)
      %dma_wait3A = arith.constant 0 : i32
      %dma_wait3A_36 = tpu.memref_slice %arg7[%add3A_16, %dma_wait3A] : memref<10112x16xf32, #tpu.memory_space<vmem_shared>> -> memref<128x16xf32, #tpu.memory_space<vmem_shared>>
      %dma_wait3A_37 = arith.constant 0 : i32
      %dma_wait3A_38 = tpu.memref_slice %arg7[%add3A_16, %dma_wait3A_37] : memref<10112x16xf32, #tpu.memory_space<vmem_shared>> -> memref<128x16xf32, #tpu.memory_space<vmem_shared>>
      tpu.wait_dma2 semaphore(%run_scoped3A : memref<!tpu.dma_semaphore, #tpu.memory_space<semaphore_mem>>) src(%arg6 : memref<128x16xf32, #tpu.memory_space<vmem>>) dst(%dma_wait3A_38 : memref<128x16xf32, #tpu.memory_space<vmem_shared>>)
      tpu.yield
    }) : () -> ()
    %add3A_17 = arith.constant 512 : i32
    %add3A_18 = arith.addi %mul3A_8, %add3A_17 : i32
    "tpu.region"() ({
      %run_scoped3A = tpu.sem_alloc : memref<!tpu.dma_semaphore, #tpu.memory_space<semaphore_mem>>
      %dma_start3A = arith.constant 0 : i32
      %dma_start3A_33 = arith.constant 0 : i32
      %dma_start3A_34 = tpu.memref_slice %arg6[%dma_start3A, %dma_start3A_33] : memref<128x16xf32, #tpu.memory_space<vmem>> -> memref<120x16xf32, #tpu.memory_space<vmem>>
      %dma_start3A_35 = arith.constant 0 : i32
      %dma_start3A_36 = tpu.memref_slice %arg7[%add3A_18, %dma_start3A_35] : memref<10112x16xf32, #tpu.memory_space<vmem_shared>> -> memref<120x16xf32, #tpu.memory_space<vmem_shared>>
      %dma_start3A_37 = arith.constant 0 : i32
      %dma_start3A_38 = tpu.memref_slice %arg7[%add3A_18, %dma_start3A_37] : memref<10112x16xf32, #tpu.memory_space<vmem_shared>> -> memref<120x16xf32, #tpu.memory_space<vmem_shared>>
      %dma_start3A_39 = arith.constant 0 : i32
      %dma_start3A_40 = arith.constant 0 : i32
      %dma_start3A_41 = tpu.memref_slice %arg6[%dma_start3A_39, %dma_start3A_40] : memref<128x16xf32, #tpu.memory_space<vmem>> -> memref<120x16xf32, #tpu.memory_space<vmem>>
      tpu.enqueue_dma source(%dma_start3A_41 : memref<120x16xf32, #tpu.memory_space<vmem>>) target(%dma_start3A_38 : memref<120x16xf32, #tpu.memory_space<vmem_shared>>) target_semaphore(%run_scoped3A : memref<!tpu.dma_semaphore, #tpu.memory_space<semaphore_mem>>)
      %dma_wait3A = arith.constant 0 : i32
      %dma_wait3A_42 = arith.constant 0 : i32
      %dma_wait3A_43 = tpu.memref_slice %arg6[%dma_wait3A, %dma_wait3A_42] : memref<128x16xf32, #tpu.memory_space<vmem>> -> memref<120x16xf32, #tpu.memory_space<vmem>>
      %dma_wait3A_44 = arith.constant 0 : i32
      %dma_wait3A_45 = tpu.memref_slice %arg7[%add3A_18, %dma_wait3A_44] : memref<10112x16xf32, #tpu.memory_space<vmem_shared>> -> memref<120x16xf32, #tpu.memory_space<vmem_shared>>
      %dma_wait3A_46 = arith.constant 0 : i32
      %dma_wait3A_47 = tpu.memref_slice %arg7[%add3A_18, %dma_wait3A_46] : memref<10112x16xf32, #tpu.memory_space<vmem_shared>> -> memref<120x16xf32, #tpu.memory_space<vmem_shared>>
      %dma_wait3A_48 = arith.constant 0 : i32
      %dma_wait3A_49 = arith.constant 0 : i32
      %dma_wait3A_50 = tpu.memref_slice %arg6[%dma_wait3A_48, %dma_wait3A_49] : memref<128x16xf32, #tpu.memory_space<vmem>> -> memref<120x16xf32, #tpu.memory_space<vmem>>
      tpu.wait_dma2 semaphore(%run_scoped3A : memref<!tpu.dma_semaphore, #tpu.memory_space<semaphore_mem>>) src(%dma_wait3A_50 : memref<120x16xf32, #tpu.memory_space<vmem>>) dst(%dma_wait3A_47 : memref<120x16xf32, #tpu.memory_space<vmem_shared>>)
      tpu.yield
    }) : () -> ()
    %barrier3A = arith.constant 0 : index
    tpu.barrier barrier_id(%barrier3A)
    %eq3A = arith.constant 0 : i32
    %eq3A_19 = arith.cmpi eq, %arg0, %eq3A : i32
    %jit3A = arith.constant 33 : i32
    %jit3A_20 = arith.constant 21 : i32
    %select_n3A = arith.select %eq3A_19, %jit3A, %jit3A_20 : i32
    %while3A = arith.constant 0 : i32
    %while3A_21 = arith.constant 0 : i32
    %while3A_22 = arith.subi %select_n3A, %while3A : i32
    %while3A_23 = arith.addi %while3A, %while3A_22 : i32
    %while3A_24 = arith.constant 1 : i32
    %while3A_25 = arith.divsi %while3A_22, %while3A_24 : i32
    %while3A_26 = arith.muli %while3A_25, %while3A_24 : i32
    %while3A_27 = arith.addi %while3A, %while3A_26 : i32
    %while3A_28 = arith.constant 1 : i32
    %while3A_29 = scf.for %while3A_33 = %while3A to %while3A_27 step %while3A_28 iter_args(%while3A_34 = %while3A_21) -> (i32)  : i32 {
      %mul3A_35 = arith.constant 3 : i32
      %mul3A_36 = arith.muli %while3A_33, %mul3A_35 : i32
      %add3A_37 = arith.constant 0 : i32
      %add3A_38 = arith.addi %mul3A_36, %add3A_37 : i32
      %dma_start3A = arith.constant 0 : i32
      %dma_start3A_39 = tpu.memref_slice %arg4[%add3A_38, %dma_start3A] : memref<99x128xi32, #tpu.memory_space<vmem>> -> memref<1x128xi32, #tpu.memory_space<vmem>>
      %dma_start3A_40 = tpu.memref_squeeze %dma_start3A_39 : memref<1x128xi32, #tpu.memory_space<vmem>> -> memref<128xi32, #tpu.memory_space<vmem>>
      %dma_start3A_41 = arith.constant 0 : i32
      %dma_start3A_42 = arith.constant 0 : i32
      %dma_start3A_43 = tpu.memref_slice %arg7[%dma_start3A_41, %dma_start3A_42] : memref<10112x16xf32, #tpu.memory_space<vmem_shared>> -> memref<10112x16xf32, #tpu.memory_space<vmem_shared>>
      tpu.enqueue_indirect_dma source(%arg5 : memref<128x16xf32, #tpu.memory_space<vmem>>) target(%dma_start3A_43 : memref<10112x16xf32, #tpu.memory_space<vmem_shared>>) offsets(%dma_start3A_40 : memref<128xi32, #tpu.memory_space<vmem>>) semaphore(%arg8 : memref<!tpu.dma_semaphore, #tpu.memory_space<semaphore_mem>>) {add = true}
      %mul3A_44 = arith.constant 3 : i32
      %mul3A_45 = arith.muli %while3A_33, %mul3A_44 : i32
      %add3A_46 = arith.constant 1 : i32
      %add3A_47 = arith.addi %mul3A_45, %add3A_46 : i32
      %dma_start3A_48 = arith.constant 0 : i32
      %dma_start3A_49 = tpu.memref_slice %arg4[%add3A_47, %dma_start3A_48] : memref<99x128xi32, #tpu.memory_space<vmem>> -> memref<1x128xi32, #tpu.memory_space<vmem>>
      %dma_start3A_50 = tpu.memref_squeeze %dma_start3A_49 : memref<1x128xi32, #tpu.memory_space<vmem>> -> memref<128xi32, #tpu.memory_space<vmem>>
      %dma_start3A_51 = arith.constant 0 : i32
      %dma_start3A_52 = arith.constant 0 : i32
      %dma_start3A_53 = tpu.memref_slice %arg7[%dma_start3A_51, %dma_start3A_52] : memref<10112x16xf32, #tpu.memory_space<vmem_shared>> -> memref<10112x16xf32, #tpu.memory_space<vmem_shared>>
      tpu.enqueue_indirect_dma source(%arg5 : memref<128x16xf32, #tpu.memory_space<vmem>>) target(%dma_start3A_53 : memref<10112x16xf32, #tpu.memory_space<vmem_shared>>) offsets(%dma_start3A_50 : memref<128xi32, #tpu.memory_space<vmem>>) semaphore(%arg8 : memref<!tpu.dma_semaphore, #tpu.memory_space<semaphore_mem>>) {add = true}
      %mul3A_54 = arith.constant 3 : i32
      %mul3A_55 = arith.muli %while3A_33, %mul3A_54 : i32
      %add3A_56 = arith.constant 2 : i32
      %add3A_57 = arith.addi %mul3A_55, %add3A_56 : i32
      %dma_start3A_58 = arith.constant 0 : i32
      %dma_start3A_59 = tpu.memref_slice %arg4[%add3A_57, %dma_start3A_58] : memref<99x128xi32, #tpu.memory_space<vmem>> -> memref<1x128xi32, #tpu.memory_space<vmem>>
      %dma_start3A_60 = tpu.memref_squeeze %dma_start3A_59 : memref<1x128xi32, #tpu.memory_space<vmem>> -> memref<128xi32, #tpu.memory_space<vmem>>
      %dma_start3A_61 = arith.constant 0 : i32
      %dma_start3A_62 = arith.constant 0 : i32
      %dma_start3A_63 = tpu.memref_slice %arg7[%dma_start3A_61, %dma_start3A_62] : memref<10112x16xf32, #tpu.memory_space<vmem_shared>> -> memref<10112x16xf32, #tpu.memory_space<vmem_shared>>
      tpu.enqueue_indirect_dma source(%arg5 : memref<128x16xf32, #tpu.memory_space<vmem>>) target(%dma_start3A_63 : memref<10112x16xf32, #tpu.memory_space<vmem_shared>>) offsets(%dma_start3A_60 : memref<128xi32, #tpu.memory_space<vmem>>) semaphore(%arg8 : memref<!tpu.dma_semaphore, #tpu.memory_space<semaphore_mem>>) {add = true}
      %dma_wait3A = arith.constant 0 : i32
      %dma_wait3A_64 = tpu.memref_slice %arg4[%add3A_38, %dma_wait3A] : memref<99x128xi32, #tpu.memory_space<vmem>> -> memref<1x128xi32, #tpu.memory_space<vmem>>
      %dma_wait3A_65 = tpu.memref_squeeze %dma_wait3A_64 : memref<1x128xi32, #tpu.memory_space<vmem>> -> memref<128xi32, #tpu.memory_space<vmem>>
      %dma_wait3A_66 = arith.constant 0 : i32
      %dma_wait3A_67 = arith.constant 0 : i32
      %dma_wait3A_68 = tpu.memref_slice %arg7[%dma_wait3A_66, %dma_wait3A_67] : memref<10112x16xf32, #tpu.memory_space<vmem_shared>> -> memref<10112x16xf32, #tpu.memory_space<vmem_shared>>
      tpu.wait_indirect_dma semaphore(%arg8 : memref<!tpu.dma_semaphore, #tpu.memory_space<semaphore_mem>>) src(%arg5 : memref<128x16xf32, #tpu.memory_space<vmem>>) dst(%dma_wait3A_68 : memref<10112x16xf32, #tpu.memory_space<vmem_shared>>)
      %dma_wait3A_69 = arith.constant 0 : i32
      %dma_wait3A_70 = tpu.memref_slice %arg4[%add3A_47, %dma_wait3A_69] : memref<99x128xi32, #tpu.memory_space<vmem>> -> memref<1x128xi32, #tpu.memory_space<vmem>>
      %dma_wait3A_71 = tpu.memref_squeeze %dma_wait3A_70 : memref<1x128xi32, #tpu.memory_space<vmem>> -> memref<128xi32, #tpu.memory_space<vmem>>
      %dma_wait3A_72 = arith.constant 0 : i32
      %dma_wait3A_73 = arith.constant 0 : i32
      %dma_wait3A_74 = tpu.memref_slice %arg7[%dma_wait3A_72, %dma_wait3A_73] : memref<10112x16xf32, #tpu.memory_space<vmem_shared>> -> memref<10112x16xf32, #tpu.memory_space<vmem_shared>>
      tpu.wait_indirect_dma semaphore(%arg8 : memref<!tpu.dma_semaphore, #tpu.memory_space<semaphore_mem>>) src(%arg5 : memref<128x16xf32, #tpu.memory_space<vmem>>) dst(%dma_wait3A_74 : memref<10112x16xf32, #tpu.memory_space<vmem_shared>>)
      %dma_wait3A_75 = arith.constant 0 : i32
      %dma_wait3A_76 = tpu.memref_slice %arg4[%add3A_57, %dma_wait3A_75] : memref<99x128xi32, #tpu.memory_space<vmem>> -> memref<1x128xi32, #tpu.memory_space<vmem>>
      %dma_wait3A_77 = tpu.memref_squeeze %dma_wait3A_76 : memref<1x128xi32, #tpu.memory_space<vmem>> -> memref<128xi32, #tpu.memory_space<vmem>>
      %dma_wait3A_78 = arith.constant 0 : i32
      %dma_wait3A_79 = arith.constant 0 : i32
      %dma_wait3A_80 = tpu.memref_slice %arg7[%dma_wait3A_78, %dma_wait3A_79] : memref<10112x16xf32, #tpu.memory_space<vmem_shared>> -> memref<10112x16xf32, #tpu.memory_space<vmem_shared>>
      tpu.wait_indirect_dma semaphore(%arg8 : memref<!tpu.dma_semaphore, #tpu.memory_space<semaphore_mem>>) src(%arg5 : memref<128x16xf32, #tpu.memory_space<vmem>>) dst(%dma_wait3A_80 : memref<10112x16xf32, #tpu.memory_space<vmem_shared>>)
      %while3A_81 = arith.constant 0 : i32
      scf.yield %while3A_81 : i32
    }
    %while3A_30 = arith.constant 1 : i32
    %while3A_31 = scf.for %while3A_33 = %while3A_27 to %while3A_23 step %while3A_30 iter_args(%while3A_34 = %while3A_29) -> (i32)  : i32 {
      %mul3A_35 = arith.constant 3 : i32
      %mul3A_36 = arith.muli %while3A_33, %mul3A_35 : i32
      %add3A_37 = arith.constant 0 : i32
      %add3A_38 = arith.addi %mul3A_36, %add3A_37 : i32
      %dma_start3A = arith.constant 0 : i32
      %dma_start3A_39 = tpu.memref_slice %arg4[%add3A_38, %dma_start3A] : memref<99x128xi32, #tpu.memory_space<vmem>> -> memref<1x128xi32, #tpu.memory_space<vmem>>
      %dma_start3A_40 = tpu.memref_squeeze %dma_start3A_39 : memref<1x128xi32, #tpu.memory_space<vmem>> -> memref<128xi32, #tpu.memory_space<vmem>>
      %dma_start3A_41 = arith.constant 0 : i32
      %dma_start3A_42 = arith.constant 0 : i32
      %dma_start3A_43 = tpu.memref_slice %arg7[%dma_start3A_41, %dma_start3A_42] : memref<10112x16xf32, #tpu.memory_space<vmem_shared>> -> memref<10112x16xf32, #tpu.memory_space<vmem_shared>>
      tpu.enqueue_indirect_dma source(%arg5 : memref<128x16xf32, #tpu.memory_space<vmem>>) target(%dma_start3A_43 : memref<10112x16xf32, #tpu.memory_space<vmem_shared>>) offsets(%dma_start3A_40 : memref<128xi32, #tpu.memory_space<vmem>>) semaphore(%arg8 : memref<!tpu.dma_semaphore, #tpu.memory_space<semaphore_mem>>) {add = true}
      %mul3A_44 = arith.constant 3 : i32
      %mul3A_45 = arith.muli %while3A_33, %mul3A_44 : i32
      %add3A_46 = arith.constant 1 : i32
      %add3A_47 = arith.addi %mul3A_45, %add3A_46 : i32
      %dma_start3A_48 = arith.constant 0 : i32
      %dma_start3A_49 = tpu.memref_slice %arg4[%add3A_47, %dma_start3A_48] : memref<99x128xi32, #tpu.memory_space<vmem>> -> memref<1x128xi32, #tpu.memory_space<vmem>>
      %dma_start3A_50 = tpu.memref_squeeze %dma_start3A_49 : memref<1x128xi32, #tpu.memory_space<vmem>> -> memref<128xi32, #tpu.memory_space<vmem>>
      %dma_start3A_51 = arith.constant 0 : i32
      %dma_start3A_52 = arith.constant 0 : i32
      %dma_start3A_53 = tpu.memref_slice %arg7[%dma_start3A_51, %dma_start3A_52] : memref<10112x16xf32, #tpu.memory_space<vmem_shared>> -> memref<10112x16xf32, #tpu.memory_space<vmem_shared>>
      tpu.enqueue_indirect_dma source(%arg5 : memref<128x16xf32, #tpu.memory_space<vmem>>) target(%dma_start3A_53 : memref<10112x16xf32, #tpu.memory_space<vmem_shared>>) offsets(%dma_start3A_50 : memref<128xi32, #tpu.memory_space<vmem>>) semaphore(%arg8 : memref<!tpu.dma_semaphore, #tpu.memory_space<semaphore_mem>>) {add = true}
      %mul3A_54 = arith.constant 3 : i32
      %mul3A_55 = arith.muli %while3A_33, %mul3A_54 : i32
      %add3A_56 = arith.constant 2 : i32
      %add3A_57 = arith.addi %mul3A_55, %add3A_56 : i32
      %dma_start3A_58 = arith.constant 0 : i32
      %dma_start3A_59 = tpu.memref_slice %arg4[%add3A_57, %dma_start3A_58] : memref<99x128xi32, #tpu.memory_space<vmem>> -> memref<1x128xi32, #tpu.memory_space<vmem>>
      %dma_start3A_60 = tpu.memref_squeeze %dma_start3A_59 : memref<1x128xi32, #tpu.memory_space<vmem>> -> memref<128xi32, #tpu.memory_space<vmem>>
      %dma_start3A_61 = arith.constant 0 : i32
      %dma_start3A_62 = arith.constant 0 : i32
      %dma_start3A_63 = tpu.memref_slice %arg7[%dma_start3A_61, %dma_start3A_62] : memref<10112x16xf32, #tpu.memory_space<vmem_shared>> -> memref<10112x16xf32, #tpu.memory_space<vmem_shared>>
      tpu.enqueue_indirect_dma source(%arg5 : memref<128x16xf32, #tpu.memory_space<vmem>>) target(%dma_start3A_63 : memref<10112x16xf32, #tpu.memory_space<vmem_shared>>) offsets(%dma_start3A_60 : memref<128xi32, #tpu.memory_space<vmem>>) semaphore(%arg8 : memref<!tpu.dma_semaphore, #tpu.memory_space<semaphore_mem>>) {add = true}
      %dma_wait3A = arith.constant 0 : i32
      %dma_wait3A_64 = tpu.memref_slice %arg4[%add3A_38, %dma_wait3A] : memref<99x128xi32, #tpu.memory_space<vmem>> -> memref<1x128xi32, #tpu.memory_space<vmem>>
      %dma_wait3A_65 = tpu.memref_squeeze %dma_wait3A_64 : memref<1x128xi32, #tpu.memory_space<vmem>> -> memref<128xi32, #tpu.memory_space<vmem>>
      %dma_wait3A_66 = arith.constant 0 : i32
      %dma_wait3A_67 = arith.constant 0 : i32
      %dma_wait3A_68 = tpu.memref_slice %arg7[%dma_wait3A_66, %dma_wait3A_67] : memref<10112x16xf32, #tpu.memory_space<vmem_shared>> -> memref<10112x16xf32, #tpu.memory_space<vmem_shared>>
      tpu.wait_indirect_dma semaphore(%arg8 : memref<!tpu.dma_semaphore, #tpu.memory_space<semaphore_mem>>) src(%arg5 : memref<128x16xf32, #tpu.memory_space<vmem>>) dst(%dma_wait3A_68 : memref<10112x16xf32, #tpu.memory_space<vmem_shared>>)
      %dma_wait3A_69 = arith.constant 0 : i32
      %dma_wait3A_70 = tpu.memref_slice %arg4[%add3A_47, %dma_wait3A_69] : memref<99x128xi32, #tpu.memory_space<vmem>> -> memref<1x128xi32, #tpu.memory_space<vmem>>
      %dma_wait3A_71 = tpu.memref_squeeze %dma_wait3A_70 : memref<1x128xi32, #tpu.memory_space<vmem>> -> memref<128xi32, #tpu.memory_space<vmem>>
      %dma_wait3A_72 = arith.constant 0 : i32
      %dma_wait3A_73 = arith.constant 0 : i32
      %dma_wait3A_74 = tpu.memref_slice %arg7[%dma_wait3A_72, %dma_wait3A_73] : memref<10112x16xf32, #tpu.memory_space<vmem_shared>> -> memref<10112x16xf32, #tpu.memory_space<vmem_shared>>
      tpu.wait_indirect_dma semaphore(%arg8 : memref<!tpu.dma_semaphore, #tpu.memory_space<semaphore_mem>>) src(%arg5 : memref<128x16xf32, #tpu.memory_space<vmem>>) dst(%dma_wait3A_74 : memref<10112x16xf32, #tpu.memory_space<vmem_shared>>)
      %dma_wait3A_75 = arith.constant 0 : i32
      %dma_wait3A_76 = tpu.memref_slice %arg4[%add3A_57, %dma_wait3A_75] : memref<99x128xi32, #tpu.memory_space<vmem>> -> memref<1x128xi32, #tpu.memory_space<vmem>>
      %dma_wait3A_77 = tpu.memref_squeeze %dma_wait3A_76 : memref<1x128xi32, #tpu.memory_space<vmem>> -> memref<128xi32, #tpu.memory_space<vmem>>
      %dma_wait3A_78 = arith.constant 0 : i32
      %dma_wait3A_79 = arith.constant 0 : i32
      %dma_wait3A_80 = tpu.memref_slice %arg7[%dma_wait3A_78, %dma_wait3A_79] : memref<10112x16xf32, #tpu.memory_space<vmem_shared>> -> memref<10112x16xf32, #tpu.memory_space<vmem_shared>>
      tpu.wait_indirect_dma semaphore(%arg8 : memref<!tpu.dma_semaphore, #tpu.memory_space<semaphore_mem>>) src(%arg5 : memref<128x16xf32, #tpu.memory_space<vmem>>) dst(%dma_wait3A_80 : memref<10112x16xf32, #tpu.memory_space<vmem_shared>>)
      %while3A_81 = arith.constant 0 : i32
      scf.yield %while3A_81 : i32
    }
    %barrier3A_32 = arith.constant 0 : index
    tpu.barrier barrier_id(%barrier3A_32)
    "tpu.region"() ({
      %run_scoped3A = tpu.sem_alloc : memref<!tpu.dma_semaphore, #tpu.memory_space<semaphore_mem>>
      %dma_start3A = arith.constant 0 : i32
      %dma_start3A_33 = tpu.memref_slice %arg3[%arg0, %mul3A_8, %dma_start3A] : memref<2x10112x16xf32, #tpu.memory_space<hbm>> -> memref<1x632x16xf32, #tpu.memory_space<hbm>>
      %dma_start3A_34 = tpu.memref_squeeze %dma_start3A_33 : memref<1x632x16xf32, #tpu.memory_space<hbm>> -> memref<632x16xf32, #tpu.memory_space<hbm>>
      %dma_start3A_35 = arith.constant 0 : i32
      %dma_start3A_36 = tpu.memref_slice %arg7[%mul3A_8, %dma_start3A_35] : memref<10112x16xf32, #tpu.memory_space<vmem_shared>> -> memref<632x16xf32, #tpu.memory_space<vmem_shared>>
      tpu.enqueue_dma source(%dma_start3A_36 : memref<632x16xf32, #tpu.memory_space<vmem_shared>>) target(%dma_start3A_34 : memref<632x16xf32, #tpu.memory_space<hbm>>) target_semaphore(%run_scoped3A : memref<!tpu.dma_semaphore, #tpu.memory_space<semaphore_mem>>)
      %dma_wait3A = arith.constant 0 : i32
      %dma_wait3A_37 = tpu.memref_slice %arg3[%arg0, %mul3A_8, %dma_wait3A] : memref<2x10112x16xf32, #tpu.memory_space<hbm>> -> memref<1x632x16xf32, #tpu.memory_space<hbm>>
      %dma_wait3A_38 = tpu.memref_squeeze %dma_wait3A_37 : memref<1x632x16xf32, #tpu.memory_space<hbm>> -> memref<632x16xf32, #tpu.memory_space<hbm>>
      %dma_wait3A_39 = arith.constant 0 : i32
      %dma_wait3A_40 = tpu.memref_slice %arg7[%mul3A_8, %dma_wait3A_39] : memref<10112x16xf32, #tpu.memory_space<vmem_shared>> -> memref<632x16xf32, #tpu.memory_space<vmem_shared>>
      tpu.wait_dma2 semaphore(%run_scoped3A : memref<!tpu.dma_semaphore, #tpu.memory_space<semaphore_mem>>) src(%dma_wait3A_40 : memref<632x16xf32, #tpu.memory_space<vmem_shared>>) dst(%dma_wait3A_38 : memref<632x16xf32, #tpu.memory_space<hbm>>)
      tpu.yield
    }) : () -> ()
    return
  }
}

#map = affine_map<(d0, d1) -> (0, 0)>
#map1 = affine_map<(d0, d1) -> (0, 0, 0)>
module attributes {stable_mosaic.version = 14 : i64} {
  func.func @sc_aggregate_64(%arg0: i32, %arg1: i32, %arg2: memref<10000x64xf32, #tpu.memory_space<hbm>>, %arg3: memref<32x99x128xi32, #tpu.memory_space<hbm>>, %arg4: memref<32x99x128xi32, #tpu.memory_space<hbm>>, %arg5: memref<2x10112x64xf32, #tpu.memory_space<hbm>>, %arg6: memref<99x128xi32, #tpu.memory_space<vmem>>, %arg7: memref<99x128xi32, #tpu.memory_space<vmem>>, %arg8: memref<3x128x64xf32, #tpu.memory_space<vmem>>, %arg9: memref<10112x64xf32, #tpu.memory_space<vmem_shared>>, %arg10: memref<!tpu.dma_semaphore, #tpu.memory_space<semaphore_mem>>, %arg11: memref<!tpu.dma_semaphore, #tpu.memory_space<semaphore_mem>>) attributes {dimension_semantics = [#tpu.dimension_semantics<core_parallel>, #tpu.dimension_semantics<subcore_parallel>], iteration_bounds = array<i64: 2, 16>, scalar_prefetch = 0 : i64, scratch_operands = 6 : i64, tpu.core_type = #tpu.core_type<sc_vector_subcore>, window_params = [{transform_indices = #map}, {transform_indices = #map1}, {transform_indices = #map1}, {transform_indices = #map1}]} {
    %mul3A = arith.constant 16 : i32
    %mul3A_0 = arith.muli %arg0, %mul3A : i32
    %add3A = arith.addi %mul3A_0, %arg1 : i32
    %dma_start3A = arith.constant 0 : i32
    %dma_start3A_1 = arith.constant 0 : i32
    %dma_start3A_2 = tpu.memref_slice %arg3[%add3A, %dma_start3A, %dma_start3A_1] : memref<32x99x128xi32, #tpu.memory_space<hbm>> -> memref<1x99x128xi32, #tpu.memory_space<hbm>>
    %dma_start3A_3 = tpu.memref_squeeze %dma_start3A_2 : memref<1x99x128xi32, #tpu.memory_space<hbm>> -> memref<99x128xi32, #tpu.memory_space<hbm>>
    %dma_start3A_4 = arith.constant 0 : i32
    %dma_start3A_5 = arith.constant 0 : i32
    %dma_start3A_6 = tpu.memref_slice %arg3[%add3A, %dma_start3A_4, %dma_start3A_5] : memref<32x99x128xi32, #tpu.memory_space<hbm>> -> memref<1x99x128xi32, #tpu.memory_space<hbm>>
    %dma_start3A_7 = tpu.memref_squeeze %dma_start3A_6 : memref<1x99x128xi32, #tpu.memory_space<hbm>> -> memref<99x128xi32, #tpu.memory_space<hbm>>
    tpu.enqueue_dma source(%dma_start3A_7 : memref<99x128xi32, #tpu.memory_space<hbm>>) target(%arg6 : memref<99x128xi32, #tpu.memory_space<vmem>>) target_semaphore(%arg10 : memref<!tpu.dma_semaphore, #tpu.memory_space<semaphore_mem>>)
    %dma_start3A_8 = arith.constant 0 : i32
    %dma_start3A_9 = arith.constant 0 : i32
    %dma_start3A_10 = tpu.memref_slice %arg4[%add3A, %dma_start3A_8, %dma_start3A_9] : memref<32x99x128xi32, #tpu.memory_space<hbm>> -> memref<1x99x128xi32, #tpu.memory_space<hbm>>
    %dma_start3A_11 = tpu.memref_squeeze %dma_start3A_10 : memref<1x99x128xi32, #tpu.memory_space<hbm>> -> memref<99x128xi32, #tpu.memory_space<hbm>>
    %dma_start3A_12 = arith.constant 0 : i32
    %dma_start3A_13 = arith.constant 0 : i32
    %dma_start3A_14 = tpu.memref_slice %arg4[%add3A, %dma_start3A_12, %dma_start3A_13] : memref<32x99x128xi32, #tpu.memory_space<hbm>> -> memref<1x99x128xi32, #tpu.memory_space<hbm>>
    %dma_start3A_15 = tpu.memref_squeeze %dma_start3A_14 : memref<1x99x128xi32, #tpu.memory_space<hbm>> -> memref<99x128xi32, #tpu.memory_space<hbm>>
    tpu.enqueue_dma source(%dma_start3A_15 : memref<99x128xi32, #tpu.memory_space<hbm>>) target(%arg7 : memref<99x128xi32, #tpu.memory_space<vmem>>) target_semaphore(%arg11 : memref<!tpu.dma_semaphore, #tpu.memory_space<semaphore_mem>>)
    %scan3A = arith.constant 0 : i32
    %scan3A_16 = arith.constant 0 : i32
    %scan3A_17 = arith.constant 128 : i32
    %scan3A_18 = arith.addi %scan3A_16, %scan3A_17 : i32
    %scan3A_19 = arith.constant 1 : i32
    %scan3A_20 = scf.for %scan3A_67 = %scan3A_16 to %scan3A_18 step %scan3A_19 iter_args(%scan3A_68 = %scan3A) -> (i32)  : i32 {
      %broadcast_in_dim3A = arith.constant 0.000000e+00 : f32
      %broadcast_in_dim3A_69 = vector.broadcast %broadcast_in_dim3A : f32 to vector<16xf32>
      %swap3A = arith.constant 0 : i32
      %swap3A_70 = arith.constant 0 : i32
      %swap3A_71 = arith.constant 0 : i32
      %swap3A_72 = tpu.memref_slice %arg8[%swap3A, %swap3A_70, %swap3A_71] : memref<3x128x64xf32, #tpu.memory_space<vmem>> -> memref<1x128x64xf32, #tpu.memory_space<vmem>>
      %swap3A_73 = tpu.memref_squeeze %swap3A_72 : memref<1x128x64xf32, #tpu.memory_space<vmem>> -> memref<128x64xf32, #tpu.memory_space<vmem>>
      %swap3A_74 = arith.index_cast %scan3A_67 : i32 to index
      %swap3A_75 = arith.constant 0 : index
      %swap3A_76 = tpu.vector_load %swap3A_73[%swap3A_74, %swap3A_75] {strides = array<i32>} : memref<128x64xf32, #tpu.memory_space<vmem>>, vector<1x16xf32>,
      %swap3A_77 = vector.shape_cast %swap3A_76 : vector<1x16xf32> to vector<16xf32>
      %swap3A_78 = vector.shape_cast %broadcast_in_dim3A_69 : vector<16xf32> to vector<1x16xf32>
      tpu.vector_store %swap3A_73[%swap3A_74, %swap3A_75], %swap3A_78 {strides = array<i32>} : memref<128x64xf32, #tpu.memory_space<vmem>>, vector<1x16xf32>,
      %swap3A_79 = arith.constant 0 : i32
      %swap3A_80 = arith.constant 0 : i32
      %swap3A_81 = arith.constant 0 : i32
      %swap3A_82 = tpu.memref_slice %arg8[%swap3A_79, %swap3A_80, %swap3A_81] : memref<3x128x64xf32, #tpu.memory_space<vmem>> -> memref<1x128x64xf32, #tpu.memory_space<vmem>>
      %swap3A_83 = tpu.memref_squeeze %swap3A_82 : memref<1x128x64xf32, #tpu.memory_space<vmem>> -> memref<128x64xf32, #tpu.memory_space<vmem>>
      %swap3A_84 = arith.index_cast %scan3A_67 : i32 to index
      %swap3A_85 = arith.constant 16 : index
      %swap3A_86 = tpu.vector_load %swap3A_83[%swap3A_84, %swap3A_85] {strides = array<i32>} : memref<128x64xf32, #tpu.memory_space<vmem>>, vector<1x16xf32>,
      %swap3A_87 = vector.shape_cast %swap3A_86 : vector<1x16xf32> to vector<16xf32>
      %swap3A_88 = vector.shape_cast %broadcast_in_dim3A_69 : vector<16xf32> to vector<1x16xf32>
      tpu.vector_store %swap3A_83[%swap3A_84, %swap3A_85], %swap3A_88 {strides = array<i32>} : memref<128x64xf32, #tpu.memory_space<vmem>>, vector<1x16xf32>,
      %swap3A_89 = arith.constant 0 : i32
      %swap3A_90 = arith.constant 0 : i32
      %swap3A_91 = arith.constant 0 : i32
      %swap3A_92 = tpu.memref_slice %arg8[%swap3A_89, %swap3A_90, %swap3A_91] : memref<3x128x64xf32, #tpu.memory_space<vmem>> -> memref<1x128x64xf32, #tpu.memory_space<vmem>>
      %swap3A_93 = tpu.memref_squeeze %swap3A_92 : memref<1x128x64xf32, #tpu.memory_space<vmem>> -> memref<128x64xf32, #tpu.memory_space<vmem>>
      %swap3A_94 = arith.index_cast %scan3A_67 : i32 to index
      %swap3A_95 = arith.constant 32 : index
      %swap3A_96 = tpu.vector_load %swap3A_93[%swap3A_94, %swap3A_95] {strides = array<i32>} : memref<128x64xf32, #tpu.memory_space<vmem>>, vector<1x16xf32>,
      %swap3A_97 = vector.shape_cast %swap3A_96 : vector<1x16xf32> to vector<16xf32>
      %swap3A_98 = vector.shape_cast %broadcast_in_dim3A_69 : vector<16xf32> to vector<1x16xf32>
      tpu.vector_store %swap3A_93[%swap3A_94, %swap3A_95], %swap3A_98 {strides = array<i32>} : memref<128x64xf32, #tpu.memory_space<vmem>>, vector<1x16xf32>,
      %swap3A_99 = arith.constant 0 : i32
      %swap3A_100 = arith.constant 0 : i32
      %swap3A_101 = arith.constant 0 : i32
      %swap3A_102 = tpu.memref_slice %arg8[%swap3A_99, %swap3A_100, %swap3A_101] : memref<3x128x64xf32, #tpu.memory_space<vmem>> -> memref<1x128x64xf32, #tpu.memory_space<vmem>>
      %swap3A_103 = tpu.memref_squeeze %swap3A_102 : memref<1x128x64xf32, #tpu.memory_space<vmem>> -> memref<128x64xf32, #tpu.memory_space<vmem>>
      %swap3A_104 = arith.index_cast %scan3A_67 : i32 to index
      %swap3A_105 = arith.constant 48 : index
      %swap3A_106 = tpu.vector_load %swap3A_103[%swap3A_104, %swap3A_105] {strides = array<i32>} : memref<128x64xf32, #tpu.memory_space<vmem>>, vector<1x16xf32>,
      %swap3A_107 = vector.shape_cast %swap3A_106 : vector<1x16xf32> to vector<16xf32>
      %swap3A_108 = vector.shape_cast %broadcast_in_dim3A_69 : vector<16xf32> to vector<1x16xf32>
      tpu.vector_store %swap3A_103[%swap3A_104, %swap3A_105], %swap3A_108 {strides = array<i32>} : memref<128x64xf32, #tpu.memory_space<vmem>>, vector<1x16xf32>,
      %scan3A_109 = arith.constant 0 : i32
      scf.yield %scan3A_109 : i32
    }
    %scan3A_21 = arith.constant 128 : i32
    %mul3A_22 = arith.constant 632 : i32
    %mul3A_23 = arith.muli %arg1, %mul3A_22 : i32
    %add3A_24 = arith.constant 0 : i32
    %add3A_25 = arith.addi %mul3A_23, %add3A_24 : i32
    %run_scoped3A = arith.constant 0 : i32
    "tpu.region"() ({
      %run_scoped3A_67 = tpu.sem_alloc : memref<!tpu.dma_semaphore, #tpu.memory_space<semaphore_mem>>
      %dma_start3A_68 = arith.constant 0 : i32
      %dma_start3A_69 = arith.constant 0 : i32
      %dma_start3A_70 = tpu.memref_slice %arg8[%run_scoped3A, %dma_start3A_68, %dma_start3A_69] : memref<3x128x64xf32, #tpu.memory_space<vmem>> -> memref<1x128x64xf32, #tpu.memory_space<vmem>>
      %dma_start3A_71 = tpu.memref_squeeze %dma_start3A_70 : memref<1x128x64xf32, #tpu.memory_space<vmem>> -> memref<128x64xf32, #tpu.memory_space<vmem>>
      %dma_start3A_72 = arith.constant 0 : i32
      %dma_start3A_73 = tpu.memref_slice %arg9[%add3A_25, %dma_start3A_72] : memref<10112x64xf32, #tpu.memory_space<vmem_shared>> -> memref<128x64xf32, #tpu.memory_space<vmem_shared>>
      %dma_start3A_74 = arith.constant 0 : i32
      %dma_start3A_75 = tpu.memref_slice %arg9[%add3A_25, %dma_start3A_74] : memref<10112x64xf32, #tpu.memory_space<vmem_shared>> -> memref<128x64xf32, #tpu.memory_space<vmem_shared>>
      %dma_start3A_76 = arith.constant 0 : i32
      %dma_start3A_77 = arith.constant 0 : i32
      %dma_start3A_78 = tpu.memref_slice %arg8[%run_scoped3A, %dma_start3A_76, %dma_start3A_77] : memref<3x128x64xf32, #tpu.memory_space<vmem>> -> memref<1x128x64xf32, #tpu.memory_space<vmem>>
      %dma_start3A_79 = tpu.memref_squeeze %dma_start3A_78 : memref<1x128x64xf32, #tpu.memory_space<vmem>> -> memref<128x64xf32, #tpu.memory_space<vmem>>
      tpu.enqueue_dma source(%dma_start3A_79 : memref<128x64xf32, #tpu.memory_space<vmem>>) target(%dma_start3A_75 : memref<128x64xf32, #tpu.memory_space<vmem_shared>>) target_semaphore(%run_scoped3A_67 : memref<!tpu.dma_semaphore, #tpu.memory_space<semaphore_mem>>)
      %dma_wait3A_80 = arith.constant 0 : i32
      %dma_wait3A_81 = arith.constant 0 : i32
      %dma_wait3A_82 = tpu.memref_slice %arg8[%run_scoped3A, %dma_wait3A_80, %dma_wait3A_81] : memref<3x128x64xf32, #tpu.memory_space<vmem>> -> memref<1x128x64xf32, #tpu.memory_space<vmem>>
      %dma_wait3A_83 = tpu.memref_squeeze %dma_wait3A_82 : memref<1x128x64xf32, #tpu.memory_space<vmem>> -> memref<128x64xf32, #tpu.memory_space<vmem>>
      %dma_wait3A_84 = arith.constant 0 : i32
      %dma_wait3A_85 = tpu.memref_slice %arg9[%add3A_25, %dma_wait3A_84] : memref<10112x64xf32, #tpu.memory_space<vmem_shared>> -> memref<128x64xf32, #tpu.memory_space<vmem_shared>>
      %dma_wait3A_86 = arith.constant 0 : i32
      %dma_wait3A_87 = tpu.memref_slice %arg9[%add3A_25, %dma_wait3A_86] : memref<10112x64xf32, #tpu.memory_space<vmem_shared>> -> memref<128x64xf32, #tpu.memory_space<vmem_shared>>
      %dma_wait3A_88 = arith.constant 0 : i32
      %dma_wait3A_89 = arith.constant 0 : i32
      %dma_wait3A_90 = tpu.memref_slice %arg8[%run_scoped3A, %dma_wait3A_88, %dma_wait3A_89] : memref<3x128x64xf32, #tpu.memory_space<vmem>> -> memref<1x128x64xf32, #tpu.memory_space<vmem>>
      %dma_wait3A_91 = tpu.memref_squeeze %dma_wait3A_90 : memref<1x128x64xf32, #tpu.memory_space<vmem>> -> memref<128x64xf32, #tpu.memory_space<vmem>>
      tpu.wait_dma2 semaphore(%run_scoped3A_67 : memref<!tpu.dma_semaphore, #tpu.memory_space<semaphore_mem>>) src(%dma_wait3A_91 : memref<128x64xf32, #tpu.memory_space<vmem>>) dst(%dma_wait3A_87 : memref<128x64xf32, #tpu.memory_space<vmem_shared>>)
      tpu.yield
    }) : () -> ()
    %add3A_26 = arith.constant 128 : i32
    %add3A_27 = arith.addi %mul3A_23, %add3A_26 : i32
    %run_scoped3A_28 = arith.constant 0 : i32
    "tpu.region"() ({
      %run_scoped3A_67 = tpu.sem_alloc : memref<!tpu.dma_semaphore, #tpu.memory_space<semaphore_mem>>
      %dma_start3A_68 = arith.constant 0 : i32
      %dma_start3A_69 = arith.constant 0 : i32
      %dma_start3A_70 = tpu.memref_slice %arg8[%run_scoped3A_28, %dma_start3A_68, %dma_start3A_69] : memref<3x128x64xf32, #tpu.memory_space<vmem>> -> memref<1x128x64xf32, #tpu.memory_space<vmem>>
      %dma_start3A_71 = tpu.memref_squeeze %dma_start3A_70 : memref<1x128x64xf32, #tpu.memory_space<vmem>> -> memref<128x64xf32, #tpu.memory_space<vmem>>
      %dma_start3A_72 = arith.constant 0 : i32
      %dma_start3A_73 = tpu.memref_slice %arg9[%add3A_27, %dma_start3A_72] : memref<10112x64xf32, #tpu.memory_space<vmem_shared>> -> memref<128x64xf32, #tpu.memory_space<vmem_shared>>
      %dma_start3A_74 = arith.constant 0 : i32
      %dma_start3A_75 = tpu.memref_slice %arg9[%add3A_27, %dma_start3A_74] : memref<10112x64xf32, #tpu.memory_space<vmem_shared>> -> memref<128x64xf32, #tpu.memory_space<vmem_shared>>
      %dma_start3A_76 = arith.constant 0 : i32
      %dma_start3A_77 = arith.constant 0 : i32
      %dma_start3A_78 = tpu.memref_slice %arg8[%run_scoped3A_28, %dma_start3A_76, %dma_start3A_77] : memref<3x128x64xf32, #tpu.memory_space<vmem>> -> memref<1x128x64xf32, #tpu.memory_space<vmem>>
      %dma_start3A_79 = tpu.memref_squeeze %dma_start3A_78 : memref<1x128x64xf32, #tpu.memory_space<vmem>> -> memref<128x64xf32, #tpu.memory_space<vmem>>
      tpu.enqueue_dma source(%dma_start3A_79 : memref<128x64xf32, #tpu.memory_space<vmem>>) target(%dma_start3A_75 : memref<128x64xf32, #tpu.memory_space<vmem_shared>>) target_semaphore(%run_scoped3A_67 : memref<!tpu.dma_semaphore, #tpu.memory_space<semaphore_mem>>)
      %dma_wait3A_80 = arith.constant 0 : i32
      %dma_wait3A_81 = arith.constant 0 : i32
      %dma_wait3A_82 = tpu.memref_slice %arg8[%run_scoped3A_28, %dma_wait3A_80, %dma_wait3A_81] : memref<3x128x64xf32, #tpu.memory_space<vmem>> -> memref<1x128x64xf32, #tpu.memory_space<vmem>>
      %dma_wait3A_83 = tpu.memref_squeeze %dma_wait3A_82 : memref<1x128x64xf32, #tpu.memory_space<vmem>> -> memref<128x64xf32, #tpu.memory_space<vmem>>
      %dma_wait3A_84 = arith.constant 0 : i32
      %dma_wait3A_85 = tpu.memref_slice %arg9[%add3A_27, %dma_wait3A_84] : memref<10112x64xf32, #tpu.memory_space<vmem_shared>> -> memref<128x64xf32, #tpu.memory_space<vmem_shared>>
      %dma_wait3A_86 = arith.constant 0 : i32
      %dma_wait3A_87 = tpu.memref_slice %arg9[%add3A_27, %dma_wait3A_86] : memref<10112x64xf32, #tpu.memory_space<vmem_shared>> -> memref<128x64xf32, #tpu.memory_space<vmem_shared>>
      %dma_wait3A_88 = arith.constant 0 : i32
      %dma_wait3A_89 = arith.constant 0 : i32
      %dma_wait3A_90 = tpu.memref_slice %arg8[%run_scoped3A_28, %dma_wait3A_88, %dma_wait3A_89] : memref<3x128x64xf32, #tpu.memory_space<vmem>> -> memref<1x128x64xf32, #tpu.memory_space<vmem>>
      %dma_wait3A_91 = tpu.memref_squeeze %dma_wait3A_90 : memref<1x128x64xf32, #tpu.memory_space<vmem>> -> memref<128x64xf32, #tpu.memory_space<vmem>>
      tpu.wait_dma2 semaphore(%run_scoped3A_67 : memref<!tpu.dma_semaphore, #tpu.memory_space<semaphore_mem>>) src(%dma_wait3A_91 : memref<128x64xf32, #tpu.memory_space<vmem>>) dst(%dma_wait3A_87 : memref<128x64xf32, #tpu.memory_space<vmem_shared>>)
      tpu.yield
    }) : () -> ()
    %add3A_29 = arith.constant 256 : i32
    %add3A_30 = arith.addi %mul3A_23, %add3A_29 : i32
    %run_scoped3A_31 = arith.constant 0 : i32
    "tpu.region"() ({
      %run_scoped3A_67 = tpu.sem_alloc : memref<!tpu.dma_semaphore, #tpu.memory_space<semaphore_mem>>
      %dma_start3A_68 = arith.constant 0 : i32
      %dma_start3A_69 = arith.constant 0 : i32
      %dma_start3A_70 = tpu.memref_slice %arg8[%run_scoped3A_31, %dma_start3A_68, %dma_start3A_69] : memref<3x128x64xf32, #tpu.memory_space<vmem>> -> memref<1x128x64xf32, #tpu.memory_space<vmem>>
      %dma_start3A_71 = tpu.memref_squeeze %dma_start3A_70 : memref<1x128x64xf32, #tpu.memory_space<vmem>> -> memref<128x64xf32, #tpu.memory_space<vmem>>
      %dma_start3A_72 = arith.constant 0 : i32
      %dma_start3A_73 = tpu.memref_slice %arg9[%add3A_30, %dma_start3A_72] : memref<10112x64xf32, #tpu.memory_space<vmem_shared>> -> memref<128x64xf32, #tpu.memory_space<vmem_shared>>
      %dma_start3A_74 = arith.constant 0 : i32
      %dma_start3A_75 = tpu.memref_slice %arg9[%add3A_30, %dma_start3A_74] : memref<10112x64xf32, #tpu.memory_space<vmem_shared>> -> memref<128x64xf32, #tpu.memory_space<vmem_shared>>
      %dma_start3A_76 = arith.constant 0 : i32
      %dma_start3A_77 = arith.constant 0 : i32
      %dma_start3A_78 = tpu.memref_slice %arg8[%run_scoped3A_31, %dma_start3A_76, %dma_start3A_77] : memref<3x128x64xf32, #tpu.memory_space<vmem>> -> memref<1x128x64xf32, #tpu.memory_space<vmem>>
      %dma_start3A_79 = tpu.memref_squeeze %dma_start3A_78 : memref<1x128x64xf32, #tpu.memory_space<vmem>> -> memref<128x64xf32, #tpu.memory_space<vmem>>
      tpu.enqueue_dma source(%dma_start3A_79 : memref<128x64xf32, #tpu.memory_space<vmem>>) target(%dma_start3A_75 : memref<128x64xf32, #tpu.memory_space<vmem_shared>>) target_semaphore(%run_scoped3A_67 : memref<!tpu.dma_semaphore, #tpu.memory_space<semaphore_mem>>)
      %dma_wait3A_80 = arith.constant 0 : i32
      %dma_wait3A_81 = arith.constant 0 : i32
      %dma_wait3A_82 = tpu.memref_slice %arg8[%run_scoped3A_31, %dma_wait3A_80, %dma_wait3A_81] : memref<3x128x64xf32, #tpu.memory_space<vmem>> -> memref<1x128x64xf32, #tpu.memory_space<vmem>>
      %dma_wait3A_83 = tpu.memref_squeeze %dma_wait3A_82 : memref<1x128x64xf32, #tpu.memory_space<vmem>> -> memref<128x64xf32, #tpu.memory_space<vmem>>
      %dma_wait3A_84 = arith.constant 0 : i32
      %dma_wait3A_85 = tpu.memref_slice %arg9[%add3A_30, %dma_wait3A_84] : memref<10112x64xf32, #tpu.memory_space<vmem_shared>> -> memref<128x64xf32, #tpu.memory_space<vmem_shared>>
      %dma_wait3A_86 = arith.constant 0 : i32
      %dma_wait3A_87 = tpu.memref_slice %arg9[%add3A_30, %dma_wait3A_86] : memref<10112x64xf32, #tpu.memory_space<vmem_shared>> -> memref<128x64xf32, #tpu.memory_space<vmem_shared>>
      %dma_wait3A_88 = arith.constant 0 : i32
      %dma_wait3A_89 = arith.constant 0 : i32
      %dma_wait3A_90 = tpu.memref_slice %arg8[%run_scoped3A_31, %dma_wait3A_88, %dma_wait3A_89] : memref<3x128x64xf32, #tpu.memory_space<vmem>> -> memref<1x128x64xf32, #tpu.memory_space<vmem>>
      %dma_wait3A_91 = tpu.memref_squeeze %dma_wait3A_90 : memref<1x128x64xf32, #tpu.memory_space<vmem>> -> memref<128x64xf32, #tpu.memory_space<vmem>>
      tpu.wait_dma2 semaphore(%run_scoped3A_67 : memref<!tpu.dma_semaphore, #tpu.memory_space<semaphore_mem>>) src(%dma_wait3A_91 : memref<128x64xf32, #tpu.memory_space<vmem>>) dst(%dma_wait3A_87 : memref<128x64xf32, #tpu.memory_space<vmem_shared>>)
      tpu.yield
    }) : () -> ()
    %add3A_32 = arith.constant 384 : i32
    %add3A_33 = arith.addi %mul3A_23, %add3A_32 : i32
    %run_scoped3A_34 = arith.constant 0 : i32
    "tpu.region"() ({
      %run_scoped3A_67 = tpu.sem_alloc : memref<!tpu.dma_semaphore, #tpu.memory_space<semaphore_mem>>
      %dma_start3A_68 = arith.constant 0 : i32
      %dma_start3A_69 = arith.constant 0 : i32
      %dma_start3A_70 = tpu.memref_slice %arg8[%run_scoped3A_34, %dma_start3A_68, %dma_start3A_69] : memref<3x128x64xf32, #tpu.memory_space<vmem>> -> memref<1x128x64xf32, #tpu.memory_space<vmem>>
      %dma_start3A_71 = tpu.memref_squeeze %dma_start3A_70 : memref<1x128x64xf32, #tpu.memory_space<vmem>> -> memref<128x64xf32, #tpu.memory_space<vmem>>
      %dma_start3A_72 = arith.constant 0 : i32
      %dma_start3A_73 = tpu.memref_slice %arg9[%add3A_33, %dma_start3A_72] : memref<10112x64xf32, #tpu.memory_space<vmem_shared>> -> memref<128x64xf32, #tpu.memory_space<vmem_shared>>
      %dma_start3A_74 = arith.constant 0 : i32
      %dma_start3A_75 = tpu.memref_slice %arg9[%add3A_33, %dma_start3A_74] : memref<10112x64xf32, #tpu.memory_space<vmem_shared>> -> memref<128x64xf32, #tpu.memory_space<vmem_shared>>
      %dma_start3A_76 = arith.constant 0 : i32
      %dma_start3A_77 = arith.constant 0 : i32
      %dma_start3A_78 = tpu.memref_slice %arg8[%run_scoped3A_34, %dma_start3A_76, %dma_start3A_77] : memref<3x128x64xf32, #tpu.memory_space<vmem>> -> memref<1x128x64xf32, #tpu.memory_space<vmem>>
      %dma_start3A_79 = tpu.memref_squeeze %dma_start3A_78 : memref<1x128x64xf32, #tpu.memory_space<vmem>> -> memref<128x64xf32, #tpu.memory_space<vmem>>
      tpu.enqueue_dma source(%dma_start3A_79 : memref<128x64xf32, #tpu.memory_space<vmem>>) target(%dma_start3A_75 : memref<128x64xf32, #tpu.memory_space<vmem_shared>>) target_semaphore(%run_scoped3A_67 : memref<!tpu.dma_semaphore, #tpu.memory_space<semaphore_mem>>)
      %dma_wait3A_80 = arith.constant 0 : i32
      %dma_wait3A_81 = arith.constant 0 : i32
      %dma_wait3A_82 = tpu.memref_slice %arg8[%run_scoped3A_34, %dma_wait3A_80, %dma_wait3A_81] : memref<3x128x64xf32, #tpu.memory_space<vmem>> -> memref<1x128x64xf32, #tpu.memory_space<vmem>>
      %dma_wait3A_83 = tpu.memref_squeeze %dma_wait3A_82 : memref<1x128x64xf32, #tpu.memory_space<vmem>> -> memref<128x64xf32, #tpu.memory_space<vmem>>
      %dma_wait3A_84 = arith.constant 0 : i32
      %dma_wait3A_85 = tpu.memref_slice %arg9[%add3A_33, %dma_wait3A_84] : memref<10112x64xf32, #tpu.memory_space<vmem_shared>> -> memref<128x64xf32, #tpu.memory_space<vmem_shared>>
      %dma_wait3A_86 = arith.constant 0 : i32
      %dma_wait3A_87 = tpu.memref_slice %arg9[%add3A_33, %dma_wait3A_86] : memref<10112x64xf32, #tpu.memory_space<vmem_shared>> -> memref<128x64xf32, #tpu.memory_space<vmem_shared>>
      %dma_wait3A_88 = arith.constant 0 : i32
      %dma_wait3A_89 = arith.constant 0 : i32
      %dma_wait3A_90 = tpu.memref_slice %arg8[%run_scoped3A_34, %dma_wait3A_88, %dma_wait3A_89] : memref<3x128x64xf32, #tpu.memory_space<vmem>> -> memref<1x128x64xf32, #tpu.memory_space<vmem>>
      %dma_wait3A_91 = tpu.memref_squeeze %dma_wait3A_90 : memref<1x128x64xf32, #tpu.memory_space<vmem>> -> memref<128x64xf32, #tpu.memory_space<vmem>>
      tpu.wait_dma2 semaphore(%run_scoped3A_67 : memref<!tpu.dma_semaphore, #tpu.memory_space<semaphore_mem>>) src(%dma_wait3A_91 : memref<128x64xf32, #tpu.memory_space<vmem>>) dst(%dma_wait3A_87 : memref<128x64xf32, #tpu.memory_space<vmem_shared>>)
      tpu.yield
    }) : () -> ()
    %add3A_35 = arith.constant 512 : i32
    %add3A_36 = arith.addi %mul3A_23, %add3A_35 : i32
    %run_scoped3A_37 = arith.constant 0 : i32
    "tpu.region"() ({
      %run_scoped3A_67 = tpu.sem_alloc : memref<!tpu.dma_semaphore, #tpu.memory_space<semaphore_mem>>
      %dma_start3A_68 = arith.constant 0 : i32
      %dma_start3A_69 = arith.constant 0 : i32
      %dma_start3A_70 = tpu.memref_slice %arg8[%run_scoped3A_37, %dma_start3A_68, %dma_start3A_69] : memref<3x128x64xf32, #tpu.memory_space<vmem>> -> memref<1x120x64xf32, #tpu.memory_space<vmem>>
      %dma_start3A_71 = tpu.memref_squeeze %dma_start3A_70 : memref<1x120x64xf32, #tpu.memory_space<vmem>> -> memref<120x64xf32, #tpu.memory_space<vmem>>
      %dma_start3A_72 = arith.constant 0 : i32
      %dma_start3A_73 = tpu.memref_slice %arg9[%add3A_36, %dma_start3A_72] : memref<10112x64xf32, #tpu.memory_space<vmem_shared>> -> memref<120x64xf32, #tpu.memory_space<vmem_shared>>
      %dma_start3A_74 = arith.constant 0 : i32
      %dma_start3A_75 = tpu.memref_slice %arg9[%add3A_36, %dma_start3A_74] : memref<10112x64xf32, #tpu.memory_space<vmem_shared>> -> memref<120x64xf32, #tpu.memory_space<vmem_shared>>
      %dma_start3A_76 = arith.constant 0 : i32
      %dma_start3A_77 = arith.constant 0 : i32
      %dma_start3A_78 = tpu.memref_slice %arg8[%run_scoped3A_37, %dma_start3A_76, %dma_start3A_77] : memref<3x128x64xf32, #tpu.memory_space<vmem>> -> memref<1x120x64xf32, #tpu.memory_space<vmem>>
      %dma_start3A_79 = tpu.memref_squeeze %dma_start3A_78 : memref<1x120x64xf32, #tpu.memory_space<vmem>> -> memref<120x64xf32, #tpu.memory_space<vmem>>
      tpu.enqueue_dma source(%dma_start3A_79 : memref<120x64xf32, #tpu.memory_space<vmem>>) target(%dma_start3A_75 : memref<120x64xf32, #tpu.memory_space<vmem_shared>>) target_semaphore(%run_scoped3A_67 : memref<!tpu.dma_semaphore, #tpu.memory_space<semaphore_mem>>)
      %dma_wait3A_80 = arith.constant 0 : i32
      %dma_wait3A_81 = arith.constant 0 : i32
      %dma_wait3A_82 = tpu.memref_slice %arg8[%run_scoped3A_37, %dma_wait3A_80, %dma_wait3A_81] : memref<3x128x64xf32, #tpu.memory_space<vmem>> -> memref<1x120x64xf32, #tpu.memory_space<vmem>>
      %dma_wait3A_83 = tpu.memref_squeeze %dma_wait3A_82 : memref<1x120x64xf32, #tpu.memory_space<vmem>> -> memref<120x64xf32, #tpu.memory_space<vmem>>
      %dma_wait3A_84 = arith.constant 0 : i32
      %dma_wait3A_85 = tpu.memref_slice %arg9[%add3A_36, %dma_wait3A_84] : memref<10112x64xf32, #tpu.memory_space<vmem_shared>> -> memref<120x64xf32, #tpu.memory_space<vmem_shared>>
      %dma_wait3A_86 = arith.constant 0 : i32
      %dma_wait3A_87 = tpu.memref_slice %arg9[%add3A_36, %dma_wait3A_86] : memref<10112x64xf32, #tpu.memory_space<vmem_shared>> -> memref<120x64xf32, #tpu.memory_space<vmem_shared>>
      %dma_wait3A_88 = arith.constant 0 : i32
      %dma_wait3A_89 = arith.constant 0 : i32
      %dma_wait3A_90 = tpu.memref_slice %arg8[%run_scoped3A_37, %dma_wait3A_88, %dma_wait3A_89] : memref<3x128x64xf32, #tpu.memory_space<vmem>> -> memref<1x120x64xf32, #tpu.memory_space<vmem>>
      %dma_wait3A_91 = tpu.memref_squeeze %dma_wait3A_90 : memref<1x120x64xf32, #tpu.memory_space<vmem>> -> memref<120x64xf32, #tpu.memory_space<vmem>>
      tpu.wait_dma2 semaphore(%run_scoped3A_67 : memref<!tpu.dma_semaphore, #tpu.memory_space<semaphore_mem>>) src(%dma_wait3A_91 : memref<120x64xf32, #tpu.memory_space<vmem>>) dst(%dma_wait3A_87 : memref<120x64xf32, #tpu.memory_space<vmem_shared>>)
      tpu.yield
    }) : () -> ()
    %dma_wait3A = arith.constant 0 : i32
    %dma_wait3A_38 = arith.constant 0 : i32
    %dma_wait3A_39 = tpu.memref_slice %arg3[%add3A, %dma_wait3A, %dma_wait3A_38] : memref<32x99x128xi32, #tpu.memory_space<hbm>> -> memref<1x99x128xi32, #tpu.memory_space<hbm>>
    %dma_wait3A_40 = tpu.memref_squeeze %dma_wait3A_39 : memref<1x99x128xi32, #tpu.memory_space<hbm>> -> memref<99x128xi32, #tpu.memory_space<hbm>>
    %dma_wait3A_41 = arith.constant 0 : i32
    %dma_wait3A_42 = arith.constant 0 : i32
    %dma_wait3A_43 = tpu.memref_slice %arg3[%add3A, %dma_wait3A_41, %dma_wait3A_42] : memref<32x99x128xi32, #tpu.memory_space<hbm>> -> memref<1x99x128xi32, #tpu.memory_space<hbm>>
    %dma_wait3A_44 = tpu.memref_squeeze %dma_wait3A_43 : memref<1x99x128xi32, #tpu.memory_space<hbm>> -> memref<99x128xi32, #tpu.memory_space<hbm>>
    tpu.wait_dma2 semaphore(%arg10 : memref<!tpu.dma_semaphore, #tpu.memory_space<semaphore_mem>>) src(%dma_wait3A_44 : memref<99x128xi32, #tpu.memory_space<hbm>>) dst(%arg6 : memref<99x128xi32, #tpu.memory_space<vmem>>)
    %dma_wait3A_45 = arith.constant 0 : i32
    %dma_wait3A_46 = arith.constant 0 : i32
    %dma_wait3A_47 = tpu.memref_slice %arg4[%add3A, %dma_wait3A_45, %dma_wait3A_46] : memref<32x99x128xi32, #tpu.memory_space<hbm>> -> memref<1x99x128xi32, #tpu.memory_space<hbm>>
    %dma_wait3A_48 = tpu.memref_squeeze %dma_wait3A_47 : memref<1x99x128xi32, #tpu.memory_space<hbm>> -> memref<99x128xi32, #tpu.memory_space<hbm>>
    %dma_wait3A_49 = arith.constant 0 : i32
    %dma_wait3A_50 = arith.constant 0 : i32
    %dma_wait3A_51 = tpu.memref_slice %arg4[%add3A, %dma_wait3A_49, %dma_wait3A_50] : memref<32x99x128xi32, #tpu.memory_space<hbm>> -> memref<1x99x128xi32, #tpu.memory_space<hbm>>
    %dma_wait3A_52 = tpu.memref_squeeze %dma_wait3A_51 : memref<1x99x128xi32, #tpu.memory_space<hbm>> -> memref<99x128xi32, #tpu.memory_space<hbm>>
    tpu.wait_dma2 semaphore(%arg11 : memref<!tpu.dma_semaphore, #tpu.memory_space<semaphore_mem>>) src(%dma_wait3A_52 : memref<99x128xi32, #tpu.memory_space<hbm>>) dst(%arg7 : memref<99x128xi32, #tpu.memory_space<vmem>>)
    %barrier3A = arith.constant 0 : index
    tpu.barrier barrier_id(%barrier3A)
    %eq3A = arith.constant 0 : i32
    %eq3A_53 = arith.cmpi eq, %arg0, %eq3A : i32
    %jit3A = arith.constant 33 : i32
    %jit3A_54 = arith.constant 21 : i32
    %select_n3A = arith.select %eq3A_53, %jit3A, %jit3A_54 : i32
    %while3A = arith.constant 0 : i32
    %while3A_55 = arith.constant 0 : i32
    %while3A_56 = arith.subi %select_n3A, %while3A : i32
    %while3A_57 = arith.addi %while3A, %while3A_56 : i32
    %while3A_58 = arith.constant 1 : i32
    %while3A_59 = arith.divsi %while3A_56, %while3A_58 : i32
    %while3A_60 = arith.muli %while3A_59, %while3A_58 : i32
    %while3A_61 = arith.addi %while3A, %while3A_60 : i32
    %while3A_62 = arith.constant 1 : i32
    %while3A_63 = scf.for %while3A_67 = %while3A to %while3A_61 step %while3A_62 iter_args(%while3A_68 = %while3A_55) -> (i32)  : i32 {
      %mul3A_69 = arith.constant 3 : i32
      %mul3A_70 = arith.muli %while3A_67, %mul3A_69 : i32
      %add3A_71 = arith.constant 0 : i32
      %add3A_72 = arith.addi %mul3A_70, %add3A_71 : i32
      %dma_start3A_73 = arith.constant 0 : i32
      %dma_start3A_74 = arith.constant 0 : i32
      %dma_start3A_75 = arith.constant 0 : i32
      %dma_start3A_76 = tpu.memref_slice %arg8[%dma_start3A_73, %dma_start3A_74, %dma_start3A_75] : memref<3x128x64xf32, #tpu.memory_space<vmem>> -> memref<1x128x64xf32, #tpu.memory_space<vmem>>
      %dma_start3A_77 = tpu.memref_squeeze %dma_start3A_76 : memref<1x128x64xf32, #tpu.memory_space<vmem>> -> memref<128x64xf32, #tpu.memory_space<vmem>>
      %dma_start3A_78 = arith.constant 0 : i32
      %dma_start3A_79 = tpu.memref_slice %arg6[%add3A_72, %dma_start3A_78] : memref<99x128xi32, #tpu.memory_space<vmem>> -> memref<1x128xi32, #tpu.memory_space<vmem>>
      %dma_start3A_80 = tpu.memref_squeeze %dma_start3A_79 : memref<1x128xi32, #tpu.memory_space<vmem>> -> memref<128xi32, #tpu.memory_space<vmem>>
      %dma_start3A_81 = arith.constant 0 : i32
      %dma_start3A_82 = arith.constant 0 : i32
      %dma_start3A_83 = tpu.memref_slice %arg2[%dma_start3A_81, %dma_start3A_82] : memref<10000x64xf32, #tpu.memory_space<hbm>> -> memref<10000x64xf32, #tpu.memory_space<hbm>>
      tpu.enqueue_indirect_dma source(%dma_start3A_83 : memref<10000x64xf32, #tpu.memory_space<hbm>>) target(%dma_start3A_77 : memref<128x64xf32, #tpu.memory_space<vmem>>) offsets(%dma_start3A_80 : memref<128xi32, #tpu.memory_space<vmem>>) semaphore(%arg10 : memref<!tpu.dma_semaphore, #tpu.memory_space<semaphore_mem>>)
      %mul3A_84 = arith.constant 3 : i32
      %mul3A_85 = arith.muli %while3A_67, %mul3A_84 : i32
      %add3A_86 = arith.constant 1 : i32
      %add3A_87 = arith.addi %mul3A_85, %add3A_86 : i32
      %dma_start3A_88 = arith.constant 1 : i32
      %dma_start3A_89 = arith.constant 0 : i32
      %dma_start3A_90 = arith.constant 0 : i32
      %dma_start3A_91 = tpu.memref_slice %arg8[%dma_start3A_88, %dma_start3A_89, %dma_start3A_90] : memref<3x128x64xf32, #tpu.memory_space<vmem>> -> memref<1x128x64xf32, #tpu.memory_space<vmem>>
      %dma_start3A_92 = tpu.memref_squeeze %dma_start3A_91 : memref<1x128x64xf32, #tpu.memory_space<vmem>> -> memref<128x64xf32, #tpu.memory_space<vmem>>
      %dma_start3A_93 = arith.constant 0 : i32
      %dma_start3A_94 = tpu.memref_slice %arg6[%add3A_87, %dma_start3A_93] : memref<99x128xi32, #tpu.memory_space<vmem>> -> memref<1x128xi32, #tpu.memory_space<vmem>>
      %dma_start3A_95 = tpu.memref_squeeze %dma_start3A_94 : memref<1x128xi32, #tpu.memory_space<vmem>> -> memref<128xi32, #tpu.memory_space<vmem>>
      %dma_start3A_96 = arith.constant 0 : i32
      %dma_start3A_97 = arith.constant 0 : i32
      %dma_start3A_98 = tpu.memref_slice %arg2[%dma_start3A_96, %dma_start3A_97] : memref<10000x64xf32, #tpu.memory_space<hbm>> -> memref<10000x64xf32, #tpu.memory_space<hbm>>
      tpu.enqueue_indirect_dma source(%dma_start3A_98 : memref<10000x64xf32, #tpu.memory_space<hbm>>) target(%dma_start3A_92 : memref<128x64xf32, #tpu.memory_space<vmem>>) offsets(%dma_start3A_95 : memref<128xi32, #tpu.memory_space<vmem>>) semaphore(%arg10 : memref<!tpu.dma_semaphore, #tpu.memory_space<semaphore_mem>>)
      %mul3A_99 = arith.constant 3 : i32
      %mul3A_100 = arith.muli %while3A_67, %mul3A_99 : i32
      %add3A_101 = arith.constant 2 : i32
      %add3A_102 = arith.addi %mul3A_100, %add3A_101 : i32
      %dma_start3A_103 = arith.constant 2 : i32
      %dma_start3A_104 = arith.constant 0 : i32
      %dma_start3A_105 = arith.constant 0 : i32
      %dma_start3A_106 = tpu.memref_slice %arg8[%dma_start3A_103, %dma_start3A_104, %dma_start3A_105] : memref<3x128x64xf32, #tpu.memory_space<vmem>> -> memref<1x128x64xf32, #tpu.memory_space<vmem>>
      %dma_start3A_107 = tpu.memref_squeeze %dma_start3A_106 : memref<1x128x64xf32, #tpu.memory_space<vmem>> -> memref<128x64xf32, #tpu.memory_space<vmem>>
      %dma_start3A_108 = arith.constant 0 : i32
      %dma_start3A_109 = tpu.memref_slice %arg6[%add3A_102, %dma_start3A_108] : memref<99x128xi32, #tpu.memory_space<vmem>> -> memref<1x128xi32, #tpu.memory_space<vmem>>
      %dma_start3A_110 = tpu.memref_squeeze %dma_start3A_109 : memref<1x128xi32, #tpu.memory_space<vmem>> -> memref<128xi32, #tpu.memory_space<vmem>>
      %dma_start3A_111 = arith.constant 0 : i32
      %dma_start3A_112 = arith.constant 0 : i32
      %dma_start3A_113 = tpu.memref_slice %arg2[%dma_start3A_111, %dma_start3A_112] : memref<10000x64xf32, #tpu.memory_space<hbm>> -> memref<10000x64xf32, #tpu.memory_space<hbm>>
      tpu.enqueue_indirect_dma source(%dma_start3A_113 : memref<10000x64xf32, #tpu.memory_space<hbm>>) target(%dma_start3A_107 : memref<128x64xf32, #tpu.memory_space<vmem>>) offsets(%dma_start3A_110 : memref<128xi32, #tpu.memory_space<vmem>>) semaphore(%arg10 : memref<!tpu.dma_semaphore, #tpu.memory_space<semaphore_mem>>)
      %dma_wait3A_114 = arith.constant 0 : i32
      %dma_wait3A_115 = arith.constant 0 : i32
      %dma_wait3A_116 = arith.constant 0 : i32
      %dma_wait3A_117 = tpu.memref_slice %arg8[%dma_wait3A_114, %dma_wait3A_115, %dma_wait3A_116] : memref<3x128x64xf32, #tpu.memory_space<vmem>> -> memref<1x128x64xf32, #tpu.memory_space<vmem>>
      %dma_wait3A_118 = tpu.memref_squeeze %dma_wait3A_117 : memref<1x128x64xf32, #tpu.memory_space<vmem>> -> memref<128x64xf32, #tpu.memory_space<vmem>>
      %dma_wait3A_119 = arith.constant 0 : i32
      %dma_wait3A_120 = tpu.memref_slice %arg6[%add3A_72, %dma_wait3A_119] : memref<99x128xi32, #tpu.memory_space<vmem>> -> memref<1x128xi32, #tpu.memory_space<vmem>>
      %dma_wait3A_121 = tpu.memref_squeeze %dma_wait3A_120 : memref<1x128xi32, #tpu.memory_space<vmem>> -> memref<128xi32, #tpu.memory_space<vmem>>
      %dma_wait3A_122 = arith.constant 0 : i32
      %dma_wait3A_123 = arith.constant 0 : i32
      %dma_wait3A_124 = tpu.memref_slice %arg2[%dma_wait3A_122, %dma_wait3A_123] : memref<10000x64xf32, #tpu.memory_space<hbm>> -> memref<10000x64xf32, #tpu.memory_space<hbm>>
      tpu.wait_indirect_dma semaphore(%arg10 : memref<!tpu.dma_semaphore, #tpu.memory_space<semaphore_mem>>) src(%dma_wait3A_124 : memref<10000x64xf32, #tpu.memory_space<hbm>>) dst(%dma_wait3A_118 : memref<128x64xf32, #tpu.memory_space<vmem>>)
      %mul3A_125 = arith.constant 3 : i32
      %mul3A_126 = arith.muli %while3A_67, %mul3A_125 : i32
      %add3A_127 = arith.constant 0 : i32
      %add3A_128 = arith.addi %mul3A_126, %add3A_127 : i32
      %dma_start3A_129 = arith.constant 0 : i32
      %dma_start3A_130 = arith.constant 0 : i32
      %dma_start3A_131 = arith.constant 0 : i32
      %dma_start3A_132 = tpu.memref_slice %arg8[%dma_start3A_129, %dma_start3A_130, %dma_start3A_131] : memref<3x128x64xf32, #tpu.memory_space<vmem>> -> memref<1x128x64xf32, #tpu.memory_space<vmem>>
      %dma_start3A_133 = tpu.memref_squeeze %dma_start3A_132 : memref<1x128x64xf32, #tpu.memory_space<vmem>> -> memref<128x64xf32, #tpu.memory_space<vmem>>
      %dma_start3A_134 = arith.constant 0 : i32
      %dma_start3A_135 = tpu.memref_slice %arg7[%add3A_128, %dma_start3A_134] : memref<99x128xi32, #tpu.memory_space<vmem>> -> memref<1x128xi32, #tpu.memory_space<vmem>>
      %dma_start3A_136 = tpu.memref_squeeze %dma_start3A_135 : memref<1x128xi32, #tpu.memory_space<vmem>> -> memref<128xi32, #tpu.memory_space<vmem>>
      %dma_start3A_137 = arith.constant 0 : i32
      %dma_start3A_138 = arith.constant 0 : i32
      %dma_start3A_139 = tpu.memref_slice %arg9[%dma_start3A_137, %dma_start3A_138] : memref<10112x64xf32, #tpu.memory_space<vmem_shared>> -> memref<10112x64xf32, #tpu.memory_space<vmem_shared>>
      tpu.enqueue_indirect_dma source(%dma_start3A_133 : memref<128x64xf32, #tpu.memory_space<vmem>>) target(%dma_start3A_139 : memref<10112x64xf32, #tpu.memory_space<vmem_shared>>) offsets(%dma_start3A_136 : memref<128xi32, #tpu.memory_space<vmem>>) semaphore(%arg11 : memref<!tpu.dma_semaphore, #tpu.memory_space<semaphore_mem>>) {add = true}
      %dma_wait3A_140 = arith.constant 1 : i32
      %dma_wait3A_141 = arith.constant 0 : i32
      %dma_wait3A_142 = arith.constant 0 : i32
      %dma_wait3A_143 = tpu.memref_slice %arg8[%dma_wait3A_140, %dma_wait3A_141, %dma_wait3A_142] : memref<3x128x64xf32, #tpu.memory_space<vmem>> -> memref<1x128x64xf32, #tpu.memory_space<vmem>>
      %dma_wait3A_144 = tpu.memref_squeeze %dma_wait3A_143 : memref<1x128x64xf32, #tpu.memory_space<vmem>> -> memref<128x64xf32, #tpu.memory_space<vmem>>
      %dma_wait3A_145 = arith.constant 0 : i32
      %dma_wait3A_146 = tpu.memref_slice %arg6[%add3A_87, %dma_wait3A_145] : memref<99x128xi32, #tpu.memory_space<vmem>> -> memref<1x128xi32, #tpu.memory_space<vmem>>
      %dma_wait3A_147 = tpu.memref_squeeze %dma_wait3A_146 : memref<1x128xi32, #tpu.memory_space<vmem>> -> memref<128xi32, #tpu.memory_space<vmem>>
      %dma_wait3A_148 = arith.constant 0 : i32
      %dma_wait3A_149 = arith.constant 0 : i32
      %dma_wait3A_150 = tpu.memref_slice %arg2[%dma_wait3A_148, %dma_wait3A_149] : memref<10000x64xf32, #tpu.memory_space<hbm>> -> memref<10000x64xf32, #tpu.memory_space<hbm>>
      tpu.wait_indirect_dma semaphore(%arg10 : memref<!tpu.dma_semaphore, #tpu.memory_space<semaphore_mem>>) src(%dma_wait3A_150 : memref<10000x64xf32, #tpu.memory_space<hbm>>) dst(%dma_wait3A_144 : memref<128x64xf32, #tpu.memory_space<vmem>>)
      %mul3A_151 = arith.constant 3 : i32
      %mul3A_152 = arith.muli %while3A_67, %mul3A_151 : i32
      %add3A_153 = arith.constant 1 : i32
      %add3A_154 = arith.addi %mul3A_152, %add3A_153 : i32
      %dma_start3A_155 = arith.constant 1 : i32
      %dma_start3A_156 = arith.constant 0 : i32
      %dma_start3A_157 = arith.constant 0 : i32
      %dma_start3A_158 = tpu.memref_slice %arg8[%dma_start3A_155, %dma_start3A_156, %dma_start3A_157] : memref<3x128x64xf32, #tpu.memory_space<vmem>> -> memref<1x128x64xf32, #tpu.memory_space<vmem>>
      %dma_start3A_159 = tpu.memref_squeeze %dma_start3A_158 : memref<1x128x64xf32, #tpu.memory_space<vmem>> -> memref<128x64xf32, #tpu.memory_space<vmem>>
      %dma_start3A_160 = arith.constant 0 : i32
      %dma_start3A_161 = tpu.memref_slice %arg7[%add3A_154, %dma_start3A_160] : memref<99x128xi32, #tpu.memory_space<vmem>> -> memref<1x128xi32, #tpu.memory_space<vmem>>
      %dma_start3A_162 = tpu.memref_squeeze %dma_start3A_161 : memref<1x128xi32, #tpu.memory_space<vmem>> -> memref<128xi32, #tpu.memory_space<vmem>>
      %dma_start3A_163 = arith.constant 0 : i32
      %dma_start3A_164 = arith.constant 0 : i32
      %dma_start3A_165 = tpu.memref_slice %arg9[%dma_start3A_163, %dma_start3A_164] : memref<10112x64xf32, #tpu.memory_space<vmem_shared>> -> memref<10112x64xf32, #tpu.memory_space<vmem_shared>>
      tpu.enqueue_indirect_dma source(%dma_start3A_159 : memref<128x64xf32, #tpu.memory_space<vmem>>) target(%dma_start3A_165 : memref<10112x64xf32, #tpu.memory_space<vmem_shared>>) offsets(%dma_start3A_162 : memref<128xi32, #tpu.memory_space<vmem>>) semaphore(%arg11 : memref<!tpu.dma_semaphore, #tpu.memory_space<semaphore_mem>>) {add = true}
      %dma_wait3A_166 = arith.constant 2 : i32
      %dma_wait3A_167 = arith.constant 0 : i32
      %dma_wait3A_168 = arith.constant 0 : i32
      %dma_wait3A_169 = tpu.memref_slice %arg8[%dma_wait3A_166, %dma_wait3A_167, %dma_wait3A_168] : memref<3x128x64xf32, #tpu.memory_space<vmem>> -> memref<1x128x64xf32, #tpu.memory_space<vmem>>
      %dma_wait3A_170 = tpu.memref_squeeze %dma_wait3A_169 : memref<1x128x64xf32, #tpu.memory_space<vmem>> -> memref<128x64xf32, #tpu.memory_space<vmem>>
      %dma_wait3A_171 = arith.constant 0 : i32
      %dma_wait3A_172 = tpu.memref_slice %arg6[%add3A_102, %dma_wait3A_171] : memref<99x128xi32, #tpu.memory_space<vmem>> -> memref<1x128xi32, #tpu.memory_space<vmem>>
      %dma_wait3A_173 = tpu.memref_squeeze %dma_wait3A_172 : memref<1x128xi32, #tpu.memory_space<vmem>> -> memref<128xi32, #tpu.memory_space<vmem>>
      %dma_wait3A_174 = arith.constant 0 : i32
      %dma_wait3A_175 = arith.constant 0 : i32
      %dma_wait3A_176 = tpu.memref_slice %arg2[%dma_wait3A_174, %dma_wait3A_175] : memref<10000x64xf32, #tpu.memory_space<hbm>> -> memref<10000x64xf32, #tpu.memory_space<hbm>>
      tpu.wait_indirect_dma semaphore(%arg10 : memref<!tpu.dma_semaphore, #tpu.memory_space<semaphore_mem>>) src(%dma_wait3A_176 : memref<10000x64xf32, #tpu.memory_space<hbm>>) dst(%dma_wait3A_170 : memref<128x64xf32, #tpu.memory_space<vmem>>)
      %mul3A_177 = arith.constant 3 : i32
      %mul3A_178 = arith.muli %while3A_67, %mul3A_177 : i32
      %add3A_179 = arith.constant 2 : i32
      %add3A_180 = arith.addi %mul3A_178, %add3A_179 : i32
      %dma_start3A_181 = arith.constant 2 : i32
      %dma_start3A_182 = arith.constant 0 : i32
      %dma_start3A_183 = arith.constant 0 : i32
      %dma_start3A_184 = tpu.memref_slice %arg8[%dma_start3A_181, %dma_start3A_182, %dma_start3A_183] : memref<3x128x64xf32, #tpu.memory_space<vmem>> -> memref<1x128x64xf32, #tpu.memory_space<vmem>>
      %dma_start3A_185 = tpu.memref_squeeze %dma_start3A_184 : memref<1x128x64xf32, #tpu.memory_space<vmem>> -> memref<128x64xf32, #tpu.memory_space<vmem>>
      %dma_start3A_186 = arith.constant 0 : i32
      %dma_start3A_187 = tpu.memref_slice %arg7[%add3A_180, %dma_start3A_186] : memref<99x128xi32, #tpu.memory_space<vmem>> -> memref<1x128xi32, #tpu.memory_space<vmem>>
      %dma_start3A_188 = tpu.memref_squeeze %dma_start3A_187 : memref<1x128xi32, #tpu.memory_space<vmem>> -> memref<128xi32, #tpu.memory_space<vmem>>
      %dma_start3A_189 = arith.constant 0 : i32
      %dma_start3A_190 = arith.constant 0 : i32
      %dma_start3A_191 = tpu.memref_slice %arg9[%dma_start3A_189, %dma_start3A_190] : memref<10112x64xf32, #tpu.memory_space<vmem_shared>> -> memref<10112x64xf32, #tpu.memory_space<vmem_shared>>
      tpu.enqueue_indirect_dma source(%dma_start3A_185 : memref<128x64xf32, #tpu.memory_space<vmem>>) target(%dma_start3A_191 : memref<10112x64xf32, #tpu.memory_space<vmem_shared>>) offsets(%dma_start3A_188 : memref<128xi32, #tpu.memory_space<vmem>>) semaphore(%arg11 : memref<!tpu.dma_semaphore, #tpu.memory_space<semaphore_mem>>) {add = true}
      %dma_wait3A_192 = arith.constant 0 : i32
      %dma_wait3A_193 = arith.constant 0 : i32
      %dma_wait3A_194 = arith.constant 0 : i32
      %dma_wait3A_195 = tpu.memref_slice %arg8[%dma_wait3A_192, %dma_wait3A_193, %dma_wait3A_194] : memref<3x128x64xf32, #tpu.memory_space<vmem>> -> memref<1x128x64xf32, #tpu.memory_space<vmem>>
      %dma_wait3A_196 = tpu.memref_squeeze %dma_wait3A_195 : memref<1x128x64xf32, #tpu.memory_space<vmem>> -> memref<128x64xf32, #tpu.memory_space<vmem>>
      %dma_wait3A_197 = arith.constant 0 : i32
      %dma_wait3A_198 = tpu.memref_slice %arg7[%add3A_128, %dma_wait3A_197] : memref<99x128xi32, #tpu.memory_space<vmem>> -> memref<1x128xi32, #tpu.memory_space<vmem>>
      %dma_wait3A_199 = tpu.memref_squeeze %dma_wait3A_198 : memref<1x128xi32, #tpu.memory_space<vmem>> -> memref<128xi32, #tpu.memory_space<vmem>>
      %dma_wait3A_200 = arith.constant 0 : i32
      %dma_wait3A_201 = arith.constant 0 : i32
      %dma_wait3A_202 = tpu.memref_slice %arg9[%dma_wait3A_200, %dma_wait3A_201] : memref<10112x64xf32, #tpu.memory_space<vmem_shared>> -> memref<10112x64xf32, #tpu.memory_space<vmem_shared>>
      tpu.wait_indirect_dma semaphore(%arg11 : memref<!tpu.dma_semaphore, #tpu.memory_space<semaphore_mem>>) src(%dma_wait3A_196 : memref<128x64xf32, #tpu.memory_space<vmem>>) dst(%dma_wait3A_202 : memref<10112x64xf32, #tpu.memory_space<vmem_shared>>)
      %dma_wait3A_203 = arith.constant 1 : i32
      %dma_wait3A_204 = arith.constant 0 : i32
      %dma_wait3A_205 = arith.constant 0 : i32
      %dma_wait3A_206 = tpu.memref_slice %arg8[%dma_wait3A_203, %dma_wait3A_204, %dma_wait3A_205] : memref<3x128x64xf32, #tpu.memory_space<vmem>> -> memref<1x128x64xf32, #tpu.memory_space<vmem>>
      %dma_wait3A_207 = tpu.memref_squeeze %dma_wait3A_206 : memref<1x128x64xf32, #tpu.memory_space<vmem>> -> memref<128x64xf32, #tpu.memory_space<vmem>>
      %dma_wait3A_208 = arith.constant 0 : i32
      %dma_wait3A_209 = tpu.memref_slice %arg7[%add3A_154, %dma_wait3A_208] : memref<99x128xi32, #tpu.memory_space<vmem>> -> memref<1x128xi32, #tpu.memory_space<vmem>>
      %dma_wait3A_210 = tpu.memref_squeeze %dma_wait3A_209 : memref<1x128xi32, #tpu.memory_space<vmem>> -> memref<128xi32, #tpu.memory_space<vmem>>
      %dma_wait3A_211 = arith.constant 0 : i32
      %dma_wait3A_212 = arith.constant 0 : i32
      %dma_wait3A_213 = tpu.memref_slice %arg9[%dma_wait3A_211, %dma_wait3A_212] : memref<10112x64xf32, #tpu.memory_space<vmem_shared>> -> memref<10112x64xf32, #tpu.memory_space<vmem_shared>>
      tpu.wait_indirect_dma semaphore(%arg11 : memref<!tpu.dma_semaphore, #tpu.memory_space<semaphore_mem>>) src(%dma_wait3A_207 : memref<128x64xf32, #tpu.memory_space<vmem>>) dst(%dma_wait3A_213 : memref<10112x64xf32, #tpu.memory_space<vmem_shared>>)
      %dma_wait3A_214 = arith.constant 2 : i32
      %dma_wait3A_215 = arith.constant 0 : i32
      %dma_wait3A_216 = arith.constant 0 : i32
      %dma_wait3A_217 = tpu.memref_slice %arg8[%dma_wait3A_214, %dma_wait3A_215, %dma_wait3A_216] : memref<3x128x64xf32, #tpu.memory_space<vmem>> -> memref<1x128x64xf32, #tpu.memory_space<vmem>>
      %dma_wait3A_218 = tpu.memref_squeeze %dma_wait3A_217 : memref<1x128x64xf32, #tpu.memory_space<vmem>> -> memref<128x64xf32, #tpu.memory_space<vmem>>
      %dma_wait3A_219 = arith.constant 0 : i32
      %dma_wait3A_220 = tpu.memref_slice %arg7[%add3A_180, %dma_wait3A_219] : memref<99x128xi32, #tpu.memory_space<vmem>> -> memref<1x128xi32, #tpu.memory_space<vmem>>
      %dma_wait3A_221 = tpu.memref_squeeze %dma_wait3A_220 : memref<1x128xi32, #tpu.memory_space<vmem>> -> memref<128xi32, #tpu.memory_space<vmem>>
      %dma_wait3A_222 = arith.constant 0 : i32
      %dma_wait3A_223 = arith.constant 0 : i32
      %dma_wait3A_224 = tpu.memref_slice %arg9[%dma_wait3A_222, %dma_wait3A_223] : memref<10112x64xf32, #tpu.memory_space<vmem_shared>> -> memref<10112x64xf32, #tpu.memory_space<vmem_shared>>
      tpu.wait_indirect_dma semaphore(%arg11 : memref<!tpu.dma_semaphore, #tpu.memory_space<semaphore_mem>>) src(%dma_wait3A_218 : memref<128x64xf32, #tpu.memory_space<vmem>>) dst(%dma_wait3A_224 : memref<10112x64xf32, #tpu.memory_space<vmem_shared>>)
      %while3A_225 = arith.constant 0 : i32
      scf.yield %while3A_225 : i32
    }
    %while3A_64 = arith.constant 1 : i32
    %while3A_65 = scf.for %while3A_67 = %while3A_61 to %while3A_57 step %while3A_64 iter_args(%while3A_68 = %while3A_63) -> (i32)  : i32 {
      %mul3A_69 = arith.constant 3 : i32
      %mul3A_70 = arith.muli %while3A_67, %mul3A_69 : i32
      %add3A_71 = arith.constant 0 : i32
      %add3A_72 = arith.addi %mul3A_70, %add3A_71 : i32
      %dma_start3A_73 = arith.constant 0 : i32
      %dma_start3A_74 = arith.constant 0 : i32
      %dma_start3A_75 = arith.constant 0 : i32
      %dma_start3A_76 = tpu.memref_slice %arg8[%dma_start3A_73, %dma_start3A_74, %dma_start3A_75] : memref<3x128x64xf32, #tpu.memory_space<vmem>> -> memref<1x128x64xf32, #tpu.memory_space<vmem>>
      %dma_start3A_77 = tpu.memref_squeeze %dma_start3A_76 : memref<1x128x64xf32, #tpu.memory_space<vmem>> -> memref<128x64xf32, #tpu.memory_space<vmem>>
      %dma_start3A_78 = arith.constant 0 : i32
      %dma_start3A_79 = tpu.memref_slice %arg6[%add3A_72, %dma_start3A_78] : memref<99x128xi32, #tpu.memory_space<vmem>> -> memref<1x128xi32, #tpu.memory_space<vmem>>
      %dma_start3A_80 = tpu.memref_squeeze %dma_start3A_79 : memref<1x128xi32, #tpu.memory_space<vmem>> -> memref<128xi32, #tpu.memory_space<vmem>>
      %dma_start3A_81 = arith.constant 0 : i32
      %dma_start3A_82 = arith.constant 0 : i32
      %dma_start3A_83 = tpu.memref_slice %arg2[%dma_start3A_81, %dma_start3A_82] : memref<10000x64xf32, #tpu.memory_space<hbm>> -> memref<10000x64xf32, #tpu.memory_space<hbm>>
      tpu.enqueue_indirect_dma source(%dma_start3A_83 : memref<10000x64xf32, #tpu.memory_space<hbm>>) target(%dma_start3A_77 : memref<128x64xf32, #tpu.memory_space<vmem>>) offsets(%dma_start3A_80 : memref<128xi32, #tpu.memory_space<vmem>>) semaphore(%arg10 : memref<!tpu.dma_semaphore, #tpu.memory_space<semaphore_mem>>)
      %mul3A_84 = arith.constant 3 : i32
      %mul3A_85 = arith.muli %while3A_67, %mul3A_84 : i32
      %add3A_86 = arith.constant 1 : i32
      %add3A_87 = arith.addi %mul3A_85, %add3A_86 : i32
      %dma_start3A_88 = arith.constant 1 : i32
      %dma_start3A_89 = arith.constant 0 : i32
      %dma_start3A_90 = arith.constant 0 : i32
      %dma_start3A_91 = tpu.memref_slice %arg8[%dma_start3A_88, %dma_start3A_89, %dma_start3A_90] : memref<3x128x64xf32, #tpu.memory_space<vmem>> -> memref<1x128x64xf32, #tpu.memory_space<vmem>>
      %dma_start3A_92 = tpu.memref_squeeze %dma_start3A_91 : memref<1x128x64xf32, #tpu.memory_space<vmem>> -> memref<128x64xf32, #tpu.memory_space<vmem>>
      %dma_start3A_93 = arith.constant 0 : i32
      %dma_start3A_94 = tpu.memref_slice %arg6[%add3A_87, %dma_start3A_93] : memref<99x128xi32, #tpu.memory_space<vmem>> -> memref<1x128xi32, #tpu.memory_space<vmem>>
      %dma_start3A_95 = tpu.memref_squeeze %dma_start3A_94 : memref<1x128xi32, #tpu.memory_space<vmem>> -> memref<128xi32, #tpu.memory_space<vmem>>
      %dma_start3A_96 = arith.constant 0 : i32
      %dma_start3A_97 = arith.constant 0 : i32
      %dma_start3A_98 = tpu.memref_slice %arg2[%dma_start3A_96, %dma_start3A_97] : memref<10000x64xf32, #tpu.memory_space<hbm>> -> memref<10000x64xf32, #tpu.memory_space<hbm>>
      tpu.enqueue_indirect_dma source(%dma_start3A_98 : memref<10000x64xf32, #tpu.memory_space<hbm>>) target(%dma_start3A_92 : memref<128x64xf32, #tpu.memory_space<vmem>>) offsets(%dma_start3A_95 : memref<128xi32, #tpu.memory_space<vmem>>) semaphore(%arg10 : memref<!tpu.dma_semaphore, #tpu.memory_space<semaphore_mem>>)
      %mul3A_99 = arith.constant 3 : i32
      %mul3A_100 = arith.muli %while3A_67, %mul3A_99 : i32
      %add3A_101 = arith.constant 2 : i32
      %add3A_102 = arith.addi %mul3A_100, %add3A_101 : i32
      %dma_start3A_103 = arith.constant 2 : i32
      %dma_start3A_104 = arith.constant 0 : i32
      %dma_start3A_105 = arith.constant 0 : i32
      %dma_start3A_106 = tpu.memref_slice %arg8[%dma_start3A_103, %dma_start3A_104, %dma_start3A_105] : memref<3x128x64xf32, #tpu.memory_space<vmem>> -> memref<1x128x64xf32, #tpu.memory_space<vmem>>
      %dma_start3A_107 = tpu.memref_squeeze %dma_start3A_106 : memref<1x128x64xf32, #tpu.memory_space<vmem>> -> memref<128x64xf32, #tpu.memory_space<vmem>>
      %dma_start3A_108 = arith.constant 0 : i32
      %dma_start3A_109 = tpu.memref_slice %arg6[%add3A_102, %dma_start3A_108] : memref<99x128xi32, #tpu.memory_space<vmem>> -> memref<1x128xi32, #tpu.memory_space<vmem>>
      %dma_start3A_110 = tpu.memref_squeeze %dma_start3A_109 : memref<1x128xi32, #tpu.memory_space<vmem>> -> memref<128xi32, #tpu.memory_space<vmem>>
      %dma_start3A_111 = arith.constant 0 : i32
      %dma_start3A_112 = arith.constant 0 : i32
      %dma_start3A_113 = tpu.memref_slice %arg2[%dma_start3A_111, %dma_start3A_112] : memref<10000x64xf32, #tpu.memory_space<hbm>> -> memref<10000x64xf32, #tpu.memory_space<hbm>>
      tpu.enqueue_indirect_dma source(%dma_start3A_113 : memref<10000x64xf32, #tpu.memory_space<hbm>>) target(%dma_start3A_107 : memref<128x64xf32, #tpu.memory_space<vmem>>) offsets(%dma_start3A_110 : memref<128xi32, #tpu.memory_space<vmem>>) semaphore(%arg10 : memref<!tpu.dma_semaphore, #tpu.memory_space<semaphore_mem>>)
      %dma_wait3A_114 = arith.constant 0 : i32
      %dma_wait3A_115 = arith.constant 0 : i32
      %dma_wait3A_116 = arith.constant 0 : i32
      %dma_wait3A_117 = tpu.memref_slice %arg8[%dma_wait3A_114, %dma_wait3A_115, %dma_wait3A_116] : memref<3x128x64xf32, #tpu.memory_space<vmem>> -> memref<1x128x64xf32, #tpu.memory_space<vmem>>
      %dma_wait3A_118 = tpu.memref_squeeze %dma_wait3A_117 : memref<1x128x64xf32, #tpu.memory_space<vmem>> -> memref<128x64xf32, #tpu.memory_space<vmem>>
      %dma_wait3A_119 = arith.constant 0 : i32
      %dma_wait3A_120 = tpu.memref_slice %arg6[%add3A_72, %dma_wait3A_119] : memref<99x128xi32, #tpu.memory_space<vmem>> -> memref<1x128xi32, #tpu.memory_space<vmem>>
      %dma_wait3A_121 = tpu.memref_squeeze %dma_wait3A_120 : memref<1x128xi32, #tpu.memory_space<vmem>> -> memref<128xi32, #tpu.memory_space<vmem>>
      %dma_wait3A_122 = arith.constant 0 : i32
      %dma_wait3A_123 = arith.constant 0 : i32
      %dma_wait3A_124 = tpu.memref_slice %arg2[%dma_wait3A_122, %dma_wait3A_123] : memref<10000x64xf32, #tpu.memory_space<hbm>> -> memref<10000x64xf32, #tpu.memory_space<hbm>>
      tpu.wait_indirect_dma semaphore(%arg10 : memref<!tpu.dma_semaphore, #tpu.memory_space<semaphore_mem>>) src(%dma_wait3A_124 : memref<10000x64xf32, #tpu.memory_space<hbm>>) dst(%dma_wait3A_118 : memref<128x64xf32, #tpu.memory_space<vmem>>)
      %mul3A_125 = arith.constant 3 : i32
      %mul3A_126 = arith.muli %while3A_67, %mul3A_125 : i32
      %add3A_127 = arith.constant 0 : i32
      %add3A_128 = arith.addi %mul3A_126, %add3A_127 : i32
      %dma_start3A_129 = arith.constant 0 : i32
      %dma_start3A_130 = arith.constant 0 : i32
      %dma_start3A_131 = arith.constant 0 : i32
      %dma_start3A_132 = tpu.memref_slice %arg8[%dma_start3A_129, %dma_start3A_130, %dma_start3A_131] : memref<3x128x64xf32, #tpu.memory_space<vmem>> -> memref<1x128x64xf32, #tpu.memory_space<vmem>>
      %dma_start3A_133 = tpu.memref_squeeze %dma_start3A_132 : memref<1x128x64xf32, #tpu.memory_space<vmem>> -> memref<128x64xf32, #tpu.memory_space<vmem>>
      %dma_start3A_134 = arith.constant 0 : i32
      %dma_start3A_135 = tpu.memref_slice %arg7[%add3A_128, %dma_start3A_134] : memref<99x128xi32, #tpu.memory_space<vmem>> -> memref<1x128xi32, #tpu.memory_space<vmem>>
      %dma_start3A_136 = tpu.memref_squeeze %dma_start3A_135 : memref<1x128xi32, #tpu.memory_space<vmem>> -> memref<128xi32, #tpu.memory_space<vmem>>
      %dma_start3A_137 = arith.constant 0 : i32
      %dma_start3A_138 = arith.constant 0 : i32
      %dma_start3A_139 = tpu.memref_slice %arg9[%dma_start3A_137, %dma_start3A_138] : memref<10112x64xf32, #tpu.memory_space<vmem_shared>> -> memref<10112x64xf32, #tpu.memory_space<vmem_shared>>
      tpu.enqueue_indirect_dma source(%dma_start3A_133 : memref<128x64xf32, #tpu.memory_space<vmem>>) target(%dma_start3A_139 : memref<10112x64xf32, #tpu.memory_space<vmem_shared>>) offsets(%dma_start3A_136 : memref<128xi32, #tpu.memory_space<vmem>>) semaphore(%arg11 : memref<!tpu.dma_semaphore, #tpu.memory_space<semaphore_mem>>) {add = true}
      %dma_wait3A_140 = arith.constant 1 : i32
      %dma_wait3A_141 = arith.constant 0 : i32
      %dma_wait3A_142 = arith.constant 0 : i32
      %dma_wait3A_143 = tpu.memref_slice %arg8[%dma_wait3A_140, %dma_wait3A_141, %dma_wait3A_142] : memref<3x128x64xf32, #tpu.memory_space<vmem>> -> memref<1x128x64xf32, #tpu.memory_space<vmem>>
      %dma_wait3A_144 = tpu.memref_squeeze %dma_wait3A_143 : memref<1x128x64xf32, #tpu.memory_space<vmem>> -> memref<128x64xf32, #tpu.memory_space<vmem>>
      %dma_wait3A_145 = arith.constant 0 : i32
      %dma_wait3A_146 = tpu.memref_slice %arg6[%add3A_87, %dma_wait3A_145] : memref<99x128xi32, #tpu.memory_space<vmem>> -> memref<1x128xi32, #tpu.memory_space<vmem>>
      %dma_wait3A_147 = tpu.memref_squeeze %dma_wait3A_146 : memref<1x128xi32, #tpu.memory_space<vmem>> -> memref<128xi32, #tpu.memory_space<vmem>>
      %dma_wait3A_148 = arith.constant 0 : i32
      %dma_wait3A_149 = arith.constant 0 : i32
      %dma_wait3A_150 = tpu.memref_slice %arg2[%dma_wait3A_148, %dma_wait3A_149] : memref<10000x64xf32, #tpu.memory_space<hbm>> -> memref<10000x64xf32, #tpu.memory_space<hbm>>
      tpu.wait_indirect_dma semaphore(%arg10 : memref<!tpu.dma_semaphore, #tpu.memory_space<semaphore_mem>>) src(%dma_wait3A_150 : memref<10000x64xf32, #tpu.memory_space<hbm>>) dst(%dma_wait3A_144 : memref<128x64xf32, #tpu.memory_space<vmem>>)
      %mul3A_151 = arith.constant 3 : i32
      %mul3A_152 = arith.muli %while3A_67, %mul3A_151 : i32
      %add3A_153 = arith.constant 1 : i32
      %add3A_154 = arith.addi %mul3A_152, %add3A_153 : i32
      %dma_start3A_155 = arith.constant 1 : i32
      %dma_start3A_156 = arith.constant 0 : i32
      %dma_start3A_157 = arith.constant 0 : i32
      %dma_start3A_158 = tpu.memref_slice %arg8[%dma_start3A_155, %dma_start3A_156, %dma_start3A_157] : memref<3x128x64xf32, #tpu.memory_space<vmem>> -> memref<1x128x64xf32, #tpu.memory_space<vmem>>
      %dma_start3A_159 = tpu.memref_squeeze %dma_start3A_158 : memref<1x128x64xf32, #tpu.memory_space<vmem>> -> memref<128x64xf32, #tpu.memory_space<vmem>>
      %dma_start3A_160 = arith.constant 0 : i32
      %dma_start3A_161 = tpu.memref_slice %arg7[%add3A_154, %dma_start3A_160] : memref<99x128xi32, #tpu.memory_space<vmem>> -> memref<1x128xi32, #tpu.memory_space<vmem>>
      %dma_start3A_162 = tpu.memref_squeeze %dma_start3A_161 : memref<1x128xi32, #tpu.memory_space<vmem>> -> memref<128xi32, #tpu.memory_space<vmem>>
      %dma_start3A_163 = arith.constant 0 : i32
      %dma_start3A_164 = arith.constant 0 : i32
      %dma_start3A_165 = tpu.memref_slice %arg9[%dma_start3A_163, %dma_start3A_164] : memref<10112x64xf32, #tpu.memory_space<vmem_shared>> -> memref<10112x64xf32, #tpu.memory_space<vmem_shared>>
      tpu.enqueue_indirect_dma source(%dma_start3A_159 : memref<128x64xf32, #tpu.memory_space<vmem>>) target(%dma_start3A_165 : memref<10112x64xf32, #tpu.memory_space<vmem_shared>>) offsets(%dma_start3A_162 : memref<128xi32, #tpu.memory_space<vmem>>) semaphore(%arg11 : memref<!tpu.dma_semaphore, #tpu.memory_space<semaphore_mem>>) {add = true}
      %dma_wait3A_166 = arith.constant 2 : i32
      %dma_wait3A_167 = arith.constant 0 : i32
      %dma_wait3A_168 = arith.constant 0 : i32
      %dma_wait3A_169 = tpu.memref_slice %arg8[%dma_wait3A_166, %dma_wait3A_167, %dma_wait3A_168] : memref<3x128x64xf32, #tpu.memory_space<vmem>> -> memref<1x128x64xf32, #tpu.memory_space<vmem>>
      %dma_wait3A_170 = tpu.memref_squeeze %dma_wait3A_169 : memref<1x128x64xf32, #tpu.memory_space<vmem>> -> memref<128x64xf32, #tpu.memory_space<vmem>>
      %dma_wait3A_171 = arith.constant 0 : i32
      %dma_wait3A_172 = tpu.memref_slice %arg6[%add3A_102, %dma_wait3A_171] : memref<99x128xi32, #tpu.memory_space<vmem>> -> memref<1x128xi32, #tpu.memory_space<vmem>>
      %dma_wait3A_173 = tpu.memref_squeeze %dma_wait3A_172 : memref<1x128xi32, #tpu.memory_space<vmem>> -> memref<128xi32, #tpu.memory_space<vmem>>
      %dma_wait3A_174 = arith.constant 0 : i32
      %dma_wait3A_175 = arith.constant 0 : i32
      %dma_wait3A_176 = tpu.memref_slice %arg2[%dma_wait3A_174, %dma_wait3A_175] : memref<10000x64xf32, #tpu.memory_space<hbm>> -> memref<10000x64xf32, #tpu.memory_space<hbm>>
      tpu.wait_indirect_dma semaphore(%arg10 : memref<!tpu.dma_semaphore, #tpu.memory_space<semaphore_mem>>) src(%dma_wait3A_176 : memref<10000x64xf32, #tpu.memory_space<hbm>>) dst(%dma_wait3A_170 : memref<128x64xf32, #tpu.memory_space<vmem>>)
      %mul3A_177 = arith.constant 3 : i32
      %mul3A_178 = arith.muli %while3A_67, %mul3A_177 : i32
      %add3A_179 = arith.constant 2 : i32
      %add3A_180 = arith.addi %mul3A_178, %add3A_179 : i32
      %dma_start3A_181 = arith.constant 2 : i32
      %dma_start3A_182 = arith.constant 0 : i32
      %dma_start3A_183 = arith.constant 0 : i32
      %dma_start3A_184 = tpu.memref_slice %arg8[%dma_start3A_181, %dma_start3A_182, %dma_start3A_183] : memref<3x128x64xf32, #tpu.memory_space<vmem>> -> memref<1x128x64xf32, #tpu.memory_space<vmem>>
      %dma_start3A_185 = tpu.memref_squeeze %dma_start3A_184 : memref<1x128x64xf32, #tpu.memory_space<vmem>> -> memref<128x64xf32, #tpu.memory_space<vmem>>
      %dma_start3A_186 = arith.constant 0 : i32
      %dma_start3A_187 = tpu.memref_slice %arg7[%add3A_180, %dma_start3A_186] : memref<99x128xi32, #tpu.memory_space<vmem>> -> memref<1x128xi32, #tpu.memory_space<vmem>>
      %dma_start3A_188 = tpu.memref_squeeze %dma_start3A_187 : memref<1x128xi32, #tpu.memory_space<vmem>> -> memref<128xi32, #tpu.memory_space<vmem>>
      %dma_start3A_189 = arith.constant 0 : i32
      %dma_start3A_190 = arith.constant 0 : i32
      %dma_start3A_191 = tpu.memref_slice %arg9[%dma_start3A_189, %dma_start3A_190] : memref<10112x64xf32, #tpu.memory_space<vmem_shared>> -> memref<10112x64xf32, #tpu.memory_space<vmem_shared>>
      tpu.enqueue_indirect_dma source(%dma_start3A_185 : memref<128x64xf32, #tpu.memory_space<vmem>>) target(%dma_start3A_191 : memref<10112x64xf32, #tpu.memory_space<vmem_shared>>) offsets(%dma_start3A_188 : memref<128xi32, #tpu.memory_space<vmem>>) semaphore(%arg11 : memref<!tpu.dma_semaphore, #tpu.memory_space<semaphore_mem>>) {add = true}
      %dma_wait3A_192 = arith.constant 0 : i32
      %dma_wait3A_193 = arith.constant 0 : i32
      %dma_wait3A_194 = arith.constant 0 : i32
      %dma_wait3A_195 = tpu.memref_slice %arg8[%dma_wait3A_192, %dma_wait3A_193, %dma_wait3A_194] : memref<3x128x64xf32, #tpu.memory_space<vmem>> -> memref<1x128x64xf32, #tpu.memory_space<vmem>>
      %dma_wait3A_196 = tpu.memref_squeeze %dma_wait3A_195 : memref<1x128x64xf32, #tpu.memory_space<vmem>> -> memref<128x64xf32, #tpu.memory_space<vmem>>
      %dma_wait3A_197 = arith.constant 0 : i32
      %dma_wait3A_198 = tpu.memref_slice %arg7[%add3A_128, %dma_wait3A_197] : memref<99x128xi32, #tpu.memory_space<vmem>> -> memref<1x128xi32, #tpu.memory_space<vmem>>
      %dma_wait3A_199 = tpu.memref_squeeze %dma_wait3A_198 : memref<1x128xi32, #tpu.memory_space<vmem>> -> memref<128xi32, #tpu.memory_space<vmem>>
      %dma_wait3A_200 = arith.constant 0 : i32
      %dma_wait3A_201 = arith.constant 0 : i32
      %dma_wait3A_202 = tpu.memref_slice %arg9[%dma_wait3A_200, %dma_wait3A_201] : memref<10112x64xf32, #tpu.memory_space<vmem_shared>> -> memref<10112x64xf32, #tpu.memory_space<vmem_shared>>
      tpu.wait_indirect_dma semaphore(%arg11 : memref<!tpu.dma_semaphore, #tpu.memory_space<semaphore_mem>>) src(%dma_wait3A_196 : memref<128x64xf32, #tpu.memory_space<vmem>>) dst(%dma_wait3A_202 : memref<10112x64xf32, #tpu.memory_space<vmem_shared>>)
      %dma_wait3A_203 = arith.constant 1 : i32
      %dma_wait3A_204 = arith.constant 0 : i32
      %dma_wait3A_205 = arith.constant 0 : i32
      %dma_wait3A_206 = tpu.memref_slice %arg8[%dma_wait3A_203, %dma_wait3A_204, %dma_wait3A_205] : memref<3x128x64xf32, #tpu.memory_space<vmem>> -> memref<1x128x64xf32, #tpu.memory_space<vmem>>
      %dma_wait3A_207 = tpu.memref_squeeze %dma_wait3A_206 : memref<1x128x64xf32, #tpu.memory_space<vmem>> -> memref<128x64xf32, #tpu.memory_space<vmem>>
      %dma_wait3A_208 = arith.constant 0 : i32
      %dma_wait3A_209 = tpu.memref_slice %arg7[%add3A_154, %dma_wait3A_208] : memref<99x128xi32, #tpu.memory_space<vmem>> -> memref<1x128xi32, #tpu.memory_space<vmem>>
      %dma_wait3A_210 = tpu.memref_squeeze %dma_wait3A_209 : memref<1x128xi32, #tpu.memory_space<vmem>> -> memref<128xi32, #tpu.memory_space<vmem>>
      %dma_wait3A_211 = arith.constant 0 : i32
      %dma_wait3A_212 = arith.constant 0 : i32
      %dma_wait3A_213 = tpu.memref_slice %arg9[%dma_wait3A_211, %dma_wait3A_212] : memref<10112x64xf32, #tpu.memory_space<vmem_shared>> -> memref<10112x64xf32, #tpu.memory_space<vmem_shared>>
      tpu.wait_indirect_dma semaphore(%arg11 : memref<!tpu.dma_semaphore, #tpu.memory_space<semaphore_mem>>) src(%dma_wait3A_207 : memref<128x64xf32, #tpu.memory_space<vmem>>) dst(%dma_wait3A_213 : memref<10112x64xf32, #tpu.memory_space<vmem_shared>>)
      %dma_wait3A_214 = arith.constant 2 : i32
      %dma_wait3A_215 = arith.constant 0 : i32
      %dma_wait3A_216 = arith.constant 0 : i32
      %dma_wait3A_217 = tpu.memref_slice %arg8[%dma_wait3A_214, %dma_wait3A_215, %dma_wait3A_216] : memref<3x128x64xf32, #tpu.memory_space<vmem>> -> memref<1x128x64xf32, #tpu.memory_space<vmem>>
      %dma_wait3A_218 = tpu.memref_squeeze %dma_wait3A_217 : memref<1x128x64xf32, #tpu.memory_space<vmem>> -> memref<128x64xf32, #tpu.memory_space<vmem>>
      %dma_wait3A_219 = arith.constant 0 : i32
      %dma_wait3A_220 = tpu.memref_slice %arg7[%add3A_180, %dma_wait3A_219] : memref<99x128xi32, #tpu.memory_space<vmem>> -> memref<1x128xi32, #tpu.memory_space<vmem>>
      %dma_wait3A_221 = tpu.memref_squeeze %dma_wait3A_220 : memref<1x128xi32, #tpu.memory_space<vmem>> -> memref<128xi32, #tpu.memory_space<vmem>>
      %dma_wait3A_222 = arith.constant 0 : i32
      %dma_wait3A_223 = arith.constant 0 : i32
      %dma_wait3A_224 = tpu.memref_slice %arg9[%dma_wait3A_222, %dma_wait3A_223] : memref<10112x64xf32, #tpu.memory_space<vmem_shared>> -> memref<10112x64xf32, #tpu.memory_space<vmem_shared>>
      tpu.wait_indirect_dma semaphore(%arg11 : memref<!tpu.dma_semaphore, #tpu.memory_space<semaphore_mem>>) src(%dma_wait3A_218 : memref<128x64xf32, #tpu.memory_space<vmem>>) dst(%dma_wait3A_224 : memref<10112x64xf32, #tpu.memory_space<vmem_shared>>)
      %while3A_225 = arith.constant 0 : i32
      scf.yield %while3A_225 : i32
    }
    %barrier3A_66 = arith.constant 0 : index
    tpu.barrier barrier_id(%barrier3A_66)
    "tpu.region"() ({
      %run_scoped3A_67 = tpu.sem_alloc : memref<!tpu.dma_semaphore, #tpu.memory_space<semaphore_mem>>
      %dma_start3A_68 = arith.constant 0 : i32
      %dma_start3A_69 = tpu.memref_slice %arg5[%arg0, %mul3A_23, %dma_start3A_68] : memref<2x10112x64xf32, #tpu.memory_space<hbm>> -> memref<1x632x64xf32, #tpu.memory_space<hbm>>
      %dma_start3A_70 = tpu.memref_squeeze %dma_start3A_69 : memref<1x632x64xf32, #tpu.memory_space<hbm>> -> memref<632x64xf32, #tpu.memory_space<hbm>>
      %dma_start3A_71 = arith.constant 0 : i32
      %dma_start3A_72 = tpu.memref_slice %arg9[%mul3A_23, %dma_start3A_71] : memref<10112x64xf32, #tpu.memory_space<vmem_shared>> -> memref<632x64xf32, #tpu.memory_space<vmem_shared>>
      tpu.enqueue_dma source(%dma_start3A_72 : memref<632x64xf32, #tpu.memory_space<vmem_shared>>) target(%dma_start3A_70 : memref<632x64xf32, #tpu.memory_space<hbm>>) target_semaphore(%run_scoped3A_67 : memref<!tpu.dma_semaphore, #tpu.memory_space<semaphore_mem>>)
      %dma_wait3A_73 = arith.constant 0 : i32
      %dma_wait3A_74 = tpu.memref_slice %arg5[%arg0, %mul3A_23, %dma_wait3A_73] : memref<2x10112x64xf32, #tpu.memory_space<hbm>> -> memref<1x632x64xf32, #tpu.memory_space<hbm>>
      %dma_wait3A_75 = tpu.memref_squeeze %dma_wait3A_74 : memref<1x632x64xf32, #tpu.memory_space<hbm>> -> memref<632x64xf32, #tpu.memory_space<hbm>>
      %dma_wait3A_76 = arith.constant 0 : i32
      %dma_wait3A_77 = tpu.memref_slice %arg9[%mul3A_23, %dma_wait3A_76] : memref<10112x64xf32, #tpu.memory_space<vmem_shared>> -> memref<632x64xf32, #tpu.memory_space<vmem_shared>>
      tpu.wait_dma2 semaphore(%run_scoped3A_67 : memref<!tpu.dma_semaphore, #tpu.memory_space<semaphore_mem>>) src(%dma_wait3A_77 : memref<632x64xf32, #tpu.memory_space<vmem_shared>>) dst(%dma_wait3A_75 : memref<632x64xf32, #tpu.memory_space<hbm>>)
      tpu.yield
    }) : () -> ()
    return
  }
}

module attributes {stable_mosaic.version = 14 : i64} {
  func.func @body(%arg0: memref<2x10112x16xf32, #tpu.memory_space<vmem>>, %arg1: memref<10000x128xf32, #tpu.memory_space<vmem>>, %arg2: memref<128x64xf32, #tpu.memory_space<vmem>>, %arg3: memref<10000x64xf32, #tpu.memory_space<vmem>>, %arg4: memref<10000x1xf32, #tpu.memory_space<vmem>>) attributes {dimension_semantics = [], scalar_prefetch = 0 : i64, scratch_operands = 0 : i64, tpu.core_type = #tpu.core_type<tc>} {
    %get3A = arith.constant 0 : index
    %get3A_0 = arith.constant 0 : index
    %get3A_1 = arith.constant 0 : index
    %get3A_2 = vector.load %arg0[%get3A, %get3A_0, %get3A_1] : memref<2x10112x16xf32, #tpu.memory_space<vmem>>, vector<1x10000x1xf32>
    %get3A_3 = vector.shape_cast %get3A_2 : vector<1x10000x1xf32> to vector<10000x1xf32>
    %get3A_4 = arith.constant 1 : index
    %get3A_5 = arith.constant 0 : index
    %get3A_6 = arith.constant 0 : index
    %get3A_7 = vector.load %arg0[%get3A_4, %get3A_5, %get3A_6] : memref<2x10112x16xf32, #tpu.memory_space<vmem>>, vector<1x10000x1xf32>
    %get3A_8 = vector.shape_cast %get3A_7 : vector<1x10000x1xf32> to vector<10000x1xf32>
    %add3A = arith.addf %get3A_3, %get3A_8 : vector<10000x1xf32>
    %max3A = arith.constant 1.000000e+00 : f32
    %max3A_9 = vector.broadcast %max3A : f32 to vector<10000x1xf32>
    %max3A_10 = arith.maximumf %add3A, %max3A_9 : vector<10000x1xf32>
    %rsqrt3A = math.rsqrt %max3A_10 : vector<10000x1xf32>
    %swap3A = arith.constant 0 : index
    %swap3A_11 = arith.constant 0 : index
    %swap3A_12 = vector.load %arg4[%swap3A, %swap3A_11] : memref<10000x1xf32, #tpu.memory_space<vmem>>, vector<10000x1xf32>
    tpu.vector_store %arg4[%swap3A, %swap3A_11], %rsqrt3A {strides = array<i32>} : memref<10000x1xf32, #tpu.memory_space<vmem>>, vector<10000x1xf32>,
    %get3A_13 = arith.constant 0 : index
    %get3A_14 = arith.constant 0 : index
    %get3A_15 = vector.load %arg1[%get3A_13, %get3A_14] : memref<10000x128xf32, #tpu.memory_space<vmem>>, vector<10000x128xf32>
    %mul3A = vector.broadcast %rsqrt3A : vector<10000x1xf32> to vector<10000x128xf32>
    %mul3A_16 = arith.mulf %mul3A, %get3A_15 : vector<10000x128xf32>
    %get3A_17 = arith.constant 0 : index
    %get3A_18 = arith.constant 0 : index
    %get3A_19 = vector.load %arg2[%get3A_17, %get3A_18] : memref<128x64xf32, #tpu.memory_space<vmem>>, vector<128x64xf32>
    %dot_general3A = arith.constant dense<0.000000e+00> : vector<10000x64xf32>
    %dot_general3A_20 = tpu.matmul %mul3A_16, %get3A_19, %dot_general3A {dimension_numbers = #tpu.dot_dimension_numbers<[1], [0], [0], [1], [0, 0, 1, 1], [], []>, precision = #tpu.contract_precision<fp32>, transpose_lhs_hint = false} : vector<10000x128xf32>, vector<128x64xf32>, vector<10000x64xf32> -> vector<10000x64xf32>
    %swap3A_21 = arith.constant 0 : index
    %swap3A_22 = arith.constant 0 : index
    %swap3A_23 = vector.load %arg3[%swap3A_21, %swap3A_22] : memref<10000x64xf32, #tpu.memory_space<vmem>>, vector<10000x64xf32>
    tpu.vector_store %arg3[%swap3A_21, %swap3A_22], %dot_general3A_20 {strides = array<i32>} : memref<10000x64xf32, #tpu.memory_space<vmem>>, vector<10000x64xf32>,
    return
  }
}

module attributes {stable_mosaic.version = 14 : i64} {
  func.func @body(%arg0: memref<2x10112x64xf32, #tpu.memory_space<vmem>>, %arg1: memref<10000x1xf32, #tpu.memory_space<vmem>>, %arg2: memref<64xf32, #tpu.memory_space<vmem>>, %arg3: memref<64x128xf32, #tpu.memory_space<vmem>>, %arg4: memref<10000x128xf32, #tpu.memory_space<vmem>>) attributes {dimension_semantics = [], scalar_prefetch = 0 : i64, scratch_operands = 0 : i64, tpu.core_type = #tpu.core_type<tc>} {
    %get3A = arith.constant 0 : index
    %get3A_0 = arith.constant 0 : index
    %get3A_1 = arith.constant 0 : index
    %get3A_2 = vector.load %arg0[%get3A, %get3A_0, %get3A_1] : memref<2x10112x64xf32, #tpu.memory_space<vmem>>, vector<1x10000x64xf32>
    %get3A_3 = vector.shape_cast %get3A_2 : vector<1x10000x64xf32> to vector<10000x64xf32>
    %get3A_4 = arith.constant 1 : index
    %get3A_5 = arith.constant 0 : index
    %get3A_6 = arith.constant 0 : index
    %get3A_7 = vector.load %arg0[%get3A_4, %get3A_5, %get3A_6] : memref<2x10112x64xf32, #tpu.memory_space<vmem>>, vector<1x10000x64xf32>
    %get3A_8 = vector.shape_cast %get3A_7 : vector<1x10000x64xf32> to vector<10000x64xf32>
    %add3A = arith.addf %get3A_3, %get3A_8 : vector<10000x64xf32>
    %get3A_9 = arith.constant 0 : index
    %get3A_10 = arith.constant 0 : index
    %get3A_11 = vector.load %arg1[%get3A_9, %get3A_10] : memref<10000x1xf32, #tpu.memory_space<vmem>>, vector<10000x1xf32>
    %mul3A = vector.broadcast %get3A_11 : vector<10000x1xf32> to vector<10000x64xf32>
    %mul3A_12 = arith.mulf %mul3A, %add3A : vector<10000x64xf32>
    %get3A_13 = arith.constant 0 : index
    %get3A_14 = vector.load %arg2[%get3A_13] : memref<64xf32, #tpu.memory_space<vmem>>, vector<64xf32>
    %broadcast_in_dim3A = vector.shape_cast %get3A_14 : vector<64xf32> to vector<1x64xf32>
    %add3A_15 = vector.broadcast %broadcast_in_dim3A : vector<1x64xf32> to vector<10000x64xf32>
    %add3A_16 = arith.addf %mul3A_12, %add3A_15 : vector<10000x64xf32>
    %max3A = arith.constant 0.000000e+00 : f32
    %max3A_17 = vector.broadcast %max3A : f32 to vector<10000x64xf32>
    %max3A_18 = arith.maximumf %add3A_16, %max3A_17 : vector<10000x64xf32>
    %mul3A_19 = vector.broadcast %get3A_11 : vector<10000x1xf32> to vector<10000x64xf32>
    %mul3A_20 = arith.mulf %mul3A_19, %max3A_18 : vector<10000x64xf32>
    %get3A_21 = arith.constant 0 : index
    %get3A_22 = arith.constant 0 : index
    %get3A_23 = vector.load %arg3[%get3A_21, %get3A_22] : memref<64x128xf32, #tpu.memory_space<vmem>>, vector<64x128xf32>
    %dot_general3A = arith.constant dense<0.000000e+00> : vector<10000x128xf32>
    %dot_general3A_24 = tpu.matmul %mul3A_20, %get3A_23, %dot_general3A {dimension_numbers = #tpu.dot_dimension_numbers<[1], [0], [0], [1], [0, 0, 1, 1], [], []>, precision = #tpu.contract_precision<fp32>, transpose_lhs_hint = false} : vector<10000x64xf32>, vector<64x128xf32>, vector<10000x128xf32> -> vector<10000x128xf32>
    %swap3A = arith.constant 0 : index
    %swap3A_25 = arith.constant 0 : index
    %swap3A_26 = vector.load %arg4[%swap3A, %swap3A_25] : memref<10000x128xf32, #tpu.memory_space<vmem>>, vector<10000x128xf32>
    tpu.vector_store %arg4[%swap3A, %swap3A_25], %dot_general3A_24 {strides = array<i32>} : memref<10000x128xf32, #tpu.memory_space<vmem>>, vector<10000x128xf32>,
    return
  }
}

module attributes {stable_mosaic.version = 14 : i64} {
  func.func @body(%arg0: memref<2x10112x128xf32, #tpu.memory_space<vmem>>, %arg1: memref<10000x1xf32, #tpu.memory_space<vmem>>, %arg2: memref<128xf32, #tpu.memory_space<vmem>>, %arg3: memref<128x64xf32, #tpu.memory_space<vmem>>, %arg4: memref<10000x64xf32, #tpu.memory_space<vmem>>) attributes {dimension_semantics = [], scalar_prefetch = 0 : i64, scratch_operands = 0 : i64, tpu.core_type = #tpu.core_type<tc>} {
    %get3A = arith.constant 0 : index
    %get3A_0 = arith.constant 0 : index
    %get3A_1 = arith.constant 0 : index
    %get3A_2 = vector.load %arg0[%get3A, %get3A_0, %get3A_1] : memref<2x10112x128xf32, #tpu.memory_space<vmem>>, vector<1x10000x128xf32>
    %get3A_3 = vector.shape_cast %get3A_2 : vector<1x10000x128xf32> to vector<10000x128xf32>
    %get3A_4 = arith.constant 1 : index
    %get3A_5 = arith.constant 0 : index
    %get3A_6 = arith.constant 0 : index
    %get3A_7 = vector.load %arg0[%get3A_4, %get3A_5, %get3A_6] : memref<2x10112x128xf32, #tpu.memory_space<vmem>>, vector<1x10000x128xf32>
    %get3A_8 = vector.shape_cast %get3A_7 : vector<1x10000x128xf32> to vector<10000x128xf32>
    %add3A = arith.addf %get3A_3, %get3A_8 : vector<10000x128xf32>
    %get3A_9 = arith.constant 0 : index
    %get3A_10 = arith.constant 0 : index
    %get3A_11 = vector.load %arg1[%get3A_9, %get3A_10] : memref<10000x1xf32, #tpu.memory_space<vmem>>, vector<10000x1xf32>
    %mul3A = vector.broadcast %get3A_11 : vector<10000x1xf32> to vector<10000x128xf32>
    %mul3A_12 = arith.mulf %mul3A, %add3A : vector<10000x128xf32>
    %get3A_13 = arith.constant 0 : index
    %get3A_14 = vector.load %arg2[%get3A_13] : memref<128xf32, #tpu.memory_space<vmem>>, vector<128xf32>
    %broadcast_in_dim3A = vector.shape_cast %get3A_14 : vector<128xf32> to vector<1x128xf32>
    %add3A_15 = vector.broadcast %broadcast_in_dim3A : vector<1x128xf32> to vector<10000x128xf32>
    %add3A_16 = arith.addf %mul3A_12, %add3A_15 : vector<10000x128xf32>
    %max3A = arith.constant 0.000000e+00 : f32
    %max3A_17 = vector.broadcast %max3A : f32 to vector<10000x128xf32>
    %max3A_18 = arith.maximumf %add3A_16, %max3A_17 : vector<10000x128xf32>
    %mul3A_19 = vector.broadcast %get3A_11 : vector<10000x1xf32> to vector<10000x128xf32>
    %mul3A_20 = arith.mulf %mul3A_19, %max3A_18 : vector<10000x128xf32>
    %get3A_21 = arith.constant 0 : index
    %get3A_22 = arith.constant 0 : index
    %get3A_23 = vector.load %arg3[%get3A_21, %get3A_22] : memref<128x64xf32, #tpu.memory_space<vmem>>, vector<128x64xf32>
    %dot_general3A = arith.constant dense<0.000000e+00> : vector<10000x64xf32>
    %dot_general3A_24 = tpu.matmul %mul3A_20, %get3A_23, %dot_general3A {dimension_numbers = #tpu.dot_dimension_numbers<[1], [0], [0], [1], [0, 0, 1, 1], [], []>, precision = #tpu.contract_precision<fp32>, transpose_lhs_hint = false} : vector<10000x128xf32>, vector<128x64xf32>, vector<10000x64xf32> -> vector<10000x64xf32>
    %swap3A = arith.constant 0 : index
    %swap3A_25 = arith.constant 0 : index
    %swap3A_26 = vector.load %arg4[%swap3A, %swap3A_25] : memref<10000x64xf32, #tpu.memory_space<vmem>>, vector<10000x64xf32>
    tpu.vector_store %arg4[%swap3A, %swap3A_25], %dot_general3A_24 {strides = array<i32>} : memref<10000x64xf32, #tpu.memory_space<vmem>>, vector<10000x64xf32>,
    return
  }
}

module attributes {stable_mosaic.version = 14 : i64} {
  func.func @body(%arg0: memref<2x10112x64xf32, #tpu.memory_space<vmem>>, %arg1: memref<10000x1xf32, #tpu.memory_space<vmem>>, %arg2: memref<64xf32, #tpu.memory_space<vmem>>, %arg3: memref<10000x1xi32, #tpu.memory_space<vmem>>, %arg4: memref<64x10xf32, #tpu.memory_space<vmem>>, %arg5: memref<10xf32, #tpu.memory_space<vmem>>, %arg6: memref<64x10xf32, #tpu.memory_space<vmem>>) attributes {dimension_semantics = [], scalar_prefetch = 0 : i64, scratch_operands = 0 : i64, tpu.core_type = #tpu.core_type<tc>} {
    %get3A = arith.constant 0 : index
    %get3A_0 = arith.constant 0 : index
    %get3A_1 = arith.constant 0 : index
    %get3A_2 = vector.load %arg0[%get3A, %get3A_0, %get3A_1] : memref<2x10112x64xf32, #tpu.memory_space<vmem>>, vector<1x10000x64xf32>
    %get3A_3 = vector.shape_cast %get3A_2 : vector<1x10000x64xf32> to vector<10000x64xf32>
    %get3A_4 = arith.constant 1 : index
    %get3A_5 = arith.constant 0 : index
    %get3A_6 = arith.constant 0 : index
    %get3A_7 = vector.load %arg0[%get3A_4, %get3A_5, %get3A_6] : memref<2x10112x64xf32, #tpu.memory_space<vmem>>, vector<1x10000x64xf32>
    %get3A_8 = vector.shape_cast %get3A_7 : vector<1x10000x64xf32> to vector<10000x64xf32>
    %add3A = arith.addf %get3A_3, %get3A_8 : vector<10000x64xf32>
    %get3A_9 = arith.constant 0 : index
    %get3A_10 = arith.constant 0 : index
    %get3A_11 = vector.load %arg1[%get3A_9, %get3A_10] : memref<10000x1xf32, #tpu.memory_space<vmem>>, vector<10000x1xf32>
    %mul3A = vector.broadcast %get3A_11 : vector<10000x1xf32> to vector<10000x64xf32>
    %mul3A_12 = arith.mulf %mul3A, %add3A : vector<10000x64xf32>
    %get3A_13 = arith.constant 0 : index
    %get3A_14 = vector.load %arg2[%get3A_13] : memref<64xf32, #tpu.memory_space<vmem>>, vector<64xf32>
    %broadcast_in_dim3A = vector.shape_cast %get3A_14 : vector<64xf32> to vector<1x64xf32>
    %add3A_15 = vector.broadcast %broadcast_in_dim3A : vector<1x64xf32> to vector<10000x64xf32>
    %add3A_16 = arith.addf %mul3A_12, %add3A_15 : vector<10000x64xf32>
    %max3A = arith.constant 0.000000e+00 : f32
    %max3A_17 = vector.broadcast %max3A : f32 to vector<10000x64xf32>
    %max3A_18 = arith.maximumf %add3A_16, %max3A_17 : vector<10000x64xf32>
    %get3A_19 = arith.constant 0 : index
    %get3A_20 = arith.constant 0 : index
    %get3A_21 = vector.load %arg3[%get3A_19, %get3A_20] : memref<10000x1xi32, #tpu.memory_space<vmem>>, vector<10000x1xi32>
    %iota3A = tpu.iota {dimensions = array<i32: 1>} : vector<10000x64xi32>
    %eq3A = vector.broadcast %get3A_21 : vector<10000x1xi32> to vector<10000x64xi32>
    %eq3A_22 = arith.cmpi eq, %eq3A, %iota3A : vector<10000x64xi32>
    %convert_element_type3A = arith.extui %eq3A_22 : vector<10000x64xi1> to vector<10000x64xi32>
    %convert_element_type3A_23 = arith.sitofp %convert_element_type3A : vector<10000x64xi32> to vector<10000x64xf32>
    %dot_general3A = arith.constant dense<0.000000e+00> : vector<64x64xf32>
    %dot_general3A_24 = tpu.matmul %convert_element_type3A_23, %max3A_18, %dot_general3A {dimension_numbers = #tpu.dot_dimension_numbers<[0], [0], [1], [1], [0, 1, 1, 1], [], []>, precision = #tpu.contract_precision<fp32>, transpose_lhs_hint = false} : vector<10000x64xf32>, vector<10000x64xf32>, vector<64x64xf32> -> vector<64x64xf32>
    %broadcast_in_dim3A_25 = arith.constant 1.000000e+00 : f32
    %broadcast_in_dim3A_26 = vector.broadcast %broadcast_in_dim3A_25 : f32 to vector<10000x1xf32>
    %dot_general3A_27 = arith.constant dense<0.000000e+00> : vector<64x1xf32>
    %dot_general3A_28 = tpu.matmul %convert_element_type3A_23, %broadcast_in_dim3A_26, %dot_general3A_27 {dimension_numbers = #tpu.dot_dimension_numbers<[0], [0], [1], [1], [0, 1, 1, 1], [], []>, precision = #tpu.contract_precision<fp32>, transpose_lhs_hint = false} : vector<10000x64xf32>, vector<10000x1xf32>, vector<64x1xf32> -> vector<64x1xf32>
    %max3A_29 = arith.constant 1.000000e+00 : f32
    %max3A_30 = vector.broadcast %max3A_29 : f32 to vector<64x1xf32>
    %max3A_31 = arith.maximumf %dot_general3A_28, %max3A_30 : vector<64x1xf32>
    %div3A = vector.broadcast %max3A_31 : vector<64x1xf32> to vector<64x64xf32>
    %div3A_32 = arith.divf %dot_general3A_24, %div3A : vector<64x64xf32>
    %get3A_33 = arith.constant 0 : index
    %get3A_34 = arith.constant 0 : index
    %get3A_35 = vector.load %arg4[%get3A_33, %get3A_34] : memref<64x10xf32, #tpu.memory_space<vmem>>, vector<64x10xf32>
    %dot_general3A_36 = arith.constant dense<0.000000e+00> : vector<64x10xf32>
    %dot_general3A_37 = tpu.matmul %div3A_32, %get3A_35, %dot_general3A_36 {dimension_numbers = #tpu.dot_dimension_numbers<[1], [0], [0], [1], [0, 0, 1, 1], [], []>, precision = #tpu.contract_precision<fp32>, transpose_lhs_hint = false} : vector<64x64xf32>, vector<64x10xf32>, vector<64x10xf32> -> vector<64x10xf32>
    %get3A_38 = arith.constant 0 : index
    %get3A_39 = vector.load %arg5[%get3A_38] : memref<10xf32, #tpu.memory_space<vmem>>, vector<10xf32>
    %broadcast_in_dim3A_40 = vector.shape_cast %get3A_39 : vector<10xf32> to vector<1x10xf32>
    %add3A_41 = vector.broadcast %broadcast_in_dim3A_40 : vector<1x10xf32> to vector<64x10xf32>
    %add3A_42 = arith.addf %dot_general3A_37, %add3A_41 : vector<64x10xf32>
    %reduce_max3A = arith.constant dense<0xFF800000> : vector<64xf32>
    %reduce_max3A_43 = vector.multi_reduction <maximumf>, %add3A_42, %reduce_max3A [1] : vector<64x10xf32> to vector<64xf32>
    %broadcast_in_dim3A_44 = vector.shape_cast %reduce_max3A_43 : vector<64xf32> to vector<64x1xf32>
    %sub3A = vector.broadcast %broadcast_in_dim3A_44 : vector<64x1xf32> to vector<64x10xf32>
    %sub3A_45 = arith.subf %add3A_42, %sub3A : vector<64x10xf32>
    %exp3A = math.exp %sub3A_45 : vector<64x10xf32>
    %reduce_sum3A = arith.constant dense<0.000000e+00> : vector<64xf32>
    %reduce_sum3A_46 = vector.multi_reduction <add>, %exp3A, %reduce_sum3A [1] : vector<64x10xf32> to vector<64xf32>
    %broadcast_in_dim3A_47 = vector.shape_cast %reduce_sum3A_46 : vector<64xf32> to vector<64x1xf32>
    %log3A = math.log %broadcast_in_dim3A_47 : vector<64x1xf32>
    %add3A_48 = arith.addf %log3A, %broadcast_in_dim3A_44 : vector<64x1xf32>
    %sub3A_49 = vector.broadcast %add3A_48 : vector<64x1xf32> to vector<64x10xf32>
    %sub3A_50 = arith.subf %add3A_42, %sub3A_49 : vector<64x10xf32>
    %swap3A = arith.constant 0 : index
    %swap3A_51 = arith.constant 0 : index
    %swap3A_52 = vector.load %arg6[%swap3A, %swap3A_51] : memref<64x10xf32, #tpu.memory_space<vmem>>, vector<64x10xf32>
    tpu.vector_store %arg6[%swap3A, %swap3A_51], %sub3A_50 {strides = array<i32>} : memref<64x10xf32, #tpu.memory_space<vmem>>, vector<64x10xf32>,
    return
  }
}

</mosaic_0001>

<sc_bundles>
// kernel: sc_aggregate_128.3.cloned.1.call-start
scs
__scs_entry_jumppad:
0x0: {  	(pc) =	sbr.rel $0x88, $3  }
0x1: {  	(tag) =	ssettag $0x0;
	lr =	simm.s32 $0x1  }
0x2: {  	[smem:$0x3F96] =	sst lr;
	_ =	strace $0xD0000000  }
0x3: {  	_ = 	snop  }
0x4: {  	_ = 	snop  }
0x5: {  	_ = 	snop  }
0x6: {  	_ = 	snop  }
0x7: {  	_ = 	snop  }
__scs_overlays_trampoline_lowered:
0x8: {  	[smem:$0x3FA5] =	sst s0  }
0x9: {  	[smem:$0x3FA6] =	sst s1  }
0xa: {  	[smem:$0x3FA7] =	sst s2  }
0xb: {  	[smem:$0x3FA8] =	sst s3  }
0xc: {  	[smem:$0x3FA9] =	sst s4  }
0xd: {  	[smem:$0x3FAA] =	sst s5  }
0xe: {  	[smem:$0x3FAB] =	sst s6  }
0xf: {  	[smem:$0x3FAC] =	sst s7  }
0x10: {  	[smem:$0x3FAD] =	sst s8  }
0x11: {  	[smem:$0x3FAE] =	sst s9;
	s0 =	simm.s32 @!p0 $0x0  }
0x12: {  	s1 =	sld [smem:$0x3F94];
	s0 =	simm.s32 @p0 $0x1  }
0x13: {  	[smem:$0x3FAF] =	sst s0;
	s0 =	simm.s32 @!p1 $0x0  }
0x14: {  	s2 =	sld [smem:$0x3F93];
	s0 =	simm.s32 @p1 $0x1  }
0x15: {  	[smem:$0x3FB0] =	sst s0;
	s0 =	simm.s32 @!p2 $0x0  }
0x16: {  	s3 =	sld [smem:$0x3FDB];
	s0 =	simm.s32 @p2 $0x1  }
0x17: {  	s4 =	simm.s32 $0x1BF5;
	[smem:$0x3FB2] =	sst s0  }
0x18: {  	s0 =	sld [smem:$0x3F95];
	_ =	swait.ge [sflag:s4], $0x0  }
0x19: {  	s7 =	sld [smem:$0x3F96]  }
0x1a: {  	s8 =	sadd.s32 $0xFFFFE003, lr  }
0x1b: {  	s9 =	sadd.s32 $0xFFFFFEF7, lr;
	s5 =	simm.s32 $0xFFFFFFFF;
	p2 =	slt.u32 s8, $0xFFFFF086  }
0x1c: {  	p1 =	slt.u32 s9, $0xF7A;
	s5 =	simm.s32 @!p2 $0x0  }
0x1d: {  	s5 =	simm.s32 @p1 $0x1;
	p0 =	seq.s32 s7, s2  }
0x1e: {  	s7 =	smul.u32 @!p0 $0xF7A, s2;
	p2 =	seq.s32 @!p0 s5, $0x0  }
0x1f: {  	s9 =	smul.u32 $0xF7A, s1;
	s8 =	simm.s32 @!p0 $0x1BF5;
	p2 =	por !p2, p0  }
0x20: {  	[sflag:s8] =	ssyncset.s32 @!p0 $0xFFFFF086;
	s6 =	sadd.s32 @!p0 s3, s7;
	s7 =	simm.s32 @!p0 $0x108  }
0x21: {  	s3 =	sadd.s32 s3, s9;
	s6 =	sadd.s32 @!p0 $0x88, s6;
	s7 =	simm.s32 @p2 $0x1082  }
0x22: {  	[simem:s7], [sflag:s8] =	dma.local @!p0 [hbm:s6], $0xF7A  }
0x23: {  	s9 =	sor.u32 $0xD0000000, s2;
	s6 =	simm.s32 $0x108;
	_ =	swait.ge @!p0 [sflag:s8], $0x0  }
0x24: {  	s3 =	sadd.s32 $0x88, s3;
	s6 =	simm.s32 @!p1 $0x1082;
	[sflag:s4] =	ssyncset.s32 $0xFFFFF086  }
0x25: {  	[simem:s6], [sflag:s4] =	dma.local [hbm:s3], $0xF7A  }
0x26: {  	[smem:$0x3F96] =	sst s1;
	(tag) =	ssettag s2;
	_ =	strace s9  }
0x27: {  	s1 =	sld [smem:$0x3FA6]  }
0x28: {  	s2 =	sld [smem:$0x3FA7]  }
0x29: {  	s4 =	sld [smem:$0x3FA9]  }
0x2a: {  	p0 =	seq.s32 s5, $0x0;
	s5 =	sld [smem:$0x3FAA]  }
0x2b: {  	s6 =	sld [smem:$0x3FAB]  }
0x2c: {  	s7 =	sld [smem:$0x3FAC]  }
0x2d: {  	s3 =	simm.s32 $0x108;
	s8 =	sld [smem:$0x3FAD]  }
0x2e: {  	s3 =	simm.s32 @!p0 $0x1082;
	s9 =	sld [smem:$0x3FAE]  }
0x2f: {  	lr =	sadd.s32 s0, s3;
	s0 =	sld [smem:$0x3FA5]  }
0x30: {  	s3 =	sld [smem:$0x3FA8]  }
0x31: {  	[smem:$0x3FB1] =	sst s10  }
0x32: {  	s10 =	sld [smem:$0x3FAF];
	_ =	sdelay $0x3  }
0x33: {  	p0 =	seq.s32 s10, $0x1;
	s10 =	sld [smem:$0x3FB1];
	_ =	sdelay $0x3  }
0x34: {  	[smem:$0x3FB1] =	sst s10  }
0x35: {  	s10 =	sld [smem:$0x3FB0];
	_ =	sdelay $0x3  }
0x36: {  	p1 =	seq.s32 s10, $0x1;
	s10 =	sld [smem:$0x3FB1];
	_ =	sdelay $0x3  }
0x37: {  	[smem:$0x3FB1] =	sst s10  }
0x38: {  	s10 =	sld [smem:$0x3FB2]  }
0x39: {  	_ = 	snop;
	(pc) =	sbr.ind lr, $3  }
0x3a: {  	_ = 	snop  }
0x3b: {  	_ = 	snop  }
0x3c: {  	p2 =	seq.s32 s10, $0x1;
	s10 =	sld [smem:$0x3FB1]  }
0x3d: {  	_ =	shalt  }
0x3e: {  	_ =	shalt  }
0x3f: {  	_ =	shalt  }
0x40: {  	_ =	shalt  }
0x41: {  	_ =	shalt  }
0x42: {  	_ =	shalt  }
0x43: {  	_ =	shalt  }
0x44: {  	_ =	shalt  }
0x45: {  	_ =	shalt  }
0x46: {  	_ =	shalt  }
0x47: {  	_ =	shalt  }
0x48: {  	_ =	shalt  }
0x49: {  	_ =	shalt  }
0x4a: {  	_ =	shalt  }
0x4b: {  	_ =	shalt  }
0x4c: {  	_ =	shalt  }
0x4d: {  	_ =	shalt  }
0x4e: {  	_ =	shalt  }
0x4f: {  	_ =	shalt  }
0x50: {  	_ =	shalt  }
0x51: {  	_ =	shalt  }
0x52: {  	_ =	shalt  }
0x53: {  	_ =	shalt  }
0x54: {  	_ =	shalt  }
0x55: {  	_ =	shalt  }
0x56: {  	_ =	shalt  }
0x57: {  	_ =	shalt  }
0x58: {  	_ =	shalt  }
0x59: {  	_ =	shalt  }
0x5a: {  	_ =	shalt  }
0x5b: {  	_ =	shalt  }
0x5c: {  	_ =	shalt  }
0x5d: {  	_ =	shalt  }
0x5e: {  	_ =	shalt  }
0x5f: {  	_ =	shalt  }
0x60: {  	_ =	shalt  }
0x61: {  	_ =	shalt  }
0x62: {  	_ =	shalt  }
0x63: {  	_ =	shalt  }
0x64: {  	_ =	shalt  }
0x65: {  	_ =	shalt  }
0x66: {  	_ =	shalt  }
0x67: {  	_ =	shalt  }
0x68: {  	_ =	shalt  }
0x69: {  	_ =	shalt  }
0x6a: {  	_ =	shalt  }
0x6b: {  	_ =	shalt  }
0x6c: {  	_ =	shalt  }
0x6d: {  	_ =	shalt  }
0x6e: {  	_ =	shalt  }
0x6f: {  	_ =	shalt  }
0x70: {  	_ =	shalt  }
0x71: {  	_ =	shalt  }
0x72: {  	_ =	shalt  }
0x73: {  	_ =	shalt  }
0x74: {  	_ =	shalt  }
0x75: {  	_ =	shalt  }
0x76: {  	_ =	shalt  }
0x77: {  	_ =	shalt  }
0x78: {  	_ =	shalt  }
0x79: {  	_ =	shalt  }
0x7a: {  	_ =	shalt  }
0x7b: {  	_ =	shalt  }
0x7c: {  	_ =	shalt  }
0x7d: {  	_ =	shalt  }
0x7e: {  	_ =	shalt  }
0x7f: {  	_ =	shalt  }
0x80: {  	_ =	shalt  }
0x81: {  	_ =	shalt  }
0x82: {  	_ =	shalt  }
0x83: {  	_ =	shalt  }
0x84: {  	_ =	shalt  }
0x85: {  	_ =	shalt  }
0x86: {  	_ =	shalt  }
0x87: {  	_ =	shalt  }
.Lfunc_end0:
.L_simem_size_0:
called_computation.2_lowered:
.L_overlay_start_0:
0x88: {  	s2 =	sld [smem:$0x3FD9]  }
0x89: {  	s3 =	sld [smem:$0x3FFE];
	_ =	sdelay $0x1  }
0x8a: {  	s1 =	srdreg.scid  }
0x8b: {  	s0 =	sand.u32 $0x1, s1  }
0x8c: {  	s16 =	sshll.u32 s0, $0xA;
	s2 =	sadd.s32 s3, s2  }
0x8d: {  	s2 =	sadd.s32 s2, s16  }
0x8e: {  	[smem:$0x3FBD] =	sst s2  }
0x8f: {  	_ = 	snop  }
0x90: {  	(tm) =	ssettm $0x1  }
0x91: {  	s17 =	sld [smem:$0x3FFB];
	_ =	sdelay $0x3  }
0x92: {  	_ =	strace s17  }
0x93: {  	s2 =	sld [smem:$0x3FFC];
	_ =	sdelay $0x3  }
0x94: {  	_ =	strace s2  }
0x95: {  	s2 =	sld [smem:$0x3FFD];
	_ =	sdelay $0x3  }
0x96: {  	_ =	strace s2  }
0x97: {  	_ =	strace $0x8FFFFFFF  }
0x98: {  	s18 =	sld [smem:$0x3FDB];
	_ =	sdelay $0x1  }
0x99: {  	s19 =	simm.s32 $_scs_section_size  }
0x9a: {  	s4 =	simm.s32 $_size__tile_overlayer_lowered;
	s5 =	simm.s32 $_tile_overlayer_lowered  }
0x9b: {  	s22 =	simm.s32 $0x1BFF;
	s21 =	sshll.u32 s5, $0x1;
	s2 =	sadd.s32 s19, s18  }
0x9c: {  	s6 =	simm.s32 $0x0;
	s20 =	sshll.u32 s4, $0x1;
	s4 =	sadd.s32 s21, s2  }
0x9d: {  	[timem:s6], [sflag:s22] =	dma.local [hbm:s4], s20  }
0x9e: {  	_ =	swait.ge [sflag:s22], s20  }
0x9f: {  	s3 =	ssub.s32 $0x0, s20;
	[sflag:s22] =	ssyncset.done $0x0  }
0xa0: {  	[sflag:s22] =	ssyncadd.s32 s3;
	_ =	sdelay $0x1  }
0xa1: {  	s23 =	simm.s32 $0x1B8B  }
0xa2: {  	_ =	swait.ge [sflag:s23], $0x1  }
0xa3: {  	[sflag:s23] =	ssyncset.done $0x0  }
0xa4: {  	s25 =	simm.s32 $0x1B8E;
	s24 =	sld [smem:$0x3FFE];
	[sflag:s23] =	ssyncadd.s32 $0xFFFFFFFF  }
0xa5: {  	s26 =	simm.s32 $execute0_lowered;
	[smem:$0x3FD2] =	sst s25  }
0xa6: {  	s4 =	sshll.u32 s26, $0x1;
	_ =	strace $0x8000004C;
	[dreg:$0x1] =	wrdreg $0xFFFFFFFF  }
0xa7: {  	s28 =	simm.s32 $_size_execute0_lowered;
	s2 =	sadd.s32 s2, s4;
	[dreg:$0x0] =	wrdreg $0x0  }
0xa8: {  	s4 =	sshll.u32 s28, $0x1;
	[dreg:$0x2] =	wrdreg s2  }
0xa9: {  	[dreg:$0x3] =	wrdreg s4  }
0xaa: {  	[dreg:$0x4] =	wrdreg $0xC0  }
0xab: {  	_ =	task [dreg:s6], $0x5FFFF  }
0xac: {  	[dreg:$0x1] =	wrdreg $0xFFFFFFFF  }
0xad: {  	[dreg:$0x0] =	wrdreg $0x60  }
0xae: {  	[dreg:$0x2] =	wrdreg s24  }
0xaf: {  	[dreg:$0x3] =	wrdreg $0xC3000  }
0xb0: {  	[dreg:$0x4] =	wrdreg $0x9  }
0xb1: {  	_ =	task.clear_ibuf [dreg:s6], $0x5FFFF;
	_ =	strace $0x9000004C  }
0xb2: {  	s29 =	simm.s32 $0x9;
	_ =	strace $0x8000004E  }
0xb3: {  	_ =	swait.ge [sflag:s29], $0x1  }
0xb4: {  	[sflag:s29] =	ssyncadd.s32 $0xFFFFFFFF  }
0xb5: {  	_ =	strace $0x9000004E  }
0xb6: {  	_ =	sfence  }
0xb7: {  	s30 =	sld [smem:$0x0];
	_ =	sdelay $0x2  }
0xb8: {  	s31 =	sshll.u32 s1, $0xD;
	s1 =	sshrl.u32 s1, $0x2  }
0xb9: {  	s3 =	sand.u32 $0x4000, s31;
	s1 =	sadd.s32 s1, s30  }
0xba: {  	s0 =	sor.u32 s3, s0;
	s1 =	sshll.u32 s1, $0x11  }
0xbb: {  	s0 =	sor.u32 s1, s0  }
0xbc: {  	s0 =	sadd.s32 $0x8F2B, s0  }
0xbd: {  	[sflag:s0] =	ssyncadd.remote.s32 $0x1  }
0xbe: {  	_ =	sfence.sel $0xFFFF  }
0xbf: {  	[dreg:$0x0] =	wrdreg $0xFFFFFFFF;
	(pc) =	sbr.abs _section_cstart, $3  }
0xc0: {  	[dreg:$0x1] =	wrdreg $0xFFFFFFFF  }
0xc1: {  	_ =	task.clear_ibuf [dreg:s6], $0x2FFFF;
	_ =	strace $0x9FFFFFFF  }
0xc2: {  	(tm) =	ssettm $0x7FFFFFFF  }
0xc3: {  	_ =	shalt  }
tec
execute0_lowered:
.L_overlay_start_1:
0x0: {  	(tag) =	ssettag $0x1  }
0x1: {  	s0 =	rddreg [dreg:$0x0]  }
0x2: {  	s2 =	rddreg [dreg:$0x1]  }
0x3: {  	s1 =	srdreg.scid;
	s9 =	stileid.u32  }
0x4: {  	s3 =	simm.s32 $0x0;
	s17 =	simm.s32 $0x42;
	s21 =	simm.s32 $0x6300  }
0x5: {  	s22 =	simm.s32 $0x3;
	s23 =	simm.s32 $0x1;
	s24 =	simm.s32 $0x2  }
0x6: {  	s25 =	simm.s32 $0x40;
	s28 =	simm.s32 $0xA300;
	s29 =	simm.s32 $0x0  }
0x7: {  	s1 =	sand.u32 $0x1, s1;
	s7 =	smul.u32 $0x13C00, s9;
	[smem:$0x7FF] =	sst s3  }
0x8: {  	s4 =	sshll.u32 s1, $0x4;
	s6 =	smul.u32 $0x13C000, s1;
	_ =	strace $0x8000004D  }
0x9: {  	s8 =	ssub.s32 $0x2, s1;
	p0 =	seq.s32 s1, $0x0;
	s5 =	sor.u32 s9, s4  }
0xa: {  	s4 =	sadd.s32 $0x24A00, s0;
	s9 =	smul.u32 $0x4F000, s9;
	s30 =	sshrl.u32 s8, $0x1  }
0xb: {  	s17 =	simm.s32 @!p0 $0x2A;
	s5 =	smul.u32 $0x630, s5;
	s6 =	sadd.s32 s7, s6  }
0xc: {  	s19 =	ssub.s32 s8, s30;
	s7 =	sadd.s32 s7, s2;
	s26 =	sshrl.u32 s6, $0x3  }
0xd: {  	s31 =	sshrl.u32 s9, $0x2;
	s19 =	smax.u32 s19, $0x1;
	s10 =	sadd.s32 s5, s0  }
0xe: {  	s0 =	sadd.s32 s26, s0;
	s16 =	sadd.s32 s31, s2;
	s26 =	simm.s32 $0x8300  }
0xf: {  	s5 =	sadd.s32 $0x6C200, s10;
	s6 =	sadd.s32 $0x5FC00, s10;
	s8 =	sadd.s32 $0x2000, s16  }
0x10: {  	s9 =	sadd.s32 $0x4000, s16;
	s10 =	sadd.s32 $0x6000, s16;
	s11 =	sadd.s32 $0x8000, s16  }
0x11: {  	s12 =	sadd.s32 $0xA000, s16;
	s13 =	sadd.s32 $0xC000, s16;
	s14 =	sadd.s32 $0xE000, s16  }
0x12: {  	v0 =	vimm.f32 $0.0e+00;
	s15 =	sadd.s32 $0x10000, s16;
	s16 =	sadd.s32 $0x12000, s16;
	s18 =	sadd.s32 $0x78800, s0  }
.LBB2_1:
0x13: {  	[tilespmem:s3], [sflag:$0x1] =	stream.linear.gather [hbm4b:s5+s3], $0x3180, $0x38;
	[tilespmem:$0x1FF00] =	vst v63  }
0x14: {  	s0 =	simm.s32 $0x3180  }
0x15: {  	[tilespmem:s0], [sflag:$0x2] =	stream.linear.gather [hbm4b:s6+s3], $0x3180, $0x38;
	[tilespmem:$0x1FF00] =	vst v63  }
0x16: {  	s1 =	simm.s32 $0x200;
	s0 =	simm.s32 $0x0  }
.LBB2_2:
0x17: {  	p0 =	sne.s32 s1, $0x7E00;
	[tilespmem:s0+$0x6370] =	vst v0  }
0x18: {  	[tilespmem:s0+$0x6300] =	vst v0  }
0x19: {  	[tilespmem:s0+$0x6310] =	vst v0  }
.Ltmp0:
0x1a: {  	[tilespmem:s0+$0x6320] =	vst v0;
	(pc) =	sbr.rel @p0 .LBB2_2-.Ltmp0, $4  }
0x1b: {  	[tilespmem:s0+$0x6330] =	vst v0  }
0x1c: {  	[tilespmem:s0+$0x6340] =	vst v0  }
0x1d: {  	[tilespmem:s0+$0x6350] =	vst v0  }
0x1e: {  	[tilespmem:s0+$0x6360] =	vst v0;
	s0 =	sshra.s32 s1, $0x2;
	s1 =	sadd.s32 $0x200, s1  }
0x1f: {  	[tilespmem:s0+$0x6370] =	vst v0  }
0x20: {  	[tilespmem:s0+$0x6300] =	vst v0  }
0x21: {  	[tilespmem:s0+$0x6310] =	vst v0  }
0x22: {  	[tilespmem:s0+$0x6320] =	vst v0  }
0x23: {  	[tilespmem:s0+$0x6330] =	vst v0  }
0x24: {  	[tilespmem:s0+$0x6340] =	vst v0  }
0x25: {  	[tilespmem:s0+$0x6350] =	vst v0  }
0x26: {  	[tilespmem:s0+$0x6360] =	vst v0  }
0x27: {  	[spmem:s7] =	stream.linear.scatter [tilespmem:s21], [sflag:$0x3], $0x2000, $0x38;
	[tilespmem:$0x1FF00] =	vst v63  }
0x28: {  	_ =	swait.ge [sflag:s22], $0x2000  }
0x29: {  	[sflag:s22] =	ssyncset.done $0x0  }
0x2a: {  	[sflag:s22] =	ssyncadd.s32 $0xFFFFE000  }
0x2b: {  	[spmem:s8] =	stream.linear.scatter [tilespmem:s21], [sflag:$0x3], $0x2000, $0x38;
	[tilespmem:$0x1FF00] =	vst v63  }
0x2c: {  	_ =	swait.ge [sflag:s22], $0x2000  }
0x2d: {  	[sflag:s22] =	ssyncset.done $0x0  }
0x2e: {  	[sflag:s22] =	ssyncadd.s32 $0xFFFFE000  }
0x2f: {  	[spmem:s9] =	stream.linear.scatter [tilespmem:s21], [sflag:$0x3], $0x2000, $0x38;
	[tilespmem:$0x1FF00] =	vst v63  }
0x30: {  	_ =	swait.ge [sflag:s22], $0x2000  }
0x31: {  	[sflag:s22] =	ssyncset.done $0x0  }
0x32: {  	[sflag:s22] =	ssyncadd.s32 $0xFFFFE000  }
0x33: {  	[spmem:s10] =	stream.linear.scatter [tilespmem:s21], [sflag:$0x3], $0x2000, $0x38;
	[tilespmem:$0x1FF00] =	vst v63  }
0x34: {  	_ =	swait.ge [sflag:s22], $0x2000  }
0x35: {  	[sflag:s22] =	ssyncset.done $0x0  }
0x36: {  	[sflag:s22] =	ssyncadd.s32 $0xFFFFE000  }
0x37: {  	[spmem:s11] =	stream.linear.scatter [tilespmem:s21], [sflag:$0x3], $0x2000, $0x38;
	[tilespmem:$0x1FF00] =	vst v63  }
0x38: {  	_ =	swait.ge [sflag:s22], $0x2000  }
0x39: {  	[sflag:s22] =	ssyncset.done $0x0  }
0x3a: {  	[sflag:s22] =	ssyncadd.s32 $0xFFFFE000  }
0x3b: {  	[spmem:s12] =	stream.linear.scatter [tilespmem:s21], [sflag:$0x3], $0x2000, $0x38;
	[tilespmem:$0x1FF00] =	vst v63  }
0x3c: {  	_ =	swait.ge [sflag:s22], $0x2000  }
0x3d: {  	[sflag:s22] =	ssyncset.done $0x0  }
0x3e: {  	[sflag:s22] =	ssyncadd.s32 $0xFFFFE000  }
0x3f: {  	[spmem:s13] =	stream.linear.scatter [tilespmem:s21], [sflag:$0x3], $0x2000, $0x38;
	[tilespmem:$0x1FF00] =	vst v63  }
0x40: {  	_ =	swait.ge [sflag:s22], $0x2000  }
0x41: {  	[sflag:s22] =	ssyncset.done $0x0  }
0x42: {  	[sflag:s22] =	ssyncadd.s32 $0xFFFFE000  }
0x43: {  	[spmem:s14] =	stream.linear.scatter [tilespmem:s21], [sflag:$0x3], $0x2000, $0x38;
	[tilespmem:$0x1FF00] =	vst v63  }
0x44: {  	_ =	swait.ge [sflag:s22], $0x2000  }
0x45: {  	[sflag:s22] =	ssyncset.done $0x0  }
0x46: {  	[sflag:s22] =	ssyncadd.s32 $0xFFFFE000  }
0x47: {  	[spmem:s15] =	stream.linear.scatter [tilespmem:s21], [sflag:$0x3], $0x2000, $0x38;
	[tilespmem:$0x1FF00] =	vst v63  }
0x48: {  	_ =	swait.ge [sflag:s22], $0x2000  }
0x49: {  	[sflag:s22] =	ssyncset.done $0x0  }
0x4a: {  	[sflag:s22] =	ssyncadd.s32 $0xFFFFE000  }
0x4b: {  	[spmem:s16] =	stream.linear.scatter [tilespmem:s21], [sflag:$0x3], $0x1C00, $0x38;
	[tilespmem:$0x1FF00] =	vst v63  }
0x4c: {  	_ =	swait.ge [sflag:s22], $0x1C00  }
0x4d: {  	[sflag:s22] =	ssyncset.done $0x0  }
0x4e: {  	[sflag:s22] =	ssyncadd.s32 $0xFFFFE400  }
0x4f: {  	_ =	swait.ge [sflag:s23], $0x3180  }
0x50: {  	[sflag:s23] =	ssyncset.done $0x0  }
0x51: {  	p1 =	sne.s32 s17, $0x1;
	[sflag:s23] =	ssyncadd.s32 $0xFFFFCE80  }
.Ltmp1:
0x52: {  	_ =	swait.ge [sflag:s24], $0x3180;
	(pc) =	sbr.rel @!p1 .LBB2_4-.Ltmp1, $4  }
0x53: {  	[sflag:s24] =	ssyncset.done $0x0  }
0x54: {  	[sflag:s24] =	ssyncadd.s32 $0xFFFFCE80  }
0x55: {  	s30 =	simm.s32 $0x3200;
	[bflag:$0x0] =	sbarrier.arrive $0xFFFF  }
0x56: {  	s31 =	simm.s32 $0x80;
	s0 =	sadd.s32 $0xFFFFFFFF, s17;
	p0 =	por $0x0, $0x0  }
0x57: {  	s1 =	simm.s32 $0x0  }
0x58: {  	[tilespmem:s21], [sflag:$0x1] =	stream.indirect.gather [hbm4b:s4+s25], $0x80, s1, s25, $0xb8;
	[tilespmem:$0x1FF00] =	vst v63  }
0x59: {  	s20 =	simm.s32 $0x40  }
0x5a: {  	[tilespmem:s26], [sflag:$0x1] =	stream.indirect.gather [hbm4b:s4+s25], $0x80, s20, s25, $0xb8;
	[tilespmem:$0x1FF00] =	vst v63  }
0x5b: {  	_ = 	snop  }
0x5c: {  	[tilespmem:s28], [sflag:$0x1] =	stream.indirect.gather [hbm4b:s4+s25], $0x80, s31, s25, $0xb8;
	[tilespmem:$0x1FF00] =	vst v63  }
0x5d: {  	_ =	swait.ge [sflag:s23], $0x2000  }
0x5e: {  	[sflag:s23] =	ssyncset.done $0x0  }
0x5f: {  	s20 =	simm.s32 $0x3180;
	[sflag:s23] =	ssyncadd.s32 $0xFFFFE000  }
0x60: {  	[spmem:s2] =	stream.indirect.scatter.add.f32 [tilespmem:s21], [sflag:$0x2], $0x80, s20, s25, $0xb8;
	[tilespmem:$0x1FF00] =	vst v63  }
0x61: {  	_ =	swait.ge [sflag:s23], $0x2000  }
0x62: {  	[sflag:s23] =	ssyncset.done $0x0  }
0x63: {  	s20 =	simm.s32 $0x31C0;
	[sflag:s23] =	ssyncadd.s32 $0xFFFFE000  }
0x64: {  	[spmem:s2] =	stream.indirect.scatter.add.f32 [tilespmem:s26], [sflag:$0x2], $0x80, s20, s25, $0xb8;
	[tilespmem:$0x1FF00] =	vst v63  }
0x65: {  	_ =	swait.ge [sflag:s23], $0x2000  }
0x66: {  	[sflag:s23] =	ssyncset.done $0x0  }
0x67: {  	[sflag:s23] =	ssyncadd.s32 $0xFFFFE000  }
0x68: {  	[spmem:s2] =	stream.indirect.scatter.add.f32 [tilespmem:s28], [sflag:$0x2], $0x80, s30, s25, $0xb8;
	[tilespmem:$0x1FF00] =	vst v63  }
0x69: {  	_ =	swait.ge [sflag:s24], $0x2000  }
0x6a: {  	[sflag:s24] =	ssyncset.done $0x0  }
0x6b: {  	p1 =	sne.s32 s0, $0x1;
	[sflag:s24] =	ssyncadd.s32 $0xFFFFE000  }
.Ltmp2:
0x6c: {  	_ =	swait.ge [sflag:s24], $0x2000;
	(pc) =	sbr.rel @!p1 .LBB2_6-.Ltmp2, $4  }
0x6d: {  	[sflag:s24] =	ssyncset.done $0x0  }
0x6e: {  	[sflag:s24] =	ssyncadd.s32 $0xFFFFE000  }
0x6f: {  	p0 =	por $0x1, $0x1;
	s1 =	sadd.s32 $0xFFFFFFFF, s0;
	_ =	swait.ge [sflag:s24], $0x2000  }
0x70: {  	s0 =	simm.s32 $0x3200;
	s31 =	simm.s32 $0x140;
	[sflag:s24] =	ssyncset.done $0x0  }
.LBB2_7:
0x71: {  	s20 =	sadd.s32 $0xFFFFFF80, s31;
	[sflag:s24] =	ssyncadd.s32 $0xFFFFE000;
	s0 =	sadd.s32 $0xC0, s0  }
0x72: {  	[tilespmem:s21], [sflag:$0x1] =	stream.indirect.gather [hbm4b:s4+s25], $0x80, s20, s25, $0xb8;
	[tilespmem:$0x1FF00] =	vst v63  }
0x73: {  	p1 =	sne.s32 s1, $0x1;
	s1 =	sadd.s32 $0xFFFFFFFF, s1;
	s20 =	sadd.s32 $0xFFFFFFC0, s31  }
0x74: {  	[tilespmem:s26], [sflag:$0x1] =	stream.indirect.gather [hbm4b:s4+s25], $0x80, s20, s25, $0xb8;
	[tilespmem:$0x1FF00] =	vst v63  }
0x75: {  	_ = 	snop  }
0x76: {  	[tilespmem:s28], [sflag:$0x1] =	stream.indirect.gather [hbm4b:s4+s25], $0x80, s31, s25, $0xb8;
	[tilespmem:$0x1FF00] =	vst v63  }
0x77: {  	_ =	swait.ge [sflag:s23], $0x2000  }
0x78: {  	[sflag:s23] =	ssyncset.done $0x0  }
0x79: {  	s20 =	sadd.s32 $0xFFFFFF80, s0;
	[sflag:s23] =	ssyncadd.s32 $0xFFFFE000  }
0x7a: {  	[spmem:s2] =	stream.indirect.scatter.add.f32 [tilespmem:s21], [sflag:$0x2], $0x80, s20, s25, $0xb8;
	[tilespmem:$0x1FF00] =	vst v63  }
0x7b: {  	_ =	swait.ge [sflag:s23], $0x2000  }
0x7c: {  	[sflag:s23] =	ssyncset.done $0x0  }
0x7d: {  	s20 =	sadd.s32 $0xFFFFFFC0, s0;
	[sflag:s23] =	ssyncadd.s32 $0xFFFFE000  }
0x7e: {  	[spmem:s2] =	stream.indirect.scatter.add.f32 [tilespmem:s26], [sflag:$0x2], $0x80, s20, s25, $0xb8;
	[tilespmem:$0x1FF00] =	vst v63  }
0x7f: {  	_ =	swait.ge [sflag:s23], $0x2000  }
0x80: {  	[sflag:s23] =	ssyncset.done $0x0  }
0x81: {  	[sflag:s23] =	ssyncadd.s32 $0xFFFFE000  }
0x82: {  	[spmem:s2] =	stream.indirect.scatter.add.f32 [tilespmem:s28], [sflag:$0x2], $0x80, s0, s25, $0xb8;
	[tilespmem:$0x1FF00] =	vst v63  }
0x83: {  	_ =	swait.ge [sflag:s24], $0x2000  }
0x84: {  	[sflag:s24] =	ssyncset.done $0x0  }
0x85: {  	[sflag:s24] =	ssyncadd.s32 $0xFFFFE000  }
.Ltmp3:
0x86: {  	_ =	swait.ge [sflag:s24], $0x2000;
	(pc) =	sbr.rel @p1 .LBB2_7-.Ltmp3, $4  }
0x87: {  	[sflag:s24] =	ssyncset.done $0x0  }
0x88: {  	[sflag:s24] =	ssyncadd.s32 $0xFFFFE000  }
0x89: {  	_ =	swait.ge [sflag:s24], $0x2000  }
0x8a: {  	s31 =	sadd.s32 $0xC0, s31;
	[sflag:s24] =	ssyncset.done $0x0  }
.LBB2_8:
0x8b: {  	s1 =	sadd.s32 $0xFFFFFF80, s31;
	[sflag:s24] =	ssyncadd.s32 @p0 $0xFFFFE000  }
0x8c: {  	[tilespmem:s21], [sflag:$0x1] =	stream.indirect.gather [hbm4b:s4+s25], $0x80, s1, s25, $0xb8;
	[tilespmem:$0x1FF00] =	vst v63  }
0x8d: {  	s20 =	sadd.s32 $0xFFFFFFC0, s31  }
0x8e: {  	[tilespmem:s26], [sflag:$0x1] =	stream.indirect.gather [hbm4b:s4+s25], $0x80, s20, s25, $0xb8;
	[tilespmem:$0x1FF00] =	vst v63  }
0x8f: {  	_ = 	snop  }
0x90: {  	[tilespmem:s28], [sflag:$0x1] =	stream.indirect.gather [hbm4b:s4+s25], $0x80, s31, s25, $0xb8;
	[tilespmem:$0x1FF00] =	vst v63  }
0x91: {  	s0 =	sadd.s32 @p0 $0xC0, s0;
	_ =	swait.ge [sflag:s23], $0x2000  }
0x92: {  	s30 =	smov.u32 @p0 s0;
	[sflag:s23] =	ssyncset.done $0x0  }
0x93: {  	s0 =	sadd.s32 $0xFFFFFF80, s30;
	[sflag:s23] =	ssyncadd.s32 $0xFFFFE000  }
0x94: {  	[spmem:s2] =	stream.indirect.scatter.add.f32 [tilespmem:s21], [sflag:$0x2], $0x80, s0, s25, $0xb8;
	[tilespmem:$0x1FF00] =	vst v63  }
0x95: {  	_ =	swait.ge [sflag:s23], $0x2000  }
0x96: {  	[sflag:s23] =	ssyncset.done $0x0  }
0x97: {  	s20 =	sadd.s32 $0xFFFFFFC0, s30;
	[sflag:s23] =	ssyncadd.s32 $0xFFFFE000  }
0x98: {  	[spmem:s2] =	stream.indirect.scatter.add.f32 [tilespmem:s26], [sflag:$0x2], $0x80, s20, s25, $0xb8;
	[tilespmem:$0x1FF00] =	vst v63  }
0x99: {  	_ =	swait.ge [sflag:s23], $0x2000  }
0x9a: {  	[sflag:s23] =	ssyncset.done $0x0  }
0x9b: {  	[sflag:s23] =	ssyncadd.s32 $0xFFFFE000  }
0x9c: {  	[spmem:s2] =	stream.indirect.scatter.add.f32 [tilespmem:s28], [sflag:$0x2], $0x80, s30, s25, $0xb8;
	[tilespmem:$0x1FF00] =	vst v63  }
0x9d: {  	_ =	swait.ge [sflag:s24], $0x2000  }
0x9e: {  	[sflag:s24] =	ssyncset.done $0x0  }
0x9f: {  	[sflag:s24] =	ssyncadd.s32 $0xFFFFE000  }
0xa0: {  	_ =	swait.ge [sflag:s24], $0x2000  }
0xa1: {  	[sflag:s24] =	ssyncset.done $0x0  }
0xa2: {  	[sflag:s24] =	ssyncadd.s32 $0xFFFFE000  }
0xa3: {  	_ =	swait.ge [sflag:s24], $0x2000  }
0xa4: {  	s29 =	sadd.s32 $0x1, s29;
	s30 =	stileid.u32;
	[sflag:s24] =	ssyncset.done $0x0  }
0xa5: {  	p0 =	sne.s32 s29, s19;
	s0 =	sshll.u32 s30, $0x6;
	[sflag:s24] =	ssyncadd.s32 $0xFFFFE000  }
0xa6: {  	s31 =	sshrl.u32 s7, $0x3;
	s0 =	sor.u32 $0x1C03, s0;
	[bflag:$0x0] =	sbarrier.arrive $0xFFFF  }
0xa7: {  	[hbm:s18], [sflag:s0] =	dma.local [spmem:s31], $0x2780  }
.Ltmp4:
0xa8: {  	_ = 	snop;
	(pc) =	sbr.rel @p0 .LBB2_1-.Ltmp4, $4  }
.Ltmp5:
0xa9: {  	_ = 	snop;
	(pc) =	sbr.rel @!p0 .LBB2_9-.Ltmp5, $4  }
0xaa: {  	_ =	swait.ge [sflag:s22], $0x2780  }
0xab: {  	[sflag:s22] =	ssyncset.done $0x0  }
0xac: {  	[sflag:s22] =	ssyncadd.s32 $0xFFFFD880  }
0xad: {  	_ = 	snop  }
.LBB2_4:
.Ltmp6:
0xae: {  	(pc) =	sbr.rel .LBB2_8-.Ltmp6, $2  }
0xaf: {  	_ =	sdelay $0x2  }
0xb0: {  	s0 =	simm.s32 $0x3200  }
.LBB2_6:
.Ltmp7:
0xb1: {  	(pc) =	sbr.rel .LBB2_8-.Ltmp7, $2  }
0xb2: {  	_ =	sdelay $0x2  }
0xb3: {  	s0 =	simm.s32 $0x3200  }
.LBB2_9:
0xb4: {  	_ =	sfence.sel $0x180000  }
0xb5: {  	[bflag:$0x0] =	sbarrier.arrive $0xFFFF  }
0xb6: {  	_ =	strace $0x9000004D  }
0xb7: {  	s0 =	stileid.u32;
	[bflag:$0x2] =	sbarrier.arrive $0xFFFF  }
0xb8: {  	p0 =	sne.s32 s0, $0x0;
	s0 =	rddreg [dreg:$0x2]  }
0xb9: {  	s0 =	sadd.s32 @!p0 $0x100000, s0  }
0xba: {  	[sflag:s0] =	ssyncadd.tile.s32 @!p0 $0x1;
	_ =	shalt  }
.Lfunc_end2:
_tile_overlayer_lowered:
.L_overlay_start_2:
0xbb: {  	(tag) =	ssettag $0x2  }
0xbc: {  	s0 =	rddreg [dreg:$0x0];
	s2 =	stileid.u32  }
0xbd: {  	s1 =	rddreg [dreg:$0x1];
	p0 =	sne.s32 s2, $0x0  }
0xbe: {  	s3 =	rddreg [dreg:$0x2];
	[bflag:$0x3] =	sbarrier.arrive $0xFFFF;
	s2 =	simm.s32 @!p0 $0x1C03  }
0xbf: {  	[timem:s3], [sflag:s2] =	dma.local @!p0 [hbm:s0], s1  }
0xc0: {  	s0 =	simm.s32 @!p0 $0x3  }
0xc1: {  	_ =	swait.ge @!p0 [sflag:s0], s1  }
0xc2: {  	s1 =	ssub.s32 @!p0 $0x0, s1;
	[sflag:s0] =	ssyncset.done @!p0 $0x0  }
0xc3: {  	[sflag:s0] =	ssyncadd.s32 @!p0 s1  }
0xc4: {  	[bflag:$0x3] =	sbarrier.arrive $0xFFFF  }
0xc5: {  	_ =	shalt  }

// kernel: sc_aggregate_64.4.cloned.1.call-start
scs
__scs_entry_jumppad:
0x0: {  	(pc) =	sbr.rel $0x88, $3  }
0x1: {  	(tag) =	ssettag $0x0;
	lr =	simm.s32 $0x1  }
0x2: {  	[smem:$0x3F96] =	sst lr;
	_ =	strace $0xD0000000  }
0x3: {  	_ = 	snop  }
0x4: {  	_ = 	snop  }
0x5: {  	_ = 	snop  }
0x6: {  	_ = 	snop  }
0x7: {  	_ = 	snop  }
__scs_overlays_trampoline_lowered:
0x8: {  	[smem:$0x3FA5] =	sst s0  }
0x9: {  	[smem:$0x3FA6] =	sst s1  }
0xa: {  	[smem:$0x3FA7] =	sst s2  }
0xb: {  	[smem:$0x3FA8] =	sst s3  }
0xc: {  	[smem:$0x3FA9] =	sst s4  }
0xd: {  	[smem:$0x3FAA] =	sst s5  }
0xe: {  	[smem:$0x3FAB] =	sst s6  }
0xf: {  	[smem:$0x3FAC] =	sst s7  }
0x10: {  	[smem:$0x3FAD] =	sst s8  }
0x11: {  	[smem:$0x3FAE] =	sst s9;
	s0 =	simm.s32 @!p0 $0x0  }
0x12: {  	s1 =	sld [smem:$0x3F94];
	s0 =	simm.s32 @p0 $0x1  }
0x13: {  	[smem:$0x3FAF] =	sst s0;
	s0 =	simm.s32 @!p1 $0x0  }
0x14: {  	s2 =	sld [smem:$0x3F93];
	s0 =	simm.s32 @p1 $0x1  }
0x15: {  	[smem:$0x3FB0] =	sst s0;
	s0 =	simm.s32 @!p2 $0x0  }
0x16: {  	s3 =	sld [smem:$0x3FDB];
	s0 =	simm.s32 @p2 $0x1  }
0x17: {  	s4 =	simm.s32 $0x1BF5;
	[smem:$0x3FB2] =	sst s0  }
0x18: {  	s0 =	sld [smem:$0x3F95];
	_ =	swait.ge [sflag:s4], $0x0  }
0x19: {  	s7 =	sld [smem:$0x3F96]  }
0x1a: {  	s8 =	sadd.s32 $0xFFFFE003, lr  }
0x1b: {  	s9 =	sadd.s32 $0xFFFFFEF7, lr;
	s5 =	simm.s32 $0xFFFFFFFF;
	p2 =	slt.u32 s8, $0xFFFFF086  }
0x1c: {  	p1 =	slt.u32 s9, $0xF7A;
	s5 =	simm.s32 @!p2 $0x0  }
0x1d: {  	s5 =	simm.s32 @p1 $0x1;
	p0 =	seq.s32 s7, s2  }
0x1e: {  	s7 =	smul.u32 @!p0 $0xF7A, s2;
	p2 =	seq.s32 @!p0 s5, $0x0  }
0x1f: {  	s9 =	smul.u32 $0xF7A, s1;
	s8 =	simm.s32 @!p0 $0x1BF5;
	p2 =	por !p2, p0  }
0x20: {  	[sflag:s8] =	ssyncset.s32 @!p0 $0xFFFFF086;
	s6 =	sadd.s32 @!p0 s3, s7;
	s7 =	simm.s32 @!p0 $0x108  }
0x21: {  	s3 =	sadd.s32 s3, s9;
	s6 =	sadd.s32 @!p0 $0x88, s6;
	s7 =	simm.s32 @p2 $0x1082  }
0x22: {  	[simem:s7], [sflag:s8] =	dma.local @!p0 [hbm:s6], $0xF7A  }
0x23: {  	s9 =	sor.u32 $0xD0000000, s2;
	s6 =	simm.s32 $0x108;
	_ =	swait.ge @!p0 [sflag:s8], $0x0  }
0x24: {  	s3 =	sadd.s32 $0x88, s3;
	s6 =	simm.s32 @!p1 $0x1082;
	[sflag:s4] =	ssyncset.s32 $0xFFFFF086  }
0x25: {  	[simem:s6], [sflag:s4] =	dma.local [hbm:s3], $0xF7A  }
0x26: {  	[smem:$0x3F96] =	sst s1;
	(tag) =	ssettag s2;
	_ =	strace s9  }
0x27: {  	s1 =	sld [smem:$0x3FA6]  }
0x28: {  	s2 =	sld [smem:$0x3FA7]  }
0x29: {  	s4 =	sld [smem:$0x3FA9]  }
0x2a: {  	p0 =	seq.s32 s5, $0x0;
	s5 =	sld [smem:$0x3FAA]  }
0x2b: {  	s6 =	sld [smem:$0x3FAB]  }
0x2c: {  	s7 =	sld [smem:$0x3FAC]  }
0x2d: {  	s3 =	simm.s32 $0x108;
	s8 =	sld [smem:$0x3FAD]  }
0x2e: {  	s3 =	simm.s32 @!p0 $0x1082;
	s9 =	sld [smem:$0x3FAE]  }
0x2f: {  	lr =	sadd.s32 s0, s3;
	s0 =	sld [smem:$0x3FA5]  }
0x30: {  	s3 =	sld [smem:$0x3FA8]  }
0x31: {  	[smem:$0x3FB1] =	sst s10  }
0x32: {  	s10 =	sld [smem:$0x3FAF];
	_ =	sdelay $0x3  }
0x33: {  	p0 =	seq.s32 s10, $0x1;
	s10 =	sld [smem:$0x3FB1];
	_ =	sdelay $0x3  }
0x34: {  	[smem:$0x3FB1] =	sst s10  }
0x35: {  	s10 =	sld [smem:$0x3FB0];
	_ =	sdelay $0x3  }
0x36: {  	p1 =	seq.s32 s10, $0x1;
	s10 =	sld [smem:$0x3FB1];
	_ =	sdelay $0x3  }
0x37: {  	[smem:$0x3FB1] =	sst s10  }
0x38: {  	s10 =	sld [smem:$0x3FB2]  }
0x39: {  	_ = 	snop;
	(pc) =	sbr.ind lr, $3  }
0x3a: {  	_ = 	snop  }
0x3b: {  	_ = 	snop  }
0x3c: {  	p2 =	seq.s32 s10, $0x1;
	s10 =	sld [smem:$0x3FB1]  }
0x3d: {  	_ =	shalt  }
0x3e: {  	_ =	shalt  }
0x3f: {  	_ =	shalt  }
0x40: {  	_ =	shalt  }
0x41: {  	_ =	shalt  }
0x42: {  	_ =	shalt  }
0x43: {  	_ =	shalt  }
0x44: {  	_ =	shalt  }
0x45: {  	_ =	shalt  }
0x46: {  	_ =	shalt  }
0x47: {  	_ =	shalt  }
0x48: {  	_ =	shalt  }
0x49: {  	_ =	shalt  }
0x4a: {  	_ =	shalt  }
0x4b: {  	_ =	shalt  }
0x4c: {  	_ =	shalt  }
0x4d: {  	_ =	shalt  }
0x4e: {  	_ =	shalt  }
0x4f: {  	_ =	shalt  }
0x50: {  	_ =	shalt  }
0x51: {  	_ =	shalt  }
0x52: {  	_ =	shalt  }
0x53: {  	_ =	shalt  }
0x54: {  	_ =	shalt  }
0x55: {  	_ =	shalt  }
0x56: {  	_ =	shalt  }
0x57: {  	_ =	shalt  }
0x58: {  	_ =	shalt  }
0x59: {  	_ =	shalt  }
0x5a: {  	_ =	shalt  }
0x5b: {  	_ =	shalt  }
0x5c: {  	_ =	shalt  }
0x5d: {  	_ =	shalt  }
0x5e: {  	_ =	shalt  }
0x5f: {  	_ =	shalt  }
0x60: {  	_ =	shalt  }
0x61: {  	_ =	shalt  }
0x62: {  	_ =	shalt  }
0x63: {  	_ =	shalt  }
0x64: {  	_ =	shalt  }
0x65: {  	_ =	shalt  }
0x66: {  	_ =	shalt  }
0x67: {  	_ =	shalt  }
0x68: {  	_ =	shalt  }
0x69: {  	_ =	shalt  }
0x6a: {  	_ =	shalt  }
0x6b: {  	_ =	shalt  }
0x6c: {  	_ =	shalt  }
0x6d: {  	_ =	shalt  }
0x6e: {  	_ =	shalt  }
0x6f: {  	_ =	shalt  }
0x70: {  	_ =	shalt  }
0x71: {  	_ =	shalt  }
0x72: {  	_ =	shalt  }
0x73: {  	_ =	shalt  }
0x74: {  	_ =	shalt  }
0x75: {  	_ =	shalt  }
0x76: {  	_ =	shalt  }
0x77: {  	_ =	shalt  }
0x78: {  	_ =	shalt  }
0x79: {  	_ =	shalt  }
0x7a: {  	_ =	shalt  }
0x7b: {  	_ =	shalt  }
0x7c: {  	_ =	shalt  }
0x7d: {  	_ =	shalt  }
0x7e: {  	_ =	shalt  }
0x7f: {  	_ =	shalt  }
0x80: {  	_ =	shalt  }
0x81: {  	_ =	shalt  }
0x82: {  	_ =	shalt  }
0x83: {  	_ =	shalt  }
0x84: {  	_ =	shalt  }
0x85: {  	_ =	shalt  }
0x86: {  	_ =	shalt  }
0x87: {  	_ =	shalt  }
.Lfunc_end0:
.L_simem_size_0:
called_computation.1_lowered:
.L_overlay_start_0:
0x88: {  	s2 =	sld [smem:$0x3FD9]  }
0x89: {  	s3 =	sld [smem:$0x3FFE];
	_ =	sdelay $0x1  }
0x8a: {  	s1 =	srdreg.scid  }
0x8b: {  	s0 =	sand.u32 $0x1, s1  }
0x8c: {  	s16 =	sshll.u32 s0, $0xA;
	s2 =	sadd.s32 s3, s2  }
0x8d: {  	s2 =	sadd.s32 s2, s16  }
0x8e: {  	[smem:$0x3FBD] =	sst s2  }
0x8f: {  	_ = 	snop  }
0x90: {  	(tm) =	ssettm $0x1  }
0x91: {  	s17 =	sld [smem:$0x3FFB];
	_ =	sdelay $0x3  }
0x92: {  	_ =	strace s17  }
0x93: {  	s2 =	sld [smem:$0x3FFC];
	_ =	sdelay $0x3  }
0x94: {  	_ =	strace s2  }
0x95: {  	s2 =	sld [smem:$0x3FFD];
	_ =	sdelay $0x3  }
0x96: {  	_ =	strace s2  }
0x97: {  	_ =	strace $0x8FFFFFFF  }
0x98: {  	s18 =	sld [smem:$0x3FDB];
	_ =	sdelay $0x1  }
0x99: {  	s19 =	simm.s32 $_scs_section_size  }
0x9a: {  	s4 =	simm.s32 $_size__tile_overlayer_lowered;
	s5 =	simm.s32 $_tile_overlayer_lowered  }
0x9b: {  	s22 =	simm.s32 $0x1BFF;
	s21 =	sshll.u32 s5, $0x1;
	s2 =	sadd.s32 s19, s18  }
0x9c: {  	s6 =	simm.s32 $0x0;
	s20 =	sshll.u32 s4, $0x1;
	s4 =	sadd.s32 s21, s2  }
0x9d: {  	[timem:s6], [sflag:s22] =	dma.local [hbm:s4], s20  }
0x9e: {  	_ =	swait.ge [sflag:s22], s20  }
0x9f: {  	s3 =	ssub.s32 $0x0, s20;
	[sflag:s22] =	ssyncset.done $0x0  }
0xa0: {  	[sflag:s22] =	ssyncadd.s32 s3;
	_ =	sdelay $0x1  }
0xa1: {  	s23 =	simm.s32 $0x1B8B  }
0xa2: {  	_ =	swait.ge [sflag:s23], $0x1  }
0xa3: {  	[sflag:s23] =	ssyncset.done $0x0  }
0xa4: {  	s25 =	simm.s32 $0x1B8E;
	s24 =	sld [smem:$0x3FFE];
	[sflag:s23] =	ssyncadd.s32 $0xFFFFFFFF  }
0xa5: {  	s26 =	simm.s32 $execute0_lowered;
	[smem:$0x3FD2] =	sst s25  }
0xa6: {  	s4 =	sshll.u32 s26, $0x1;
	_ =	strace $0x80000049;
	[dreg:$0x1] =	wrdreg $0xFFFFFFFF  }
0xa7: {  	s28 =	simm.s32 $_size_execute0_lowered;
	s2 =	sadd.s32 s2, s4;
	[dreg:$0x0] =	wrdreg $0x0  }
0xa8: {  	s4 =	sshll.u32 s28, $0x1;
	[dreg:$0x2] =	wrdreg s2  }
0xa9: {  	[dreg:$0x3] =	wrdreg s4  }
0xaa: {  	[dreg:$0x4] =	wrdreg $0xC0  }
0xab: {  	_ =	task [dreg:s6], $0x5FFFF  }
0xac: {  	[dreg:$0x1] =	wrdreg $0xFFFFFFFF  }
0xad: {  	[dreg:$0x0] =	wrdreg $0x60  }
0xae: {  	[dreg:$0x2] =	wrdreg s24  }
0xaf: {  	[dreg:$0x3] =	wrdreg $0xC3000  }
0xb0: {  	[dreg:$0x4] =	wrdreg $0x9  }
0xb1: {  	_ =	task.clear_ibuf [dreg:s6], $0x5FFFF;
	_ =	strace $0x90000049  }
0xb2: {  	s29 =	simm.s32 $0x9;
	_ =	strace $0x8000004B  }
0xb3: {  	_ =	swait.ge [sflag:s29], $0x1  }
0xb4: {  	[sflag:s29] =	ssyncadd.s32 $0xFFFFFFFF  }
0xb5: {  	_ =	strace $0x9000004B  }
0xb6: {  	_ =	sfence  }
0xb7: {  	s30 =	sld [smem:$0x0];
	_ =	sdelay $0x2  }
0xb8: {  	s31 =	sshll.u32 s1, $0xD;
	s1 =	sshrl.u32 s1, $0x2  }
0xb9: {  	s3 =	sand.u32 $0x4000, s31;
	s1 =	sadd.s32 s1, s30  }
0xba: {  	s0 =	sor.u32 s3, s0;
	s1 =	sshll.u32 s1, $0x11  }
0xbb: {  	s0 =	sor.u32 s1, s0  }
0xbc: {  	s0 =	sadd.s32 $0x8F2B, s0  }
0xbd: {  	[sflag:s0] =	ssyncadd.remote.s32 $0x1  }
0xbe: {  	_ =	sfence.sel $0xFFFF  }
0xbf: {  	[dreg:$0x0] =	wrdreg $0xFFFFFFFF;
	(pc) =	sbr.abs _section_cstart, $3  }
0xc0: {  	[dreg:$0x1] =	wrdreg $0xFFFFFFFF  }
0xc1: {  	_ =	task.clear_ibuf [dreg:s6], $0x2FFFF;
	_ =	strace $0x9FFFFFFF  }
0xc2: {  	(tm) =	ssettm $0x7FFFFFFF  }
0xc3: {  	_ =	shalt  }
tec
execute0_lowered:
.L_overlay_start_1:
0x0: {  	(tag) =	ssettag $0x1  }
0x1: {  	s5 =	rddreg [dreg:$0x0]  }
0x2: {  	s2 =	rddreg [dreg:$0x1]  }
0x3: {  	s0 =	rddreg [dreg:$0x2];
	s4 =	srdreg.scid  }
0x4: {  	s1 =	stileid.u32;
	s3 =	simm.s32 $0x0;
	s15 =	simm.s32 $0x3180  }
0x5: {  	s16 =	simm.s32 $0x6300;
	s17 =	simm.s32 $0x3;
	s18 =	simm.s32 $0x1  }
0x6: {  	s19 =	simm.s32 $0x2;
	s20 =	simm.s32 $0x80;
	s21 =	simm.s32 $0x8300  }
0x7: {  	s22 =	simm.s32 $0xA300;
	s23 =	simm.s32 $0x0;
	s7 =	smul.u32 $0x9E00, s1  }
0x8: {  	s12 =	sand.u32 $0x1, s4;
	[smem:$0x7FF] =	sst s3;
	s10 =	smul.u32 $0x27800, s1  }
0x9: {  	s4 =	sshll.u32 s12, $0x4;
	s6 =	smul.u32 $0x9E000, s12;
	_ =	strace $0x8000004A  }
0xa: {  	s9 =	ssub.s32 $0x2, s12;
	p0 =	seq.s32 s12, $0x0;
	s12 =	simm.s32 $0x21  }
0xb: {  	s8 =	sor.u32 s1, s4;
	s4 =	sadd.s32 $0x24A00, s5;
	s30 =	sshrl.u32 s9, $0x1  }
0xc: {  	s31 =	sshrl.u32 s10, $0x2;
	s12 =	simm.s32 @!p0 $0x15;
	s8 =	smul.u32 $0x630, s8  }
0xd: {  	s6 =	sadd.s32 s7, s6;
	s14 =	ssub.s32 s9, s30;
	s11 =	sadd.s32 s31, s2  }
0xe: {  	s7 =	sadd.s32 s7, s2;
	s6 =	sshrl.u32 s6, $0x3;
	s9 =	sadd.s32 $0x4000, s11  }
0xf: {  	s10 =	sadd.s32 $0x6000, s11;
	s14 =	smax.u32 s14, $0x1;
	s8 =	sadd.s32 s8, s5  }
0x10: {  	s13 =	sadd.s32 s6, s5;
	s5 =	sadd.s32 $0x18400, s8;
	s6 =	sadd.s32 $0x2000, s8  }
0x11: {  	v0 =	vimm.f32 $0.0e+00;
	s8 =	sadd.s32 $0x2000, s11;
	s11 =	sadd.s32 $0x8000, s11;
	s13 =	sadd.s32 $0x38400, s13  }
.LBB2_1:
0x12: {  	[tilespmem:s3], [sflag:$0x1] =	stream.linear.gather [hbm4b:s5+s3], $0x3180, $0x38;
	[tilespmem:$0x16100] =	vst v63  }
0x13: {  	s25 =	simm.s32 $0x100;
	s24 =	simm.s32 $0x0  }
0x14: {  	[tilespmem:s15], [sflag:$0x2] =	stream.linear.gather [hbm4b:s6+s3], $0x3180, $0x38;
	[tilespmem:$0x16100] =	vst v63  }
.LBB2_2:
0x15: {  	p0 =	sne.s32 s25, $0x7F00;
	[tilespmem:s24+$0x6330] =	vst v0;
	s26 =	smov.u32 s25;
	s25 =	sadd.s32 $0x100, s25  }
.Ltmp0:
0x16: {  	[tilespmem:s24+$0x6320] =	vst v0;
	(pc) =	sbr.rel @p0 .LBB2_2-.Ltmp0, $3  }
0x17: {  	[tilespmem:s24+$0x6300] =	vst v0  }
0x18: {  	[tilespmem:s24+$0x6310] =	vst v0;
	_ =	sdelay $0x1  }
0x19: {  	s24 =	sshra.s32 s26, $0x2  }
0x1a: {  	[tilespmem:s24+$0x6330] =	vst v0  }
0x1b: {  	[tilespmem:s24+$0x6320] =	vst v0  }
0x1c: {  	[tilespmem:s24+$0x6300] =	vst v0  }
0x1d: {  	[tilespmem:s24+$0x6310] =	vst v0  }
0x1e: {  	[spmem:s7] =	stream.linear.scatter [tilespmem:s16], [sflag:$0x3], $0x2000, $0x38;
	[tilespmem:$0x16100] =	vst v63  }
0x1f: {  	_ =	swait.ge [sflag:s17], $0x2000  }
0x20: {  	[sflag:s17] =	ssyncset.done $0x0  }
0x21: {  	[sflag:s17] =	ssyncadd.s32 $0xFFFFE000  }
0x22: {  	[spmem:s8] =	stream.linear.scatter [tilespmem:s16], [sflag:$0x3], $0x2000, $0x38;
	[tilespmem:$0x16100] =	vst v63  }
0x23: {  	_ =	swait.ge [sflag:s17], $0x2000  }
0x24: {  	[sflag:s17] =	ssyncset.done $0x0  }
0x25: {  	[sflag:s17] =	ssyncadd.s32 $0xFFFFE000  }
0x26: {  	[spmem:s9] =	stream.linear.scatter [tilespmem:s16], [sflag:$0x3], $0x2000, $0x38;
	[tilespmem:$0x16100] =	vst v63  }
0x27: {  	_ =	swait.ge [sflag:s17], $0x2000  }
0x28: {  	[sflag:s17] =	ssyncset.done $0x0  }
0x29: {  	[sflag:s17] =	ssyncadd.s32 $0xFFFFE000  }
0x2a: {  	[spmem:s10] =	stream.linear.scatter [tilespmem:s16], [sflag:$0x3], $0x2000, $0x38;
	[tilespmem:$0x16100] =	vst v63  }
0x2b: {  	_ =	swait.ge [sflag:s17], $0x2000  }
0x2c: {  	[sflag:s17] =	ssyncset.done $0x0  }
0x2d: {  	[sflag:s17] =	ssyncadd.s32 $0xFFFFE000  }
0x2e: {  	[spmem:s11] =	stream.linear.scatter [tilespmem:s16], [sflag:$0x3], $0x1E00, $0x38;
	[tilespmem:$0x16100] =	vst v63  }
0x2f: {  	_ =	swait.ge [sflag:s17], $0x1E00  }
0x30: {  	[sflag:s17] =	ssyncset.done $0x0  }
0x31: {  	[sflag:s17] =	ssyncadd.s32 $0xFFFFE200  }
0x32: {  	_ =	swait.ge [sflag:s18], $0x3180  }
0x33: {  	[sflag:s18] =	ssyncset.done $0x0  }
0x34: {  	p1 =	sne.s32 s12, $0x1;
	[sflag:s18] =	ssyncadd.s32 $0xFFFFCE80  }
.Ltmp1:
0x35: {  	_ =	swait.ge [sflag:s19], $0x3180;
	(pc) =	sbr.rel @!p1 .LBB2_4-.Ltmp1, $4  }
0x36: {  	[sflag:s19] =	ssyncset.done $0x0  }
0x37: {  	[sflag:s19] =	ssyncadd.s32 $0xFFFFCE80  }
0x38: {  	s24 =	simm.s32 $0x3280;
	[bflag:$0x0] =	sbarrier.arrive $0xFFFF  }
0x39: {  	s25 =	simm.s32 $0x100;
	s26 =	sadd.s32 $0xFFFFFFFF, s12;
	p0 =	por $0x0, $0x0  }
0x3a: {  	s28 =	simm.s32 $0x0  }
0x3b: {  	[tilespmem:s16], [sflag:$0x1] =	stream.indirect.gather [hbm4b:s4+s20], $0x40, s28, s20, $0xb8;
	[tilespmem:$0x16100] =	vst v63  }
0x3c: {  	s28 =	simm.s32 $0x80  }
0x3d: {  	[tilespmem:s21], [sflag:$0x1] =	stream.indirect.gather [hbm4b:s4+s20], $0x40, s28, s20, $0xb8;
	[tilespmem:$0x16100] =	vst v63  }
0x3e: {  	_ = 	snop  }
0x3f: {  	[tilespmem:s22], [sflag:$0x1] =	stream.indirect.gather [hbm4b:s4+s20], $0x40, s25, s20, $0xb8;
	[tilespmem:$0x16100] =	vst v63  }
0x40: {  	_ =	swait.ge [sflag:s18], $0x2000  }
0x41: {  	[sflag:s18] =	ssyncset.done $0x0  }
0x42: {  	s30 =	simm.s32 $0x3180;
	[sflag:s18] =	ssyncadd.s32 $0xFFFFE000  }
0x43: {  	[spmem:s2] =	stream.indirect.scatter.add.f32 [tilespmem:s16], [sflag:$0x2], $0x40, s30, s20, $0xb8;
	[tilespmem:$0x16100] =	vst v63  }
0x44: {  	_ =	swait.ge [sflag:s18], $0x2000  }
0x45: {  	[sflag:s18] =	ssyncset.done $0x0  }
0x46: {  	s31 =	simm.s32 $0x3200;
	[sflag:s18] =	ssyncadd.s32 $0xFFFFE000  }
0x47: {  	[spmem:s2] =	stream.indirect.scatter.add.f32 [tilespmem:s21], [sflag:$0x2], $0x40, s31, s20, $0xb8;
	[tilespmem:$0x16100] =	vst v63  }
0x48: {  	_ =	swait.ge [sflag:s18], $0x2000  }
0x49: {  	[sflag:s18] =	ssyncset.done $0x0  }
0x4a: {  	[sflag:s18] =	ssyncadd.s32 $0xFFFFE000  }
0x4b: {  	[spmem:s2] =	stream.indirect.scatter.add.f32 [tilespmem:s22], [sflag:$0x2], $0x40, s24, s20, $0xb8;
	[tilespmem:$0x16100] =	vst v63  }
0x4c: {  	_ =	swait.ge [sflag:s19], $0x2000  }
0x4d: {  	[sflag:s19] =	ssyncset.done $0x0  }
0x4e: {  	p1 =	sne.s32 s26, $0x1;
	[sflag:s19] =	ssyncadd.s32 $0xFFFFE000  }
.Ltmp2:
0x4f: {  	_ =	swait.ge [sflag:s19], $0x2000;
	(pc) =	sbr.rel @!p1 .LBB2_6-.Ltmp2, $4  }
0x50: {  	[sflag:s19] =	ssyncset.done $0x0  }
0x51: {  	[sflag:s19] =	ssyncadd.s32 $0xFFFFE000  }
0x52: {  	p0 =	por $0x1, $0x1;
	s28 =	sadd.s32 $0xFFFFFFFF, s26;
	_ =	swait.ge [sflag:s19], $0x2000  }
0x53: {  	s26 =	simm.s32 $0x3280;
	s25 =	simm.s32 $0x280;
	[sflag:s19] =	ssyncset.done $0x0  }
.LBB2_7:
0x54: {  	s29 =	sadd.s32 $0xFFFFFF00, s25;
	[sflag:s19] =	ssyncadd.s32 $0xFFFFE000;
	s26 =	sadd.s32 $0x180, s26  }
0x55: {  	[tilespmem:s16], [sflag:$0x1] =	stream.indirect.gather [hbm4b:s4+s20], $0x40, s29, s20, $0xb8;
	[tilespmem:$0x16100] =	vst v63  }
0x56: {  	p1 =	sne.s32 s28, $0x1;
	s28 =	sadd.s32 $0xFFFFFFFF, s28;
	s29 =	sadd.s32 $0xFFFFFF80, s25  }
0x57: {  	[tilespmem:s21], [sflag:$0x1] =	stream.indirect.gather [hbm4b:s4+s20], $0x40, s29, s20, $0xb8;
	[tilespmem:$0x16100] =	vst v63  }
0x58: {  	_ = 	snop  }
0x59: {  	[tilespmem:s22], [sflag:$0x1] =	stream.indirect.gather [hbm4b:s4+s20], $0x40, s25, s20, $0xb8;
	[tilespmem:$0x16100] =	vst v63  }
0x5a: {  	_ =	swait.ge [sflag:s18], $0x2000  }
0x5b: {  	[sflag:s18] =	ssyncset.done $0x0  }
0x5c: {  	s29 =	sadd.s32 $0xFFFFFF00, s26;
	[sflag:s18] =	ssyncadd.s32 $0xFFFFE000  }
0x5d: {  	[spmem:s2] =	stream.indirect.scatter.add.f32 [tilespmem:s16], [sflag:$0x2], $0x40, s29, s20, $0xb8;
	[tilespmem:$0x16100] =	vst v63  }
0x5e: {  	_ =	swait.ge [sflag:s18], $0x2000  }
0x5f: {  	[sflag:s18] =	ssyncset.done $0x0  }
0x60: {  	s29 =	sadd.s32 $0xFFFFFF80, s26;
	[sflag:s18] =	ssyncadd.s32 $0xFFFFE000  }
0x61: {  	[spmem:s2] =	stream.indirect.scatter.add.f32 [tilespmem:s21], [sflag:$0x2], $0x40, s29, s20, $0xb8;
	[tilespmem:$0x16100] =	vst v63  }
0x62: {  	_ =	swait.ge [sflag:s18], $0x2000  }
0x63: {  	[sflag:s18] =	ssyncset.done $0x0  }
0x64: {  	[sflag:s18] =	ssyncadd.s32 $0xFFFFE000  }
0x65: {  	[spmem:s2] =	stream.indirect.scatter.add.f32 [tilespmem:s22], [sflag:$0x2], $0x40, s26, s20, $0xb8;
	[tilespmem:$0x16100] =	vst v63  }
0x66: {  	_ =	swait.ge [sflag:s19], $0x2000  }
0x67: {  	[sflag:s19] =	ssyncset.done $0x0  }
0x68: {  	[sflag:s19] =	ssyncadd.s32 $0xFFFFE000  }
.Ltmp3:
0x69: {  	_ =	swait.ge [sflag:s19], $0x2000;
	(pc) =	sbr.rel @p1 .LBB2_7-.Ltmp3, $4  }
0x6a: {  	[sflag:s19] =	ssyncset.done $0x0  }
0x6b: {  	[sflag:s19] =	ssyncadd.s32 $0xFFFFE000  }
0x6c: {  	_ =	swait.ge [sflag:s19], $0x2000  }
0x6d: {  	s25 =	sadd.s32 $0x180, s25;
	[sflag:s19] =	ssyncset.done $0x0  }
.LBB2_8:
0x6e: {  	s28 =	sadd.s32 $0xFFFFFF00, s25;
	[sflag:s19] =	ssyncadd.s32 @p0 $0xFFFFE000  }
0x6f: {  	[tilespmem:s16], [sflag:$0x1] =	stream.indirect.gather [hbm4b:s4+s20], $0x40, s28, s20, $0xb8;
	[tilespmem:$0x16100] =	vst v63  }
0x70: {  	s31 =	sadd.s32 $0xFFFFFF80, s25  }
0x71: {  	[tilespmem:s21], [sflag:$0x1] =	stream.indirect.gather [hbm4b:s4+s20], $0x40, s31, s20, $0xb8;
	[tilespmem:$0x16100] =	vst v63  }
0x72: {  	_ = 	snop  }
0x73: {  	[tilespmem:s22], [sflag:$0x1] =	stream.indirect.gather [hbm4b:s4+s20], $0x40, s25, s20, $0xb8;
	[tilespmem:$0x16100] =	vst v63  }
0x74: {  	s25 =	sadd.s32 @p0 $0x180, s26;
	_ =	swait.ge [sflag:s18], $0x2000  }
0x75: {  	s24 =	smov.u32 @p0 s25;
	[sflag:s18] =	ssyncset.done $0x0  }
0x76: {  	s25 =	sadd.s32 $0xFFFFFF00, s24;
	[sflag:s18] =	ssyncadd.s32 $0xFFFFE000  }
0x77: {  	[spmem:s2] =	stream.indirect.scatter.add.f32 [tilespmem:s16], [sflag:$0x2], $0x40, s25, s20, $0xb8;
	[tilespmem:$0x16100] =	vst v63  }
0x78: {  	_ =	swait.ge [sflag:s18], $0x2000  }
0x79: {  	[sflag:s18] =	ssyncset.done $0x0  }
0x7a: {  	s29 =	sadd.s32 $0xFFFFFF80, s24;
	[sflag:s18] =	ssyncadd.s32 $0xFFFFE000  }
0x7b: {  	[spmem:s2] =	stream.indirect.scatter.add.f32 [tilespmem:s21], [sflag:$0x2], $0x40, s29, s20, $0xb8;
	[tilespmem:$0x16100] =	vst v63  }
0x7c: {  	_ =	swait.ge [sflag:s18], $0x2000  }
0x7d: {  	[sflag:s18] =	ssyncset.done $0x0  }
0x7e: {  	[sflag:s18] =	ssyncadd.s32 $0xFFFFE000  }
0x7f: {  	[spmem:s2] =	stream.indirect.scatter.add.f32 [tilespmem:s22], [sflag:$0x2], $0x40, s24, s20, $0xb8;
	[tilespmem:$0x16100] =	vst v63  }
0x80: {  	_ =	swait.ge [sflag:s19], $0x2000  }
0x81: {  	[sflag:s19] =	ssyncset.done $0x0  }
0x82: {  	[sflag:s19] =	ssyncadd.s32 $0xFFFFE000  }
0x83: {  	_ =	swait.ge [sflag:s19], $0x2000  }
0x84: {  	[sflag:s19] =	ssyncset.done $0x0  }
0x85: {  	[sflag:s19] =	ssyncadd.s32 $0xFFFFE000  }
0x86: {  	_ =	swait.ge [sflag:s19], $0x2000  }
0x87: {  	s30 =	sshll.u32 s1, $0x6;
	[sflag:s19] =	ssyncset.done $0x0  }
0x88: {  	s23 =	sadd.s32 $0x1, s23;
	s31 =	sshrl.u32 s7, $0x3;
	[sflag:s19] =	ssyncadd.s32 $0xFFFFE000  }
0x89: {  	p0 =	sne.s32 s23, s14;
	s24 =	sor.u32 $0x1C03, s30;
	[bflag:$0x0] =	sbarrier.arrive $0xFFFF  }
0x8a: {  	[hbm:s13], [sflag:s24] =	dma.local [spmem:s31], $0x13C0  }
.Ltmp4:
0x8b: {  	_ = 	snop;
	(pc) =	sbr.rel @p0 .LBB2_1-.Ltmp4, $4  }
.Ltmp5:
0x8c: {  	_ = 	snop;
	(pc) =	sbr.rel @!p0 .LBB2_9-.Ltmp5, $4  }
0x8d: {  	_ =	swait.ge [sflag:s17], $0x13C0  }
0x8e: {  	[sflag:s17] =	ssyncset.done $0x0  }
0x8f: {  	[sflag:s17] =	ssyncadd.s32 $0xFFFFEC40  }
0x90: {  	_ = 	snop  }
.LBB2_4:
.Ltmp6:
0x91: {  	(pc) =	sbr.rel .LBB2_8-.Ltmp6, $2  }
0x92: {  	_ =	sdelay $0x2  }
0x93: {  	s26 =	simm.s32 $0x3280  }
.LBB2_6:
.Ltmp7:
0x94: {  	(pc) =	sbr.rel .LBB2_8-.Ltmp7, $2  }
0x95: {  	_ =	sdelay $0x2  }
0x96: {  	s26 =	simm.s32 $0x3280  }
.LBB2_9:
0x97: {  	_ =	sfence.sel $0x180000  }
0x98: {  	[bflag:$0x0] =	sbarrier.arrive $0xFFFF  }
0x99: {  	p0 =	sne.s32 s1, $0x0;
	_ =	strace $0x9000004A  }
0x9a: {  	s0 =	sadd.s32 @!p0 $0x100000, s0;
	[bflag:$0x2] =	sbarrier.arrive $0xFFFF  }
0x9b: {  	[sflag:s0] =	ssyncadd.tile.s32 @!p0 $0x1;
	_ =	shalt  }
.Lfunc_end2:
_tile_overlayer_lowered:
.L_overlay_start_2:
0x9c: {  	(tag) =	ssettag $0x2  }
0x9d: {  	s0 =	rddreg [dreg:$0x0];
	s2 =	stileid.u32  }
0x9e: {  	s1 =	rddreg [dreg:$0x1];
	p0 =	sne.s32 s2, $0x0  }
0x9f: {  	s3 =	rddreg [dreg:$0x2];
	[bflag:$0x3] =	sbarrier.arrive $0xFFFF;
	s2 =	simm.s32 @!p0 $0x1C03  }
0xa0: {  	[timem:s3], [sflag:s2] =	dma.local @!p0 [hbm:s0], s1  }
0xa1: {  	s0 =	simm.s32 @!p0 $0x3  }
0xa2: {  	_ =	swait.ge @!p0 [sflag:s0], s1  }
0xa3: {  	s1 =	ssub.s32 @!p0 $0x0, s1;
	[sflag:s0] =	ssyncset.done @!p0 $0x0  }
0xa4: {  	[sflag:s0] =	ssyncadd.s32 @!p0 s1  }
0xa5: {  	[bflag:$0x3] =	sbarrier.arrive $0xFFFF  }
0xa6: {  	_ =	shalt  }

// kernel: sc_aggregate_64.7.cloned.1.call-start
scs
__scs_entry_jumppad:
0x0: {  	(pc) =	sbr.rel $0x88, $3  }
0x1: {  	(tag) =	ssettag $0x0;
	lr =	simm.s32 $0x1  }
0x2: {  	[smem:$0x3F96] =	sst lr;
	_ =	strace $0xD0000000  }
0x3: {  	_ = 	snop  }
0x4: {  	_ = 	snop  }
0x5: {  	_ = 	snop  }
0x6: {  	_ = 	snop  }
0x7: {  	_ = 	snop  }
__scs_overlays_trampoline_lowered:
0x8: {  	[smem:$0x3FA5] =	sst s0  }
0x9: {  	[smem:$0x3FA6] =	sst s1  }
0xa: {  	[smem:$0x3FA7] =	sst s2  }
0xb: {  	[smem:$0x3FA8] =	sst s3  }
0xc: {  	[smem:$0x3FA9] =	sst s4  }
0xd: {  	[smem:$0x3FAA] =	sst s5  }
0xe: {  	[smem:$0x3FAB] =	sst s6  }
0xf: {  	[smem:$0x3FAC] =	sst s7  }
0x10: {  	[smem:$0x3FAD] =	sst s8  }
0x11: {  	[smem:$0x3FAE] =	sst s9;
	s0 =	simm.s32 @!p0 $0x0  }
0x12: {  	s1 =	sld [smem:$0x3F94];
	s0 =	simm.s32 @p0 $0x1  }
0x13: {  	[smem:$0x3FAF] =	sst s0;
	s0 =	simm.s32 @!p1 $0x0  }
0x14: {  	s2 =	sld [smem:$0x3F93];
	s0 =	simm.s32 @p1 $0x1  }
0x15: {  	[smem:$0x3FB0] =	sst s0;
	s0 =	simm.s32 @!p2 $0x0  }
0x16: {  	s3 =	sld [smem:$0x3FDB];
	s0 =	simm.s32 @p2 $0x1  }
0x17: {  	s4 =	simm.s32 $0x1BF5;
	[smem:$0x3FB2] =	sst s0  }
0x18: {  	s0 =	sld [smem:$0x3F95];
	_ =	swait.ge [sflag:s4], $0x0  }
0x19: {  	s7 =	sld [smem:$0x3F96]  }
0x1a: {  	s8 =	sadd.s32 $0xFFFFE003, lr  }
0x1b: {  	s9 =	sadd.s32 $0xFFFFFEF7, lr;
	s5 =	simm.s32 $0xFFFFFFFF;
	p2 =	slt.u32 s8, $0xFFFFF086  }
0x1c: {  	p1 =	slt.u32 s9, $0xF7A;
	s5 =	simm.s32 @!p2 $0x0  }
0x1d: {  	s5 =	simm.s32 @p1 $0x1;
	p0 =	seq.s32 s7, s2  }
0x1e: {  	s7 =	smul.u32 @!p0 $0xF7A, s2;
	p2 =	seq.s32 @!p0 s5, $0x0  }
0x1f: {  	s9 =	smul.u32 $0xF7A, s1;
	s8 =	simm.s32 @!p0 $0x1BF5;
	p2 =	por !p2, p0  }
0x20: {  	[sflag:s8] =	ssyncset.s32 @!p0 $0xFFFFF086;
	s6 =	sadd.s32 @!p0 s3, s7;
	s7 =	simm.s32 @!p0 $0x108  }
0x21: {  	s3 =	sadd.s32 s3, s9;
	s6 =	sadd.s32 @!p0 $0x88, s6;
	s7 =	simm.s32 @p2 $0x1082  }
0x22: {  	[simem:s7], [sflag:s8] =	dma.local @!p0 [hbm:s6], $0xF7A  }
0x23: {  	s9 =	sor.u32 $0xD0000000, s2;
	s6 =	simm.s32 $0x108;
	_ =	swait.ge @!p0 [sflag:s8], $0x0  }
0x24: {  	s3 =	sadd.s32 $0x88, s3;
	s6 =	simm.s32 @!p1 $0x1082;
	[sflag:s4] =	ssyncset.s32 $0xFFFFF086  }
0x25: {  	[simem:s6], [sflag:s4] =	dma.local [hbm:s3], $0xF7A  }
0x26: {  	[smem:$0x3F96] =	sst s1;
	(tag) =	ssettag s2;
	_ =	strace s9  }
0x27: {  	s1 =	sld [smem:$0x3FA6]  }
0x28: {  	s2 =	sld [smem:$0x3FA7]  }
0x29: {  	s4 =	sld [smem:$0x3FA9]  }
0x2a: {  	p0 =	seq.s32 s5, $0x0;
	s5 =	sld [smem:$0x3FAA]  }
0x2b: {  	s6 =	sld [smem:$0x3FAB]  }
0x2c: {  	s7 =	sld [smem:$0x3FAC]  }
0x2d: {  	s3 =	simm.s32 $0x108;
	s8 =	sld [smem:$0x3FAD]  }
0x2e: {  	s3 =	simm.s32 @!p0 $0x1082;
	s9 =	sld [smem:$0x3FAE]  }
0x2f: {  	lr =	sadd.s32 s0, s3;
	s0 =	sld [smem:$0x3FA5]  }
0x30: {  	s3 =	sld [smem:$0x3FA8]  }
0x31: {  	[smem:$0x3FB1] =	sst s10  }
0x32: {  	s10 =	sld [smem:$0x3FAF];
	_ =	sdelay $0x3  }
0x33: {  	p0 =	seq.s32 s10, $0x1;
	s10 =	sld [smem:$0x3FB1];
	_ =	sdelay $0x3  }
0x34: {  	[smem:$0x3FB1] =	sst s10  }
0x35: {  	s10 =	sld [smem:$0x3FB0];
	_ =	sdelay $0x3  }
0x36: {  	p1 =	seq.s32 s10, $0x1;
	s10 =	sld [smem:$0x3FB1];
	_ =	sdelay $0x3  }
0x37: {  	[smem:$0x3FB1] =	sst s10  }
0x38: {  	s10 =	sld [smem:$0x3FB2]  }
0x39: {  	_ = 	snop;
	(pc) =	sbr.ind lr, $3  }
0x3a: {  	_ = 	snop  }
0x3b: {  	_ = 	snop  }
0x3c: {  	p2 =	seq.s32 s10, $0x1;
	s10 =	sld [smem:$0x3FB1]  }
0x3d: {  	_ =	shalt  }
0x3e: {  	_ =	shalt  }
0x3f: {  	_ =	shalt  }
0x40: {  	_ =	shalt  }
0x41: {  	_ =	shalt  }
0x42: {  	_ =	shalt  }
0x43: {  	_ =	shalt  }
0x44: {  	_ =	shalt  }
0x45: {  	_ =	shalt  }
0x46: {  	_ =	shalt  }
0x47: {  	_ =	shalt  }
0x48: {  	_ =	shalt  }
0x49: {  	_ =	shalt  }
0x4a: {  	_ =	shalt  }
0x4b: {  	_ =	shalt  }
0x4c: {  	_ =	shalt  }
0x4d: {  	_ =	shalt  }
0x4e: {  	_ =	shalt  }
0x4f: {  	_ =	shalt  }
0x50: {  	_ =	shalt  }
0x51: {  	_ =	shalt  }
0x52: {  	_ =	shalt  }
0x53: {  	_ =	shalt  }
0x54: {  	_ =	shalt  }
0x55: {  	_ =	shalt  }
0x56: {  	_ =	shalt  }
0x57: {  	_ =	shalt  }
0x58: {  	_ =	shalt  }
0x59: {  	_ =	shalt  }
0x5a: {  	_ =	shalt  }
0x5b: {  	_ =	shalt  }
0x5c: {  	_ =	shalt  }
0x5d: {  	_ =	shalt  }
0x5e: {  	_ =	shalt  }
0x5f: {  	_ =	shalt  }
0x60: {  	_ =	shalt  }
0x61: {  	_ =	shalt  }
0x62: {  	_ =	shalt  }
0x63: {  	_ =	shalt  }
0x64: {  	_ =	shalt  }
0x65: {  	_ =	shalt  }
0x66: {  	_ =	shalt  }
0x67: {  	_ =	shalt  }
0x68: {  	_ =	shalt  }
0x69: {  	_ =	shalt  }
0x6a: {  	_ =	shalt  }
0x6b: {  	_ =	shalt  }
0x6c: {  	_ =	shalt  }
0x6d: {  	_ =	shalt  }
0x6e: {  	_ =	shalt  }
0x6f: {  	_ =	shalt  }
0x70: {  	_ =	shalt  }
0x71: {  	_ =	shalt  }
0x72: {  	_ =	shalt  }
0x73: {  	_ =	shalt  }
0x74: {  	_ =	shalt  }
0x75: {  	_ =	shalt  }
0x76: {  	_ =	shalt  }
0x77: {  	_ =	shalt  }
0x78: {  	_ =	shalt  }
0x79: {  	_ =	shalt  }
0x7a: {  	_ =	shalt  }
0x7b: {  	_ =	shalt  }
0x7c: {  	_ =	shalt  }
0x7d: {  	_ =	shalt  }
0x7e: {  	_ =	shalt  }
0x7f: {  	_ =	shalt  }
0x80: {  	_ =	shalt  }
0x81: {  	_ =	shalt  }
0x82: {  	_ =	shalt  }
0x83: {  	_ =	shalt  }
0x84: {  	_ =	shalt  }
0x85: {  	_ =	shalt  }
0x86: {  	_ =	shalt  }
0x87: {  	_ =	shalt  }
.Lfunc_end0:
.L_simem_size_0:
called_computation.3_lowered:
.L_overlay_start_0:
0x88: {  	s2 =	sld [smem:$0x3FD9]  }
0x89: {  	s3 =	sld [smem:$0x3FFE];
	_ =	sdelay $0x1  }
0x8a: {  	s1 =	srdreg.scid  }
0x8b: {  	s0 =	sand.u32 $0x1, s1  }
0x8c: {  	s16 =	sshll.u32 s0, $0xA;
	s2 =	sadd.s32 s3, s2  }
0x8d: {  	s2 =	sadd.s32 s2, s16  }
0x8e: {  	[smem:$0x3FBD] =	sst s2  }
0x8f: {  	_ = 	snop  }
0x90: {  	(tm) =	ssettm $0x1  }
0x91: {  	s17 =	sld [smem:$0x3FFB];
	_ =	sdelay $0x3  }
0x92: {  	_ =	strace s17  }
0x93: {  	s2 =	sld [smem:$0x3FFC];
	_ =	sdelay $0x3  }
0x94: {  	_ =	strace s2  }
0x95: {  	s2 =	sld [smem:$0x3FFD];
	_ =	sdelay $0x3  }
0x96: {  	_ =	strace s2  }
0x97: {  	_ =	strace $0x8FFFFFFF  }
0x98: {  	s18 =	sld [smem:$0x3FDB];
	_ =	sdelay $0x1  }
0x99: {  	s19 =	simm.s32 $_scs_section_size  }
0x9a: {  	s4 =	simm.s32 $_size__tile_overlayer_lowered;
	s5 =	simm.s32 $_tile_overlayer_lowered  }
0x9b: {  	s22 =	simm.s32 $0x1BFF;
	s21 =	sshll.u32 s5, $0x1;
	s2 =	sadd.s32 s19, s18  }
0x9c: {  	s6 =	simm.s32 $0x0;
	s20 =	sshll.u32 s4, $0x1;
	s4 =	sadd.s32 s21, s2  }
0x9d: {  	[timem:s6], [sflag:s22] =	dma.local [hbm:s4], s20  }
0x9e: {  	_ =	swait.ge [sflag:s22], s20  }
0x9f: {  	s3 =	ssub.s32 $0x0, s20;
	[sflag:s22] =	ssyncset.done $0x0  }
0xa0: {  	[sflag:s22] =	ssyncadd.s32 s3;
	_ =	sdelay $0x1  }
0xa1: {  	s23 =	simm.s32 $0x1B8B  }
0xa2: {  	_ =	swait.ge [sflag:s23], $0x1  }
0xa3: {  	[sflag:s23] =	ssyncset.done $0x0  }
0xa4: {  	s25 =	simm.s32 $0x1B8E;
	s24 =	sld [smem:$0x3FFE];
	[sflag:s23] =	ssyncadd.s32 $0xFFFFFFFF  }
0xa5: {  	s26 =	simm.s32 $execute0_lowered;
	[smem:$0x3FD2] =	sst s25  }
0xa6: {  	s4 =	sshll.u32 s26, $0x1;
	_ =	strace $0x8000004F;
	[dreg:$0x1] =	wrdreg $0xFFFFFFFF  }
0xa7: {  	s28 =	simm.s32 $_size_execute0_lowered;
	s2 =	sadd.s32 s2, s4;
	[dreg:$0x0] =	wrdreg $0x0  }
0xa8: {  	s4 =	sshll.u32 s28, $0x1;
	[dreg:$0x2] =	wrdreg s2  }
0xa9: {  	[dreg:$0x3] =	wrdreg s4  }
0xaa: {  	[dreg:$0x4] =	wrdreg $0xC0  }
0xab: {  	_ =	task [dreg:s6], $0x5FFFF  }
0xac: {  	[dreg:$0x1] =	wrdreg $0xFFFFFFFF  }
0xad: {  	[dreg:$0x0] =	wrdreg $0x60  }
0xae: {  	[dreg:$0x2] =	wrdreg s24  }
0xaf: {  	[dreg:$0x3] =	wrdreg $0xC3000  }
0xb0: {  	[dreg:$0x4] =	wrdreg $0x9  }
0xb1: {  	_ =	task.clear_ibuf [dreg:s6], $0x5FFFF;
	_ =	strace $0x9000004F  }
0xb2: {  	s29 =	simm.s32 $0x9;
	_ =	strace $0x80000051  }
0xb3: {  	_ =	swait.ge [sflag:s29], $0x1  }
0xb4: {  	[sflag:s29] =	ssyncadd.s32 $0xFFFFFFFF  }
0xb5: {  	_ =	strace $0x90000051  }
0xb6: {  	_ =	sfence  }
0xb7: {  	s30 =	sld [smem:$0x0];
	_ =	sdelay $0x2  }
0xb8: {  	s31 =	sshll.u32 s1, $0xD;
	s1 =	sshrl.u32 s1, $0x2  }
0xb9: {  	s3 =	sand.u32 $0x4000, s31;
	s1 =	sadd.s32 s1, s30  }
0xba: {  	s0 =	sor.u32 s3, s0;
	s1 =	sshll.u32 s1, $0x11  }
0xbb: {  	s0 =	sor.u32 s1, s0  }
0xbc: {  	s0 =	sadd.s32 $0x8F2B, s0  }
0xbd: {  	[sflag:s0] =	ssyncadd.remote.s32 $0x1  }
0xbe: {  	_ =	sfence.sel $0xFFFF  }
0xbf: {  	[dreg:$0x0] =	wrdreg $0xFFFFFFFF;
	(pc) =	sbr.abs _section_cstart, $3  }
0xc0: {  	[dreg:$0x1] =	wrdreg $0xFFFFFFFF  }
0xc1: {  	_ =	task.clear_ibuf [dreg:s6], $0x2FFFF;
	_ =	strace $0x9FFFFFFF  }
0xc2: {  	(tm) =	ssettm $0x7FFFFFFF  }
0xc3: {  	_ =	shalt  }
tec
execute0_lowered:
.L_overlay_start_1:
0x0: {  	(tag) =	ssettag $0x1  }
0x1: {  	s5 =	rddreg [dreg:$0x0]  }
0x2: {  	s2 =	rddreg [dreg:$0x1]  }
0x3: {  	s0 =	rddreg [dreg:$0x2];
	s4 =	srdreg.scid  }
0x4: {  	s1 =	stileid.u32;
	s3 =	simm.s32 $0x0;
	s15 =	simm.s32 $0x3180  }
0x5: {  	s16 =	simm.s32 $0x6300;
	s17 =	simm.s32 $0x3;
	s18 =	simm.s32 $0x1  }
0x6: {  	s19 =	simm.s32 $0x2;
	s20 =	simm.s32 $0x80;
	s21 =	simm.s32 $0x8300  }
0x7: {  	s22 =	simm.s32 $0xA300;
	s23 =	simm.s32 $0x0;
	s7 =	smul.u32 $0x9E00, s1  }
0x8: {  	s12 =	sand.u32 $0x1, s4;
	[smem:$0x7FF] =	sst s3;
	s10 =	smul.u32 $0x27800, s1  }
0x9: {  	s4 =	sshll.u32 s12, $0x4;
	s6 =	smul.u32 $0x9E000, s12;
	_ =	strace $0x80000050  }
0xa: {  	s9 =	ssub.s32 $0x2, s12;
	p0 =	seq.s32 s12, $0x0;
	s12 =	simm.s32 $0x21  }
0xb: {  	s8 =	sor.u32 s1, s4;
	s4 =	sadd.s32 $0x24A00, s5;
	s30 =	sshrl.u32 s9, $0x1  }
0xc: {  	s31 =	sshrl.u32 s10, $0x2;
	s12 =	simm.s32 @!p0 $0x15;
	s8 =	smul.u32 $0x630, s8  }
0xd: {  	s6 =	sadd.s32 s7, s6;
	s14 =	ssub.s32 s9, s30;
	s11 =	sadd.s32 s31, s2  }
0xe: {  	s7 =	sadd.s32 s7, s2;
	s6 =	sshrl.u32 s6, $0x3;
	s9 =	sadd.s32 $0x4000, s11  }
0xf: {  	s10 =	sadd.s32 $0x6000, s11;
	s14 =	smax.u32 s14, $0x1;
	s8 =	sadd.s32 s8, s5  }
0x10: {  	s13 =	sadd.s32 s6, s5;
	s5 =	sadd.s32 $0x18400, s8;
	s6 =	sadd.s32 $0x2000, s8  }
0x11: {  	v0 =	vimm.f32 $0.0e+00;
	s8 =	sadd.s32 $0x2000, s11;
	s11 =	sadd.s32 $0x8000, s11;
	s13 =	sadd.s32 $0x38400, s13  }
.LBB2_1:
0x12: {  	[tilespmem:s3], [sflag:$0x1] =	stream.linear.gather [hbm4b:s5+s3], $0x3180, $0x38;
	[tilespmem:$0x16100] =	vst v63  }
0x13: {  	s25 =	simm.s32 $0x100;
	s24 =	simm.s32 $0x0  }
0x14: {  	[tilespmem:s15], [sflag:$0x2] =	stream.linear.gather [hbm4b:s6+s3], $0x3180, $0x38;
	[tilespmem:$0x16100] =	vst v63  }
.LBB2_2:
0x15: {  	p0 =	sne.s32 s25, $0x7F00;
	[tilespmem:s24+$0x6330] =	vst v0;
	s26 =	smov.u32 s25;
	s25 =	sadd.s32 $0x100, s25  }
.Ltmp0:
0x16: {  	[tilespmem:s24+$0x6320] =	vst v0;
	(pc) =	sbr.rel @p0 .LBB2_2-.Ltmp0, $3  }
0x17: {  	[tilespmem:s24+$0x6300] =	vst v0  }
0x18: {  	[tilespmem:s24+$0x6310] =	vst v0;
	_ =	sdelay $0x1  }
0x19: {  	s24 =	sshra.s32 s26, $0x2  }
0x1a: {  	[tilespmem:s24+$0x6330] =	vst v0  }
0x1b: {  	[tilespmem:s24+$0x6320] =	vst v0  }
0x1c: {  	[tilespmem:s24+$0x6300] =	vst v0  }
0x1d: {  	[tilespmem:s24+$0x6310] =	vst v0  }
0x1e: {  	[spmem:s7] =	stream.linear.scatter [tilespmem:s16], [sflag:$0x3], $0x2000, $0x38;
	[tilespmem:$0x16100] =	vst v63  }
0x1f: {  	_ =	swait.ge [sflag:s17], $0x2000  }
0x20: {  	[sflag:s17] =	ssyncset.done $0x0  }
0x21: {  	[sflag:s17] =	ssyncadd.s32 $0xFFFFE000  }
0x22: {  	[spmem:s8] =	stream.linear.scatter [tilespmem:s16], [sflag:$0x3], $0x2000, $0x38;
	[tilespmem:$0x16100] =	vst v63  }
0x23: {  	_ =	swait.ge [sflag:s17], $0x2000  }
0x24: {  	[sflag:s17] =	ssyncset.done $0x0  }
0x25: {  	[sflag:s17] =	ssyncadd.s32 $0xFFFFE000  }
0x26: {  	[spmem:s9] =	stream.linear.scatter [tilespmem:s16], [sflag:$0x3], $0x2000, $0x38;
	[tilespmem:$0x16100] =	vst v63  }
0x27: {  	_ =	swait.ge [sflag:s17], $0x2000  }
0x28: {  	[sflag:s17] =	ssyncset.done $0x0  }
0x29: {  	[sflag:s17] =	ssyncadd.s32 $0xFFFFE000  }
0x2a: {  	[spmem:s10] =	stream.linear.scatter [tilespmem:s16], [sflag:$0x3], $0x2000, $0x38;
	[tilespmem:$0x16100] =	vst v63  }
0x2b: {  	_ =	swait.ge [sflag:s17], $0x2000  }
0x2c: {  	[sflag:s17] =	ssyncset.done $0x0  }
0x2d: {  	[sflag:s17] =	ssyncadd.s32 $0xFFFFE000  }
0x2e: {  	[spmem:s11] =	stream.linear.scatter [tilespmem:s16], [sflag:$0x3], $0x1E00, $0x38;
	[tilespmem:$0x16100] =	vst v63  }
0x2f: {  	_ =	swait.ge [sflag:s17], $0x1E00  }
0x30: {  	[sflag:s17] =	ssyncset.done $0x0  }
0x31: {  	[sflag:s17] =	ssyncadd.s32 $0xFFFFE200  }
0x32: {  	_ =	swait.ge [sflag:s18], $0x3180  }
0x33: {  	[sflag:s18] =	ssyncset.done $0x0  }
0x34: {  	p1 =	sne.s32 s12, $0x1;
	[sflag:s18] =	ssyncadd.s32 $0xFFFFCE80  }
.Ltmp1:
0x35: {  	_ =	swait.ge [sflag:s19], $0x3180;
	(pc) =	sbr.rel @!p1 .LBB2_4-.Ltmp1, $4  }
0x36: {  	[sflag:s19] =	ssyncset.done $0x0  }
0x37: {  	[sflag:s19] =	ssyncadd.s32 $0xFFFFCE80  }
0x38: {  	s24 =	simm.s32 $0x3280;
	[bflag:$0x0] =	sbarrier.arrive $0xFFFF  }
0x39: {  	s25 =	simm.s32 $0x100;
	s26 =	sadd.s32 $0xFFFFFFFF, s12;
	p0 =	por $0x0, $0x0  }
0x3a: {  	s28 =	simm.s32 $0x0  }
0x3b: {  	[tilespmem:s16], [sflag:$0x1] =	stream.indirect.gather [hbm4b:s4+s20], $0x40, s28, s20, $0xb8;
	[tilespmem:$0x16100] =	vst v63  }
0x3c: {  	s28 =	simm.s32 $0x80  }
0x3d: {  	[tilespmem:s21], [sflag:$0x1] =	stream.indirect.gather [hbm4b:s4+s20], $0x40, s28, s20, $0xb8;
	[tilespmem:$0x16100] =	vst v63  }
0x3e: {  	_ = 	snop  }
0x3f: {  	[tilespmem:s22], [sflag:$0x1] =	stream.indirect.gather [hbm4b:s4+s20], $0x40, s25, s20, $0xb8;
	[tilespmem:$0x16100] =	vst v63  }
0x40: {  	_ =	swait.ge [sflag:s18], $0x2000  }
0x41: {  	[sflag:s18] =	ssyncset.done $0x0  }
0x42: {  	s30 =	simm.s32 $0x3180;
	[sflag:s18] =	ssyncadd.s32 $0xFFFFE000  }
0x43: {  	[spmem:s2] =	stream.indirect.scatter.add.f32 [tilespmem:s16], [sflag:$0x2], $0x40, s30, s20, $0xb8;
	[tilespmem:$0x16100] =	vst v63  }
0x44: {  	_ =	swait.ge [sflag:s18], $0x2000  }
0x45: {  	[sflag:s18] =	ssyncset.done $0x0  }
0x46: {  	s31 =	simm.s32 $0x3200;
	[sflag:s18] =	ssyncadd.s32 $0xFFFFE000  }
0x47: {  	[spmem:s2] =	stream.indirect.scatter.add.f32 [tilespmem:s21], [sflag:$0x2], $0x40, s31, s20, $0xb8;
	[tilespmem:$0x16100] =	vst v63  }
0x48: {  	_ =	swait.ge [sflag:s18], $0x2000  }
0x49: {  	[sflag:s18] =	ssyncset.done $0x0  }
0x4a: {  	[sflag:s18] =	ssyncadd.s32 $0xFFFFE000  }
0x4b: {  	[spmem:s2] =	stream.indirect.scatter.add.f32 [tilespmem:s22], [sflag:$0x2], $0x40, s24, s20, $0xb8;
	[tilespmem:$0x16100] =	vst v63  }
0x4c: {  	_ =	swait.ge [sflag:s19], $0x2000  }
0x4d: {  	[sflag:s19] =	ssyncset.done $0x0  }
0x4e: {  	p1 =	sne.s32 s26, $0x1;
	[sflag:s19] =	ssyncadd.s32 $0xFFFFE000  }
.Ltmp2:
0x4f: {  	_ =	swait.ge [sflag:s19], $0x2000;
	(pc) =	sbr.rel @!p1 .LBB2_6-.Ltmp2, $4  }
0x50: {  	[sflag:s19] =	ssyncset.done $0x0  }
0x51: {  	[sflag:s19] =	ssyncadd.s32 $0xFFFFE000  }
0x52: {  	p0 =	por $0x1, $0x1;
	s28 =	sadd.s32 $0xFFFFFFFF, s26;
	_ =	swait.ge [sflag:s19], $0x2000  }
0x53: {  	s26 =	simm.s32 $0x3280;
	s25 =	simm.s32 $0x280;
	[sflag:s19] =	ssyncset.done $0x0  }
.LBB2_7:
0x54: {  	s29 =	sadd.s32 $0xFFFFFF00, s25;
	[sflag:s19] =	ssyncadd.s32 $0xFFFFE000;
	s26 =	sadd.s32 $0x180, s26  }
0x55: {  	[tilespmem:s16], [sflag:$0x1] =	stream.indirect.gather [hbm4b:s4+s20], $0x40, s29, s20, $0xb8;
	[tilespmem:$0x16100] =	vst v63  }
0x56: {  	p1 =	sne.s32 s28, $0x1;
	s28 =	sadd.s32 $0xFFFFFFFF, s28;
	s29 =	sadd.s32 $0xFFFFFF80, s25  }
0x57: {  	[tilespmem:s21], [sflag:$0x1] =	stream.indirect.gather [hbm4b:s4+s20], $0x40, s29, s20, $0xb8;
	[tilespmem:$0x16100] =	vst v63  }
0x58: {  	_ = 	snop  }
0x59: {  	[tilespmem:s22], [sflag:$0x1] =	stream.indirect.gather [hbm4b:s4+s20], $0x40, s25, s20, $0xb8;
	[tilespmem:$0x16100] =	vst v63  }
0x5a: {  	_ =	swait.ge [sflag:s18], $0x2000  }
0x5b: {  	[sflag:s18] =	ssyncset.done $0x0  }
0x5c: {  	s29 =	sadd.s32 $0xFFFFFF00, s26;
	[sflag:s18] =	ssyncadd.s32 $0xFFFFE000  }
0x5d: {  	[spmem:s2] =	stream.indirect.scatter.add.f32 [tilespmem:s16], [sflag:$0x2], $0x40, s29, s20, $0xb8;
	[tilespmem:$0x16100] =	vst v63  }
0x5e: {  	_ =	swait.ge [sflag:s18], $0x2000  }
0x5f: {  	[sflag:s18] =	ssyncset.done $0x0  }
0x60: {  	s29 =	sadd.s32 $0xFFFFFF80, s26;
	[sflag:s18] =	ssyncadd.s32 $0xFFFFE000  }
0x61: {  	[spmem:s2] =	stream.indirect.scatter.add.f32 [tilespmem:s21], [sflag:$0x2], $0x40, s29, s20, $0xb8;
	[tilespmem:$0x16100] =	vst v63  }
0x62: {  	_ =	swait.ge [sflag:s18], $0x2000  }
0x63: {  	[sflag:s18] =	ssyncset.done $0x0  }
0x64: {  	[sflag:s18] =	ssyncadd.s32 $0xFFFFE000  }
0x65: {  	[spmem:s2] =	stream.indirect.scatter.add.f32 [tilespmem:s22], [sflag:$0x2], $0x40, s26, s20, $0xb8;
	[tilespmem:$0x16100] =	vst v63  }
0x66: {  	_ =	swait.ge [sflag:s19], $0x2000  }
0x67: {  	[sflag:s19] =	ssyncset.done $0x0  }
0x68: {  	[sflag:s19] =	ssyncadd.s32 $0xFFFFE000  }
.Ltmp3:
0x69: {  	_ =	swait.ge [sflag:s19], $0x2000;
	(pc) =	sbr.rel @p1 .LBB2_7-.Ltmp3, $4  }
0x6a: {  	[sflag:s19] =	ssyncset.done $0x0  }
0x6b: {  	[sflag:s19] =	ssyncadd.s32 $0xFFFFE000  }
0x6c: {  	_ =	swait.ge [sflag:s19], $0x2000  }
0x6d: {  	s25 =	sadd.s32 $0x180, s25;
	[sflag:s19] =	ssyncset.done $0x0  }
.LBB2_8:
0x6e: {  	s28 =	sadd.s32 $0xFFFFFF00, s25;
	[sflag:s19] =	ssyncadd.s32 @p0 $0xFFFFE000  }
0x6f: {  	[tilespmem:s16], [sflag:$0x1] =	stream.indirect.gather [hbm4b:s4+s20], $0x40, s28, s20, $0xb8;
	[tilespmem:$0x16100] =	vst v63  }
0x70: {  	s31 =	sadd.s32 $0xFFFFFF80, s25  }
0x71: {  	[tilespmem:s21], [sflag:$0x1] =	stream.indirect.gather [hbm4b:s4+s20], $0x40, s31, s20, $0xb8;
	[tilespmem:$0x16100] =	vst v63  }
0x72: {  	_ = 	snop  }
0x73: {  	[tilespmem:s22], [sflag:$0x1] =	stream.indirect.gather [hbm4b:s4+s20], $0x40, s25, s20, $0xb8;
	[tilespmem:$0x16100] =	vst v63  }
0x74: {  	s25 =	sadd.s32 @p0 $0x180, s26;
	_ =	swait.ge [sflag:s18], $0x2000  }
0x75: {  	s24 =	smov.u32 @p0 s25;
	[sflag:s18] =	ssyncset.done $0x0  }
0x76: {  	s25 =	sadd.s32 $0xFFFFFF00, s24;
	[sflag:s18] =	ssyncadd.s32 $0xFFFFE000  }
0x77: {  	[spmem:s2] =	stream.indirect.scatter.add.f32 [tilespmem:s16], [sflag:$0x2], $0x40, s25, s20, $0xb8;
	[tilespmem:$0x16100] =	vst v63  }
0x78: {  	_ =	swait.ge [sflag:s18], $0x2000  }
0x79: {  	[sflag:s18] =	ssyncset.done $0x0  }
0x7a: {  	s29 =	sadd.s32 $0xFFFFFF80, s24;
	[sflag:s18] =	ssyncadd.s32 $0xFFFFE000  }
0x7b: {  	[spmem:s2] =	stream.indirect.scatter.add.f32 [tilespmem:s21], [sflag:$0x2], $0x40, s29, s20, $0xb8;
	[tilespmem:$0x16100] =	vst v63  }
0x7c: {  	_ =	swait.ge [sflag:s18], $0x2000  }
0x7d: {  	[sflag:s18] =	ssyncset.done $0x0  }
0x7e: {  	[sflag:s18] =	ssyncadd.s32 $0xFFFFE000  }
0x7f: {  	[spmem:s2] =	stream.indirect.scatter.add.f32 [tilespmem:s22], [sflag:$0x2], $0x40, s24, s20, $0xb8;
	[tilespmem:$0x16100] =	vst v63  }
0x80: {  	_ =	swait.ge [sflag:s19], $0x2000  }
0x81: {  	[sflag:s19] =	ssyncset.done $0x0  }
0x82: {  	[sflag:s19] =	ssyncadd.s32 $0xFFFFE000  }
0x83: {  	_ =	swait.ge [sflag:s19], $0x2000  }
0x84: {  	[sflag:s19] =	ssyncset.done $0x0  }
0x85: {  	[sflag:s19] =	ssyncadd.s32 $0xFFFFE000  }
0x86: {  	_ =	swait.ge [sflag:s19], $0x2000  }
0x87: {  	s30 =	sshll.u32 s1, $0x6;
	[sflag:s19] =	ssyncset.done $0x0  }
0x88: {  	s23 =	sadd.s32 $0x1, s23;
	s31 =	sshrl.u32 s7, $0x3;
	[sflag:s19] =	ssyncadd.s32 $0xFFFFE000  }
0x89: {  	p0 =	sne.s32 s23, s14;
	s24 =	sor.u32 $0x1C03, s30;
	[bflag:$0x0] =	sbarrier.arrive $0xFFFF  }
0x8a: {  	[hbm:s13], [sflag:s24] =	dma.local [spmem:s31], $0x13C0  }
.Ltmp4:
0x8b: {  	_ = 	snop;
	(pc) =	sbr.rel @p0 .LBB2_1-.Ltmp4, $4  }
.Ltmp5:
0x8c: {  	_ = 	snop;
	(pc) =	sbr.rel @!p0 .LBB2_9-.Ltmp5, $4  }
0x8d: {  	_ =	swait.ge [sflag:s17], $0x13C0  }
0x8e: {  	[sflag:s17] =	ssyncset.done $0x0  }
0x8f: {  	[sflag:s17] =	ssyncadd.s32 $0xFFFFEC40  }
0x90: {  	_ = 	snop  }
.LBB2_4:
.Ltmp6:
0x91: {  	(pc) =	sbr.rel .LBB2_8-.Ltmp6, $2  }
0x92: {  	_ =	sdelay $0x2  }
0x93: {  	s26 =	simm.s32 $0x3280  }
.LBB2_6:
.Ltmp7:
0x94: {  	(pc) =	sbr.rel .LBB2_8-.Ltmp7, $2  }
0x95: {  	_ =	sdelay $0x2  }
0x96: {  	s26 =	simm.s32 $0x3280  }
.LBB2_9:
0x97: {  	_ =	sfence.sel $0x180000  }
0x98: {  	[bflag:$0x0] =	sbarrier.arrive $0xFFFF  }
0x99: {  	p0 =	sne.s32 s1, $0x0;
	_ =	strace $0x90000050  }
0x9a: {  	s0 =	sadd.s32 @!p0 $0x100000, s0;
	[bflag:$0x2] =	sbarrier.arrive $0xFFFF  }
0x9b: {  	[sflag:s0] =	ssyncadd.tile.s32 @!p0 $0x1;
	_ =	shalt  }
.Lfunc_end2:
_tile_overlayer_lowered:
.L_overlay_start_2:
0x9c: {  	(tag) =	ssettag $0x2  }
0x9d: {  	s0 =	rddreg [dreg:$0x0];
	s2 =	stileid.u32  }
0x9e: {  	s1 =	rddreg [dreg:$0x1];
	p0 =	sne.s32 s2, $0x0  }
0x9f: {  	s3 =	rddreg [dreg:$0x2];
	[bflag:$0x3] =	sbarrier.arrive $0xFFFF;
	s2 =	simm.s32 @!p0 $0x1C03  }
0xa0: {  	[timem:s3], [sflag:s2] =	dma.local @!p0 [hbm:s0], s1  }
0xa1: {  	s0 =	simm.s32 @!p0 $0x3  }
0xa2: {  	_ =	swait.ge @!p0 [sflag:s0], s1  }
0xa3: {  	s1 =	ssub.s32 @!p0 $0x0, s1;
	[sflag:s0] =	ssyncset.done @!p0 $0x0  }
0xa4: {  	[sflag:s0] =	ssyncadd.s32 @!p0 s1  }
0xa5: {  	[bflag:$0x3] =	sbarrier.arrive $0xFFFF  }
0xa6: {  	_ =	shalt  }

// kernel: sc_degree.3.cloned.1.call-start
scs
__scs_entry_jumppad:
0x0: {  	(pc) =	sbr.rel $0x88, $3  }
0x1: {  	(tag) =	ssettag $0x0;
	lr =	simm.s32 $0x1  }
0x2: {  	[smem:$0x3F96] =	sst lr;
	_ =	strace $0xD0000000  }
0x3: {  	_ = 	snop  }
0x4: {  	_ = 	snop  }
0x5: {  	_ = 	snop  }
0x6: {  	_ = 	snop  }
0x7: {  	_ = 	snop  }
__scs_overlays_trampoline_lowered:
0x8: {  	[smem:$0x3FA5] =	sst s0  }
0x9: {  	[smem:$0x3FA6] =	sst s1  }
0xa: {  	[smem:$0x3FA7] =	sst s2  }
0xb: {  	[smem:$0x3FA8] =	sst s3  }
0xc: {  	[smem:$0x3FA9] =	sst s4  }
0xd: {  	[smem:$0x3FAA] =	sst s5  }
0xe: {  	[smem:$0x3FAB] =	sst s6  }
0xf: {  	[smem:$0x3FAC] =	sst s7  }
0x10: {  	[smem:$0x3FAD] =	sst s8  }
0x11: {  	[smem:$0x3FAE] =	sst s9;
	s0 =	simm.s32 @!p0 $0x0  }
0x12: {  	s1 =	sld [smem:$0x3F94];
	s0 =	simm.s32 @p0 $0x1  }
0x13: {  	[smem:$0x3FAF] =	sst s0;
	s0 =	simm.s32 @!p1 $0x0  }
0x14: {  	s2 =	sld [smem:$0x3F93];
	s0 =	simm.s32 @p1 $0x1  }
0x15: {  	[smem:$0x3FB0] =	sst s0;
	s0 =	simm.s32 @!p2 $0x0  }
0x16: {  	s3 =	sld [smem:$0x3FDB];
	s0 =	simm.s32 @p2 $0x1  }
0x17: {  	s4 =	simm.s32 $0x1BF5;
	[smem:$0x3FB2] =	sst s0  }
0x18: {  	s0 =	sld [smem:$0x3F95];
	_ =	swait.ge [sflag:s4], $0x0  }
0x19: {  	s7 =	sld [smem:$0x3F96]  }
0x1a: {  	s8 =	sadd.s32 $0xFFFFE003, lr  }
0x1b: {  	s9 =	sadd.s32 $0xFFFFFEF7, lr;
	s5 =	simm.s32 $0xFFFFFFFF;
	p2 =	slt.u32 s8, $0xFFFFF086  }
0x1c: {  	p1 =	slt.u32 s9, $0xF7A;
	s5 =	simm.s32 @!p2 $0x0  }
0x1d: {  	s5 =	simm.s32 @p1 $0x1;
	p0 =	seq.s32 s7, s2  }
0x1e: {  	s7 =	smul.u32 @!p0 $0xF7A, s2;
	p2 =	seq.s32 @!p0 s5, $0x0  }
0x1f: {  	s9 =	smul.u32 $0xF7A, s1;
	s8 =	simm.s32 @!p0 $0x1BF5;
	p2 =	por !p2, p0  }
0x20: {  	[sflag:s8] =	ssyncset.s32 @!p0 $0xFFFFF086;
	s6 =	sadd.s32 @!p0 s3, s7;
	s7 =	simm.s32 @!p0 $0x108  }
0x21: {  	s3 =	sadd.s32 s3, s9;
	s6 =	sadd.s32 @!p0 $0x88, s6;
	s7 =	simm.s32 @p2 $0x1082  }
0x22: {  	[simem:s7], [sflag:s8] =	dma.local @!p0 [hbm:s6], $0xF7A  }
0x23: {  	s9 =	sor.u32 $0xD0000000, s2;
	s6 =	simm.s32 $0x108;
	_ =	swait.ge @!p0 [sflag:s8], $0x0  }
0x24: {  	s3 =	sadd.s32 $0x88, s3;
	s6 =	simm.s32 @!p1 $0x1082;
	[sflag:s4] =	ssyncset.s32 $0xFFFFF086  }
0x25: {  	[simem:s6], [sflag:s4] =	dma.local [hbm:s3], $0xF7A  }
0x26: {  	[smem:$0x3F96] =	sst s1;
	(tag) =	ssettag s2;
	_ =	strace s9  }
0x27: {  	s1 =	sld [smem:$0x3FA6]  }
0x28: {  	s2 =	sld [smem:$0x3FA7]  }
0x29: {  	s4 =	sld [smem:$0x3FA9]  }
0x2a: {  	p0 =	seq.s32 s5, $0x0;
	s5 =	sld [smem:$0x3FAA]  }
0x2b: {  	s6 =	sld [smem:$0x3FAB]  }
0x2c: {  	s7 =	sld [smem:$0x3FAC]  }
0x2d: {  	s3 =	simm.s32 $0x108;
	s8 =	sld [smem:$0x3FAD]  }
0x2e: {  	s3 =	simm.s32 @!p0 $0x1082;
	s9 =	sld [smem:$0x3FAE]  }
0x2f: {  	lr =	sadd.s32 s0, s3;
	s0 =	sld [smem:$0x3FA5]  }
0x30: {  	s3 =	sld [smem:$0x3FA8]  }
0x31: {  	[smem:$0x3FB1] =	sst s10  }
0x32: {  	s10 =	sld [smem:$0x3FAF];
	_ =	sdelay $0x3  }
0x33: {  	p0 =	seq.s32 s10, $0x1;
	s10 =	sld [smem:$0x3FB1];
	_ =	sdelay $0x3  }
0x34: {  	[smem:$0x3FB1] =	sst s10  }
0x35: {  	s10 =	sld [smem:$0x3FB0];
	_ =	sdelay $0x3  }
0x36: {  	p1 =	seq.s32 s10, $0x1;
	s10 =	sld [smem:$0x3FB1];
	_ =	sdelay $0x3  }
0x37: {  	[smem:$0x3FB1] =	sst s10  }
0x38: {  	s10 =	sld [smem:$0x3FB2]  }
0x39: {  	_ = 	snop;
	(pc) =	sbr.ind lr, $3  }
0x3a: {  	_ = 	snop  }
0x3b: {  	_ = 	snop  }
0x3c: {  	p2 =	seq.s32 s10, $0x1;
	s10 =	sld [smem:$0x3FB1]  }
0x3d: {  	_ =	shalt  }
0x3e: {  	_ =	shalt  }
0x3f: {  	_ =	shalt  }
0x40: {  	_ =	shalt  }
0x41: {  	_ =	shalt  }
0x42: {  	_ =	shalt  }
0x43: {  	_ =	shalt  }
0x44: {  	_ =	shalt  }
0x45: {  	_ =	shalt  }
0x46: {  	_ =	shalt  }
0x47: {  	_ =	shalt  }
0x48: {  	_ =	shalt  }
0x49: {  	_ =	shalt  }
0x4a: {  	_ =	shalt  }
0x4b: {  	_ =	shalt  }
0x4c: {  	_ =	shalt  }
0x4d: {  	_ =	shalt  }
0x4e: {  	_ =	shalt  }
0x4f: {  	_ =	shalt  }
0x50: {  	_ =	shalt  }
0x51: {  	_ =	shalt  }
0x52: {  	_ =	shalt  }
0x53: {  	_ =	shalt  }
0x54: {  	_ =	shalt  }
0x55: {  	_ =	shalt  }
0x56: {  	_ =	shalt  }
0x57: {  	_ =	shalt  }
0x58: {  	_ =	shalt  }
0x59: {  	_ =	shalt  }
0x5a: {  	_ =	shalt  }
0x5b: {  	_ =	shalt  }
0x5c: {  	_ =	shalt  }
0x5d: {  	_ =	shalt  }
0x5e: {  	_ =	shalt  }
0x5f: {  	_ =	shalt  }
0x60: {  	_ =	shalt  }
0x61: {  	_ =	shalt  }
0x62: {  	_ =	shalt  }
0x63: {  	_ =	shalt  }
0x64: {  	_ =	shalt  }
0x65: {  	_ =	shalt  }
0x66: {  	_ =	shalt  }
0x67: {  	_ =	shalt  }
0x68: {  	_ =	shalt  }
0x69: {  	_ =	shalt  }
0x6a: {  	_ =	shalt  }
0x6b: {  	_ =	shalt  }
0x6c: {  	_ =	shalt  }
0x6d: {  	_ =	shalt  }
0x6e: {  	_ =	shalt  }
0x6f: {  	_ =	shalt  }
0x70: {  	_ =	shalt  }
0x71: {  	_ =	shalt  }
0x72: {  	_ =	shalt  }
0x73: {  	_ =	shalt  }
0x74: {  	_ =	shalt  }
0x75: {  	_ =	shalt  }
0x76: {  	_ =	shalt  }
0x77: {  	_ =	shalt  }
0x78: {  	_ =	shalt  }
0x79: {  	_ =	shalt  }
0x7a: {  	_ =	shalt  }
0x7b: {  	_ =	shalt  }
0x7c: {  	_ =	shalt  }
0x7d: {  	_ =	shalt  }
0x7e: {  	_ =	shalt  }
0x7f: {  	_ =	shalt  }
0x80: {  	_ =	shalt  }
0x81: {  	_ =	shalt  }
0x82: {  	_ =	shalt  }
0x83: {  	_ =	shalt  }
0x84: {  	_ =	shalt  }
0x85: {  	_ =	shalt  }
0x86: {  	_ =	shalt  }
0x87: {  	_ =	shalt  }
.Lfunc_end0:
.L_simem_size_0:
called_computation_lowered:
.L_overlay_start_0:
0x88: {  	s2 =	sld [smem:$0x3FD9]  }
0x89: {  	s3 =	sld [smem:$0x3FFE];
	_ =	sdelay $0x1  }
0x8a: {  	s1 =	srdreg.scid  }
0x8b: {  	s0 =	sand.u32 $0x1, s1  }
0x8c: {  	s16 =	sshll.u32 s0, $0xA;
	s2 =	sadd.s32 s3, s2  }
0x8d: {  	s2 =	sadd.s32 s2, s16  }
0x8e: {  	[smem:$0x3FBD] =	sst s2  }
0x8f: {  	_ = 	snop  }
0x90: {  	(tm) =	ssettm $0x1  }
0x91: {  	s17 =	sld [smem:$0x3FFB];
	_ =	sdelay $0x3  }
0x92: {  	_ =	strace s17  }
0x93: {  	s2 =	sld [smem:$0x3FFC];
	_ =	sdelay $0x3  }
0x94: {  	_ =	strace s2  }
0x95: {  	s2 =	sld [smem:$0x3FFD];
	_ =	sdelay $0x3  }
0x96: {  	_ =	strace s2  }
0x97: {  	_ =	strace $0x8FFFFFFF  }
0x98: {  	s18 =	sld [smem:$0x3FDB];
	_ =	sdelay $0x1  }
0x99: {  	s19 =	simm.s32 $_scs_section_size  }
0x9a: {  	s4 =	simm.s32 $_size__tile_overlayer_lowered;
	s5 =	simm.s32 $_tile_overlayer_lowered  }
0x9b: {  	s22 =	simm.s32 $0x1BFF;
	s21 =	sshll.u32 s5, $0x1;
	s2 =	sadd.s32 s19, s18  }
0x9c: {  	s6 =	simm.s32 $0x0;
	s20 =	sshll.u32 s4, $0x1;
	s4 =	sadd.s32 s21, s2  }
0x9d: {  	[timem:s6], [sflag:s22] =	dma.local [hbm:s4], s20  }
0x9e: {  	_ =	swait.ge [sflag:s22], s20  }
0x9f: {  	s3 =	ssub.s32 $0x0, s20;
	[sflag:s22] =	ssyncset.done $0x0  }
0xa0: {  	[sflag:s22] =	ssyncadd.s32 s3;
	_ =	sdelay $0x1  }
0xa1: {  	s23 =	simm.s32 $0x1B8B  }
0xa2: {  	_ =	swait.ge [sflag:s23], $0x1  }
0xa3: {  	[sflag:s23] =	ssyncset.done $0x0  }
0xa4: {  	s25 =	simm.s32 $0x1B8E;
	s24 =	sld [smem:$0x3FFE];
	[sflag:s23] =	ssyncadd.s32 $0xFFFFFFFF  }
0xa5: {  	s26 =	simm.s32 $execute0_lowered;
	[smem:$0x3FD2] =	sst s25  }
0xa6: {  	s4 =	sshll.u32 s26, $0x1;
	_ =	strace $0x80000046;
	[dreg:$0x1] =	wrdreg $0xFFFFFFFF  }
0xa7: {  	s28 =	simm.s32 $_size_execute0_lowered;
	s2 =	sadd.s32 s2, s4;
	[dreg:$0x0] =	wrdreg $0x0  }
0xa8: {  	s4 =	sshll.u32 s28, $0x1;
	[dreg:$0x2] =	wrdreg s2  }
0xa9: {  	[dreg:$0x3] =	wrdreg s4  }
0xaa: {  	[dreg:$0x4] =	wrdreg $0xC0  }
0xab: {  	_ =	task [dreg:s6], $0x5FFFF  }
0xac: {  	[dreg:$0x1] =	wrdreg $0xFFFFFFFF  }
0xad: {  	[dreg:$0x0] =	wrdreg $0x60  }
0xae: {  	[dreg:$0x2] =	wrdreg s24  }
0xaf: {  	[dreg:$0x3] =	wrdreg $0x41800  }
0xb0: {  	[dreg:$0x4] =	wrdreg $0x9  }
0xb1: {  	_ =	task.clear_ibuf [dreg:s6], $0x5FFFF;
	_ =	strace $0x90000046  }
0xb2: {  	s29 =	simm.s32 $0x9;
	_ =	strace $0x80000048  }
0xb3: {  	_ =	swait.ge [sflag:s29], $0x1  }
0xb4: {  	[sflag:s29] =	ssyncadd.s32 $0xFFFFFFFF  }
0xb5: {  	_ =	strace $0x90000048  }
0xb6: {  	_ =	sfence  }
0xb7: {  	s30 =	sld [smem:$0x0];
	_ =	sdelay $0x2  }
0xb8: {  	s31 =	sshll.u32 s1, $0xD;
	s1 =	sshrl.u32 s1, $0x2  }
0xb9: {  	s3 =	sand.u32 $0x4000, s31;
	s1 =	sadd.s32 s1, s30  }
0xba: {  	s0 =	sor.u32 s3, s0;
	s1 =	sshll.u32 s1, $0x11  }
0xbb: {  	s0 =	sor.u32 s1, s0  }
0xbc: {  	s0 =	sadd.s32 $0x8F2B, s0  }
0xbd: {  	[sflag:s0] =	ssyncadd.remote.s32 $0x1  }
0xbe: {  	_ =	sfence.sel $0xFFFF  }
0xbf: {  	[dreg:$0x0] =	wrdreg $0xFFFFFFFF;
	(pc) =	sbr.abs _section_cstart, $3  }
0xc0: {  	[dreg:$0x1] =	wrdreg $0xFFFFFFFF  }
0xc1: {  	_ =	task.clear_ibuf [dreg:s6], $0x2FFFF;
	_ =	strace $0x9FFFFFFF  }
0xc2: {  	(tm) =	ssettm $0x7FFFFFFF  }
0xc3: {  	_ =	shalt  }
tec
execute0_lowered:
.L_overlay_start_1:
0x0: {  	(tag) =	ssettag $0x1  }
0x1: {  	s4 =	rddreg [dreg:$0x0]  }
0x2: {  	s2 =	rddreg [dreg:$0x1];
	s3 =	srdreg.scid  }
0x3: {  	s0 =	rddreg [dreg:$0x2];
	s1 =	stileid.u32  }
0x4: {  	s14 =	simm.s32 $0x3980;
	s15 =	simm.s32 $0x80;
	s16 =	simm.s32 $0x3180  }
0x5: {  	s17 =	simm.s32 $0x1;
	s20 =	simm.s32 $0x0;
	s6 =	smul.u32 $0x2780, s1  }
0x6: {  	s10 =	sand.u32 $0x1, s3;
	s3 =	simm.s32 $0x0;
	s9 =	smul.u32 $0x9E00, s1  }
0x7: {  	s18 =	sshll.u32 s1, $0x6;
	s5 =	sshll.u32 s10, $0x4;
	[smem:$0x7FF] =	sst s3  }
0x8: {  	s7 =	smul.u32 $0x27800, s10;
	s8 =	ssub.s32 $0x2, s10;
	p0 =	seq.s32 s10, $0x0  }
0x9: {  	s10 =	simm.s32 $0x21;
	s18 =	sor.u32 $0x1C02, s18;
	s5 =	sor.u32 s1, s5  }
0xa: {  	_ =	strace $0x80000047;
	s11 =	sshrl.u32 s8, $0x1;
	s31 =	sshrl.u32 s9, $0x2  }
0xb: {  	s10 =	simm.s32 @!p0 $0x15;
	s5 =	smul.u32 $0x630, s5;
	s7 =	sadd.s32 s6, s7  }
0xc: {  	s13 =	ssub.s32 s8, s11;
	s9 =	sadd.s32 s31, s2;
	s7 =	sshrl.u32 s7, $0x3  }
0xd: {  	s8 =	sadd.s32 $0x1800, s9;
	s5 =	sadd.s32 s5, s4;
	s12 =	sadd.s32 s7, s4  }
0xe: {  	s7 =	sadd.s32 $0x1000, s9;
	s4 =	sadd.s32 $0x2000, s5;
	s5 =	sadd.s32 s6, s2  }
0xf: {  	s6 =	sadd.s32 $0x800, s9;
	s9 =	sadd.s32 $0x2000, s9;
	s11 =	sadd.s32 $0xE600, s12  }
0x10: {  	v0 =	vimm.f32 $1.000000000e+00;
	v1 =	vimm.f32 $0.0e+00;
	s12 =	smax.u32 s13, $0x1;
	s13 =	simm.s32 $0x2;
	s19 =	sshrl.u32 s5, $0x3  }
.LBB2_1:
0x11: {  	s21 =	simm.s32 $0x40;
	s22 =	simm.s32 $0x0  }
.LBB2_2:
0x12: {  	p0 =	sne.s32 s21, $0x1FC0;
	[tilespmem:s22+$0x3180] =	vst v0;
	s23 =	smov.u32 s21;
	s21 =	sadd.s32 $0x40, s21  }
.Ltmp0:
0x13: {  	[tilespmem:s22+$0x3980] =	vst v1;
	(pc) =	sbr.rel @p0 .LBB2_2-.Ltmp0, $2  }
0x14: {  	_ =	sdelay $0x2  }
0x15: {  	s22 =	sshra.s32 s23, $0x2  }
0x16: {  	[tilespmem:s22+$0x3180] =	vst v0  }
0x17: {  	[tilespmem:s22+$0x3980] =	vst v1  }
0x18: {  	[tilespmem:s3], [sflag:$0x2] =	stream.linear.gather [hbm4b:s4+s3], $0x3180, $0x38;
	[tilespmem:$0x6900] =	vst v63  }
0x19: {  	_ =	swait.ge [sflag:s13], $0x3180  }
0x1a: {  	[sflag:s13] =	ssyncset.done $0x0  }
0x1b: {  	[sflag:s13] =	ssyncadd.s32 $0xFFFFCE80  }
0x1c: {  	[spmem:s5] =	stream.linear.scatter [tilespmem:s14], [sflag:$0x2], $0x800, $0x38;
	[tilespmem:$0x6900] =	vst v63  }
0x1d: {  	_ =	swait.ge [sflag:s13], $0x800  }
0x1e: {  	[sflag:s13] =	ssyncset.done $0x0  }
0x1f: {  	[sflag:s13] =	ssyncadd.s32 $0xFFFFF800  }
0x20: {  	[spmem:s6] =	stream.linear.scatter [tilespmem:s14], [sflag:$0x2], $0x800, $0x38;
	[tilespmem:$0x6900] =	vst v63  }
0x21: {  	_ =	swait.ge [sflag:s13], $0x800  }
0x22: {  	[sflag:s13] =	ssyncset.done $0x0  }
0x23: {  	[sflag:s13] =	ssyncadd.s32 $0xFFFFF800  }
0x24: {  	[spmem:s7] =	stream.linear.scatter [tilespmem:s14], [sflag:$0x2], $0x800, $0x38;
	[tilespmem:$0x6900] =	vst v63  }
0x25: {  	_ =	swait.ge [sflag:s13], $0x800  }
0x26: {  	[sflag:s13] =	ssyncset.done $0x0  }
0x27: {  	[sflag:s13] =	ssyncadd.s32 $0xFFFFF800  }
0x28: {  	[spmem:s8] =	stream.linear.scatter [tilespmem:s14], [sflag:$0x2], $0x800, $0x38;
	[tilespmem:$0x6900] =	vst v63  }
0x29: {  	_ =	swait.ge [sflag:s13], $0x800  }
0x2a: {  	[sflag:s13] =	ssyncset.done $0x0  }
0x2b: {  	p1 =	sne.s32 s10, $0x1;
	[sflag:s13] =	ssyncadd.s32 $0xFFFFF800  }
0x2c: {  	[spmem:s9] =	stream.linear.scatter [tilespmem:s14], [sflag:$0x2], $0x780, $0x38;
	[tilespmem:$0x6900] =	vst v63  }
.Ltmp1:
0x2d: {  	_ =	swait.ge [sflag:s13], $0x780;
	(pc) =	sbr.rel @!p1 .LBB2_6-.Ltmp1, $4  }
0x2e: {  	[sflag:s13] =	ssyncset.done $0x0  }
0x2f: {  	[sflag:s13] =	ssyncadd.s32 $0xFFFFF880  }
0x30: {  	[bflag:$0x0] =	sbarrier.arrive $0xFFFF  }
0x31: {  	s21 =	simm.s32 $0x100;
	s22 =	sadd.s32 $0xFFFFFFFF, s10;
	p0 =	por $0x0, $0x0  }
0x32: {  	s23 =	simm.s32 $0x0  }
0x33: {  	[spmem:s2] =	stream.indirect.scatter.add.f32 [tilespmem:s16], [sflag:$0x1], $0x10, s23, s15, $0xb8;
	[tilespmem:$0x6900] =	vst v63  }
0x34: {  	s31 =	simm.s32 $0x80  }
0x35: {  	[spmem:s2] =	stream.indirect.scatter.add.f32 [tilespmem:s16], [sflag:$0x1], $0x10, s31, s15, $0xb8;
	[tilespmem:$0x6900] =	vst v63  }
0x36: {  	_ = 	snop  }
0x37: {  	[spmem:s2] =	stream.indirect.scatter.add.f32 [tilespmem:s16], [sflag:$0x1], $0x10, s21, s15, $0xb8;
	[tilespmem:$0x6900] =	vst v63  }
0x38: {  	_ =	swait.ge [sflag:s17], $0x800  }
0x39: {  	[sflag:s17] =	ssyncset.done $0x0  }
0x3a: {  	p1 =	sne.s32 s22, $0x1;
	[sflag:s17] =	ssyncadd.s32 $0xFFFFF800  }
.Ltmp2:
0x3b: {  	_ =	swait.ge [sflag:s17], $0x800;
	(pc) =	sbr.rel @!p1 .LBB2_6-.Ltmp2, $4  }
0x3c: {  	[sflag:s17] =	ssyncset.done $0x0  }
0x3d: {  	[sflag:s17] =	ssyncadd.s32 $0xFFFFF800  }
0x3e: {  	s22 =	sadd.s32 $0xFFFFFFFF, s22;
	_ =	swait.ge [sflag:s17], $0x800  }
0x3f: {  	p0 =	por $0x1, $0x1;
	s21 =	simm.s32 $0x280;
	[sflag:s17] =	ssyncset.done $0x0  }
.LBB2_5:
0x40: {  	p1 =	sne.s32 s22, $0x1;
	s23 =	sadd.s32 $0xFFFFFF00, s21;
	[sflag:s17] =	ssyncadd.s32 $0xFFFFF800  }
0x41: {  	[spmem:s2] =	stream.indirect.scatter.add.f32 [tilespmem:s16], [sflag:$0x1], $0x10, s23, s15, $0xb8;
	[tilespmem:$0x6900] =	vst v63  }
0x42: {  	s22 =	sadd.s32 $0xFFFFFFFF, s22;
	s23 =	sadd.s32 $0xFFFFFF80, s21  }
0x43: {  	[spmem:s2] =	stream.indirect.scatter.add.f32 [tilespmem:s16], [sflag:$0x1], $0x10, s23, s15, $0xb8;
	[tilespmem:$0x6900] =	vst v63  }
0x44: {  	_ = 	snop  }
0x45: {  	[spmem:s2] =	stream.indirect.scatter.add.f32 [tilespmem:s16], [sflag:$0x1], $0x10, s21, s15, $0xb8;
	[tilespmem:$0x6900] =	vst v63  }
0x46: {  	_ =	swait.ge [sflag:s17], $0x800  }
0x47: {  	[sflag:s17] =	ssyncset.done $0x0  }
0x48: {  	[sflag:s17] =	ssyncadd.s32 $0xFFFFF800  }
.Ltmp3:
0x49: {  	_ =	swait.ge [sflag:s17], $0x800;
	(pc) =	sbr.rel @p1 .LBB2_5-.Ltmp3, $4  }
0x4a: {  	[sflag:s17] =	ssyncset.done $0x0  }
0x4b: {  	[sflag:s17] =	ssyncadd.s32 $0xFFFFF800  }
0x4c: {  	_ =	swait.ge [sflag:s17], $0x800  }
0x4d: {  	s21 =	sadd.s32 $0x180, s21;
	[sflag:s17] =	ssyncset.done $0x0  }
.LBB2_6:
0x4e: {  	s22 =	sadd.s32 $0xFFFFFF00, s21;
	[sflag:s17] =	ssyncadd.s32 @p0 $0xFFFFF800  }
0x4f: {  	[spmem:s2] =	stream.indirect.scatter.add.f32 [tilespmem:s16], [sflag:$0x1], $0x10, s22, s15, $0xb8;
	[tilespmem:$0x6900] =	vst v63  }
0x50: {  	s31 =	sadd.s32 $0xFFFFFF80, s21  }
0x51: {  	[spmem:s2] =	stream.indirect.scatter.add.f32 [tilespmem:s16], [sflag:$0x1], $0x10, s31, s15, $0xb8;
	[tilespmem:$0x6900] =	vst v63  }
0x52: {  	_ = 	snop  }
0x53: {  	[spmem:s2] =	stream.indirect.scatter.add.f32 [tilespmem:s16], [sflag:$0x1], $0x10, s21, s15, $0xb8;
	[tilespmem:$0x6900] =	vst v63  }
0x54: {  	_ =	swait.ge [sflag:s17], $0x800  }
0x55: {  	[sflag:s17] =	ssyncset.done $0x0  }
0x56: {  	[sflag:s17] =	ssyncadd.s32 $0xFFFFF800  }
0x57: {  	_ =	swait.ge [sflag:s17], $0x800  }
0x58: {  	[sflag:s17] =	ssyncset.done $0x0  }
0x59: {  	[sflag:s17] =	ssyncadd.s32 $0xFFFFF800  }
0x5a: {  	_ =	swait.ge [sflag:s17], $0x800  }
0x5b: {  	s20 =	sadd.s32 $0x1, s20;
	[sflag:s17] =	ssyncset.done $0x0  }
0x5c: {  	p0 =	sne.s32 s20, s12;
	[sflag:s17] =	ssyncadd.s32 $0xFFFFF800  }
.Ltmp4:
0x5d: {  	[bflag:$0x0] =	sbarrier.arrive $0xFFFF;
	(pc) =	sbr.rel @p0 .LBB2_1-.Ltmp4, $4  }
0x5e: {  	[hbm:s11], [sflag:s18] =	dma.local [spmem:s19], $0x4F0  }
0x5f: {  	_ =	swait.ge [sflag:s13], $0x4F0  }
0x60: {  	[sflag:s13] =	ssyncset.done $0x0  }
0x61: {  	[sflag:s13] =	ssyncadd.s32 $0xFFFFFB10  }
0x62: {  	_ =	sfence.sel $0x180000  }
0x63: {  	[bflag:$0x0] =	sbarrier.arrive $0xFFFF  }
0x64: {  	p0 =	sne.s32 s1, $0x0;
	_ =	strace $0x90000047  }
0x65: {  	s0 =	sadd.s32 @!p0 $0x100000, s0;
	[bflag:$0x2] =	sbarrier.arrive $0xFFFF  }
0x66: {  	[sflag:s0] =	ssyncadd.tile.s32 @!p0 $0x1;
	_ =	shalt  }
.Lfunc_end2:
_tile_overlayer_lowered:
.L_overlay_start_2:
0x67: {  	(tag) =	ssettag $0x2  }
0x68: {  	s0 =	rddreg [dreg:$0x0];
	s2 =	stileid.u32  }
0x69: {  	s1 =	rddreg [dreg:$0x1];
	p0 =	sne.s32 s2, $0x0  }
0x6a: {  	s3 =	rddreg [dreg:$0x2];
	[bflag:$0x3] =	sbarrier.arrive $0xFFFF;
	s2 =	simm.s32 @!p0 $0x1C02  }
0x6b: {  	[timem:s3], [sflag:s2] =	dma.local @!p0 [hbm:s0], s1  }
0x6c: {  	s0 =	simm.s32 @!p0 $0x2  }
0x6d: {  	_ =	swait.ge @!p0 [sflag:s0], s1  }
0x6e: {  	s1 =	ssub.s32 @!p0 $0x0, s1;
	[sflag:s0] =	ssyncset.done @!p0 $0x0  }
0x6f: {  	[sflag:s0] =	ssyncadd.s32 @!p0 s1  }
0x70: {  	[bflag:$0x3] =	sbarrier.arrive $0xFFFF  }
0x71: {  	_ =	shalt  }

</sc_bundles>
